<compile_context>
chip_gen: v7x
topology: tpu7x:2x2x1
jax: 0.10.2.dev20260603
libtpu: 0.0.44.dev20260713+nightly
codegen_flags: <defaults>
</compile_context>

<pallas_src>
import functools

import jax
import jax.numpy as jnp
from jax import lax
from jax.experimental import pallas as pl
from jax.experimental.pallas import tpu as pltpu
from jax.experimental.pallas import tpu_sc as plsc

N = 10000
N_PAD = 10240
E = 320000
CH = 8
TILES = 32
NCHUNK = E // 128
CPT = NCHUNK // TILES
NXTRA = NCHUNK - CPT * TILES
NB = 13
NBD = 26
SLICE = N_PAD // 16

_mesh = plsc.VectorSubcoreMesh(core_axis_name="c", subcore_axis_name="s")
_HI = lax.Precision.HIGHEST
_SC_PARAMS = pltpu.CompilerParams(use_tc_tiling_on_sc=False)


@functools.partial(
    pl.kernel,
    out_type=jax.ShapeDtypeStruct((2, N_PAD, CH), jnp.float32),
    mesh=_mesh,
    compiler_params=_SC_PARAMS,
    scratch_types=[
        pltpu.VMEM((NBD, 128), jnp.int32),
        pltpu.VMEM((128, CH), jnp.float32),
        pltpu.VMEM_SHARED((N_PAD, CH), jnp.float32),
        pltpu.SemaphoreType.DMA,
    ],
)
def _deg(dsts, zeros, ones, out, dst_v, ones_v, acc_sh, sem):
    c = lax.axis_index("c")
    s = lax.axis_index("s")
    wid = c * 16 + s
    r0 = s * SLICE
    base = wid * CPT
    pltpu.sync_copy(ones, ones_v)
    pltpu.sync_copy(zeros, acc_sh.at[pl.ds(r0, SLICE)])
    plsc.subcore_barrier()

    def body(g, carry):
        pltpu.sync_copy(dsts.at[pl.ds(base + g * NBD, NBD)], dst_v)
        cps = [
            pltpu.async_copy(ones_v, acc_sh.at[dst_v.at[b]], sem, add=True)
            for b in range(NBD)
        ]
        for cp in cps:
            cp.wait()
        return carry

    lax.fori_loop(0, CPT // NBD, body, 0)

    @pl.when(wid < NXTRA)
    def _():
        pltpu.sync_copy(dsts.at[pl.ds(TILES * CPT + wid, 1)],
                        dst_v.at[pl.ds(0, 1)])
        pltpu.async_copy(ones_v, acc_sh.at[dst_v.at[0]], sem, add=True).wait()

    plsc.subcore_barrier()
    pltpu.sync_copy(acc_sh.at[pl.ds(r0, SLICE)], out.at[c, pl.ds(r0, SLICE)])


@functools.partial(
    pl.kernel,
    out_type=jax.ShapeDtypeStruct((2, N_PAD, CH), jnp.float32),
    mesh=_mesh,
    compiler_params=_SC_PARAMS,
    scratch_types=[
        pltpu.VMEM((NB, 128), jnp.int32),
        pltpu.VMEM((NB, 128), jnp.int32),
        pltpu.VMEM((NB, 128, CH), jnp.float32),
        pltpu.VMEM_SHARED((N_PAD, CH), jnp.float32),
        pltpu.VMEM_SHARED((N_PAD, CH), jnp.float32),
        pltpu.SemaphoreType.DMA,
        pltpu.SemaphoreType.DMA,
    ],
)
def _edge_pass(u_hbm, srcs, dsts, zeros, out,
               src_v, dst_v, rows_v, u_sh, acc_sh, sem, sem2):
    c = lax.axis_index("c")
    s = lax.axis_index("s")
    wid = c * 16 + s
    r0 = s * SLICE
    base = wid * CPT
    pltpu.sync_copy(u_hbm.at[pl.ds(r0, SLICE)], u_sh.at[pl.ds(r0, SLICE)])
    pltpu.sync_copy(zeros, acc_sh.at[pl.ds(r0, SLICE)])
    plsc.subcore_barrier()

    def body(g, carry):
        pltpu.sync_copy(srcs.at[pl.ds(base + g * NB, NB)], src_v)
        pltpu.sync_copy(dsts.at[pl.ds(base + g * NB, NB)], dst_v)
        gcps = [
            pltpu.async_copy(u_sh.at[src_v.at[b]], rows_v.at[b], sem)
            for b in range(NB)
        ]
        scps = []
        for b in range(NB):
            gcps[b].wait()
            scps.append(
                pltpu.async_copy(rows_v.at[b], acc_sh.at[dst_v.at[b]],
                                 sem2, add=True))
        for cp in scps:
            cp.wait()
        return carry

    lax.fori_loop(0, CPT // NB, body, 0)

    @pl.when(wid < NXTRA)
    def _():
        pltpu.sync_copy(srcs.at[pl.ds(TILES * CPT + wid, 1)],
                        src_v.at[pl.ds(0, 1)])
        pltpu.sync_copy(dsts.at[pl.ds(TILES * CPT + wid, 1)],
                        dst_v.at[pl.ds(0, 1)])
        pltpu.async_copy(u_sh.at[src_v.at[0]], rows_v.at[0], sem).wait()
        pltpu.async_copy(rows_v.at[0], acc_sh.at[dst_v.at[0]],
                         sem2, add=True).wait()

    plsc.subcore_barrier()
    pltpu.sync_copy(acc_sh.at[pl.ds(r0, SLICE)], out.at[c, pl.ds(r0, SLICE)])


def _mm_body(x_ref, w1_ref, w2_ref, y8_ref):
    w12 = jnp.dot(w1_ref[...], w2_ref[...],
                  preferred_element_type=jnp.float32, precision=_HI)
    y = jnp.dot(x_ref[...], w12, preferred_element_type=jnp.float32)
    col = lax.broadcasted_iota(jnp.int32, y.shape, 1)
    y8_ref[...] = jnp.where(col == 3, 1.0, y)


_mm = pl.pallas_call(
    _mm_body,
    out_shape=jax.ShapeDtypeStruct((N, CH), jnp.float32),
)


FR = N_PAD * CH // 128
FRN = N * CH // 128


def _scale_body(y8_ref, degp_ref, u1_ref, dinv_ref):
    degp = degp_ref[...]
    dinv = lax.rsqrt(degp[0] + degp[1] + 1.0)
    dinv_ref[...] = dinv
    u1_ref[:FRN] = dinv[:FRN] * y8_ref[...]
    u1_ref[pl.ds(FRN, FR - FRN)] = jnp.zeros((FR - FRN, 128), jnp.float32)


_scale = pl.pallas_call(
    _scale_body,
    out_shape=(
        jax.ShapeDtypeStruct((FR, 128), jnp.float32),
        jax.ShapeDtypeStruct((FR, 128), jnp.float32),
    ),
)


def _mid2_body(dinv_ref, u1_ref, a1_ref, u2_ref):
    a1 = a1_ref[...]
    dinv = dinv_ref[...]
    z1 = dinv * (a1[0] + a1[1] + u1_ref[...])
    u2_ref[...] = dinv * z1


_mid2 = pl.pallas_call(
    _mid2_body,
    out_shape=jax.ShapeDtypeStruct((FR, 128), jnp.float32),
)


def _final_body(dinv_ref, u1_ref, a1_ref, a2_ref, b1_ref, w2_ref, b2_ref,
                msel_ref, out_ref):
    dinv = dinv_ref[...]
    a1 = a1_ref[...]
    a2 = a2_ref[...]
    z1 = dinv * (a1[0] + a1[1] + u1_ref[...])
    u2 = dinv * z1
    z2 = dinv * (a2[0] + a2[1] + u2)
    cvec = jnp.dot(b1_ref[...], w2_ref[...],
                   preferred_element_type=jnp.float32, precision=_HI)
    cvec_t = jnp.concatenate([cvec] * 16, axis=1)
    b2_t = jnp.concatenate([b2_ref[...]] * 16, axis=1)
    bias = jnp.dot(z1[:FRN], msel_ref[...] * cvec_t,
                   preferred_element_type=jnp.float32, precision=_HI)
    out_ref[...] = z2[:FRN] + bias + b2_t


_final = pl.pallas_call(
    _final_body,
    out_shape=jax.ShapeDtypeStruct((FRN, 128), jnp.float32),
)


def kernel(x, edge_index, W1, b1, W2, b2):
    W2pad = jnp.pad(W2, ((0, 0), (0, CH - 3)))
    srcs = edge_index[0].astype(jnp.int32).reshape(NCHUNK, 128)
    dsts = edge_index[1].astype(jnp.int32).reshape(NCHUNK, 128)
    zeros = jnp.zeros((SLICE, CH), jnp.float32)
    ones = jnp.ones((128, CH), jnp.float32)

    y8 = _mm(x, W1, W2pad)
    degp = _deg(dsts, zeros, ones)
    u1f, dinvf = _scale(y8.reshape(FRN, 128), degp.reshape(2, FR, 128))
    u1 = u1f.reshape(N_PAD, CH)
    acc1 = _edge_pass(u1, srcs, dsts, zeros)
    u2f = _mid2(dinvf, u1f, acc1.reshape(2, FR, 128))
    acc2 = _edge_pass(u2f.reshape(N_PAD, CH), srcs, dsts, zeros)
    lane = jnp.arange(128)
    msel = ((lane[:, None] == (lane[None, :] // CH) * CH + 3)
            .astype(jnp.float32))
    outf = _final(
        dinvf, u1f, acc1.reshape(2, FR, 128), acc2.reshape(2, FR, 128),
        b1.reshape(1, 128), W2pad, jnp.pad(b2, (0, CH - 3)).reshape(1, CH),
        msel,
    )
    return outf.reshape(N, CH)[:, :3]

# --- scband reference (transcript-rebuilt; emitter-appended) ---
"""Pipeline reference for scband-quantile-gcn-63015760166988 (READ-ONLY COPY).

The authoritative reference and input builder live on the scoring server;
editing this copy changes nothing except your own understanding.
"""

import jax, jax.numpy as jnp
import numpy as np

N_NODES = 10000
N_EDGES = 320000
IN_CH = 128
HID_CH = 128
OUT_CH = 3  # len(quantiles)


def gcn_conv(x, edge_index, W, b, n_nodes):
    # x' = D^{-1/2} (A + I) D^{-1/2} (x W) + b  (PyG GCNConv semantics)
    x = x @ W
    src = edge_index[0]
    dst = edge_index[1]
    loop = jnp.arange(n_nodes, dtype=src.dtype)
    src = jnp.concatenate([src, loop])
    dst = jnp.concatenate([dst, loop])
    ones = jnp.ones(src.shape[0], dtype=x.dtype)
    deg = jax.ops.segment_sum(ones, dst, num_segments=n_nodes)
    dinv = jnp.where(deg > 0, jax.lax.rsqrt(jnp.maximum(deg, 1e-12)), 0.0)
    norm = dinv[src] * dinv[dst]
    msgs = x[src] * norm[:, None]
    out = jax.ops.segment_sum(msgs, dst, num_segments=n_nodes)
    return out + b


def setup_inputs(seed: int = 0) -> dict:
    key = jax.random.key(seed)
    k1, k2, k3, k4 = jax.random.split(key, 4)
    x = jax.random.normal(k1, (N_NODES, IN_CH), dtype=jnp.float32)
    edge_index = jax.random.randint(k2, (2, N_EDGES), 0, N_NODES, dtype=jnp.int32)
    W1 = jax.random.normal(k3, (IN_CH, HID_CH), dtype=jnp.float32) * (1.0 / np.sqrt(IN_CH))
    b1 = jnp.zeros((HID_CH,), dtype=jnp.float32)
    W2 = jax.random.normal(k4, (HID_CH, OUT_CH), dtype=jnp.float32) * (1.0 / np.sqrt(HID_CH))
    b2 = jnp.zeros((OUT_CH,), dtype=jnp.float32)
    return {"x": x, "edge_index": edge_index, "W1": W1, "b1": b1, "W2": W2, "b2": b2}


def reference(x, edge_index, W1, b1, W2, b2):
    h = gcn_conv(x, edge_index, W1, b1, N_NODES)
    out = gcn_conv(h, edge_index, W2, b2, N_NODES)
    return out

if __name__ == "__main__":
    import jax
    _d = setup_inputs()
    print(jax.jit(kernel)(*tuple(_d.values())))

</pallas_src>

<mosaic_0001>
#map = affine_map<(d0, d1) -> (0, 0)>
#map1 = affine_map<(d0, d1) -> (0, 0, 0)>
module attributes {stable_mosaic.version = 14 : i64} {
  func.func @_edge_pass(%arg0: i32, %arg1: i32, %arg2: memref<10240x8xf32, #tpu.memory_space<hbm>>, %arg3: memref<2500x128xi32, #tpu.memory_space<hbm>>, %arg4: memref<2500x128xi32, #tpu.memory_space<hbm>>, %arg5: memref<640x8xf32, #tpu.memory_space<hbm>>, %arg6: memref<2x10240x8xf32, #tpu.memory_space<hbm>>, %arg7: memref<13x128xi32, #tpu.memory_space<vmem>>, %arg8: memref<13x128xi32, #tpu.memory_space<vmem>>, %arg9: memref<13x128x8xf32, #tpu.memory_space<vmem>>, %arg10: memref<10240x8xf32, #tpu.memory_space<vmem_shared>>, %arg11: memref<10240x8xf32, #tpu.memory_space<vmem_shared>>, %arg12: memref<!tpu.dma_semaphore, #tpu.memory_space<semaphore_mem>>, %arg13: memref<!tpu.dma_semaphore, #tpu.memory_space<semaphore_mem>>) attributes {dimension_semantics = [#tpu.dimension_semantics<core_parallel>, #tpu.dimension_semantics<subcore_parallel>], iteration_bounds = array<i64: 2, 16>, scalar_prefetch = 0 : i64, scratch_operands = 7 : i64, tpu.core_type = #tpu.core_type<sc_vector_subcore>, window_params = [{transform_indices = #map}, {transform_indices = #map}, {transform_indices = #map}, {transform_indices = #map}, {transform_indices = #map1}]} {
    %mul3A = arith.constant 16 : i32
    %mul3A_0 = arith.muli %arg0, %mul3A : i32
    %add3A = arith.addi %mul3A_0, %arg1 : i32
    %mul3A_1 = arith.constant 640 : i32
    %mul3A_2 = arith.muli %arg1, %mul3A_1 : i32
    %mul3A_3 = arith.constant 78 : i32
    %mul3A_4 = arith.muli %add3A, %mul3A_3 : i32
    "tpu.region"() ({
      %run_scoped3A = tpu.sem_alloc : memref<!tpu.dma_semaphore, #tpu.memory_space<semaphore_mem>>
      %dma_start3A = arith.constant 0 : i32
      %dma_start3A_13 = tpu.memref_slice %arg10[%mul3A_2, %dma_start3A] : memref<10240x8xf32, #tpu.memory_space<vmem_shared>> -> memref<640x8xf32, #tpu.memory_space<vmem_shared>>
      %dma_start3A_14 = arith.constant 0 : i32
      %dma_start3A_15 = tpu.memref_slice %arg2[%mul3A_2, %dma_start3A_14] : memref<10240x8xf32, #tpu.memory_space<hbm>> -> memref<640x8xf32, #tpu.memory_space<hbm>>
      tpu.enqueue_dma source(%dma_start3A_15 : memref<640x8xf32, #tpu.memory_space<hbm>>) target(%dma_start3A_13 : memref<640x8xf32, #tpu.memory_space<vmem_shared>>) target_semaphore(%run_scoped3A : memref<!tpu.dma_semaphore, #tpu.memory_space<semaphore_mem>>)
      %dma_wait3A = arith.constant 0 : i32
      %dma_wait3A_16 = tpu.memref_slice %arg10[%mul3A_2, %dma_wait3A] : memref<10240x8xf32, #tpu.memory_space<vmem_shared>> -> memref<640x8xf32, #tpu.memory_space<vmem_shared>>
      %dma_wait3A_17 = arith.constant 0 : i32
      %dma_wait3A_18 = tpu.memref_slice %arg2[%mul3A_2, %dma_wait3A_17] : memref<10240x8xf32, #tpu.memory_space<hbm>> -> memref<640x8xf32, #tpu.memory_space<hbm>>
      tpu.wait_dma2 semaphore(%run_scoped3A : memref<!tpu.dma_semaphore, #tpu.memory_space<semaphore_mem>>) src(%dma_wait3A_18 : memref<640x8xf32, #tpu.memory_space<hbm>>) dst(%dma_wait3A_16 : memref<640x8xf32, #tpu.memory_space<vmem_shared>>)
      tpu.yield
    }) : () -> ()
    "tpu.region"() ({
      %run_scoped3A = tpu.sem_alloc : memref<!tpu.dma_semaphore, #tpu.memory_space<semaphore_mem>>
      %dma_start3A = arith.constant 0 : i32
      %dma_start3A_13 = tpu.memref_slice %arg11[%mul3A_2, %dma_start3A] : memref<10240x8xf32, #tpu.memory_space<vmem_shared>> -> memref<640x8xf32, #tpu.memory_space<vmem_shared>>
      tpu.enqueue_dma source(%arg5 : memref<640x8xf32, #tpu.memory_space<hbm>>) target(%dma_start3A_13 : memref<640x8xf32, #tpu.memory_space<vmem_shared>>) target_semaphore(%run_scoped3A : memref<!tpu.dma_semaphore, #tpu.memory_space<semaphore_mem>>)
      %dma_wait3A = arith.constant 0 : i32
      %dma_wait3A_14 = tpu.memref_slice %arg11[%mul3A_2, %dma_wait3A] : memref<10240x8xf32, #tpu.memory_space<vmem_shared>> -> memref<640x8xf32, #tpu.memory_space<vmem_shared>>
      tpu.wait_dma2 semaphore(%run_scoped3A : memref<!tpu.dma_semaphore, #tpu.memory_space<semaphore_mem>>) src(%arg5 : memref<640x8xf32, #tpu.memory_space<hbm>>) dst(%dma_wait3A_14 : memref<640x8xf32, #tpu.memory_space<vmem_shared>>)
      tpu.yield
    }) : () -> ()
    %barrier3A = arith.constant 0 : index
    tpu.barrier barrier_id(%barrier3A)
    %scan3A = arith.constant 0 : i32
    %scan3A_5 = arith.constant 0 : i32
    %scan3A_6 = arith.constant 6 : i32
    %scan3A_7 = arith.addi %scan3A_5, %scan3A_6 : i32
    %scan3A_8 = arith.constant 1 : i32
    scf.for %scan3A_13 = %scan3A_5 to %scan3A_7 step %scan3A_8  : i32 {
      %mul3A_14 = arith.constant 13 : i32
      %mul3A_15 = arith.muli %scan3A_13, %mul3A_14 : i32
      %add3A_16 = arith.addi %mul3A_4, %mul3A_15 : i32
      "tpu.region"() ({
        %run_scoped3A = tpu.sem_alloc : memref<!tpu.dma_semaphore, #tpu.memory_space<semaphore_mem>>
        %dma_start3A_642 = arith.constant 0 : i32
        %dma_start3A_643 = tpu.memref_slice %arg3[%add3A_16, %dma_start3A_642] : memref<2500x128xi32, #tpu.memory_space<hbm>> -> memref<13x128xi32, #tpu.memory_space<hbm>>
        %dma_start3A_644 = arith.constant 0 : i32
        %dma_start3A_645 = tpu.memref_slice %arg3[%add3A_16, %dma_start3A_644] : memref<2500x128xi32, #tpu.memory_space<hbm>> -> memref<13x128xi32, #tpu.memory_space<hbm>>
        tpu.enqueue_dma source(%dma_start3A_645 : memref<13x128xi32, #tpu.memory_space<hbm>>) target(%arg7 : memref<13x128xi32, #tpu.memory_space<vmem>>) target_semaphore(%run_scoped3A : memref<!tpu.dma_semaphore, #tpu.memory_space<semaphore_mem>>)
        %dma_wait3A_646 = arith.constant 0 : i32
        %dma_wait3A_647 = tpu.memref_slice %arg3[%add3A_16, %dma_wait3A_646] : memref<2500x128xi32, #tpu.memory_space<hbm>> -> memref<13x128xi32, #tpu.memory_space<hbm>>
        %dma_wait3A_648 = arith.constant 0 : i32
        %dma_wait3A_649 = tpu.memref_slice %arg3[%add3A_16, %dma_wait3A_648] : memref<2500x128xi32, #tpu.memory_space<hbm>> -> memref<13x128xi32, #tpu.memory_space<hbm>>
        tpu.wait_dma2 semaphore(%run_scoped3A : memref<!tpu.dma_semaphore, #tpu.memory_space<semaphore_mem>>) src(%dma_wait3A_649 : memref<13x128xi32, #tpu.memory_space<hbm>>) dst(%arg7 : memref<13x128xi32, #tpu.memory_space<vmem>>)
        tpu.yield
      }) : () -> ()
      %mul3A_17 = arith.constant 13 : i32
      %mul3A_18 = arith.muli %scan3A_13, %mul3A_17 : i32
      %add3A_19 = arith.addi %mul3A_4, %mul3A_18 : i32
      "tpu.region"() ({
        %run_scoped3A = tpu.sem_alloc : memref<!tpu.dma_semaphore, #tpu.memory_space<semaphore_mem>>
        %dma_start3A_642 = arith.constant 0 : i32
        %dma_start3A_643 = tpu.memref_slice %arg4[%add3A_19, %dma_start3A_642] : memref<2500x128xi32, #tpu.memory_space<hbm>> -> memref<13x128xi32, #tpu.memory_space<hbm>>
        %dma_start3A_644 = arith.constant 0 : i32
        %dma_start3A_645 = tpu.memref_slice %arg4[%add3A_19, %dma_start3A_644] : memref<2500x128xi32, #tpu.memory_space<hbm>> -> memref<13x128xi32, #tpu.memory_space<hbm>>
        tpu.enqueue_dma source(%dma_start3A_645 : memref<13x128xi32, #tpu.memory_space<hbm>>) target(%arg8 : memref<13x128xi32, #tpu.memory_space<vmem>>) target_semaphore(%run_scoped3A : memref<!tpu.dma_semaphore, #tpu.memory_space<semaphore_mem>>)
        %dma_wait3A_646 = arith.constant 0 : i32
        %dma_wait3A_647 = tpu.memref_slice %arg4[%add3A_19, %dma_wait3A_646] : memref<2500x128xi32, #tpu.memory_space<hbm>> -> memref<13x128xi32, #tpu.memory_space<hbm>>
        %dma_wait3A_648 = arith.constant 0 : i32
        %dma_wait3A_649 = tpu.memref_slice %arg4[%add3A_19, %dma_wait3A_648] : memref<2500x128xi32, #tpu.memory_space<hbm>> -> memref<13x128xi32, #tpu.memory_space<hbm>>
        tpu.wait_dma2 semaphore(%run_scoped3A : memref<!tpu.dma_semaphore, #tpu.memory_space<semaphore_mem>>) src(%dma_wait3A_649 : memref<13x128xi32, #tpu.memory_space<hbm>>) dst(%arg8 : memref<13x128xi32, #tpu.memory_space<vmem>>)
        tpu.yield
      }) : () -> ()
      %dma_start3A = arith.constant 0 : i32
      %dma_start3A_20 = arith.constant 0 : i32
      %dma_start3A_21 = arith.constant 0 : i32
      %dma_start3A_22 = arith.constant 0 : i32
      %dma_start3A_23 = tpu.memref_slice %arg9[%dma_start3A_20, %dma_start3A_21, %dma_start3A_22] : memref<13x128x8xf32, #tpu.memory_space<vmem>> -> memref<1x128x8xf32, #tpu.memory_space<vmem>>
      %dma_start3A_24 = tpu.memref_squeeze %dma_start3A_23 : memref<1x128x8xf32, #tpu.memory_space<vmem>> -> memref<128x8xf32, #tpu.memory_space<vmem>>
      %dma_start3A_25 = arith.constant 0 : i32
      %dma_start3A_26 = tpu.memref_slice %arg7[%dma_start3A, %dma_start3A_25] : memref<13x128xi32, #tpu.memory_space<vmem>> -> memref<1x128xi32, #tpu.memory_space<vmem>>
      %dma_start3A_27 = tpu.memref_squeeze %dma_start3A_26 : memref<1x128xi32, #tpu.memory_space<vmem>> -> memref<128xi32, #tpu.memory_space<vmem>>
      %dma_start3A_28 = arith.constant 0 : i32
      %dma_start3A_29 = arith.constant 0 : i32
      %dma_start3A_30 = tpu.memref_slice %arg10[%dma_start3A_28, %dma_start3A_29] : memref<10240x8xf32, #tpu.memory_space<vmem_shared>> -> memref<10240x8xf32, #tpu.memory_space<vmem_shared>>
      tpu.enqueue_indirect_dma source(%dma_start3A_30 : memref<10240x8xf32, #tpu.memory_space<vmem_shared>>) target(%dma_start3A_24 : memref<128x8xf32, #tpu.memory_space<vmem>>) offsets(%dma_start3A_27 : memref<128xi32, #tpu.memory_space<vmem>>) semaphore(%arg12 : memref<!tpu.dma_semaphore, #tpu.memory_space<semaphore_mem>>)
      %dma_start3A_31 = arith.constant 1 : i32
      %dma_start3A_32 = arith.constant 1 : i32
      %dma_start3A_33 = arith.constant 0 : i32
      %dma_start3A_34 = arith.constant 0 : i32
      %dma_start3A_35 = tpu.memref_slice %arg9[%dma_start3A_32, %dma_start3A_33, %dma_start3A_34] : memref<13x128x8xf32, #tpu.memory_space<vmem>> -> memref<1x128x8xf32, #tpu.memory_space<vmem>>
      %dma_start3A_36 = tpu.memref_squeeze %dma_start3A_35 : memref<1x128x8xf32, #tpu.memory_space<vmem>> -> memref<128x8xf32, #tpu.memory_space<vmem>>
      %dma_start3A_37 = arith.constant 0 : i32
      %dma_start3A_38 = tpu.memref_slice %arg7[%dma_start3A_31, %dma_start3A_37] : memref<13x128xi32, #tpu.memory_space<vmem>> -> memref<1x128xi32, #tpu.memory_space<vmem>>
      %dma_start3A_39 = tpu.memref_squeeze %dma_start3A_38 : memref<1x128xi32, #tpu.memory_space<vmem>> -> memref<128xi32, #tpu.memory_space<vmem>>
      %dma_start3A_40 = arith.constant 0 : i32
      %dma_start3A_41 = arith.constant 0 : i32
      %dma_start3A_42 = tpu.memref_slice %arg10[%dma_start3A_40, %dma_start3A_41] : memref<10240x8xf32, #tpu.memory_space<vmem_shared>> -> memref<10240x8xf32, #tpu.memory_space<vmem_shared>>
      tpu.enqueue_indirect_dma source(%dma_start3A_42 : memref<10240x8xf32, #tpu.memory_space<vmem_shared>>) target(%dma_start3A_36 : memref<128x8xf32, #tpu.memory_space<vmem>>) offsets(%dma_start3A_39 : memref<128xi32, #tpu.memory_space<vmem>>) semaphore(%arg12 : memref<!tpu.dma_semaphore, #tpu.memory_space<semaphore_mem>>)
      %dma_start3A_43 = arith.constant 2 : i32
      %dma_start3A_44 = arith.constant 2 : i32
      %dma_start3A_45 = arith.constant 0 : i32
      %dma_start3A_46 = arith.constant 0 : i32
      %dma_start3A_47 = tpu.memref_slice %arg9[%dma_start3A_44, %dma_start3A_45, %dma_start3A_46] : memref<13x128x8xf32, #tpu.memory_space<vmem>> -> memref<1x128x8xf32, #tpu.memory_space<vmem>>
      %dma_start3A_48 = tpu.memref_squeeze %dma_start3A_47 : memref<1x128x8xf32, #tpu.memory_space<vmem>> -> memref<128x8xf32, #tpu.memory_space<vmem>>
      %dma_start3A_49 = arith.constant 0 : i32
      %dma_start3A_50 = tpu.memref_slice %arg7[%dma_start3A_43, %dma_start3A_49] : memref<13x128xi32, #tpu.memory_space<vmem>> -> memref<1x128xi32, #tpu.memory_space<vmem>>
      %dma_start3A_51 = tpu.memref_squeeze %dma_start3A_50 : memref<1x128xi32, #tpu.memory_space<vmem>> -> memref<128xi32, #tpu.memory_space<vmem>>
      %dma_start3A_52 = arith.constant 0 : i32
      %dma_start3A_53 = arith.constant 0 : i32
      %dma_start3A_54 = tpu.memref_slice %arg10[%dma_start3A_52, %dma_start3A_53] : memref<10240x8xf32, #tpu.memory_space<vmem_shared>> -> memref<10240x8xf32, #tpu.memory_space<vmem_shared>>
      tpu.enqueue_indirect_dma source(%dma_start3A_54 : memref<10240x8xf32, #tpu.memory_space<vmem_shared>>) target(%dma_start3A_48 : memref<128x8xf32, #tpu.memory_space<vmem>>) offsets(%dma_start3A_51 : memref<128xi32, #tpu.memory_space<vmem>>) semaphore(%arg12 : memref<!tpu.dma_semaphore, #tpu.memory_space<semaphore_mem>>)
      %dma_start3A_55 = arith.constant 3 : i32
      %dma_start3A_56 = arith.constant 3 : i32
      %dma_start3A_57 = arith.constant 0 : i32
      %dma_start3A_58 = arith.constant 0 : i32
      %dma_start3A_59 = tpu.memref_slice %arg9[%dma_start3A_56, %dma_start3A_57, %dma_start3A_58] : memref<13x128x8xf32, #tpu.memory_space<vmem>> -> memref<1x128x8xf32, #tpu.memory_space<vmem>>
      %dma_start3A_60 = tpu.memref_squeeze %dma_start3A_59 : memref<1x128x8xf32, #tpu.memory_space<vmem>> -> memref<128x8xf32, #tpu.memory_space<vmem>>
      %dma_start3A_61 = arith.constant 0 : i32
      %dma_start3A_62 = tpu.memref_slice %arg7[%dma_start3A_55, %dma_start3A_61] : memref<13x128xi32, #tpu.memory_space<vmem>> -> memref<1x128xi32, #tpu.memory_space<vmem>>
      %dma_start3A_63 = tpu.memref_squeeze %dma_start3A_62 : memref<1x128xi32, #tpu.memory_space<vmem>> -> memref<128xi32, #tpu.memory_space<vmem>>
      %dma_start3A_64 = arith.constant 0 : i32
      %dma_start3A_65 = arith.constant 0 : i32
      %dma_start3A_66 = tpu.memref_slice %arg10[%dma_start3A_64, %dma_start3A_65] : memref<10240x8xf32, #tpu.memory_space<vmem_shared>> -> memref<10240x8xf32, #tpu.memory_space<vmem_shared>>
      tpu.enqueue_indirect_dma source(%dma_start3A_66 : memref<10240x8xf32, #tpu.memory_space<vmem_shared>>) target(%dma_start3A_60 : memref<128x8xf32, #tpu.memory_space<vmem>>) offsets(%dma_start3A_63 : memref<128xi32, #tpu.memory_space<vmem>>) semaphore(%arg12 : memref<!tpu.dma_semaphore, #tpu.memory_space<semaphore_mem>>)
      %dma_start3A_67 = arith.constant 4 : i32
      %dma_start3A_68 = arith.constant 4 : i32
      %dma_start3A_69 = arith.constant 0 : i32
      %dma_start3A_70 = arith.constant 0 : i32
      %dma_start3A_71 = tpu.memref_slice %arg9[%dma_start3A_68, %dma_start3A_69, %dma_start3A_70] : memref<13x128x8xf32, #tpu.memory_space<vmem>> -> memref<1x128x8xf32, #tpu.memory_space<vmem>>
      %dma_start3A_72 = tpu.memref_squeeze %dma_start3A_71 : memref<1x128x8xf32, #tpu.memory_space<vmem>> -> memref<128x8xf32, #tpu.memory_space<vmem>>
      %dma_start3A_73 = arith.constant 0 : i32
      %dma_start3A_74 = tpu.memref_slice %arg7[%dma_start3A_67, %dma_start3A_73] : memref<13x128xi32, #tpu.memory_space<vmem>> -> memref<1x128xi32, #tpu.memory_space<vmem>>
      %dma_start3A_75 = tpu.memref_squeeze %dma_start3A_74 : memref<1x128xi32, #tpu.memory_space<vmem>> -> memref<128xi32, #tpu.memory_space<vmem>>
      %dma_start3A_76 = arith.constant 0 : i32
      %dma_start3A_77 = arith.constant 0 : i32
      %dma_start3A_78 = tpu.memref_slice %arg10[%dma_start3A_76, %dma_start3A_77] : memref<10240x8xf32, #tpu.memory_space<vmem_shared>> -> memref<10240x8xf32, #tpu.memory_space<vmem_shared>>
      tpu.enqueue_indirect_dma source(%dma_start3A_78 : memref<10240x8xf32, #tpu.memory_space<vmem_shared>>) target(%dma_start3A_72 : memref<128x8xf32, #tpu.memory_space<vmem>>) offsets(%dma_start3A_75 : memref<128xi32, #tpu.memory_space<vmem>>) semaphore(%arg12 : memref<!tpu.dma_semaphore, #tpu.memory_space<semaphore_mem>>)
      %dma_start3A_79 = arith.constant 5 : i32
      %dma_start3A_80 = arith.constant 5 : i32
      %dma_start3A_81 = arith.constant 0 : i32
      %dma_start3A_82 = arith.constant 0 : i32
      %dma_start3A_83 = tpu.memref_slice %arg9[%dma_start3A_80, %dma_start3A_81, %dma_start3A_82] : memref<13x128x8xf32, #tpu.memory_space<vmem>> -> memref<1x128x8xf32, #tpu.memory_space<vmem>>
      %dma_start3A_84 = tpu.memref_squeeze %dma_start3A_83 : memref<1x128x8xf32, #tpu.memory_space<vmem>> -> memref<128x8xf32, #tpu.memory_space<vmem>>
      %dma_start3A_85 = arith.constant 0 : i32
      %dma_start3A_86 = tpu.memref_slice %arg7[%dma_start3A_79, %dma_start3A_85] : memref<13x128xi32, #tpu.memory_space<vmem>> -> memref<1x128xi32, #tpu.memory_space<vmem>>
      %dma_start3A_87 = tpu.memref_squeeze %dma_start3A_86 : memref<1x128xi32, #tpu.memory_space<vmem>> -> memref<128xi32, #tpu.memory_space<vmem>>
      %dma_start3A_88 = arith.constant 0 : i32
      %dma_start3A_89 = arith.constant 0 : i32
      %dma_start3A_90 = tpu.memref_slice %arg10[%dma_start3A_88, %dma_start3A_89] : memref<10240x8xf32, #tpu.memory_space<vmem_shared>> -> memref<10240x8xf32, #tpu.memory_space<vmem_shared>>
      tpu.enqueue_indirect_dma source(%dma_start3A_90 : memref<10240x8xf32, #tpu.memory_space<vmem_shared>>) target(%dma_start3A_84 : memref<128x8xf32, #tpu.memory_space<vmem>>) offsets(%dma_start3A_87 : memref<128xi32, #tpu.memory_space<vmem>>) semaphore(%arg12 : memref<!tpu.dma_semaphore, #tpu.memory_space<semaphore_mem>>)
      %dma_start3A_91 = arith.constant 6 : i32
      %dma_start3A_92 = arith.constant 6 : i32
      %dma_start3A_93 = arith.constant 0 : i32
      %dma_start3A_94 = arith.constant 0 : i32
      %dma_start3A_95 = tpu.memref_slice %arg9[%dma_start3A_92, %dma_start3A_93, %dma_start3A_94] : memref<13x128x8xf32, #tpu.memory_space<vmem>> -> memref<1x128x8xf32, #tpu.memory_space<vmem>>
      %dma_start3A_96 = tpu.memref_squeeze %dma_start3A_95 : memref<1x128x8xf32, #tpu.memory_space<vmem>> -> memref<128x8xf32, #tpu.memory_space<vmem>>
      %dma_start3A_97 = arith.constant 0 : i32
      %dma_start3A_98 = tpu.memref_slice %arg7[%dma_start3A_91, %dma_start3A_97] : memref<13x128xi32, #tpu.memory_space<vmem>> -> memref<1x128xi32, #tpu.memory_space<vmem>>
      %dma_start3A_99 = tpu.memref_squeeze %dma_start3A_98 : memref<1x128xi32, #tpu.memory_space<vmem>> -> memref<128xi32, #tpu.memory_space<vmem>>
      %dma_start3A_100 = arith.constant 0 : i32
      %dma_start3A_101 = arith.constant 0 : i32
      %dma_start3A_102 = tpu.memref_slice %arg10[%dma_start3A_100, %dma_start3A_101] : memref<10240x8xf32, #tpu.memory_space<vmem_shared>> -> memref<10240x8xf32, #tpu.memory_space<vmem_shared>>
      tpu.enqueue_indirect_dma source(%dma_start3A_102 : memref<10240x8xf32, #tpu.memory_space<vmem_shared>>) target(%dma_start3A_96 : memref<128x8xf32, #tpu.memory_space<vmem>>) offsets(%dma_start3A_99 : memref<128xi32, #tpu.memory_space<vmem>>) semaphore(%arg12 : memref<!tpu.dma_semaphore, #tpu.memory_space<semaphore_mem>>)
      %dma_start3A_103 = arith.constant 7 : i32
      %dma_start3A_104 = arith.constant 7 : i32
      %dma_start3A_105 = arith.constant 0 : i32
      %dma_start3A_106 = arith.constant 0 : i32
      %dma_start3A_107 = tpu.memref_slice %arg9[%dma_start3A_104, %dma_start3A_105, %dma_start3A_106] : memref<13x128x8xf32, #tpu.memory_space<vmem>> -> memref<1x128x8xf32, #tpu.memory_space<vmem>>
      %dma_start3A_108 = tpu.memref_squeeze %dma_start3A_107 : memref<1x128x8xf32, #tpu.memory_space<vmem>> -> memref<128x8xf32, #tpu.memory_space<vmem>>
      %dma_start3A_109 = arith.constant 0 : i32
      %dma_start3A_110 = tpu.memref_slice %arg7[%dma_start3A_103, %dma_start3A_109] : memref<13x128xi32, #tpu.memory_space<vmem>> -> memref<1x128xi32, #tpu.memory_space<vmem>>
      %dma_start3A_111 = tpu.memref_squeeze %dma_start3A_110 : memref<1x128xi32, #tpu.memory_space<vmem>> -> memref<128xi32, #tpu.memory_space<vmem>>
      %dma_start3A_112 = arith.constant 0 : i32
      %dma_start3A_113 = arith.constant 0 : i32
      %dma_start3A_114 = tpu.memref_slice %arg10[%dma_start3A_112, %dma_start3A_113] : memref<10240x8xf32, #tpu.memory_space<vmem_shared>> -> memref<10240x8xf32, #tpu.memory_space<vmem_shared>>
      tpu.enqueue_indirect_dma source(%dma_start3A_114 : memref<10240x8xf32, #tpu.memory_space<vmem_shared>>) target(%dma_start3A_108 : memref<128x8xf32, #tpu.memory_space<vmem>>) offsets(%dma_start3A_111 : memref<128xi32, #tpu.memory_space<vmem>>) semaphore(%arg12 : memref<!tpu.dma_semaphore, #tpu.memory_space<semaphore_mem>>)
      %dma_start3A_115 = arith.constant 8 : i32
      %dma_start3A_116 = arith.constant 8 : i32
      %dma_start3A_117 = arith.constant 0 : i32
      %dma_start3A_118 = arith.constant 0 : i32
      %dma_start3A_119 = tpu.memref_slice %arg9[%dma_start3A_116, %dma_start3A_117, %dma_start3A_118] : memref<13x128x8xf32, #tpu.memory_space<vmem>> -> memref<1x128x8xf32, #tpu.memory_space<vmem>>
      %dma_start3A_120 = tpu.memref_squeeze %dma_start3A_119 : memref<1x128x8xf32, #tpu.memory_space<vmem>> -> memref<128x8xf32, #tpu.memory_space<vmem>>
      %dma_start3A_121 = arith.constant 0 : i32
      %dma_start3A_122 = tpu.memref_slice %arg7[%dma_start3A_115, %dma_start3A_121] : memref<13x128xi32, #tpu.memory_space<vmem>> -> memref<1x128xi32, #tpu.memory_space<vmem>>
      %dma_start3A_123 = tpu.memref_squeeze %dma_start3A_122 : memref<1x128xi32, #tpu.memory_space<vmem>> -> memref<128xi32, #tpu.memory_space<vmem>>
      %dma_start3A_124 = arith.constant 0 : i32
      %dma_start3A_125 = arith.constant 0 : i32
      %dma_start3A_126 = tpu.memref_slice %arg10[%dma_start3A_124, %dma_start3A_125] : memref<10240x8xf32, #tpu.memory_space<vmem_shared>> -> memref<10240x8xf32, #tpu.memory_space<vmem_shared>>
      tpu.enqueue_indirect_dma source(%dma_start3A_126 : memref<10240x8xf32, #tpu.memory_space<vmem_shared>>) target(%dma_start3A_120 : memref<128x8xf32, #tpu.memory_space<vmem>>) offsets(%dma_start3A_123 : memref<128xi32, #tpu.memory_space<vmem>>) semaphore(%arg12 : memref<!tpu.dma_semaphore, #tpu.memory_space<semaphore_mem>>)
      %dma_start3A_127 = arith.constant 9 : i32
      %dma_start3A_128 = arith.constant 9 : i32
      %dma_start3A_129 = arith.constant 0 : i32
      %dma_start3A_130 = arith.constant 0 : i32
      %dma_start3A_131 = tpu.memref_slice %arg9[%dma_start3A_128, %dma_start3A_129, %dma_start3A_130] : memref<13x128x8xf32, #tpu.memory_space<vmem>> -> memref<1x128x8xf32, #tpu.memory_space<vmem>>
      %dma_start3A_132 = tpu.memref_squeeze %dma_start3A_131 : memref<1x128x8xf32, #tpu.memory_space<vmem>> -> memref<128x8xf32, #tpu.memory_space<vmem>>
      %dma_start3A_133 = arith.constant 0 : i32
      %dma_start3A_134 = tpu.memref_slice %arg7[%dma_start3A_127, %dma_start3A_133] : memref<13x128xi32, #tpu.memory_space<vmem>> -> memref<1x128xi32, #tpu.memory_space<vmem>>
      %dma_start3A_135 = tpu.memref_squeeze %dma_start3A_134 : memref<1x128xi32, #tpu.memory_space<vmem>> -> memref<128xi32, #tpu.memory_space<vmem>>
      %dma_start3A_136 = arith.constant 0 : i32
      %dma_start3A_137 = arith.constant 0 : i32
      %dma_start3A_138 = tpu.memref_slice %arg10[%dma_start3A_136, %dma_start3A_137] : memref<10240x8xf32, #tpu.memory_space<vmem_shared>> -> memref<10240x8xf32, #tpu.memory_space<vmem_shared>>
      tpu.enqueue_indirect_dma source(%dma_start3A_138 : memref<10240x8xf32, #tpu.memory_space<vmem_shared>>) target(%dma_start3A_132 : memref<128x8xf32, #tpu.memory_space<vmem>>) offsets(%dma_start3A_135 : memref<128xi32, #tpu.memory_space<vmem>>) semaphore(%arg12 : memref<!tpu.dma_semaphore, #tpu.memory_space<semaphore_mem>>)
      %dma_start3A_139 = arith.constant 10 : i32
      %dma_start3A_140 = arith.constant 10 : i32
      %dma_start3A_141 = arith.constant 0 : i32
      %dma_start3A_142 = arith.constant 0 : i32
      %dma_start3A_143 = tpu.memref_slice %arg9[%dma_start3A_140, %dma_start3A_141, %dma_start3A_142] : memref<13x128x8xf32, #tpu.memory_space<vmem>> -> memref<1x128x8xf32, #tpu.memory_space<vmem>>
      %dma_start3A_144 = tpu.memref_squeeze %dma_start3A_143 : memref<1x128x8xf32, #tpu.memory_space<vmem>> -> memref<128x8xf32, #tpu.memory_space<vmem>>
      %dma_start3A_145 = arith.constant 0 : i32
      %dma_start3A_146 = tpu.memref_slice %arg7[%dma_start3A_139, %dma_start3A_145] : memref<13x128xi32, #tpu.memory_space<vmem>> -> memref<1x128xi32, #tpu.memory_space<vmem>>
      %dma_start3A_147 = tpu.memref_squeeze %dma_start3A_146 : memref<1x128xi32, #tpu.memory_space<vmem>> -> memref<128xi32, #tpu.memory_space<vmem>>
      %dma_start3A_148 = arith.constant 0 : i32
      %dma_start3A_149 = arith.constant 0 : i32
      %dma_start3A_150 = tpu.memref_slice %arg10[%dma_start3A_148, %dma_start3A_149] : memref<10240x8xf32, #tpu.memory_space<vmem_shared>> -> memref<10240x8xf32, #tpu.memory_space<vmem_shared>>
      tpu.enqueue_indirect_dma source(%dma_start3A_150 : memref<10240x8xf32, #tpu.memory_space<vmem_shared>>) target(%dma_start3A_144 : memref<128x8xf32, #tpu.memory_space<vmem>>) offsets(%dma_start3A_147 : memref<128xi32, #tpu.memory_space<vmem>>) semaphore(%arg12 : memref<!tpu.dma_semaphore, #tpu.memory_space<semaphore_mem>>)
      %dma_start3A_151 = arith.constant 11 : i32
      %dma_start3A_152 = arith.constant 11 : i32
      %dma_start3A_153 = arith.constant 0 : i32
      %dma_start3A_154 = arith.constant 0 : i32
      %dma_start3A_155 = tpu.memref_slice %arg9[%dma_start3A_152, %dma_start3A_153, %dma_start3A_154] : memref<13x128x8xf32, #tpu.memory_space<vmem>> -> memref<1x128x8xf32, #tpu.memory_space<vmem>>
      %dma_start3A_156 = tpu.memref_squeeze %dma_start3A_155 : memref<1x128x8xf32, #tpu.memory_space<vmem>> -> memref<128x8xf32, #tpu.memory_space<vmem>>
      %dma_start3A_157 = arith.constant 0 : i32
      %dma_start3A_158 = tpu.memref_slice %arg7[%dma_start3A_151, %dma_start3A_157] : memref<13x128xi32, #tpu.memory_space<vmem>> -> memref<1x128xi32, #tpu.memory_space<vmem>>
      %dma_start3A_159 = tpu.memref_squeeze %dma_start3A_158 : memref<1x128xi32, #tpu.memory_space<vmem>> -> memref<128xi32, #tpu.memory_space<vmem>>
      %dma_start3A_160 = arith.constant 0 : i32
      %dma_start3A_161 = arith.constant 0 : i32
      %dma_start3A_162 = tpu.memref_slice %arg10[%dma_start3A_160, %dma_start3A_161] : memref<10240x8xf32, #tpu.memory_space<vmem_shared>> -> memref<10240x8xf32, #tpu.memory_space<vmem_shared>>
      tpu.enqueue_indirect_dma source(%dma_start3A_162 : memref<10240x8xf32, #tpu.memory_space<vmem_shared>>) target(%dma_start3A_156 : memref<128x8xf32, #tpu.memory_space<vmem>>) offsets(%dma_start3A_159 : memref<128xi32, #tpu.memory_space<vmem>>) semaphore(%arg12 : memref<!tpu.dma_semaphore, #tpu.memory_space<semaphore_mem>>)
      %dma_start3A_163 = arith.constant 12 : i32
      %dma_start3A_164 = arith.constant 12 : i32
      %dma_start3A_165 = arith.constant 0 : i32
      %dma_start3A_166 = arith.constant 0 : i32
      %dma_start3A_167 = tpu.memref_slice %arg9[%dma_start3A_164, %dma_start3A_165, %dma_start3A_166] : memref<13x128x8xf32, #tpu.memory_space<vmem>> -> memref<1x128x8xf32, #tpu.memory_space<vmem>>
      %dma_start3A_168 = tpu.memref_squeeze %dma_start3A_167 : memref<1x128x8xf32, #tpu.memory_space<vmem>> -> memref<128x8xf32, #tpu.memory_space<vmem>>
      %dma_start3A_169 = arith.constant 0 : i32
      %dma_start3A_170 = tpu.memref_slice %arg7[%dma_start3A_163, %dma_start3A_169] : memref<13x128xi32, #tpu.memory_space<vmem>> -> memref<1x128xi32, #tpu.memory_space<vmem>>
      %dma_start3A_171 = tpu.memref_squeeze %dma_start3A_170 : memref<1x128xi32, #tpu.memory_space<vmem>> -> memref<128xi32, #tpu.memory_space<vmem>>
      %dma_start3A_172 = arith.constant 0 : i32
      %dma_start3A_173 = arith.constant 0 : i32
      %dma_start3A_174 = tpu.memref_slice %arg10[%dma_start3A_172, %dma_start3A_173] : memref<10240x8xf32, #tpu.memory_space<vmem_shared>> -> memref<10240x8xf32, #tpu.memory_space<vmem_shared>>
      tpu.enqueue_indirect_dma source(%dma_start3A_174 : memref<10240x8xf32, #tpu.memory_space<vmem_shared>>) target(%dma_start3A_168 : memref<128x8xf32, #tpu.memory_space<vmem>>) offsets(%dma_start3A_171 : memref<128xi32, #tpu.memory_space<vmem>>) semaphore(%arg12 : memref<!tpu.dma_semaphore, #tpu.memory_space<semaphore_mem>>)
      %dma_wait3A = arith.constant 0 : i32
      %dma_wait3A_175 = arith.constant 0 : i32
      %dma_wait3A_176 = arith.constant 0 : i32
      %dma_wait3A_177 = arith.constant 0 : i32
      %dma_wait3A_178 = tpu.memref_slice %arg9[%dma_wait3A_175, %dma_wait3A_176, %dma_wait3A_177] : memref<13x128x8xf32, #tpu.memory_space<vmem>> -> memref<1x128x8xf32, #tpu.memory_space<vmem>>
      %dma_wait3A_179 = tpu.memref_squeeze %dma_wait3A_178 : memref<1x128x8xf32, #tpu.memory_space<vmem>> -> memref<128x8xf32, #tpu.memory_space<vmem>>
      %dma_wait3A_180 = arith.constant 0 : i32
      %dma_wait3A_181 = tpu.memref_slice %arg7[%dma_wait3A, %dma_wait3A_180] : memref<13x128xi32, #tpu.memory_space<vmem>> -> memref<1x128xi32, #tpu.memory_space<vmem>>
      %dma_wait3A_182 = tpu.memref_squeeze %dma_wait3A_181 : memref<1x128xi32, #tpu.memory_space<vmem>> -> memref<128xi32, #tpu.memory_space<vmem>>
      %dma_wait3A_183 = arith.constant 0 : i32
      %dma_wait3A_184 = arith.constant 0 : i32
      %dma_wait3A_185 = tpu.memref_slice %arg10[%dma_wait3A_183, %dma_wait3A_184] : memref<10240x8xf32, #tpu.memory_space<vmem_shared>> -> memref<10240x8xf32, #tpu.memory_space<vmem_shared>>
      tpu.wait_indirect_dma semaphore(%arg12 : memref<!tpu.dma_semaphore, #tpu.memory_space<semaphore_mem>>) src(%dma_wait3A_185 : memref<10240x8xf32, #tpu.memory_space<vmem_shared>>) dst(%dma_wait3A_179 : memref<128x8xf32, #tpu.memory_space<vmem>>)
      %dma_start3A_186 = arith.constant 0 : i32
      %dma_start3A_187 = arith.constant 0 : i32
      %dma_start3A_188 = arith.constant 0 : i32
      %dma_start3A_189 = arith.constant 0 : i32
      %dma_start3A_190 = tpu.memref_slice %arg9[%dma_start3A_186, %dma_start3A_188, %dma_start3A_189] : memref<13x128x8xf32, #tpu.memory_space<vmem>> -> memref<1x128x8xf32, #tpu.memory_space<vmem>>
      %dma_start3A_191 = tpu.memref_squeeze %dma_start3A_190 : memref<1x128x8xf32, #tpu.memory_space<vmem>> -> memref<128x8xf32, #tpu.memory_space<vmem>>
      %dma_start3A_192 = arith.constant 0 : i32
      %dma_start3A_193 = tpu.memref_slice %arg8[%dma_start3A_187, %dma_start3A_192] : memref<13x128xi32, #tpu.memory_space<vmem>> -> memref<1x128xi32, #tpu.memory_space<vmem>>
      %dma_start3A_194 = tpu.memref_squeeze %dma_start3A_193 : memref<1x128xi32, #tpu.memory_space<vmem>> -> memref<128xi32, #tpu.memory_space<vmem>>
      %dma_start3A_195 = arith.constant 0 : i32
      %dma_start3A_196 = arith.constant 0 : i32
      %dma_start3A_197 = tpu.memref_slice %arg11[%dma_start3A_195, %dma_start3A_196] : memref<10240x8xf32, #tpu.memory_space<vmem_shared>> -> memref<10240x8xf32, #tpu.memory_space<vmem_shared>>
      tpu.enqueue_indirect_dma source(%dma_start3A_191 : memref<128x8xf32, #tpu.memory_space<vmem>>) target(%dma_start3A_197 : memref<10240x8xf32, #tpu.memory_space<vmem_shared>>) offsets(%dma_start3A_194 : memref<128xi32, #tpu.memory_space<vmem>>) semaphore(%arg13 : memref<!tpu.dma_semaphore, #tpu.memory_space<semaphore_mem>>) {add = true}
      %dma_wait3A_198 = arith.constant 1 : i32
      %dma_wait3A_199 = arith.constant 1 : i32
      %dma_wait3A_200 = arith.constant 0 : i32
      %dma_wait3A_201 = arith.constant 0 : i32
      %dma_wait3A_202 = tpu.memref_slice %arg9[%dma_wait3A_199, %dma_wait3A_200, %dma_wait3A_201] : memref<13x128x8xf32, #tpu.memory_space<vmem>> -> memref<1x128x8xf32, #tpu.memory_space<vmem>>
      %dma_wait3A_203 = tpu.memref_squeeze %dma_wait3A_202 : memref<1x128x8xf32, #tpu.memory_space<vmem>> -> memref<128x8xf32, #tpu.memory_space<vmem>>
      %dma_wait3A_204 = arith.constant 0 : i32
      %dma_wait3A_205 = tpu.memref_slice %arg7[%dma_wait3A_198, %dma_wait3A_204] : memref<13x128xi32, #tpu.memory_space<vmem>> -> memref<1x128xi32, #tpu.memory_space<vmem>>
      %dma_wait3A_206 = tpu.memref_squeeze %dma_wait3A_205 : memref<1x128xi32, #tpu.memory_space<vmem>> -> memref<128xi32, #tpu.memory_space<vmem>>
      %dma_wait3A_207 = arith.constant 0 : i32
      %dma_wait3A_208 = arith.constant 0 : i32
      %dma_wait3A_209 = tpu.memref_slice %arg10[%dma_wait3A_207, %dma_wait3A_208] : memref<10240x8xf32, #tpu.memory_space<vmem_shared>> -> memref<10240x8xf32, #tpu.memory_space<vmem_shared>>
      tpu.wait_indirect_dma semaphore(%arg12 : memref<!tpu.dma_semaphore, #tpu.memory_space<semaphore_mem>>) src(%dma_wait3A_209 : memref<10240x8xf32, #tpu.memory_space<vmem_shared>>) dst(%dma_wait3A_203 : memref<128x8xf32, #tpu.memory_space<vmem>>)
      %dma_start3A_210 = arith.constant 1 : i32
      %dma_start3A_211 = arith.constant 1 : i32
      %dma_start3A_212 = arith.constant 0 : i32
      %dma_start3A_213 = arith.constant 0 : i32
      %dma_start3A_214 = tpu.memref_slice %arg9[%dma_start3A_210, %dma_start3A_212, %dma_start3A_213] : memref<13x128x8xf32, #tpu.memory_space<vmem>> -> memref<1x128x8xf32, #tpu.memory_space<vmem>>
      %dma_start3A_215 = tpu.memref_squeeze %dma_start3A_214 : memref<1x128x8xf32, #tpu.memory_space<vmem>> -> memref<128x8xf32, #tpu.memory_space<vmem>>
      %dma_start3A_216 = arith.constant 0 : i32
      %dma_start3A_217 = tpu.memref_slice %arg8[%dma_start3A_211, %dma_start3A_216] : memref<13x128xi32, #tpu.memory_space<vmem>> -> memref<1x128xi32, #tpu.memory_space<vmem>>
      %dma_start3A_218 = tpu.memref_squeeze %dma_start3A_217 : memref<1x128xi32, #tpu.memory_space<vmem>> -> memref<128xi32, #tpu.memory_space<vmem>>
      %dma_start3A_219 = arith.constant 0 : i32
      %dma_start3A_220 = arith.constant 0 : i32
      %dma_start3A_221 = tpu.memref_slice %arg11[%dma_start3A_219, %dma_start3A_220] : memref<10240x8xf32, #tpu.memory_space<vmem_shared>> -> memref<10240x8xf32, #tpu.memory_space<vmem_shared>>
      tpu.enqueue_indirect_dma source(%dma_start3A_215 : memref<128x8xf32, #tpu.memory_space<vmem>>) target(%dma_start3A_221 : memref<10240x8xf32, #tpu.memory_space<vmem_shared>>) offsets(%dma_start3A_218 : memref<128xi32, #tpu.memory_space<vmem>>) semaphore(%arg13 : memref<!tpu.dma_semaphore, #tpu.memory_space<semaphore_mem>>) {add = true}
      %dma_wait3A_222 = arith.constant 2 : i32
      %dma_wait3A_223 = arith.constant 2 : i32
      %dma_wait3A_224 = arith.constant 0 : i32
      %dma_wait3A_225 = arith.constant 0 : i32
      %dma_wait3A_226 = tpu.memref_slice %arg9[%dma_wait3A_223, %dma_wait3A_224, %dma_wait3A_225] : memref<13x128x8xf32, #tpu.memory_space<vmem>> -> memref<1x128x8xf32, #tpu.memory_space<vmem>>
      %dma_wait3A_227 = tpu.memref_squeeze %dma_wait3A_226 : memref<1x128x8xf32, #tpu.memory_space<vmem>> -> memref<128x8xf32, #tpu.memory_space<vmem>>
      %dma_wait3A_228 = arith.constant 0 : i32
      %dma_wait3A_229 = tpu.memref_slice %arg7[%dma_wait3A_222, %dma_wait3A_228] : memref<13x128xi32, #tpu.memory_space<vmem>> -> memref<1x128xi32, #tpu.memory_space<vmem>>
      %dma_wait3A_230 = tpu.memref_squeeze %dma_wait3A_229 : memref<1x128xi32, #tpu.memory_space<vmem>> -> memref<128xi32, #tpu.memory_space<vmem>>
      %dma_wait3A_231 = arith.constant 0 : i32
      %dma_wait3A_232 = arith.constant 0 : i32
      %dma_wait3A_233 = tpu.memref_slice %arg10[%dma_wait3A_231, %dma_wait3A_232] : memref<10240x8xf32, #tpu.memory_space<vmem_shared>> -> memref<10240x8xf32, #tpu.memory_space<vmem_shared>>
      tpu.wait_indirect_dma semaphore(%arg12 : memref<!tpu.dma_semaphore, #tpu.memory_space<semaphore_mem>>) src(%dma_wait3A_233 : memref<10240x8xf32, #tpu.memory_space<vmem_shared>>) dst(%dma_wait3A_227 : memref<128x8xf32, #tpu.memory_space<vmem>>)
      %dma_start3A_234 = arith.constant 2 : i32
      %dma_start3A_235 = arith.constant 2 : i32
      %dma_start3A_236 = arith.constant 0 : i32
      %dma_start3A_237 = arith.constant 0 : i32
      %dma_start3A_238 = tpu.memref_slice %arg9[%dma_start3A_234, %dma_start3A_236, %dma_start3A_237] : memref<13x128x8xf32, #tpu.memory_space<vmem>> -> memref<1x128x8xf32, #tpu.memory_space<vmem>>
      %dma_start3A_239 = tpu.memref_squeeze %dma_start3A_238 : memref<1x128x8xf32, #tpu.memory_space<vmem>> -> memref<128x8xf32, #tpu.memory_space<vmem>>
      %dma_start3A_240 = arith.constant 0 : i32
      %dma_start3A_241 = tpu.memref_slice %arg8[%dma_start3A_235, %dma_start3A_240] : memref<13x128xi32, #tpu.memory_space<vmem>> -> memref<1x128xi32, #tpu.memory_space<vmem>>
      %dma_start3A_242 = tpu.memref_squeeze %dma_start3A_241 : memref<1x128xi32, #tpu.memory_space<vmem>> -> memref<128xi32, #tpu.memory_space<vmem>>
      %dma_start3A_243 = arith.constant 0 : i32
      %dma_start3A_244 = arith.constant 0 : i32
      %dma_start3A_245 = tpu.memref_slice %arg11[%dma_start3A_243, %dma_start3A_244] : memref<10240x8xf32, #tpu.memory_space<vmem_shared>> -> memref<10240x8xf32, #tpu.memory_space<vmem_shared>>
      tpu.enqueue_indirect_dma source(%dma_start3A_239 : memref<128x8xf32, #tpu.memory_space<vmem>>) target(%dma_start3A_245 : memref<10240x8xf32, #tpu.memory_space<vmem_shared>>) offsets(%dma_start3A_242 : memref<128xi32, #tpu.memory_space<vmem>>) semaphore(%arg13 : memref<!tpu.dma_semaphore, #tpu.memory_space<semaphore_mem>>) {add = true}
      %dma_wait3A_246 = arith.constant 3 : i32
      %dma_wait3A_247 = arith.constant 3 : i32
      %dma_wait3A_248 = arith.constant 0 : i32
      %dma_wait3A_249 = arith.constant 0 : i32
      %dma_wait3A_250 = tpu.memref_slice %arg9[%dma_wait3A_247, %dma_wait3A_248, %dma_wait3A_249] : memref<13x128x8xf32, #tpu.memory_space<vmem>> -> memref<1x128x8xf32, #tpu.memory_space<vmem>>
      %dma_wait3A_251 = tpu.memref_squeeze %dma_wait3A_250 : memref<1x128x8xf32, #tpu.memory_space<vmem>> -> memref<128x8xf32, #tpu.memory_space<vmem>>
      %dma_wait3A_252 = arith.constant 0 : i32
      %dma_wait3A_253 = tpu.memref_slice %arg7[%dma_wait3A_246, %dma_wait3A_252] : memref<13x128xi32, #tpu.memory_space<vmem>> -> memref<1x128xi32, #tpu.memory_space<vmem>>
      %dma_wait3A_254 = tpu.memref_squeeze %dma_wait3A_253 : memref<1x128xi32, #tpu.memory_space<vmem>> -> memref<128xi32, #tpu.memory_space<vmem>>
      %dma_wait3A_255 = arith.constant 0 : i32
      %dma_wait3A_256 = arith.constant 0 : i32
      %dma_wait3A_257 = tpu.memref_slice %arg10[%dma_wait3A_255, %dma_wait3A_256] : memref<10240x8xf32, #tpu.memory_space<vmem_shared>> -> memref<10240x8xf32, #tpu.memory_space<vmem_shared>>
      tpu.wait_indirect_dma semaphore(%arg12 : memref<!tpu.dma_semaphore, #tpu.memory_space<semaphore_mem>>) src(%dma_wait3A_257 : memref<10240x8xf32, #tpu.memory_space<vmem_shared>>) dst(%dma_wait3A_251 : memref<128x8xf32, #tpu.memory_space<vmem>>)
      %dma_start3A_258 = arith.constant 3 : i32
      %dma_start3A_259 = arith.constant 3 : i32
      %dma_start3A_260 = arith.constant 0 : i32
      %dma_start3A_261 = arith.constant 0 : i32
      %dma_start3A_262 = tpu.memref_slice %arg9[%dma_start3A_258, %dma_start3A_260, %dma_start3A_261] : memref<13x128x8xf32, #tpu.memory_space<vmem>> -> memref<1x128x8xf32, #tpu.memory_space<vmem>>
      %dma_start3A_263 = tpu.memref_squeeze %dma_start3A_262 : memref<1x128x8xf32, #tpu.memory_space<vmem>> -> memref<128x8xf32, #tpu.memory_space<vmem>>
      %dma_start3A_264 = arith.constant 0 : i32
      %dma_start3A_265 = tpu.memref_slice %arg8[%dma_start3A_259, %dma_start3A_264] : memref<13x128xi32, #tpu.memory_space<vmem>> -> memref<1x128xi32, #tpu.memory_space<vmem>>
      %dma_start3A_266 = tpu.memref_squeeze %dma_start3A_265 : memref<1x128xi32, #tpu.memory_space<vmem>> -> memref<128xi32, #tpu.memory_space<vmem>>
      %dma_start3A_267 = arith.constant 0 : i32
      %dma_start3A_268 = arith.constant 0 : i32
      %dma_start3A_269 = tpu.memref_slice %arg11[%dma_start3A_267, %dma_start3A_268] : memref<10240x8xf32, #tpu.memory_space<vmem_shared>> -> memref<10240x8xf32, #tpu.memory_space<vmem_shared>>
      tpu.enqueue_indirect_dma source(%dma_start3A_263 : memref<128x8xf32, #tpu.memory_space<vmem>>) target(%dma_start3A_269 : memref<10240x8xf32, #tpu.memory_space<vmem_shared>>) offsets(%dma_start3A_266 : memref<128xi32, #tpu.memory_space<vmem>>) semaphore(%arg13 : memref<!tpu.dma_semaphore, #tpu.memory_space<semaphore_mem>>) {add = true}
      %dma_wait3A_270 = arith.constant 4 : i32
      %dma_wait3A_271 = arith.constant 4 : i32
      %dma_wait3A_272 = arith.constant 0 : i32
      %dma_wait3A_273 = arith.constant 0 : i32
      %dma_wait3A_274 = tpu.memref_slice %arg9[%dma_wait3A_271, %dma_wait3A_272, %dma_wait3A_273] : memref<13x128x8xf32, #tpu.memory_space<vmem>> -> memref<1x128x8xf32, #tpu.memory_space<vmem>>
      %dma_wait3A_275 = tpu.memref_squeeze %dma_wait3A_274 : memref<1x128x8xf32, #tpu.memory_space<vmem>> -> memref<128x8xf32, #tpu.memory_space<vmem>>
      %dma_wait3A_276 = arith.constant 0 : i32
      %dma_wait3A_277 = tpu.memref_slice %arg7[%dma_wait3A_270, %dma_wait3A_276] : memref<13x128xi32, #tpu.memory_space<vmem>> -> memref<1x128xi32, #tpu.memory_space<vmem>>
      %dma_wait3A_278 = tpu.memref_squeeze %dma_wait3A_277 : memref<1x128xi32, #tpu.memory_space<vmem>> -> memref<128xi32, #tpu.memory_space<vmem>>
      %dma_wait3A_279 = arith.constant 0 : i32
      %dma_wait3A_280 = arith.constant 0 : i32
      %dma_wait3A_281 = tpu.memref_slice %arg10[%dma_wait3A_279, %dma_wait3A_280] : memref<10240x8xf32, #tpu.memory_space<vmem_shared>> -> memref<10240x8xf32, #tpu.memory_space<vmem_shared>>
      tpu.wait_indirect_dma semaphore(%arg12 : memref<!tpu.dma_semaphore, #tpu.memory_space<semaphore_mem>>) src(%dma_wait3A_281 : memref<10240x8xf32, #tpu.memory_space<vmem_shared>>) dst(%dma_wait3A_275 : memref<128x8xf32, #tpu.memory_space<vmem>>)
      %dma_start3A_282 = arith.constant 4 : i32
      %dma_start3A_283 = arith.constant 4 : i32
      %dma_start3A_284 = arith.constant 0 : i32
      %dma_start3A_285 = arith.constant 0 : i32
      %dma_start3A_286 = tpu.memref_slice %arg9[%dma_start3A_282, %dma_start3A_284, %dma_start3A_285] : memref<13x128x8xf32, #tpu.memory_space<vmem>> -> memref<1x128x8xf32, #tpu.memory_space<vmem>>
      %dma_start3A_287 = tpu.memref_squeeze %dma_start3A_286 : memref<1x128x8xf32, #tpu.memory_space<vmem>> -> memref<128x8xf32, #tpu.memory_space<vmem>>
      %dma_start3A_288 = arith.constant 0 : i32
      %dma_start3A_289 = tpu.memref_slice %arg8[%dma_start3A_283, %dma_start3A_288] : memref<13x128xi32, #tpu.memory_space<vmem>> -> memref<1x128xi32, #tpu.memory_space<vmem>>
      %dma_start3A_290 = tpu.memref_squeeze %dma_start3A_289 : memref<1x128xi32, #tpu.memory_space<vmem>> -> memref<128xi32, #tpu.memory_space<vmem>>
      %dma_start3A_291 = arith.constant 0 : i32
      %dma_start3A_292 = arith.constant 0 : i32
      %dma_start3A_293 = tpu.memref_slice %arg11[%dma_start3A_291, %dma_start3A_292] : memref<10240x8xf32, #tpu.memory_space<vmem_shared>> -> memref<10240x8xf32, #tpu.memory_space<vmem_shared>>
      tpu.enqueue_indirect_dma source(%dma_start3A_287 : memref<128x8xf32, #tpu.memory_space<vmem>>) target(%dma_start3A_293 : memref<10240x8xf32, #tpu.memory_space<vmem_shared>>) offsets(%dma_start3A_290 : memref<128xi32, #tpu.memory_space<vmem>>) semaphore(%arg13 : memref<!tpu.dma_semaphore, #tpu.memory_space<semaphore_mem>>) {add = true}
      %dma_wait3A_294 = arith.constant 5 : i32
      %dma_wait3A_295 = arith.constant 5 : i32
      %dma_wait3A_296 = arith.constant 0 : i32
      %dma_wait3A_297 = arith.constant 0 : i32
      %dma_wait3A_298 = tpu.memref_slice %arg9[%dma_wait3A_295, %dma_wait3A_296, %dma_wait3A_297] : memref<13x128x8xf32, #tpu.memory_space<vmem>> -> memref<1x128x8xf32, #tpu.memory_space<vmem>>
      %dma_wait3A_299 = tpu.memref_squeeze %dma_wait3A_298 : memref<1x128x8xf32, #tpu.memory_space<vmem>> -> memref<128x8xf32, #tpu.memory_space<vmem>>
      %dma_wait3A_300 = arith.constant 0 : i32
      %dma_wait3A_301 = tpu.memref_slice %arg7[%dma_wait3A_294, %dma_wait3A_300] : memref<13x128xi32, #tpu.memory_space<vmem>> -> memref<1x128xi32, #tpu.memory_space<vmem>>
      %dma_wait3A_302 = tpu.memref_squeeze %dma_wait3A_301 : memref<1x128xi32, #tpu.memory_space<vmem>> -> memref<128xi32, #tpu.memory_space<vmem>>
      %dma_wait3A_303 = arith.constant 0 : i32
      %dma_wait3A_304 = arith.constant 0 : i32
      %dma_wait3A_305 = tpu.memref_slice %arg10[%dma_wait3A_303, %dma_wait3A_304] : memref<10240x8xf32, #tpu.memory_space<vmem_shared>> -> memref<10240x8xf32, #tpu.memory_space<vmem_shared>>
      tpu.wait_indirect_dma semaphore(%arg12 : memref<!tpu.dma_semaphore, #tpu.memory_space<semaphore_mem>>) src(%dma_wait3A_305 : memref<10240x8xf32, #tpu.memory_space<vmem_shared>>) dst(%dma_wait3A_299 : memref<128x8xf32, #tpu.memory_space<vmem>>)
      %dma_start3A_306 = arith.constant 5 : i32
      %dma_start3A_307 = arith.constant 5 : i32
      %dma_start3A_308 = arith.constant 0 : i32
      %dma_start3A_309 = arith.constant 0 : i32
      %dma_start3A_310 = tpu.memref_slice %arg9[%dma_start3A_306, %dma_start3A_308, %dma_start3A_309] : memref<13x128x8xf32, #tpu.memory_space<vmem>> -> memref<1x128x8xf32, #tpu.memory_space<vmem>>
      %dma_start3A_311 = tpu.memref_squeeze %dma_start3A_310 : memref<1x128x8xf32, #tpu.memory_space<vmem>> -> memref<128x8xf32, #tpu.memory_space<vmem>>
      %dma_start3A_312 = arith.constant 0 : i32
      %dma_start3A_313 = tpu.memref_slice %arg8[%dma_start3A_307, %dma_start3A_312] : memref<13x128xi32, #tpu.memory_space<vmem>> -> memref<1x128xi32, #tpu.memory_space<vmem>>
      %dma_start3A_314 = tpu.memref_squeeze %dma_start3A_313 : memref<1x128xi32, #tpu.memory_space<vmem>> -> memref<128xi32, #tpu.memory_space<vmem>>
      %dma_start3A_315 = arith.constant 0 : i32
      %dma_start3A_316 = arith.constant 0 : i32
      %dma_start3A_317 = tpu.memref_slice %arg11[%dma_start3A_315, %dma_start3A_316] : memref<10240x8xf32, #tpu.memory_space<vmem_shared>> -> memref<10240x8xf32, #tpu.memory_space<vmem_shared>>
      tpu.enqueue_indirect_dma source(%dma_start3A_311 : memref<128x8xf32, #tpu.memory_space<vmem>>) target(%dma_start3A_317 : memref<10240x8xf32, #tpu.memory_space<vmem_shared>>) offsets(%dma_start3A_314 : memref<128xi32, #tpu.memory_space<vmem>>) semaphore(%arg13 : memref<!tpu.dma_semaphore, #tpu.memory_space<semaphore_mem>>) {add = true}
      %dma_wait3A_318 = arith.constant 6 : i32
      %dma_wait3A_319 = arith.constant 6 : i32
      %dma_wait3A_320 = arith.constant 0 : i32
      %dma_wait3A_321 = arith.constant 0 : i32
      %dma_wait3A_322 = tpu.memref_slice %arg9[%dma_wait3A_319, %dma_wait3A_320, %dma_wait3A_321] : memref<13x128x8xf32, #tpu.memory_space<vmem>> -> memref<1x128x8xf32, #tpu.memory_space<vmem>>
      %dma_wait3A_323 = tpu.memref_squeeze %dma_wait3A_322 : memref<1x128x8xf32, #tpu.memory_space<vmem>> -> memref<128x8xf32, #tpu.memory_space<vmem>>
      %dma_wait3A_324 = arith.constant 0 : i32
      %dma_wait3A_325 = tpu.memref_slice %arg7[%dma_wait3A_318, %dma_wait3A_324] : memref<13x128xi32, #tpu.memory_space<vmem>> -> memref<1x128xi32, #tpu.memory_space<vmem>>
      %dma_wait3A_326 = tpu.memref_squeeze %dma_wait3A_325 : memref<1x128xi32, #tpu.memory_space<vmem>> -> memref<128xi32, #tpu.memory_space<vmem>>
      %dma_wait3A_327 = arith.constant 0 : i32
      %dma_wait3A_328 = arith.constant 0 : i32
      %dma_wait3A_329 = tpu.memref_slice %arg10[%dma_wait3A_327, %dma_wait3A_328] : memref<10240x8xf32, #tpu.memory_space<vmem_shared>> -> memref<10240x8xf32, #tpu.memory_space<vmem_shared>>
      tpu.wait_indirect_dma semaphore(%arg12 : memref<!tpu.dma_semaphore, #tpu.memory_space<semaphore_mem>>) src(%dma_wait3A_329 : memref<10240x8xf32, #tpu.memory_space<vmem_shared>>) dst(%dma_wait3A_323 : memref<128x8xf32, #tpu.memory_space<vmem>>)
      %dma_start3A_330 = arith.constant 6 : i32
      %dma_start3A_331 = arith.constant 6 : i32
      %dma_start3A_332 = arith.constant 0 : i32
      %dma_start3A_333 = arith.constant 0 : i32
      %dma_start3A_334 = tpu.memref_slice %arg9[%dma_start3A_330, %dma_start3A_332, %dma_start3A_333] : memref<13x128x8xf32, #tpu.memory_space<vmem>> -> memref<1x128x8xf32, #tpu.memory_space<vmem>>
      %dma_start3A_335 = tpu.memref_squeeze %dma_start3A_334 : memref<1x128x8xf32, #tpu.memory_space<vmem>> -> memref<128x8xf32, #tpu.memory_space<vmem>>
      %dma_start3A_336 = arith.constant 0 : i32
      %dma_start3A_337 = tpu.memref_slice %arg8[%dma_start3A_331, %dma_start3A_336] : memref<13x128xi32, #tpu.memory_space<vmem>> -> memref<1x128xi32, #tpu.memory_space<vmem>>
      %dma_start3A_338 = tpu.memref_squeeze %dma_start3A_337 : memref<1x128xi32, #tpu.memory_space<vmem>> -> memref<128xi32, #tpu.memory_space<vmem>>
      %dma_start3A_339 = arith.constant 0 : i32
      %dma_start3A_340 = arith.constant 0 : i32
      %dma_start3A_341 = tpu.memref_slice %arg11[%dma_start3A_339, %dma_start3A_340] : memref<10240x8xf32, #tpu.memory_space<vmem_shared>> -> memref<10240x8xf32, #tpu.memory_space<vmem_shared>>
      tpu.enqueue_indirect_dma source(%dma_start3A_335 : memref<128x8xf32, #tpu.memory_space<vmem>>) target(%dma_start3A_341 : memref<10240x8xf32, #tpu.memory_space<vmem_shared>>) offsets(%dma_start3A_338 : memref<128xi32, #tpu.memory_space<vmem>>) semaphore(%arg13 : memref<!tpu.dma_semaphore, #tpu.memory_space<semaphore_mem>>) {add = true}
      %dma_wait3A_342 = arith.constant 7 : i32
      %dma_wait3A_343 = arith.constant 7 : i32
      %dma_wait3A_344 = arith.constant 0 : i32
      %dma_wait3A_345 = arith.constant 0 : i32
      %dma_wait3A_346 = tpu.memref_slice %arg9[%dma_wait3A_343, %dma_wait3A_344, %dma_wait3A_345] : memref<13x128x8xf32, #tpu.memory_space<vmem>> -> memref<1x128x8xf32, #tpu.memory_space<vmem>>
      %dma_wait3A_347 = tpu.memref_squeeze %dma_wait3A_346 : memref<1x128x8xf32, #tpu.memory_space<vmem>> -> memref<128x8xf32, #tpu.memory_space<vmem>>
      %dma_wait3A_348 = arith.constant 0 : i32
      %dma_wait3A_349 = tpu.memref_slice %arg7[%dma_wait3A_342, %dma_wait3A_348] : memref<13x128xi32, #tpu.memory_space<vmem>> -> memref<1x128xi32, #tpu.memory_space<vmem>>
      %dma_wait3A_350 = tpu.memref_squeeze %dma_wait3A_349 : memref<1x128xi32, #tpu.memory_space<vmem>> -> memref<128xi32, #tpu.memory_space<vmem>>
      %dma_wait3A_351 = arith.constant 0 : i32
      %dma_wait3A_352 = arith.constant 0 : i32
      %dma_wait3A_353 = tpu.memref_slice %arg10[%dma_wait3A_351, %dma_wait3A_352] : memref<10240x8xf32, #tpu.memory_space<vmem_shared>> -> memref<10240x8xf32, #tpu.memory_space<vmem_shared>>
      tpu.wait_indirect_dma semaphore(%arg12 : memref<!tpu.dma_semaphore, #tpu.memory_space<semaphore_mem>>) src(%dma_wait3A_353 : memref<10240x8xf32, #tpu.memory_space<vmem_shared>>) dst(%dma_wait3A_347 : memref<128x8xf32, #tpu.memory_space<vmem>>)
      %dma_start3A_354 = arith.constant 7 : i32
      %dma_start3A_355 = arith.constant 7 : i32
      %dma_start3A_356 = arith.constant 0 : i32
      %dma_start3A_357 = arith.constant 0 : i32
      %dma_start3A_358 = tpu.memref_slice %arg9[%dma_start3A_354, %dma_start3A_356, %dma_start3A_357] : memref<13x128x8xf32, #tpu.memory_space<vmem>> -> memref<1x128x8xf32, #tpu.memory_space<vmem>>
      %dma_start3A_359 = tpu.memref_squeeze %dma_start3A_358 : memref<1x128x8xf32, #tpu.memory_space<vmem>> -> memref<128x8xf32, #tpu.memory_space<vmem>>
      %dma_start3A_360 = arith.constant 0 : i32
      %dma_start3A_361 = tpu.memref_slice %arg8[%dma_start3A_355, %dma_start3A_360] : memref<13x128xi32, #tpu.memory_space<vmem>> -> memref<1x128xi32, #tpu.memory_space<vmem>>
      %dma_start3A_362 = tpu.memref_squeeze %dma_start3A_361 : memref<1x128xi32, #tpu.memory_space<vmem>> -> memref<128xi32, #tpu.memory_space<vmem>>
      %dma_start3A_363 = arith.constant 0 : i32
      %dma_start3A_364 = arith.constant 0 : i32
      %dma_start3A_365 = tpu.memref_slice %arg11[%dma_start3A_363, %dma_start3A_364] : memref<10240x8xf32, #tpu.memory_space<vmem_shared>> -> memref<10240x8xf32, #tpu.memory_space<vmem_shared>>
      tpu.enqueue_indirect_dma source(%dma_start3A_359 : memref<128x8xf32, #tpu.memory_space<vmem>>) target(%dma_start3A_365 : memref<10240x8xf32, #tpu.memory_space<vmem_shared>>) offsets(%dma_start3A_362 : memref<128xi32, #tpu.memory_space<vmem>>) semaphore(%arg13 : memref<!tpu.dma_semaphore, #tpu.memory_space<semaphore_mem>>) {add = true}
      %dma_wait3A_366 = arith.constant 8 : i32
      %dma_wait3A_367 = arith.constant 8 : i32
      %dma_wait3A_368 = arith.constant 0 : i32
      %dma_wait3A_369 = arith.constant 0 : i32
      %dma_wait3A_370 = tpu.memref_slice %arg9[%dma_wait3A_367, %dma_wait3A_368, %dma_wait3A_369] : memref<13x128x8xf32, #tpu.memory_space<vmem>> -> memref<1x128x8xf32, #tpu.memory_space<vmem>>
      %dma_wait3A_371 = tpu.memref_squeeze %dma_wait3A_370 : memref<1x128x8xf32, #tpu.memory_space<vmem>> -> memref<128x8xf32, #tpu.memory_space<vmem>>
      %dma_wait3A_372 = arith.constant 0 : i32
      %dma_wait3A_373 = tpu.memref_slice %arg7[%dma_wait3A_366, %dma_wait3A_372] : memref<13x128xi32, #tpu.memory_space<vmem>> -> memref<1x128xi32, #tpu.memory_space<vmem>>
      %dma_wait3A_374 = tpu.memref_squeeze %dma_wait3A_373 : memref<1x128xi32, #tpu.memory_space<vmem>> -> memref<128xi32, #tpu.memory_space<vmem>>
      %dma_wait3A_375 = arith.constant 0 : i32
      %dma_wait3A_376 = arith.constant 0 : i32
      %dma_wait3A_377 = tpu.memref_slice %arg10[%dma_wait3A_375, %dma_wait3A_376] : memref<10240x8xf32, #tpu.memory_space<vmem_shared>> -> memref<10240x8xf32, #tpu.memory_space<vmem_shared>>
      tpu.wait_indirect_dma semaphore(%arg12 : memref<!tpu.dma_semaphore, #tpu.memory_space<semaphore_mem>>) src(%dma_wait3A_377 : memref<10240x8xf32, #tpu.memory_space<vmem_shared>>) dst(%dma_wait3A_371 : memref<128x8xf32, #tpu.memory_space<vmem>>)
      %dma_start3A_378 = arith.constant 8 : i32
      %dma_start3A_379 = arith.constant 8 : i32
      %dma_start3A_380 = arith.constant 0 : i32
      %dma_start3A_381 = arith.constant 0 : i32
      %dma_start3A_382 = tpu.memref_slice %arg9[%dma_start3A_378, %dma_start3A_380, %dma_start3A_381] : memref<13x128x8xf32, #tpu.memory_space<vmem>> -> memref<1x128x8xf32, #tpu.memory_space<vmem>>
      %dma_start3A_383 = tpu.memref_squeeze %dma_start3A_382 : memref<1x128x8xf32, #tpu.memory_space<vmem>> -> memref<128x8xf32, #tpu.memory_space<vmem>>
      %dma_start3A_384 = arith.constant 0 : i32
      %dma_start3A_385 = tpu.memref_slice %arg8[%dma_start3A_379, %dma_start3A_384] : memref<13x128xi32, #tpu.memory_space<vmem>> -> memref<1x128xi32, #tpu.memory_space<vmem>>
      %dma_start3A_386 = tpu.memref_squeeze %dma_start3A_385 : memref<1x128xi32, #tpu.memory_space<vmem>> -> memref<128xi32, #tpu.memory_space<vmem>>
      %dma_start3A_387 = arith.constant 0 : i32
      %dma_start3A_388 = arith.constant 0 : i32
      %dma_start3A_389 = tpu.memref_slice %arg11[%dma_start3A_387, %dma_start3A_388] : memref<10240x8xf32, #tpu.memory_space<vmem_shared>> -> memref<10240x8xf32, #tpu.memory_space<vmem_shared>>
      tpu.enqueue_indirect_dma source(%dma_start3A_383 : memref<128x8xf32, #tpu.memory_space<vmem>>) target(%dma_start3A_389 : memref<10240x8xf32, #tpu.memory_space<vmem_shared>>) offsets(%dma_start3A_386 : memref<128xi32, #tpu.memory_space<vmem>>) semaphore(%arg13 : memref<!tpu.dma_semaphore, #tpu.memory_space<semaphore_mem>>) {add = true}
      %dma_wait3A_390 = arith.constant 9 : i32
      %dma_wait3A_391 = arith.constant 9 : i32
      %dma_wait3A_392 = arith.constant 0 : i32
      %dma_wait3A_393 = arith.constant 0 : i32
      %dma_wait3A_394 = tpu.memref_slice %arg9[%dma_wait3A_391, %dma_wait3A_392, %dma_wait3A_393] : memref<13x128x8xf32, #tpu.memory_space<vmem>> -> memref<1x128x8xf32, #tpu.memory_space<vmem>>
      %dma_wait3A_395 = tpu.memref_squeeze %dma_wait3A_394 : memref<1x128x8xf32, #tpu.memory_space<vmem>> -> memref<128x8xf32, #tpu.memory_space<vmem>>
      %dma_wait3A_396 = arith.constant 0 : i32
      %dma_wait3A_397 = tpu.memref_slice %arg7[%dma_wait3A_390, %dma_wait3A_396] : memref<13x128xi32, #tpu.memory_space<vmem>> -> memref<1x128xi32, #tpu.memory_space<vmem>>
      %dma_wait3A_398 = tpu.memref_squeeze %dma_wait3A_397 : memref<1x128xi32, #tpu.memory_space<vmem>> -> memref<128xi32, #tpu.memory_space<vmem>>
      %dma_wait3A_399 = arith.constant 0 : i32
      %dma_wait3A_400 = arith.constant 0 : i32
      %dma_wait3A_401 = tpu.memref_slice %arg10[%dma_wait3A_399, %dma_wait3A_400] : memref<10240x8xf32, #tpu.memory_space<vmem_shared>> -> memref<10240x8xf32, #tpu.memory_space<vmem_shared>>
      tpu.wait_indirect_dma semaphore(%arg12 : memref<!tpu.dma_semaphore, #tpu.memory_space<semaphore_mem>>) src(%dma_wait3A_401 : memref<10240x8xf32, #tpu.memory_space<vmem_shared>>) dst(%dma_wait3A_395 : memref<128x8xf32, #tpu.memory_space<vmem>>)
      %dma_start3A_402 = arith.constant 9 : i32
      %dma_start3A_403 = arith.constant 9 : i32
      %dma_start3A_404 = arith.constant 0 : i32
      %dma_start3A_405 = arith.constant 0 : i32
      %dma_start3A_406 = tpu.memref_slice %arg9[%dma_start3A_402, %dma_start3A_404, %dma_start3A_405] : memref<13x128x8xf32, #tpu.memory_space<vmem>> -> memref<1x128x8xf32, #tpu.memory_space<vmem>>
      %dma_start3A_407 = tpu.memref_squeeze %dma_start3A_406 : memref<1x128x8xf32, #tpu.memory_space<vmem>> -> memref<128x8xf32, #tpu.memory_space<vmem>>
      %dma_start3A_408 = arith.constant 0 : i32
      %dma_start3A_409 = tpu.memref_slice %arg8[%dma_start3A_403, %dma_start3A_408] : memref<13x128xi32, #tpu.memory_space<vmem>> -> memref<1x128xi32, #tpu.memory_space<vmem>>
      %dma_start3A_410 = tpu.memref_squeeze %dma_start3A_409 : memref<1x128xi32, #tpu.memory_space<vmem>> -> memref<128xi32, #tpu.memory_space<vmem>>
      %dma_start3A_411 = arith.constant 0 : i32
      %dma_start3A_412 = arith.constant 0 : i32
      %dma_start3A_413 = tpu.memref_slice %arg11[%dma_start3A_411, %dma_start3A_412] : memref<10240x8xf32, #tpu.memory_space<vmem_shared>> -> memref<10240x8xf32, #tpu.memory_space<vmem_shared>>
      tpu.enqueue_indirect_dma source(%dma_start3A_407 : memref<128x8xf32, #tpu.memory_space<vmem>>) target(%dma_start3A_413 : memref<10240x8xf32, #tpu.memory_space<vmem_shared>>) offsets(%dma_start3A_410 : memref<128xi32, #tpu.memory_space<vmem>>) semaphore(%arg13 : memref<!tpu.dma_semaphore, #tpu.memory_space<semaphore_mem>>) {add = true}
      %dma_wait3A_414 = arith.constant 10 : i32
      %dma_wait3A_415 = arith.constant 10 : i32
      %dma_wait3A_416 = arith.constant 0 : i32
      %dma_wait3A_417 = arith.constant 0 : i32
      %dma_wait3A_418 = tpu.memref_slice %arg9[%dma_wait3A_415, %dma_wait3A_416, %dma_wait3A_417] : memref<13x128x8xf32, #tpu.memory_space<vmem>> -> memref<1x128x8xf32, #tpu.memory_space<vmem>>
      %dma_wait3A_419 = tpu.memref_squeeze %dma_wait3A_418 : memref<1x128x8xf32, #tpu.memory_space<vmem>> -> memref<128x8xf32, #tpu.memory_space<vmem>>
      %dma_wait3A_420 = arith.constant 0 : i32
      %dma_wait3A_421 = tpu.memref_slice %arg7[%dma_wait3A_414, %dma_wait3A_420] : memref<13x128xi32, #tpu.memory_space<vmem>> -> memref<1x128xi32, #tpu.memory_space<vmem>>
      %dma_wait3A_422 = tpu.memref_squeeze %dma_wait3A_421 : memref<1x128xi32, #tpu.memory_space<vmem>> -> memref<128xi32, #tpu.memory_space<vmem>>
      %dma_wait3A_423 = arith.constant 0 : i32
      %dma_wait3A_424 = arith.constant 0 : i32
      %dma_wait3A_425 = tpu.memref_slice %arg10[%dma_wait3A_423, %dma_wait3A_424] : memref<10240x8xf32, #tpu.memory_space<vmem_shared>> -> memref<10240x8xf32, #tpu.memory_space<vmem_shared>>
      tpu.wait_indirect_dma semaphore(%arg12 : memref<!tpu.dma_semaphore, #tpu.memory_space<semaphore_mem>>) src(%dma_wait3A_425 : memref<10240x8xf32, #tpu.memory_space<vmem_shared>>) dst(%dma_wait3A_419 : memref<128x8xf32, #tpu.memory_space<vmem>>)
      %dma_start3A_426 = arith.constant 10 : i32
      %dma_start3A_427 = arith.constant 10 : i32
      %dma_start3A_428 = arith.constant 0 : i32
      %dma_start3A_429 = arith.constant 0 : i32
      %dma_start3A_430 = tpu.memref_slice %arg9[%dma_start3A_426, %dma_start3A_428, %dma_start3A_429] : memref<13x128x8xf32, #tpu.memory_space<vmem>> -> memref<1x128x8xf32, #tpu.memory_space<vmem>>
      %dma_start3A_431 = tpu.memref_squeeze %dma_start3A_430 : memref<1x128x8xf32, #tpu.memory_space<vmem>> -> memref<128x8xf32, #tpu.memory_space<vmem>>
      %dma_start3A_432 = arith.constant 0 : i32
      %dma_start3A_433 = tpu.memref_slice %arg8[%dma_start3A_427, %dma_start3A_432] : memref<13x128xi32, #tpu.memory_space<vmem>> -> memref<1x128xi32, #tpu.memory_space<vmem>>
      %dma_start3A_434 = tpu.memref_squeeze %dma_start3A_433 : memref<1x128xi32, #tpu.memory_space<vmem>> -> memref<128xi32, #tpu.memory_space<vmem>>
      %dma_start3A_435 = arith.constant 0 : i32
      %dma_start3A_436 = arith.constant 0 : i32
      %dma_start3A_437 = tpu.memref_slice %arg11[%dma_start3A_435, %dma_start3A_436] : memref<10240x8xf32, #tpu.memory_space<vmem_shared>> -> memref<10240x8xf32, #tpu.memory_space<vmem_shared>>
      tpu.enqueue_indirect_dma source(%dma_start3A_431 : memref<128x8xf32, #tpu.memory_space<vmem>>) target(%dma_start3A_437 : memref<10240x8xf32, #tpu.memory_space<vmem_shared>>) offsets(%dma_start3A_434 : memref<128xi32, #tpu.memory_space<vmem>>) semaphore(%arg13 : memref<!tpu.dma_semaphore, #tpu.memory_space<semaphore_mem>>) {add = true}
      %dma_wait3A_438 = arith.constant 11 : i32
      %dma_wait3A_439 = arith.constant 11 : i32
      %dma_wait3A_440 = arith.constant 0 : i32
      %dma_wait3A_441 = arith.constant 0 : i32
      %dma_wait3A_442 = tpu.memref_slice %arg9[%dma_wait3A_439, %dma_wait3A_440, %dma_wait3A_441] : memref<13x128x8xf32, #tpu.memory_space<vmem>> -> memref<1x128x8xf32, #tpu.memory_space<vmem>>
      %dma_wait3A_443 = tpu.memref_squeeze %dma_wait3A_442 : memref<1x128x8xf32, #tpu.memory_space<vmem>> -> memref<128x8xf32, #tpu.memory_space<vmem>>
      %dma_wait3A_444 = arith.constant 0 : i32
      %dma_wait3A_445 = tpu.memref_slice %arg7[%dma_wait3A_438, %dma_wait3A_444] : memref<13x128xi32, #tpu.memory_space<vmem>> -> memref<1x128xi32, #tpu.memory_space<vmem>>
      %dma_wait3A_446 = tpu.memref_squeeze %dma_wait3A_445 : memref<1x128xi32, #tpu.memory_space<vmem>> -> memref<128xi32, #tpu.memory_space<vmem>>
      %dma_wait3A_447 = arith.constant 0 : i32
      %dma_wait3A_448 = arith.constant 0 : i32
      %dma_wait3A_449 = tpu.memref_slice %arg10[%dma_wait3A_447, %dma_wait3A_448] : memref<10240x8xf32, #tpu.memory_space<vmem_shared>> -> memref<10240x8xf32, #tpu.memory_space<vmem_shared>>
      tpu.wait_indirect_dma semaphore(%arg12 : memref<!tpu.dma_semaphore, #tpu.memory_space<semaphore_mem>>) src(%dma_wait3A_449 : memref<10240x8xf32, #tpu.memory_space<vmem_shared>>) dst(%dma_wait3A_443 : memref<128x8xf32, #tpu.memory_space<vmem>>)
      %dma_start3A_450 = arith.constant 11 : i32
      %dma_start3A_451 = arith.constant 11 : i32
      %dma_start3A_452 = arith.constant 0 : i32
      %dma_start3A_453 = arith.constant 0 : i32
      %dma_start3A_454 = tpu.memref_slice %arg9[%dma_start3A_450, %dma_start3A_452, %dma_start3A_453] : memref<13x128x8xf32, #tpu.memory_space<vmem>> -> memref<1x128x8xf32, #tpu.memory_space<vmem>>
      %dma_start3A_455 = tpu.memref_squeeze %dma_start3A_454 : memref<1x128x8xf32, #tpu.memory_space<vmem>> -> memref<128x8xf32, #tpu.memory_space<vmem>>
      %dma_start3A_456 = arith.constant 0 : i32
      %dma_start3A_457 = tpu.memref_slice %arg8[%dma_start3A_451, %dma_start3A_456] : memref<13x128xi32, #tpu.memory_space<vmem>> -> memref<1x128xi32, #tpu.memory_space<vmem>>
      %dma_start3A_458 = tpu.memref_squeeze %dma_start3A_457 : memref<1x128xi32, #tpu.memory_space<vmem>> -> memref<128xi32, #tpu.memory_space<vmem>>
      %dma_start3A_459 = arith.constant 0 : i32
      %dma_start3A_460 = arith.constant 0 : i32
      %dma_start3A_461 = tpu.memref_slice %arg11[%dma_start3A_459, %dma_start3A_460] : memref<10240x8xf32, #tpu.memory_space<vmem_shared>> -> memref<10240x8xf32, #tpu.memory_space<vmem_shared>>
      tpu.enqueue_indirect_dma source(%dma_start3A_455 : memref<128x8xf32, #tpu.memory_space<vmem>>) target(%dma_start3A_461 : memref<10240x8xf32, #tpu.memory_space<vmem_shared>>) offsets(%dma_start3A_458 : memref<128xi32, #tpu.memory_space<vmem>>) semaphore(%arg13 : memref<!tpu.dma_semaphore, #tpu.memory_space<semaphore_mem>>) {add = true}
      %dma_wait3A_462 = arith.constant 12 : i32
      %dma_wait3A_463 = arith.constant 12 : i32
      %dma_wait3A_464 = arith.constant 0 : i32
      %dma_wait3A_465 = arith.constant 0 : i32
      %dma_wait3A_466 = tpu.memref_slice %arg9[%dma_wait3A_463, %dma_wait3A_464, %dma_wait3A_465] : memref<13x128x8xf32, #tpu.memory_space<vmem>> -> memref<1x128x8xf32, #tpu.memory_space<vmem>>
      %dma_wait3A_467 = tpu.memref_squeeze %dma_wait3A_466 : memref<1x128x8xf32, #tpu.memory_space<vmem>> -> memref<128x8xf32, #tpu.memory_space<vmem>>
      %dma_wait3A_468 = arith.constant 0 : i32
      %dma_wait3A_469 = tpu.memref_slice %arg7[%dma_wait3A_462, %dma_wait3A_468] : memref<13x128xi32, #tpu.memory_space<vmem>> -> memref<1x128xi32, #tpu.memory_space<vmem>>
      %dma_wait3A_470 = tpu.memref_squeeze %dma_wait3A_469 : memref<1x128xi32, #tpu.memory_space<vmem>> -> memref<128xi32, #tpu.memory_space<vmem>>
      %dma_wait3A_471 = arith.constant 0 : i32
      %dma_wait3A_472 = arith.constant 0 : i32
      %dma_wait3A_473 = tpu.memref_slice %arg10[%dma_wait3A_471, %dma_wait3A_472] : memref<10240x8xf32, #tpu.memory_space<vmem_shared>> -> memref<10240x8xf32, #tpu.memory_space<vmem_shared>>
      tpu.wait_indirect_dma semaphore(%arg12 : memref<!tpu.dma_semaphore, #tpu.memory_space<semaphore_mem>>) src(%dma_wait3A_473 : memref<10240x8xf32, #tpu.memory_space<vmem_shared>>) dst(%dma_wait3A_467 : memref<128x8xf32, #tpu.memory_space<vmem>>)
      %dma_start3A_474 = arith.constant 12 : i32
      %dma_start3A_475 = arith.constant 12 : i32
      %dma_start3A_476 = arith.constant 0 : i32
      %dma_start3A_477 = arith.constant 0 : i32
      %dma_start3A_478 = tpu.memref_slice %arg9[%dma_start3A_474, %dma_start3A_476, %dma_start3A_477] : memref<13x128x8xf32, #tpu.memory_space<vmem>> -> memref<1x128x8xf32, #tpu.memory_space<vmem>>
      %dma_start3A_479 = tpu.memref_squeeze %dma_start3A_478 : memref<1x128x8xf32, #tpu.memory_space<vmem>> -> memref<128x8xf32, #tpu.memory_space<vmem>>
      %dma_start3A_480 = arith.constant 0 : i32
      %dma_start3A_481 = tpu.memref_slice %arg8[%dma_start3A_475, %dma_start3A_480] : memref<13x128xi32, #tpu.memory_space<vmem>> -> memref<1x128xi32, #tpu.memory_space<vmem>>
      %dma_start3A_482 = tpu.memref_squeeze %dma_start3A_481 : memref<1x128xi32, #tpu.memory_space<vmem>> -> memref<128xi32, #tpu.memory_space<vmem>>
      %dma_start3A_483 = arith.constant 0 : i32
      %dma_start3A_484 = arith.constant 0 : i32
      %dma_start3A_485 = tpu.memref_slice %arg11[%dma_start3A_483, %dma_start3A_484] : memref<10240x8xf32, #tpu.memory_space<vmem_shared>> -> memref<10240x8xf32, #tpu.memory_space<vmem_shared>>
      tpu.enqueue_indirect_dma source(%dma_start3A_479 : memref<128x8xf32, #tpu.memory_space<vmem>>) target(%dma_start3A_485 : memref<10240x8xf32, #tpu.memory_space<vmem_shared>>) offsets(%dma_start3A_482 : memref<128xi32, #tpu.memory_space<vmem>>) semaphore(%arg13 : memref<!tpu.dma_semaphore, #tpu.memory_space<semaphore_mem>>) {add = true}
      %dma_wait3A_486 = arith.constant 0 : i32
      %dma_wait3A_487 = arith.constant 0 : i32
      %dma_wait3A_488 = arith.constant 0 : i32
      %dma_wait3A_489 = arith.constant 0 : i32
      %dma_wait3A_490 = tpu.memref_slice %arg9[%dma_wait3A_486, %dma_wait3A_488, %dma_wait3A_489] : memref<13x128x8xf32, #tpu.memory_space<vmem>> -> memref<1x128x8xf32, #tpu.memory_space<vmem>>
      %dma_wait3A_491 = tpu.memref_squeeze %dma_wait3A_490 : memref<1x128x8xf32, #tpu.memory_space<vmem>> -> memref<128x8xf32, #tpu.memory_space<vmem>>
      %dma_wait3A_492 = arith.constant 0 : i32
      %dma_wait3A_493 = tpu.memref_slice %arg8[%dma_wait3A_487, %dma_wait3A_492] : memref<13x128xi32, #tpu.memory_space<vmem>> -> memref<1x128xi32, #tpu.memory_space<vmem>>
      %dma_wait3A_494 = tpu.memref_squeeze %dma_wait3A_493 : memref<1x128xi32, #tpu.memory_space<vmem>> -> memref<128xi32, #tpu.memory_space<vmem>>
      %dma_wait3A_495 = arith.constant 0 : i32
      %dma_wait3A_496 = arith.constant 0 : i32
      %dma_wait3A_497 = tpu.memref_slice %arg11[%dma_wait3A_495, %dma_wait3A_496] : memref<10240x8xf32, #tpu.memory_space<vmem_shared>> -> memref<10240x8xf32, #tpu.memory_space<vmem_shared>>
      tpu.wait_indirect_dma semaphore(%arg13 : memref<!tpu.dma_semaphore, #tpu.memory_space<semaphore_mem>>) src(%dma_wait3A_491 : memref<128x8xf32, #tpu.memory_space<vmem>>) dst(%dma_wait3A_497 : memref<10240x8xf32, #tpu.memory_space<vmem_shared>>)
      %dma_wait3A_498 = arith.constant 1 : i32
      %dma_wait3A_499 = arith.constant 1 : i32
      %dma_wait3A_500 = arith.constant 0 : i32
      %dma_wait3A_501 = arith.constant 0 : i32
      %dma_wait3A_502 = tpu.memref_slice %arg9[%dma_wait3A_498, %dma_wait3A_500, %dma_wait3A_501] : memref<13x128x8xf32, #tpu.memory_space<vmem>> -> memref<1x128x8xf32, #tpu.memory_space<vmem>>
      %dma_wait3A_503 = tpu.memref_squeeze %dma_wait3A_502 : memref<1x128x8xf32, #tpu.memory_space<vmem>> -> memref<128x8xf32, #tpu.memory_space<vmem>>
      %dma_wait3A_504 = arith.constant 0 : i32
      %dma_wait3A_505 = tpu.memref_slice %arg8[%dma_wait3A_499, %dma_wait3A_504] : memref<13x128xi32, #tpu.memory_space<vmem>> -> memref<1x128xi32, #tpu.memory_space<vmem>>
      %dma_wait3A_506 = tpu.memref_squeeze %dma_wait3A_505 : memref<1x128xi32, #tpu.memory_space<vmem>> -> memref<128xi32, #tpu.memory_space<vmem>>
      %dma_wait3A_507 = arith.constant 0 : i32
      %dma_wait3A_508 = arith.constant 0 : i32
      %dma_wait3A_509 = tpu.memref_slice %arg11[%dma_wait3A_507, %dma_wait3A_508] : memref<10240x8xf32, #tpu.memory_space<vmem_shared>> -> memref<10240x8xf32, #tpu.memory_space<vmem_shared>>
      tpu.wait_indirect_dma semaphore(%arg13 : memref<!tpu.dma_semaphore, #tpu.memory_space<semaphore_mem>>) src(%dma_wait3A_503 : memref<128x8xf32, #tpu.memory_space<vmem>>) dst(%dma_wait3A_509 : memref<10240x8xf32, #tpu.memory_space<vmem_shared>>)
      %dma_wait3A_510 = arith.constant 2 : i32
      %dma_wait3A_511 = arith.constant 2 : i32
      %dma_wait3A_512 = arith.constant 0 : i32
      %dma_wait3A_513 = arith.constant 0 : i32
      %dma_wait3A_514 = tpu.memref_slice %arg9[%dma_wait3A_510, %dma_wait3A_512, %dma_wait3A_513] : memref<13x128x8xf32, #tpu.memory_space<vmem>> -> memref<1x128x8xf32, #tpu.memory_space<vmem>>
      %dma_wait3A_515 = tpu.memref_squeeze %dma_wait3A_514 : memref<1x128x8xf32, #tpu.memory_space<vmem>> -> memref<128x8xf32, #tpu.memory_space<vmem>>
      %dma_wait3A_516 = arith.constant 0 : i32
      %dma_wait3A_517 = tpu.memref_slice %arg8[%dma_wait3A_511, %dma_wait3A_516] : memref<13x128xi32, #tpu.memory_space<vmem>> -> memref<1x128xi32, #tpu.memory_space<vmem>>
      %dma_wait3A_518 = tpu.memref_squeeze %dma_wait3A_517 : memref<1x128xi32, #tpu.memory_space<vmem>> -> memref<128xi32, #tpu.memory_space<vmem>>
      %dma_wait3A_519 = arith.constant 0 : i32
      %dma_wait3A_520 = arith.constant 0 : i32
      %dma_wait3A_521 = tpu.memref_slice %arg11[%dma_wait3A_519, %dma_wait3A_520] : memref<10240x8xf32, #tpu.memory_space<vmem_shared>> -> memref<10240x8xf32, #tpu.memory_space<vmem_shared>>
      tpu.wait_indirect_dma semaphore(%arg13 : memref<!tpu.dma_semaphore, #tpu.memory_space<semaphore_mem>>) src(%dma_wait3A_515 : memref<128x8xf32, #tpu.memory_space<vmem>>) dst(%dma_wait3A_521 : memref<10240x8xf32, #tpu.memory_space<vmem_shared>>)
      %dma_wait3A_522 = arith.constant 3 : i32
      %dma_wait3A_523 = arith.constant 3 : i32
      %dma_wait3A_524 = arith.constant 0 : i32
      %dma_wait3A_525 = arith.constant 0 : i32
      %dma_wait3A_526 = tpu.memref_slice %arg9[%dma_wait3A_522, %dma_wait3A_524, %dma_wait3A_525] : memref<13x128x8xf32, #tpu.memory_space<vmem>> -> memref<1x128x8xf32, #tpu.memory_space<vmem>>
      %dma_wait3A_527 = tpu.memref_squeeze %dma_wait3A_526 : memref<1x128x8xf32, #tpu.memory_space<vmem>> -> memref<128x8xf32, #tpu.memory_space<vmem>>
      %dma_wait3A_528 = arith.constant 0 : i32
      %dma_wait3A_529 = tpu.memref_slice %arg8[%dma_wait3A_523, %dma_wait3A_528] : memref<13x128xi32, #tpu.memory_space<vmem>> -> memref<1x128xi32, #tpu.memory_space<vmem>>
      %dma_wait3A_530 = tpu.memref_squeeze %dma_wait3A_529 : memref<1x128xi32, #tpu.memory_space<vmem>> -> memref<128xi32, #tpu.memory_space<vmem>>
      %dma_wait3A_531 = arith.constant 0 : i32
      %dma_wait3A_532 = arith.constant 0 : i32
      %dma_wait3A_533 = tpu.memref_slice %arg11[%dma_wait3A_531, %dma_wait3A_532] : memref<10240x8xf32, #tpu.memory_space<vmem_shared>> -> memref<10240x8xf32, #tpu.memory_space<vmem_shared>>
      tpu.wait_indirect_dma semaphore(%arg13 : memref<!tpu.dma_semaphore, #tpu.memory_space<semaphore_mem>>) src(%dma_wait3A_527 : memref<128x8xf32, #tpu.memory_space<vmem>>) dst(%dma_wait3A_533 : memref<10240x8xf32, #tpu.memory_space<vmem_shared>>)
      %dma_wait3A_534 = arith.constant 4 : i32
      %dma_wait3A_535 = arith.constant 4 : i32
      %dma_wait3A_536 = arith.constant 0 : i32
      %dma_wait3A_537 = arith.constant 0 : i32
      %dma_wait3A_538 = tpu.memref_slice %arg9[%dma_wait3A_534, %dma_wait3A_536, %dma_wait3A_537] : memref<13x128x8xf32, #tpu.memory_space<vmem>> -> memref<1x128x8xf32, #tpu.memory_space<vmem>>
      %dma_wait3A_539 = tpu.memref_squeeze %dma_wait3A_538 : memref<1x128x8xf32, #tpu.memory_space<vmem>> -> memref<128x8xf32, #tpu.memory_space<vmem>>
      %dma_wait3A_540 = arith.constant 0 : i32
      %dma_wait3A_541 = tpu.memref_slice %arg8[%dma_wait3A_535, %dma_wait3A_540] : memref<13x128xi32, #tpu.memory_space<vmem>> -> memref<1x128xi32, #tpu.memory_space<vmem>>
      %dma_wait3A_542 = tpu.memref_squeeze %dma_wait3A_541 : memref<1x128xi32, #tpu.memory_space<vmem>> -> memref<128xi32, #tpu.memory_space<vmem>>
      %dma_wait3A_543 = arith.constant 0 : i32
      %dma_wait3A_544 = arith.constant 0 : i32
      %dma_wait3A_545 = tpu.memref_slice %arg11[%dma_wait3A_543, %dma_wait3A_544] : memref<10240x8xf32, #tpu.memory_space<vmem_shared>> -> memref<10240x8xf32, #tpu.memory_space<vmem_shared>>
      tpu.wait_indirect_dma semaphore(%arg13 : memref<!tpu.dma_semaphore, #tpu.memory_space<semaphore_mem>>) src(%dma_wait3A_539 : memref<128x8xf32, #tpu.memory_space<vmem>>) dst(%dma_wait3A_545 : memref<10240x8xf32, #tpu.memory_space<vmem_shared>>)
      %dma_wait3A_546 = arith.constant 5 : i32
      %dma_wait3A_547 = arith.constant 5 : i32
      %dma_wait3A_548 = arith.constant 0 : i32
      %dma_wait3A_549 = arith.constant 0 : i32
      %dma_wait3A_550 = tpu.memref_slice %arg9[%dma_wait3A_546, %dma_wait3A_548, %dma_wait3A_549] : memref<13x128x8xf32, #tpu.memory_space<vmem>> -> memref<1x128x8xf32, #tpu.memory_space<vmem>>
      %dma_wait3A_551 = tpu.memref_squeeze %dma_wait3A_550 : memref<1x128x8xf32, #tpu.memory_space<vmem>> -> memref<128x8xf32, #tpu.memory_space<vmem>>
      %dma_wait3A_552 = arith.constant 0 : i32
      %dma_wait3A_553 = tpu.memref_slice %arg8[%dma_wait3A_547, %dma_wait3A_552] : memref<13x128xi32, #tpu.memory_space<vmem>> -> memref<1x128xi32, #tpu.memory_space<vmem>>
      %dma_wait3A_554 = tpu.memref_squeeze %dma_wait3A_553 : memref<1x128xi32, #tpu.memory_space<vmem>> -> memref<128xi32, #tpu.memory_space<vmem>>
      %dma_wait3A_555 = arith.constant 0 : i32
      %dma_wait3A_556 = arith.constant 0 : i32
      %dma_wait3A_557 = tpu.memref_slice %arg11[%dma_wait3A_555, %dma_wait3A_556] : memref<10240x8xf32, #tpu.memory_space<vmem_shared>> -> memref<10240x8xf32, #tpu.memory_space<vmem_shared>>
      tpu.wait_indirect_dma semaphore(%arg13 : memref<!tpu.dma_semaphore, #tpu.memory_space<semaphore_mem>>) src(%dma_wait3A_551 : memref<128x8xf32, #tpu.memory_space<vmem>>) dst(%dma_wait3A_557 : memref<10240x8xf32, #tpu.memory_space<vmem_shared>>)
      %dma_wait3A_558 = arith.constant 6 : i32
      %dma_wait3A_559 = arith.constant 6 : i32
      %dma_wait3A_560 = arith.constant 0 : i32
      %dma_wait3A_561 = arith.constant 0 : i32
      %dma_wait3A_562 = tpu.memref_slice %arg9[%dma_wait3A_558, %dma_wait3A_560, %dma_wait3A_561] : memref<13x128x8xf32, #tpu.memory_space<vmem>> -> memref<1x128x8xf32, #tpu.memory_space<vmem>>
      %dma_wait3A_563 = tpu.memref_squeeze %dma_wait3A_562 : memref<1x128x8xf32, #tpu.memory_space<vmem>> -> memref<128x8xf32, #tpu.memory_space<vmem>>
      %dma_wait3A_564 = arith.constant 0 : i32
      %dma_wait3A_565 = tpu.memref_slice %arg8[%dma_wait3A_559, %dma_wait3A_564] : memref<13x128xi32, #tpu.memory_space<vmem>> -> memref<1x128xi32, #tpu.memory_space<vmem>>
      %dma_wait3A_566 = tpu.memref_squeeze %dma_wait3A_565 : memref<1x128xi32, #tpu.memory_space<vmem>> -> memref<128xi32, #tpu.memory_space<vmem>>
      %dma_wait3A_567 = arith.constant 0 : i32
      %dma_wait3A_568 = arith.constant 0 : i32
      %dma_wait3A_569 = tpu.memref_slice %arg11[%dma_wait3A_567, %dma_wait3A_568] : memref<10240x8xf32, #tpu.memory_space<vmem_shared>> -> memref<10240x8xf32, #tpu.memory_space<vmem_shared>>
      tpu.wait_indirect_dma semaphore(%arg13 : memref<!tpu.dma_semaphore, #tpu.memory_space<semaphore_mem>>) src(%dma_wait3A_563 : memref<128x8xf32, #tpu.memory_space<vmem>>) dst(%dma_wait3A_569 : memref<10240x8xf32, #tpu.memory_space<vmem_shared>>)
      %dma_wait3A_570 = arith.constant 7 : i32
      %dma_wait3A_571 = arith.constant 7 : i32
      %dma_wait3A_572 = arith.constant 0 : i32
      %dma_wait3A_573 = arith.constant 0 : i32
      %dma_wait3A_574 = tpu.memref_slice %arg9[%dma_wait3A_570, %dma_wait3A_572, %dma_wait3A_573] : memref<13x128x8xf32, #tpu.memory_space<vmem>> -> memref<1x128x8xf32, #tpu.memory_space<vmem>>
      %dma_wait3A_575 = tpu.memref_squeeze %dma_wait3A_574 : memref<1x128x8xf32, #tpu.memory_space<vmem>> -> memref<128x8xf32, #tpu.memory_space<vmem>>
      %dma_wait3A_576 = arith.constant 0 : i32
      %dma_wait3A_577 = tpu.memref_slice %arg8[%dma_wait3A_571, %dma_wait3A_576] : memref<13x128xi32, #tpu.memory_space<vmem>> -> memref<1x128xi32, #tpu.memory_space<vmem>>
      %dma_wait3A_578 = tpu.memref_squeeze %dma_wait3A_577 : memref<1x128xi32, #tpu.memory_space<vmem>> -> memref<128xi32, #tpu.memory_space<vmem>>
      %dma_wait3A_579 = arith.constant 0 : i32
      %dma_wait3A_580 = arith.constant 0 : i32
      %dma_wait3A_581 = tpu.memref_slice %arg11[%dma_wait3A_579, %dma_wait3A_580] : memref<10240x8xf32, #tpu.memory_space<vmem_shared>> -> memref<10240x8xf32, #tpu.memory_space<vmem_shared>>
      tpu.wait_indirect_dma semaphore(%arg13 : memref<!tpu.dma_semaphore, #tpu.memory_space<semaphore_mem>>) src(%dma_wait3A_575 : memref<128x8xf32, #tpu.memory_space<vmem>>) dst(%dma_wait3A_581 : memref<10240x8xf32, #tpu.memory_space<vmem_shared>>)
      %dma_wait3A_582 = arith.constant 8 : i32
      %dma_wait3A_583 = arith.constant 8 : i32
      %dma_wait3A_584 = arith.constant 0 : i32
      %dma_wait3A_585 = arith.constant 0 : i32
      %dma_wait3A_586 = tpu.memref_slice %arg9[%dma_wait3A_582, %dma_wait3A_584, %dma_wait3A_585] : memref<13x128x8xf32, #tpu.memory_space<vmem>> -> memref<1x128x8xf32, #tpu.memory_space<vmem>>
      %dma_wait3A_587 = tpu.memref_squeeze %dma_wait3A_586 : memref<1x128x8xf32, #tpu.memory_space<vmem>> -> memref<128x8xf32, #tpu.memory_space<vmem>>
      %dma_wait3A_588 = arith.constant 0 : i32
      %dma_wait3A_589 = tpu.memref_slice %arg8[%dma_wait3A_583, %dma_wait3A_588] : memref<13x128xi32, #tpu.memory_space<vmem>> -> memref<1x128xi32, #tpu.memory_space<vmem>>
      %dma_wait3A_590 = tpu.memref_squeeze %dma_wait3A_589 : memref<1x128xi32, #tpu.memory_space<vmem>> -> memref<128xi32, #tpu.memory_space<vmem>>
      %dma_wait3A_591 = arith.constant 0 : i32
      %dma_wait3A_592 = arith.constant 0 : i32
      %dma_wait3A_593 = tpu.memref_slice %arg11[%dma_wait3A_591, %dma_wait3A_592] : memref<10240x8xf32, #tpu.memory_space<vmem_shared>> -> memref<10240x8xf32, #tpu.memory_space<vmem_shared>>
      tpu.wait_indirect_dma semaphore(%arg13 : memref<!tpu.dma_semaphore, #tpu.memory_space<semaphore_mem>>) src(%dma_wait3A_587 : memref<128x8xf32, #tpu.memory_space<vmem>>) dst(%dma_wait3A_593 : memref<10240x8xf32, #tpu.memory_space<vmem_shared>>)
      %dma_wait3A_594 = arith.constant 9 : i32
      %dma_wait3A_595 = arith.constant 9 : i32
      %dma_wait3A_596 = arith.constant 0 : i32
      %dma_wait3A_597 = arith.constant 0 : i32
      %dma_wait3A_598 = tpu.memref_slice %arg9[%dma_wait3A_594, %dma_wait3A_596, %dma_wait3A_597] : memref<13x128x8xf32, #tpu.memory_space<vmem>> -> memref<1x128x8xf32, #tpu.memory_space<vmem>>
      %dma_wait3A_599 = tpu.memref_squeeze %dma_wait3A_598 : memref<1x128x8xf32, #tpu.memory_space<vmem>> -> memref<128x8xf32, #tpu.memory_space<vmem>>
      %dma_wait3A_600 = arith.constant 0 : i32
      %dma_wait3A_601 = tpu.memref_slice %arg8[%dma_wait3A_595, %dma_wait3A_600] : memref<13x128xi32, #tpu.memory_space<vmem>> -> memref<1x128xi32, #tpu.memory_space<vmem>>
      %dma_wait3A_602 = tpu.memref_squeeze %dma_wait3A_601 : memref<1x128xi32, #tpu.memory_space<vmem>> -> memref<128xi32, #tpu.memory_space<vmem>>
      %dma_wait3A_603 = arith.constant 0 : i32
      %dma_wait3A_604 = arith.constant 0 : i32
      %dma_wait3A_605 = tpu.memref_slice %arg11[%dma_wait3A_603, %dma_wait3A_604] : memref<10240x8xf32, #tpu.memory_space<vmem_shared>> -> memref<10240x8xf32, #tpu.memory_space<vmem_shared>>
      tpu.wait_indirect_dma semaphore(%arg13 : memref<!tpu.dma_semaphore, #tpu.memory_space<semaphore_mem>>) src(%dma_wait3A_599 : memref<128x8xf32, #tpu.memory_space<vmem>>) dst(%dma_wait3A_605 : memref<10240x8xf32, #tpu.memory_space<vmem_shared>>)
      %dma_wait3A_606 = arith.constant 10 : i32
      %dma_wait3A_607 = arith.constant 10 : i32
      %dma_wait3A_608 = arith.constant 0 : i32
      %dma_wait3A_609 = arith.constant 0 : i32
      %dma_wait3A_610 = tpu.memref_slice %arg9[%dma_wait3A_606, %dma_wait3A_608, %dma_wait3A_609] : memref<13x128x8xf32, #tpu.memory_space<vmem>> -> memref<1x128x8xf32, #tpu.memory_space<vmem>>
      %dma_wait3A_611 = tpu.memref_squeeze %dma_wait3A_610 : memref<1x128x8xf32, #tpu.memory_space<vmem>> -> memref<128x8xf32, #tpu.memory_space<vmem>>
      %dma_wait3A_612 = arith.constant 0 : i32
      %dma_wait3A_613 = tpu.memref_slice %arg8[%dma_wait3A_607, %dma_wait3A_612] : memref<13x128xi32, #tpu.memory_space<vmem>> -> memref<1x128xi32, #tpu.memory_space<vmem>>
      %dma_wait3A_614 = tpu.memref_squeeze %dma_wait3A_613 : memref<1x128xi32, #tpu.memory_space<vmem>> -> memref<128xi32, #tpu.memory_space<vmem>>
      %dma_wait3A_615 = arith.constant 0 : i32
      %dma_wait3A_616 = arith.constant 0 : i32
      %dma_wait3A_617 = tpu.memref_slice %arg11[%dma_wait3A_615, %dma_wait3A_616] : memref<10240x8xf32, #tpu.memory_space<vmem_shared>> -> memref<10240x8xf32, #tpu.memory_space<vmem_shared>>
      tpu.wait_indirect_dma semaphore(%arg13 : memref<!tpu.dma_semaphore, #tpu.memory_space<semaphore_mem>>) src(%dma_wait3A_611 : memref<128x8xf32, #tpu.memory_space<vmem>>) dst(%dma_wait3A_617 : memref<10240x8xf32, #tpu.memory_space<vmem_shared>>)
      %dma_wait3A_618 = arith.constant 11 : i32
      %dma_wait3A_619 = arith.constant 11 : i32
      %dma_wait3A_620 = arith.constant 0 : i32
      %dma_wait3A_621 = arith.constant 0 : i32
      %dma_wait3A_622 = tpu.memref_slice %arg9[%dma_wait3A_618, %dma_wait3A_620, %dma_wait3A_621] : memref<13x128x8xf32, #tpu.memory_space<vmem>> -> memref<1x128x8xf32, #tpu.memory_space<vmem>>
      %dma_wait3A_623 = tpu.memref_squeeze %dma_wait3A_622 : memref<1x128x8xf32, #tpu.memory_space<vmem>> -> memref<128x8xf32, #tpu.memory_space<vmem>>
      %dma_wait3A_624 = arith.constant 0 : i32
      %dma_wait3A_625 = tpu.memref_slice %arg8[%dma_wait3A_619, %dma_wait3A_624] : memref<13x128xi32, #tpu.memory_space<vmem>> -> memref<1x128xi32, #tpu.memory_space<vmem>>
      %dma_wait3A_626 = tpu.memref_squeeze %dma_wait3A_625 : memref<1x128xi32, #tpu.memory_space<vmem>> -> memref<128xi32, #tpu.memory_space<vmem>>
      %dma_wait3A_627 = arith.constant 0 : i32
      %dma_wait3A_628 = arith.constant 0 : i32
      %dma_wait3A_629 = tpu.memref_slice %arg11[%dma_wait3A_627, %dma_wait3A_628] : memref<10240x8xf32, #tpu.memory_space<vmem_shared>> -> memref<10240x8xf32, #tpu.memory_space<vmem_shared>>
      tpu.wait_indirect_dma semaphore(%arg13 : memref<!tpu.dma_semaphore, #tpu.memory_space<semaphore_mem>>) src(%dma_wait3A_623 : memref<128x8xf32, #tpu.memory_space<vmem>>) dst(%dma_wait3A_629 : memref<10240x8xf32, #tpu.memory_space<vmem_shared>>)
      %dma_wait3A_630 = arith.constant 12 : i32
      %dma_wait3A_631 = arith.constant 12 : i32
      %dma_wait3A_632 = arith.constant 0 : i32
      %dma_wait3A_633 = arith.constant 0 : i32
      %dma_wait3A_634 = tpu.memref_slice %arg9[%dma_wait3A_630, %dma_wait3A_632, %dma_wait3A_633] : memref<13x128x8xf32, #tpu.memory_space<vmem>> -> memref<1x128x8xf32, #tpu.memory_space<vmem>>
      %dma_wait3A_635 = tpu.memref_squeeze %dma_wait3A_634 : memref<1x128x8xf32, #tpu.memory_space<vmem>> -> memref<128x8xf32, #tpu.memory_space<vmem>>
      %dma_wait3A_636 = arith.constant 0 : i32
      %dma_wait3A_637 = tpu.memref_slice %arg8[%dma_wait3A_631, %dma_wait3A_636] : memref<13x128xi32, #tpu.memory_space<vmem>> -> memref<1x128xi32, #tpu.memory_space<vmem>>
      %dma_wait3A_638 = tpu.memref_squeeze %dma_wait3A_637 : memref<1x128xi32, #tpu.memory_space<vmem>> -> memref<128xi32, #tpu.memory_space<vmem>>
      %dma_wait3A_639 = arith.constant 0 : i32
      %dma_wait3A_640 = arith.constant 0 : i32
      %dma_wait3A_641 = tpu.memref_slice %arg11[%dma_wait3A_639, %dma_wait3A_640] : memref<10240x8xf32, #tpu.memory_space<vmem_shared>> -> memref<10240x8xf32, #tpu.memory_space<vmem_shared>>
      tpu.wait_indirect_dma semaphore(%arg13 : memref<!tpu.dma_semaphore, #tpu.memory_space<semaphore_mem>>) src(%dma_wait3A_635 : memref<128x8xf32, #tpu.memory_space<vmem>>) dst(%dma_wait3A_641 : memref<10240x8xf32, #tpu.memory_space<vmem_shared>>)
    }
    %scan3A_9 = arith.constant 6 : i32
    %lt3A = arith.constant 4 : i32
    %lt3A_10 = arith.cmpi slt, %add3A, %lt3A : i32
    %convert_element_type3A = arith.extui %lt3A_10 : i1 to i32
    %cond3A = arith.constant 0 : i32
    %cond3A_11 = arith.cmpi ne, %convert_element_type3A, %cond3A : i32
    scf.if %cond3A_11 {
      %add3A_13 = arith.constant 2496 : i32
      %add3A_14 = arith.addi %add3A_13, %add3A : i32
      "tpu.region"() ({
        %run_scoped3A = tpu.sem_alloc : memref<!tpu.dma_semaphore, #tpu.memory_space<semaphore_mem>>
        %dma_start3A_63 = arith.constant 0 : i32
        %dma_start3A_64 = arith.constant 0 : i32
        %dma_start3A_65 = tpu.memref_slice %arg7[%dma_start3A_63, %dma_start3A_64] : memref<13x128xi32, #tpu.memory_space<vmem>> -> memref<1x128xi32, #tpu.memory_space<vmem>>
        %dma_start3A_66 = arith.constant 0 : i32
        %dma_start3A_67 = tpu.memref_slice %arg3[%add3A_14, %dma_start3A_66] : memref<2500x128xi32, #tpu.memory_space<hbm>> -> memref<1x128xi32, #tpu.memory_space<hbm>>
        %dma_start3A_68 = arith.constant 0 : i32
        %dma_start3A_69 = arith.constant 0 : i32
        %dma_start3A_70 = tpu.memref_slice %arg7[%dma_start3A_68, %dma_start3A_69] : memref<13x128xi32, #tpu.memory_space<vmem>> -> memref<1x128xi32, #tpu.memory_space<vmem>>
        %dma_start3A_71 = arith.constant 0 : i32
        %dma_start3A_72 = tpu.memref_slice %arg3[%add3A_14, %dma_start3A_71] : memref<2500x128xi32, #tpu.memory_space<hbm>> -> memref<1x128xi32, #tpu.memory_space<hbm>>
        tpu.enqueue_dma source(%dma_start3A_72 : memref<1x128xi32, #tpu.memory_space<hbm>>) target(%dma_start3A_70 : memref<1x128xi32, #tpu.memory_space<vmem>>) target_semaphore(%run_scoped3A : memref<!tpu.dma_semaphore, #tpu.memory_space<semaphore_mem>>)
        %dma_wait3A_73 = arith.constant 0 : i32
        %dma_wait3A_74 = arith.constant 0 : i32
        %dma_wait3A_75 = tpu.memref_slice %arg7[%dma_wait3A_73, %dma_wait3A_74] : memref<13x128xi32, #tpu.memory_space<vmem>> -> memref<1x128xi32, #tpu.memory_space<vmem>>
        %dma_wait3A_76 = arith.constant 0 : i32
        %dma_wait3A_77 = tpu.memref_slice %arg3[%add3A_14, %dma_wait3A_76] : memref<2500x128xi32, #tpu.memory_space<hbm>> -> memref<1x128xi32, #tpu.memory_space<hbm>>
        %dma_wait3A_78 = arith.constant 0 : i32
        %dma_wait3A_79 = arith.constant 0 : i32
        %dma_wait3A_80 = tpu.memref_slice %arg7[%dma_wait3A_78, %dma_wait3A_79] : memref<13x128xi32, #tpu.memory_space<vmem>> -> memref<1x128xi32, #tpu.memory_space<vmem>>
        %dma_wait3A_81 = arith.constant 0 : i32
        %dma_wait3A_82 = tpu.memref_slice %arg3[%add3A_14, %dma_wait3A_81] : memref<2500x128xi32, #tpu.memory_space<hbm>> -> memref<1x128xi32, #tpu.memory_space<hbm>>
        tpu.wait_dma2 semaphore(%run_scoped3A : memref<!tpu.dma_semaphore, #tpu.memory_space<semaphore_mem>>) src(%dma_wait3A_82 : memref<1x128xi32, #tpu.memory_space<hbm>>) dst(%dma_wait3A_80 : memref<1x128xi32, #tpu.memory_space<vmem>>)
        tpu.yield
      }) : () -> ()
      %add3A_15 = arith.constant 2496 : i32
      %add3A_16 = arith.addi %add3A_15, %add3A : i32
      "tpu.region"() ({
        %run_scoped3A = tpu.sem_alloc : memref<!tpu.dma_semaphore, #tpu.memory_space<semaphore_mem>>
        %dma_start3A_63 = arith.constant 0 : i32
        %dma_start3A_64 = arith.constant 0 : i32
        %dma_start3A_65 = tpu.memref_slice %arg8[%dma_start3A_63, %dma_start3A_64] : memref<13x128xi32, #tpu.memory_space<vmem>> -> memref<1x128xi32, #tpu.memory_space<vmem>>
        %dma_start3A_66 = arith.constant 0 : i32
        %dma_start3A_67 = tpu.memref_slice %arg4[%add3A_16, %dma_start3A_66] : memref<2500x128xi32, #tpu.memory_space<hbm>> -> memref<1x128xi32, #tpu.memory_space<hbm>>
        %dma_start3A_68 = arith.constant 0 : i32
        %dma_start3A_69 = arith.constant 0 : i32
        %dma_start3A_70 = tpu.memref_slice %arg8[%dma_start3A_68, %dma_start3A_69] : memref<13x128xi32, #tpu.memory_space<vmem>> -> memref<1x128xi32, #tpu.memory_space<vmem>>
        %dma_start3A_71 = arith.constant 0 : i32
        %dma_start3A_72 = tpu.memref_slice %arg4[%add3A_16, %dma_start3A_71] : memref<2500x128xi32, #tpu.memory_space<hbm>> -> memref<1x128xi32, #tpu.memory_space<hbm>>
        tpu.enqueue_dma source(%dma_start3A_72 : memref<1x128xi32, #tpu.memory_space<hbm>>) target(%dma_start3A_70 : memref<1x128xi32, #tpu.memory_space<vmem>>) target_semaphore(%run_scoped3A : memref<!tpu.dma_semaphore, #tpu.memory_space<semaphore_mem>>)
        %dma_wait3A_73 = arith.constant 0 : i32
        %dma_wait3A_74 = arith.constant 0 : i32
        %dma_wait3A_75 = tpu.memref_slice %arg8[%dma_wait3A_73, %dma_wait3A_74] : memref<13x128xi32, #tpu.memory_space<vmem>> -> memref<1x128xi32, #tpu.memory_space<vmem>>
        %dma_wait3A_76 = arith.constant 0 : i32
        %dma_wait3A_77 = tpu.memref_slice %arg4[%add3A_16, %dma_wait3A_76] : memref<2500x128xi32, #tpu.memory_space<hbm>> -> memref<1x128xi32, #tpu.memory_space<hbm>>
        %dma_wait3A_78 = arith.constant 0 : i32
        %dma_wait3A_79 = arith.constant 0 : i32
        %dma_wait3A_80 = tpu.memref_slice %arg8[%dma_wait3A_78, %dma_wait3A_79] : memref<13x128xi32, #tpu.memory_space<vmem>> -> memref<1x128xi32, #tpu.memory_space<vmem>>
        %dma_wait3A_81 = arith.constant 0 : i32
        %dma_wait3A_82 = tpu.memref_slice %arg4[%add3A_16, %dma_wait3A_81] : memref<2500x128xi32, #tpu.memory_space<hbm>> -> memref<1x128xi32, #tpu.memory_space<hbm>>
        tpu.wait_dma2 semaphore(%run_scoped3A : memref<!tpu.dma_semaphore, #tpu.memory_space<semaphore_mem>>) src(%dma_wait3A_82 : memref<1x128xi32, #tpu.memory_space<hbm>>) dst(%dma_wait3A_80 : memref<1x128xi32, #tpu.memory_space<vmem>>)
        tpu.yield
      }) : () -> ()
      %dma_start3A = arith.constant 0 : i32
      %dma_start3A_17 = arith.constant 0 : i32
      %dma_start3A_18 = arith.constant 0 : i32
      %dma_start3A_19 = arith.constant 0 : i32
      %dma_start3A_20 = tpu.memref_slice %arg9[%dma_start3A_17, %dma_start3A_18, %dma_start3A_19] : memref<13x128x8xf32, #tpu.memory_space<vmem>> -> memref<1x128x8xf32, #tpu.memory_space<vmem>>
      %dma_start3A_21 = tpu.memref_squeeze %dma_start3A_20 : memref<1x128x8xf32, #tpu.memory_space<vmem>> -> memref<128x8xf32, #tpu.memory_space<vmem>>
      %dma_start3A_22 = arith.constant 0 : i32
      %dma_start3A_23 = tpu.memref_slice %arg7[%dma_start3A, %dma_start3A_22] : memref<13x128xi32, #tpu.memory_space<vmem>> -> memref<1x128xi32, #tpu.memory_space<vmem>>
      %dma_start3A_24 = tpu.memref_squeeze %dma_start3A_23 : memref<1x128xi32, #tpu.memory_space<vmem>> -> memref<128xi32, #tpu.memory_space<vmem>>
      %dma_start3A_25 = arith.constant 0 : i32
      %dma_start3A_26 = arith.constant 0 : i32
      %dma_start3A_27 = tpu.memref_slice %arg10[%dma_start3A_25, %dma_start3A_26] : memref<10240x8xf32, #tpu.memory_space<vmem_shared>> -> memref<10240x8xf32, #tpu.memory_space<vmem_shared>>
      tpu.enqueue_indirect_dma source(%dma_start3A_27 : memref<10240x8xf32, #tpu.memory_space<vmem_shared>>) target(%dma_start3A_21 : memref<128x8xf32, #tpu.memory_space<vmem>>) offsets(%dma_start3A_24 : memref<128xi32, #tpu.memory_space<vmem>>) semaphore(%arg12 : memref<!tpu.dma_semaphore, #tpu.memory_space<semaphore_mem>>)
      %dma_wait3A = arith.constant 0 : i32
      %dma_wait3A_28 = arith.constant 0 : i32
      %dma_wait3A_29 = arith.constant 0 : i32
      %dma_wait3A_30 = arith.constant 0 : i32
      %dma_wait3A_31 = tpu.memref_slice %arg9[%dma_wait3A_28, %dma_wait3A_29, %dma_wait3A_30] : memref<13x128x8xf32, #tpu.memory_space<vmem>> -> memref<1x128x8xf32, #tpu.memory_space<vmem>>
      %dma_wait3A_32 = tpu.memref_squeeze %dma_wait3A_31 : memref<1x128x8xf32, #tpu.memory_space<vmem>> -> memref<128x8xf32, #tpu.memory_space<vmem>>
      %dma_wait3A_33 = arith.constant 0 : i32
      %dma_wait3A_34 = tpu.memref_slice %arg7[%dma_wait3A, %dma_wait3A_33] : memref<13x128xi32, #tpu.memory_space<vmem>> -> memref<1x128xi32, #tpu.memory_space<vmem>>
      %dma_wait3A_35 = tpu.memref_squeeze %dma_wait3A_34 : memref<1x128xi32, #tpu.memory_space<vmem>> -> memref<128xi32, #tpu.memory_space<vmem>>
      %dma_wait3A_36 = arith.constant 0 : i32
      %dma_wait3A_37 = arith.constant 0 : i32
      %dma_wait3A_38 = tpu.memref_slice %arg10[%dma_wait3A_36, %dma_wait3A_37] : memref<10240x8xf32, #tpu.memory_space<vmem_shared>> -> memref<10240x8xf32, #tpu.memory_space<vmem_shared>>
      tpu.wait_indirect_dma semaphore(%arg12 : memref<!tpu.dma_semaphore, #tpu.memory_space<semaphore_mem>>) src(%dma_wait3A_38 : memref<10240x8xf32, #tpu.memory_space<vmem_shared>>) dst(%dma_wait3A_32 : memref<128x8xf32, #tpu.memory_space<vmem>>)
      %dma_start3A_39 = arith.constant 0 : i32
      %dma_start3A_40 = arith.constant 0 : i32
      %dma_start3A_41 = arith.constant 0 : i32
      %dma_start3A_42 = arith.constant 0 : i32
      %dma_start3A_43 = tpu.memref_slice %arg9[%dma_start3A_39, %dma_start3A_41, %dma_start3A_42] : memref<13x128x8xf32, #tpu.memory_space<vmem>> -> memref<1x128x8xf32, #tpu.memory_space<vmem>>
      %dma_start3A_44 = tpu.memref_squeeze %dma_start3A_43 : memref<1x128x8xf32, #tpu.memory_space<vmem>> -> memref<128x8xf32, #tpu.memory_space<vmem>>
      %dma_start3A_45 = arith.constant 0 : i32
      %dma_start3A_46 = tpu.memref_slice %arg8[%dma_start3A_40, %dma_start3A_45] : memref<13x128xi32, #tpu.memory_space<vmem>> -> memref<1x128xi32, #tpu.memory_space<vmem>>
      %dma_start3A_47 = tpu.memref_squeeze %dma_start3A_46 : memref<1x128xi32, #tpu.memory_space<vmem>> -> memref<128xi32, #tpu.memory_space<vmem>>
      %dma_start3A_48 = arith.constant 0 : i32
      %dma_start3A_49 = arith.constant 0 : i32
      %dma_start3A_50 = tpu.memref_slice %arg11[%dma_start3A_48, %dma_start3A_49] : memref<10240x8xf32, #tpu.memory_space<vmem_shared>> -> memref<10240x8xf32, #tpu.memory_space<vmem_shared>>
      tpu.enqueue_indirect_dma source(%dma_start3A_44 : memref<128x8xf32, #tpu.memory_space<vmem>>) target(%dma_start3A_50 : memref<10240x8xf32, #tpu.memory_space<vmem_shared>>) offsets(%dma_start3A_47 : memref<128xi32, #tpu.memory_space<vmem>>) semaphore(%arg13 : memref<!tpu.dma_semaphore, #tpu.memory_space<semaphore_mem>>) {add = true}
      %dma_wait3A_51 = arith.constant 0 : i32
      %dma_wait3A_52 = arith.constant 0 : i32
      %dma_wait3A_53 = arith.constant 0 : i32
      %dma_wait3A_54 = arith.constant 0 : i32
      %dma_wait3A_55 = tpu.memref_slice %arg9[%dma_wait3A_51, %dma_wait3A_53, %dma_wait3A_54] : memref<13x128x8xf32, #tpu.memory_space<vmem>> -> memref<1x128x8xf32, #tpu.memory_space<vmem>>
      %dma_wait3A_56 = tpu.memref_squeeze %dma_wait3A_55 : memref<1x128x8xf32, #tpu.memory_space<vmem>> -> memref<128x8xf32, #tpu.memory_space<vmem>>
      %dma_wait3A_57 = arith.constant 0 : i32
      %dma_wait3A_58 = tpu.memref_slice %arg8[%dma_wait3A_52, %dma_wait3A_57] : memref<13x128xi32, #tpu.memory_space<vmem>> -> memref<1x128xi32, #tpu.memory_space<vmem>>
      %dma_wait3A_59 = tpu.memref_squeeze %dma_wait3A_58 : memref<1x128xi32, #tpu.memory_space<vmem>> -> memref<128xi32, #tpu.memory_space<vmem>>
      %dma_wait3A_60 = arith.constant 0 : i32
      %dma_wait3A_61 = arith.constant 0 : i32
      %dma_wait3A_62 = tpu.memref_slice %arg11[%dma_wait3A_60, %dma_wait3A_61] : memref<10240x8xf32, #tpu.memory_space<vmem_shared>> -> memref<10240x8xf32, #tpu.memory_space<vmem_shared>>
      tpu.wait_indirect_dma semaphore(%arg13 : memref<!tpu.dma_semaphore, #tpu.memory_space<semaphore_mem>>) src(%dma_wait3A_56 : memref<128x8xf32, #tpu.memory_space<vmem>>) dst(%dma_wait3A_62 : memref<10240x8xf32, #tpu.memory_space<vmem_shared>>)
    } else {
    }
    %barrier3A_12 = arith.constant 0 : index
    tpu.barrier barrier_id(%barrier3A_12)
    "tpu.region"() ({
      %run_scoped3A = tpu.sem_alloc : memref<!tpu.dma_semaphore, #tpu.memory_space<semaphore_mem>>
      %dma_start3A = arith.constant 0 : i32
      %dma_start3A_13 = tpu.memref_slice %arg6[%arg0, %mul3A_2, %dma_start3A] : memref<2x10240x8xf32, #tpu.memory_space<hbm>> -> memref<1x640x8xf32, #tpu.memory_space<hbm>>
      %dma_start3A_14 = tpu.memref_squeeze %dma_start3A_13 : memref<1x640x8xf32, #tpu.memory_space<hbm>> -> memref<640x8xf32, #tpu.memory_space<hbm>>
      %dma_start3A_15 = arith.constant 0 : i32
      %dma_start3A_16 = tpu.memref_slice %arg11[%mul3A_2, %dma_start3A_15] : memref<10240x8xf32, #tpu.memory_space<vmem_shared>> -> memref<640x8xf32, #tpu.memory_space<vmem_shared>>
      tpu.enqueue_dma source(%dma_start3A_16 : memref<640x8xf32, #tpu.memory_space<vmem_shared>>) target(%dma_start3A_14 : memref<640x8xf32, #tpu.memory_space<hbm>>) target_semaphore(%run_scoped3A : memref<!tpu.dma_semaphore, #tpu.memory_space<semaphore_mem>>)
      %dma_wait3A = arith.constant 0 : i32
      %dma_wait3A_17 = tpu.memref_slice %arg6[%arg0, %mul3A_2, %dma_wait3A] : memref<2x10240x8xf32, #tpu.memory_space<hbm>> -> memref<1x640x8xf32, #tpu.memory_space<hbm>>
      %dma_wait3A_18 = tpu.memref_squeeze %dma_wait3A_17 : memref<1x640x8xf32, #tpu.memory_space<hbm>> -> memref<640x8xf32, #tpu.memory_space<hbm>>
      %dma_wait3A_19 = arith.constant 0 : i32
      %dma_wait3A_20 = tpu.memref_slice %arg11[%mul3A_2, %dma_wait3A_19] : memref<10240x8xf32, #tpu.memory_space<vmem_shared>> -> memref<640x8xf32, #tpu.memory_space<vmem_shared>>
      tpu.wait_dma2 semaphore(%run_scoped3A : memref<!tpu.dma_semaphore, #tpu.memory_space<semaphore_mem>>) src(%dma_wait3A_20 : memref<640x8xf32, #tpu.memory_space<vmem_shared>>) dst(%dma_wait3A_18 : memref<640x8xf32, #tpu.memory_space<hbm>>)
      tpu.yield
    }) : () -> ()
    return
  }
}

#map = affine_map<(d0, d1) -> (0, 0)>
#map1 = affine_map<(d0, d1) -> (0, 0, 0)>
module attributes {stable_mosaic.version = 14 : i64} {
  func.func @_deg(%arg0: i32, %arg1: i32, %arg2: memref<2500x128xi32, #tpu.memory_space<hbm>>, %arg3: memref<640x8xf32, #tpu.memory_space<hbm>>, %arg4: memref<128x8xf32, #tpu.memory_space<hbm>>, %arg5: memref<2x10240x8xf32, #tpu.memory_space<hbm>>, %arg6: memref<26x128xi32, #tpu.memory_space<vmem>>, %arg7: memref<128x8xf32, #tpu.memory_space<vmem>>, %arg8: memref<10240x8xf32, #tpu.memory_space<vmem_shared>>, %arg9: memref<!tpu.dma_semaphore, #tpu.memory_space<semaphore_mem>>) attributes {dimension_semantics = [#tpu.dimension_semantics<core_parallel>, #tpu.dimension_semantics<subcore_parallel>], iteration_bounds = array<i64: 2, 16>, scalar_prefetch = 0 : i64, scratch_operands = 4 : i64, tpu.core_type = #tpu.core_type<sc_vector_subcore>, window_params = [{transform_indices = #map}, {transform_indices = #map}, {transform_indices = #map}, {transform_indices = #map1}]} {
    %mul3A = arith.constant 16 : i32
    %mul3A_0 = arith.muli %arg0, %mul3A : i32
    %add3A = arith.addi %mul3A_0, %arg1 : i32
    %mul3A_1 = arith.constant 640 : i32
    %mul3A_2 = arith.muli %arg1, %mul3A_1 : i32
    %mul3A_3 = arith.constant 78 : i32
    %mul3A_4 = arith.muli %add3A, %mul3A_3 : i32
    "tpu.region"() ({
      %run_scoped3A = tpu.sem_alloc : memref<!tpu.dma_semaphore, #tpu.memory_space<semaphore_mem>>
      tpu.enqueue_dma source(%arg4 : memref<128x8xf32, #tpu.memory_space<hbm>>) target(%arg7 : memref<128x8xf32, #tpu.memory_space<vmem>>) target_semaphore(%run_scoped3A : memref<!tpu.dma_semaphore, #tpu.memory_space<semaphore_mem>>)
      tpu.wait_dma2 semaphore(%run_scoped3A : memref<!tpu.dma_semaphore, #tpu.memory_space<semaphore_mem>>) src(%arg4 : memref<128x8xf32, #tpu.memory_space<hbm>>) dst(%arg7 : memref<128x8xf32, #tpu.memory_space<vmem>>)
      tpu.yield
    }) : () -> ()
    "tpu.region"() ({
      %run_scoped3A = tpu.sem_alloc : memref<!tpu.dma_semaphore, #tpu.memory_space<semaphore_mem>>
      %dma_start3A = arith.constant 0 : i32
      %dma_start3A_13 = tpu.memref_slice %arg8[%mul3A_2, %dma_start3A] : memref<10240x8xf32, #tpu.memory_space<vmem_shared>> -> memref<640x8xf32, #tpu.memory_space<vmem_shared>>
      tpu.enqueue_dma source(%arg3 : memref<640x8xf32, #tpu.memory_space<hbm>>) target(%dma_start3A_13 : memref<640x8xf32, #tpu.memory_space<vmem_shared>>) target_semaphore(%run_scoped3A : memref<!tpu.dma_semaphore, #tpu.memory_space<semaphore_mem>>)
      %dma_wait3A = arith.constant 0 : i32
      %dma_wait3A_14 = tpu.memref_slice %arg8[%mul3A_2, %dma_wait3A] : memref<10240x8xf32, #tpu.memory_space<vmem_shared>> -> memref<640x8xf32, #tpu.memory_space<vmem_shared>>
      tpu.wait_dma2 semaphore(%run_scoped3A : memref<!tpu.dma_semaphore, #tpu.memory_space<semaphore_mem>>) src(%arg3 : memref<640x8xf32, #tpu.memory_space<hbm>>) dst(%dma_wait3A_14 : memref<640x8xf32, #tpu.memory_space<vmem_shared>>)
      tpu.yield
    }) : () -> ()
    %barrier3A = arith.constant 0 : index
    tpu.barrier barrier_id(%barrier3A)
    %scan3A = arith.constant 0 : i32
    %scan3A_5 = arith.constant 0 : i32
    %scan3A_6 = arith.constant 3 : i32
    %scan3A_7 = arith.addi %scan3A_5, %scan3A_6 : i32
    %scan3A_8 = arith.constant 1 : i32
    scf.for %scan3A_13 = %scan3A_5 to %scan3A_7 step %scan3A_8  : i32 {
      %mul3A_14 = arith.constant 26 : i32
      %mul3A_15 = arith.muli %scan3A_13, %mul3A_14 : i32
      %add3A_16 = arith.addi %mul3A_4, %mul3A_15 : i32
      "tpu.region"() ({
        %run_scoped3A = tpu.sem_alloc : memref<!tpu.dma_semaphore, #tpu.memory_space<semaphore_mem>>
        %dma_start3A_379 = arith.constant 0 : i32
        %dma_start3A_380 = tpu.memref_slice %arg2[%add3A_16, %dma_start3A_379] : memref<2500x128xi32, #tpu.memory_space<hbm>> -> memref<26x128xi32, #tpu.memory_space<hbm>>
        %dma_start3A_381 = arith.constant 0 : i32
        %dma_start3A_382 = tpu.memref_slice %arg2[%add3A_16, %dma_start3A_381] : memref<2500x128xi32, #tpu.memory_space<hbm>> -> memref<26x128xi32, #tpu.memory_space<hbm>>
        tpu.enqueue_dma source(%dma_start3A_382 : memref<26x128xi32, #tpu.memory_space<hbm>>) target(%arg6 : memref<26x128xi32, #tpu.memory_space<vmem>>) target_semaphore(%run_scoped3A : memref<!tpu.dma_semaphore, #tpu.memory_space<semaphore_mem>>)
        %dma_wait3A_383 = arith.constant 0 : i32
        %dma_wait3A_384 = tpu.memref_slice %arg2[%add3A_16, %dma_wait3A_383] : memref<2500x128xi32, #tpu.memory_space<hbm>> -> memref<26x128xi32, #tpu.memory_space<hbm>>
        %dma_wait3A_385 = arith.constant 0 : i32
        %dma_wait3A_386 = tpu.memref_slice %arg2[%add3A_16, %dma_wait3A_385] : memref<2500x128xi32, #tpu.memory_space<hbm>> -> memref<26x128xi32, #tpu.memory_space<hbm>>
        tpu.wait_dma2 semaphore(%run_scoped3A : memref<!tpu.dma_semaphore, #tpu.memory_space<semaphore_mem>>) src(%dma_wait3A_386 : memref<26x128xi32, #tpu.memory_space<hbm>>) dst(%arg6 : memref<26x128xi32, #tpu.memory_space<vmem>>)
        tpu.yield
      }) : () -> ()
      %dma_start3A = arith.constant 0 : i32
      %dma_start3A_17 = arith.constant 0 : i32
      %dma_start3A_18 = tpu.memref_slice %arg6[%dma_start3A, %dma_start3A_17] : memref<26x128xi32, #tpu.memory_space<vmem>> -> memref<1x128xi32, #tpu.memory_space<vmem>>
      %dma_start3A_19 = tpu.memref_squeeze %dma_start3A_18 : memref<1x128xi32, #tpu.memory_space<vmem>> -> memref<128xi32, #tpu.memory_space<vmem>>
      %dma_start3A_20 = arith.constant 0 : i32
      %dma_start3A_21 = arith.constant 0 : i32
      %dma_start3A_22 = tpu.memref_slice %arg8[%dma_start3A_20, %dma_start3A_21] : memref<10240x8xf32, #tpu.memory_space<vmem_shared>> -> memref<10240x8xf32, #tpu.memory_space<vmem_shared>>
      tpu.enqueue_indirect_dma source(%arg7 : memref<128x8xf32, #tpu.memory_space<vmem>>) target(%dma_start3A_22 : memref<10240x8xf32, #tpu.memory_space<vmem_shared>>) offsets(%dma_start3A_19 : memref<128xi32, #tpu.memory_space<vmem>>) semaphore(%arg9 : memref<!tpu.dma_semaphore, #tpu.memory_space<semaphore_mem>>) {add = true}
      %dma_start3A_23 = arith.constant 1 : i32
      %dma_start3A_24 = arith.constant 0 : i32
      %dma_start3A_25 = tpu.memref_slice %arg6[%dma_start3A_23, %dma_start3A_24] : memref<26x128xi32, #tpu.memory_space<vmem>> -> memref<1x128xi32, #tpu.memory_space<vmem>>
      %dma_start3A_26 = tpu.memref_squeeze %dma_start3A_25 : memref<1x128xi32, #tpu.memory_space<vmem>> -> memref<128xi32, #tpu.memory_space<vmem>>
      %dma_start3A_27 = arith.constant 0 : i32
      %dma_start3A_28 = arith.constant 0 : i32
      %dma_start3A_29 = tpu.memref_slice %arg8[%dma_start3A_27, %dma_start3A_28] : memref<10240x8xf32, #tpu.memory_space<vmem_shared>> -> memref<10240x8xf32, #tpu.memory_space<vmem_shared>>
      tpu.enqueue_indirect_dma source(%arg7 : memref<128x8xf32, #tpu.memory_space<vmem>>) target(%dma_start3A_29 : memref<10240x8xf32, #tpu.memory_space<vmem_shared>>) offsets(%dma_start3A_26 : memref<128xi32, #tpu.memory_space<vmem>>) semaphore(%arg9 : memref<!tpu.dma_semaphore, #tpu.memory_space<semaphore_mem>>) {add = true}
      %dma_start3A_30 = arith.constant 2 : i32
      %dma_start3A_31 = arith.constant 0 : i32
      %dma_start3A_32 = tpu.memref_slice %arg6[%dma_start3A_30, %dma_start3A_31] : memref<26x128xi32, #tpu.memory_space<vmem>> -> memref<1x128xi32, #tpu.memory_space<vmem>>
      %dma_start3A_33 = tpu.memref_squeeze %dma_start3A_32 : memref<1x128xi32, #tpu.memory_space<vmem>> -> memref<128xi32, #tpu.memory_space<vmem>>
      %dma_start3A_34 = arith.constant 0 : i32
      %dma_start3A_35 = arith.constant 0 : i32
      %dma_start3A_36 = tpu.memref_slice %arg8[%dma_start3A_34, %dma_start3A_35] : memref<10240x8xf32, #tpu.memory_space<vmem_shared>> -> memref<10240x8xf32, #tpu.memory_space<vmem_shared>>
      tpu.enqueue_indirect_dma source(%arg7 : memref<128x8xf32, #tpu.memory_space<vmem>>) target(%dma_start3A_36 : memref<10240x8xf32, #tpu.memory_space<vmem_shared>>) offsets(%dma_start3A_33 : memref<128xi32, #tpu.memory_space<vmem>>) semaphore(%arg9 : memref<!tpu.dma_semaphore, #tpu.memory_space<semaphore_mem>>) {add = true}
      %dma_start3A_37 = arith.constant 3 : i32
      %dma_start3A_38 = arith.constant 0 : i32
      %dma_start3A_39 = tpu.memref_slice %arg6[%dma_start3A_37, %dma_start3A_38] : memref<26x128xi32, #tpu.memory_space<vmem>> -> memref<1x128xi32, #tpu.memory_space<vmem>>
      %dma_start3A_40 = tpu.memref_squeeze %dma_start3A_39 : memref<1x128xi32, #tpu.memory_space<vmem>> -> memref<128xi32, #tpu.memory_space<vmem>>
      %dma_start3A_41 = arith.constant 0 : i32
      %dma_start3A_42 = arith.constant 0 : i32
      %dma_start3A_43 = tpu.memref_slice %arg8[%dma_start3A_41, %dma_start3A_42] : memref<10240x8xf32, #tpu.memory_space<vmem_shared>> -> memref<10240x8xf32, #tpu.memory_space<vmem_shared>>
      tpu.enqueue_indirect_dma source(%arg7 : memref<128x8xf32, #tpu.memory_space<vmem>>) target(%dma_start3A_43 : memref<10240x8xf32, #tpu.memory_space<vmem_shared>>) offsets(%dma_start3A_40 : memref<128xi32, #tpu.memory_space<vmem>>) semaphore(%arg9 : memref<!tpu.dma_semaphore, #tpu.memory_space<semaphore_mem>>) {add = true}
      %dma_start3A_44 = arith.constant 4 : i32
      %dma_start3A_45 = arith.constant 0 : i32
      %dma_start3A_46 = tpu.memref_slice %arg6[%dma_start3A_44, %dma_start3A_45] : memref<26x128xi32, #tpu.memory_space<vmem>> -> memref<1x128xi32, #tpu.memory_space<vmem>>
      %dma_start3A_47 = tpu.memref_squeeze %dma_start3A_46 : memref<1x128xi32, #tpu.memory_space<vmem>> -> memref<128xi32, #tpu.memory_space<vmem>>
      %dma_start3A_48 = arith.constant 0 : i32
      %dma_start3A_49 = arith.constant 0 : i32
      %dma_start3A_50 = tpu.memref_slice %arg8[%dma_start3A_48, %dma_start3A_49] : memref<10240x8xf32, #tpu.memory_space<vmem_shared>> -> memref<10240x8xf32, #tpu.memory_space<vmem_shared>>
      tpu.enqueue_indirect_dma source(%arg7 : memref<128x8xf32, #tpu.memory_space<vmem>>) target(%dma_start3A_50 : memref<10240x8xf32, #tpu.memory_space<vmem_shared>>) offsets(%dma_start3A_47 : memref<128xi32, #tpu.memory_space<vmem>>) semaphore(%arg9 : memref<!tpu.dma_semaphore, #tpu.memory_space<semaphore_mem>>) {add = true}
      %dma_start3A_51 = arith.constant 5 : i32
      %dma_start3A_52 = arith.constant 0 : i32
      %dma_start3A_53 = tpu.memref_slice %arg6[%dma_start3A_51, %dma_start3A_52] : memref<26x128xi32, #tpu.memory_space<vmem>> -> memref<1x128xi32, #tpu.memory_space<vmem>>
      %dma_start3A_54 = tpu.memref_squeeze %dma_start3A_53 : memref<1x128xi32, #tpu.memory_space<vmem>> -> memref<128xi32, #tpu.memory_space<vmem>>
      %dma_start3A_55 = arith.constant 0 : i32
      %dma_start3A_56 = arith.constant 0 : i32
      %dma_start3A_57 = tpu.memref_slice %arg8[%dma_start3A_55, %dma_start3A_56] : memref<10240x8xf32, #tpu.memory_space<vmem_shared>> -> memref<10240x8xf32, #tpu.memory_space<vmem_shared>>
      tpu.enqueue_indirect_dma source(%arg7 : memref<128x8xf32, #tpu.memory_space<vmem>>) target(%dma_start3A_57 : memref<10240x8xf32, #tpu.memory_space<vmem_shared>>) offsets(%dma_start3A_54 : memref<128xi32, #tpu.memory_space<vmem>>) semaphore(%arg9 : memref<!tpu.dma_semaphore, #tpu.memory_space<semaphore_mem>>) {add = true}
      %dma_start3A_58 = arith.constant 6 : i32
      %dma_start3A_59 = arith.constant 0 : i32
      %dma_start3A_60 = tpu.memref_slice %arg6[%dma_start3A_58, %dma_start3A_59] : memref<26x128xi32, #tpu.memory_space<vmem>> -> memref<1x128xi32, #tpu.memory_space<vmem>>
      %dma_start3A_61 = tpu.memref_squeeze %dma_start3A_60 : memref<1x128xi32, #tpu.memory_space<vmem>> -> memref<128xi32, #tpu.memory_space<vmem>>
      %dma_start3A_62 = arith.constant 0 : i32
      %dma_start3A_63 = arith.constant 0 : i32
      %dma_start3A_64 = tpu.memref_slice %arg8[%dma_start3A_62, %dma_start3A_63] : memref<10240x8xf32, #tpu.memory_space<vmem_shared>> -> memref<10240x8xf32, #tpu.memory_space<vmem_shared>>
      tpu.enqueue_indirect_dma source(%arg7 : memref<128x8xf32, #tpu.memory_space<vmem>>) target(%dma_start3A_64 : memref<10240x8xf32, #tpu.memory_space<vmem_shared>>) offsets(%dma_start3A_61 : memref<128xi32, #tpu.memory_space<vmem>>) semaphore(%arg9 : memref<!tpu.dma_semaphore, #tpu.memory_space<semaphore_mem>>) {add = true}
      %dma_start3A_65 = arith.constant 7 : i32
      %dma_start3A_66 = arith.constant 0 : i32
      %dma_start3A_67 = tpu.memref_slice %arg6[%dma_start3A_65, %dma_start3A_66] : memref<26x128xi32, #tpu.memory_space<vmem>> -> memref<1x128xi32, #tpu.memory_space<vmem>>
      %dma_start3A_68 = tpu.memref_squeeze %dma_start3A_67 : memref<1x128xi32, #tpu.memory_space<vmem>> -> memref<128xi32, #tpu.memory_space<vmem>>
      %dma_start3A_69 = arith.constant 0 : i32
      %dma_start3A_70 = arith.constant 0 : i32
      %dma_start3A_71 = tpu.memref_slice %arg8[%dma_start3A_69, %dma_start3A_70] : memref<10240x8xf32, #tpu.memory_space<vmem_shared>> -> memref<10240x8xf32, #tpu.memory_space<vmem_shared>>
      tpu.enqueue_indirect_dma source(%arg7 : memref<128x8xf32, #tpu.memory_space<vmem>>) target(%dma_start3A_71 : memref<10240x8xf32, #tpu.memory_space<vmem_shared>>) offsets(%dma_start3A_68 : memref<128xi32, #tpu.memory_space<vmem>>) semaphore(%arg9 : memref<!tpu.dma_semaphore, #tpu.memory_space<semaphore_mem>>) {add = true}
      %dma_start3A_72 = arith.constant 8 : i32
      %dma_start3A_73 = arith.constant 0 : i32
      %dma_start3A_74 = tpu.memref_slice %arg6[%dma_start3A_72, %dma_start3A_73] : memref<26x128xi32, #tpu.memory_space<vmem>> -> memref<1x128xi32, #tpu.memory_space<vmem>>
      %dma_start3A_75 = tpu.memref_squeeze %dma_start3A_74 : memref<1x128xi32, #tpu.memory_space<vmem>> -> memref<128xi32, #tpu.memory_space<vmem>>
      %dma_start3A_76 = arith.constant 0 : i32
      %dma_start3A_77 = arith.constant 0 : i32
      %dma_start3A_78 = tpu.memref_slice %arg8[%dma_start3A_76, %dma_start3A_77] : memref<10240x8xf32, #tpu.memory_space<vmem_shared>> -> memref<10240x8xf32, #tpu.memory_space<vmem_shared>>
      tpu.enqueue_indirect_dma source(%arg7 : memref<128x8xf32, #tpu.memory_space<vmem>>) target(%dma_start3A_78 : memref<10240x8xf32, #tpu.memory_space<vmem_shared>>) offsets(%dma_start3A_75 : memref<128xi32, #tpu.memory_space<vmem>>) semaphore(%arg9 : memref<!tpu.dma_semaphore, #tpu.memory_space<semaphore_mem>>) {add = true}
      %dma_start3A_79 = arith.constant 9 : i32
      %dma_start3A_80 = arith.constant 0 : i32
      %dma_start3A_81 = tpu.memref_slice %arg6[%dma_start3A_79, %dma_start3A_80] : memref<26x128xi32, #tpu.memory_space<vmem>> -> memref<1x128xi32, #tpu.memory_space<vmem>>
      %dma_start3A_82 = tpu.memref_squeeze %dma_start3A_81 : memref<1x128xi32, #tpu.memory_space<vmem>> -> memref<128xi32, #tpu.memory_space<vmem>>
      %dma_start3A_83 = arith.constant 0 : i32
      %dma_start3A_84 = arith.constant 0 : i32
      %dma_start3A_85 = tpu.memref_slice %arg8[%dma_start3A_83, %dma_start3A_84] : memref<10240x8xf32, #tpu.memory_space<vmem_shared>> -> memref<10240x8xf32, #tpu.memory_space<vmem_shared>>
      tpu.enqueue_indirect_dma source(%arg7 : memref<128x8xf32, #tpu.memory_space<vmem>>) target(%dma_start3A_85 : memref<10240x8xf32, #tpu.memory_space<vmem_shared>>) offsets(%dma_start3A_82 : memref<128xi32, #tpu.memory_space<vmem>>) semaphore(%arg9 : memref<!tpu.dma_semaphore, #tpu.memory_space<semaphore_mem>>) {add = true}
      %dma_start3A_86 = arith.constant 10 : i32
      %dma_start3A_87 = arith.constant 0 : i32
      %dma_start3A_88 = tpu.memref_slice %arg6[%dma_start3A_86, %dma_start3A_87] : memref<26x128xi32, #tpu.memory_space<vmem>> -> memref<1x128xi32, #tpu.memory_space<vmem>>
      %dma_start3A_89 = tpu.memref_squeeze %dma_start3A_88 : memref<1x128xi32, #tpu.memory_space<vmem>> -> memref<128xi32, #tpu.memory_space<vmem>>
      %dma_start3A_90 = arith.constant 0 : i32
      %dma_start3A_91 = arith.constant 0 : i32
      %dma_start3A_92 = tpu.memref_slice %arg8[%dma_start3A_90, %dma_start3A_91] : memref<10240x8xf32, #tpu.memory_space<vmem_shared>> -> memref<10240x8xf32, #tpu.memory_space<vmem_shared>>
      tpu.enqueue_indirect_dma source(%arg7 : memref<128x8xf32, #tpu.memory_space<vmem>>) target(%dma_start3A_92 : memref<10240x8xf32, #tpu.memory_space<vmem_shared>>) offsets(%dma_start3A_89 : memref<128xi32, #tpu.memory_space<vmem>>) semaphore(%arg9 : memref<!tpu.dma_semaphore, #tpu.memory_space<semaphore_mem>>) {add = true}
      %dma_start3A_93 = arith.constant 11 : i32
      %dma_start3A_94 = arith.constant 0 : i32
      %dma_start3A_95 = tpu.memref_slice %arg6[%dma_start3A_93, %dma_start3A_94] : memref<26x128xi32, #tpu.memory_space<vmem>> -> memref<1x128xi32, #tpu.memory_space<vmem>>
      %dma_start3A_96 = tpu.memref_squeeze %dma_start3A_95 : memref<1x128xi32, #tpu.memory_space<vmem>> -> memref<128xi32, #tpu.memory_space<vmem>>
      %dma_start3A_97 = arith.constant 0 : i32
      %dma_start3A_98 = arith.constant 0 : i32
      %dma_start3A_99 = tpu.memref_slice %arg8[%dma_start3A_97, %dma_start3A_98] : memref<10240x8xf32, #tpu.memory_space<vmem_shared>> -> memref<10240x8xf32, #tpu.memory_space<vmem_shared>>
      tpu.enqueue_indirect_dma source(%arg7 : memref<128x8xf32, #tpu.memory_space<vmem>>) target(%dma_start3A_99 : memref<10240x8xf32, #tpu.memory_space<vmem_shared>>) offsets(%dma_start3A_96 : memref<128xi32, #tpu.memory_space<vmem>>) semaphore(%arg9 : memref<!tpu.dma_semaphore, #tpu.memory_space<semaphore_mem>>) {add = true}
      %dma_start3A_100 = arith.constant 12 : i32
      %dma_start3A_101 = arith.constant 0 : i32
      %dma_start3A_102 = tpu.memref_slice %arg6[%dma_start3A_100, %dma_start3A_101] : memref<26x128xi32, #tpu.memory_space<vmem>> -> memref<1x128xi32, #tpu.memory_space<vmem>>
      %dma_start3A_103 = tpu.memref_squeeze %dma_start3A_102 : memref<1x128xi32, #tpu.memory_space<vmem>> -> memref<128xi32, #tpu.memory_space<vmem>>
      %dma_start3A_104 = arith.constant 0 : i32
      %dma_start3A_105 = arith.constant 0 : i32
      %dma_start3A_106 = tpu.memref_slice %arg8[%dma_start3A_104, %dma_start3A_105] : memref<10240x8xf32, #tpu.memory_space<vmem_shared>> -> memref<10240x8xf32, #tpu.memory_space<vmem_shared>>
      tpu.enqueue_indirect_dma source(%arg7 : memref<128x8xf32, #tpu.memory_space<vmem>>) target(%dma_start3A_106 : memref<10240x8xf32, #tpu.memory_space<vmem_shared>>) offsets(%dma_start3A_103 : memref<128xi32, #tpu.memory_space<vmem>>) semaphore(%arg9 : memref<!tpu.dma_semaphore, #tpu.memory_space<semaphore_mem>>) {add = true}
      %dma_start3A_107 = arith.constant 13 : i32
      %dma_start3A_108 = arith.constant 0 : i32
      %dma_start3A_109 = tpu.memref_slice %arg6[%dma_start3A_107, %dma_start3A_108] : memref<26x128xi32, #tpu.memory_space<vmem>> -> memref<1x128xi32, #tpu.memory_space<vmem>>
      %dma_start3A_110 = tpu.memref_squeeze %dma_start3A_109 : memref<1x128xi32, #tpu.memory_space<vmem>> -> memref<128xi32, #tpu.memory_space<vmem>>
      %dma_start3A_111 = arith.constant 0 : i32
      %dma_start3A_112 = arith.constant 0 : i32
      %dma_start3A_113 = tpu.memref_slice %arg8[%dma_start3A_111, %dma_start3A_112] : memref<10240x8xf32, #tpu.memory_space<vmem_shared>> -> memref<10240x8xf32, #tpu.memory_space<vmem_shared>>
      tpu.enqueue_indirect_dma source(%arg7 : memref<128x8xf32, #tpu.memory_space<vmem>>) target(%dma_start3A_113 : memref<10240x8xf32, #tpu.memory_space<vmem_shared>>) offsets(%dma_start3A_110 : memref<128xi32, #tpu.memory_space<vmem>>) semaphore(%arg9 : memref<!tpu.dma_semaphore, #tpu.memory_space<semaphore_mem>>) {add = true}
      %dma_start3A_114 = arith.constant 14 : i32
      %dma_start3A_115 = arith.constant 0 : i32
      %dma_start3A_116 = tpu.memref_slice %arg6[%dma_start3A_114, %dma_start3A_115] : memref<26x128xi32, #tpu.memory_space<vmem>> -> memref<1x128xi32, #tpu.memory_space<vmem>>
      %dma_start3A_117 = tpu.memref_squeeze %dma_start3A_116 : memref<1x128xi32, #tpu.memory_space<vmem>> -> memref<128xi32, #tpu.memory_space<vmem>>
      %dma_start3A_118 = arith.constant 0 : i32
      %dma_start3A_119 = arith.constant 0 : i32
      %dma_start3A_120 = tpu.memref_slice %arg8[%dma_start3A_118, %dma_start3A_119] : memref<10240x8xf32, #tpu.memory_space<vmem_shared>> -> memref<10240x8xf32, #tpu.memory_space<vmem_shared>>
      tpu.enqueue_indirect_dma source(%arg7 : memref<128x8xf32, #tpu.memory_space<vmem>>) target(%dma_start3A_120 : memref<10240x8xf32, #tpu.memory_space<vmem_shared>>) offsets(%dma_start3A_117 : memref<128xi32, #tpu.memory_space<vmem>>) semaphore(%arg9 : memref<!tpu.dma_semaphore, #tpu.memory_space<semaphore_mem>>) {add = true}
      %dma_start3A_121 = arith.constant 15 : i32
      %dma_start3A_122 = arith.constant 0 : i32
      %dma_start3A_123 = tpu.memref_slice %arg6[%dma_start3A_121, %dma_start3A_122] : memref<26x128xi32, #tpu.memory_space<vmem>> -> memref<1x128xi32, #tpu.memory_space<vmem>>
      %dma_start3A_124 = tpu.memref_squeeze %dma_start3A_123 : memref<1x128xi32, #tpu.memory_space<vmem>> -> memref<128xi32, #tpu.memory_space<vmem>>
      %dma_start3A_125 = arith.constant 0 : i32
      %dma_start3A_126 = arith.constant 0 : i32
      %dma_start3A_127 = tpu.memref_slice %arg8[%dma_start3A_125, %dma_start3A_126] : memref<10240x8xf32, #tpu.memory_space<vmem_shared>> -> memref<10240x8xf32, #tpu.memory_space<vmem_shared>>
      tpu.enqueue_indirect_dma source(%arg7 : memref<128x8xf32, #tpu.memory_space<vmem>>) target(%dma_start3A_127 : memref<10240x8xf32, #tpu.memory_space<vmem_shared>>) offsets(%dma_start3A_124 : memref<128xi32, #tpu.memory_space<vmem>>) semaphore(%arg9 : memref<!tpu.dma_semaphore, #tpu.memory_space<semaphore_mem>>) {add = true}
      %dma_start3A_128 = arith.constant 16 : i32
      %dma_start3A_129 = arith.constant 0 : i32
      %dma_start3A_130 = tpu.memref_slice %arg6[%dma_start3A_128, %dma_start3A_129] : memref<26x128xi32, #tpu.memory_space<vmem>> -> memref<1x128xi32, #tpu.memory_space<vmem>>
      %dma_start3A_131 = tpu.memref_squeeze %dma_start3A_130 : memref<1x128xi32, #tpu.memory_space<vmem>> -> memref<128xi32, #tpu.memory_space<vmem>>
      %dma_start3A_132 = arith.constant 0 : i32
      %dma_start3A_133 = arith.constant 0 : i32
      %dma_start3A_134 = tpu.memref_slice %arg8[%dma_start3A_132, %dma_start3A_133] : memref<10240x8xf32, #tpu.memory_space<vmem_shared>> -> memref<10240x8xf32, #tpu.memory_space<vmem_shared>>
      tpu.enqueue_indirect_dma source(%arg7 : memref<128x8xf32, #tpu.memory_space<vmem>>) target(%dma_start3A_134 : memref<10240x8xf32, #tpu.memory_space<vmem_shared>>) offsets(%dma_start3A_131 : memref<128xi32, #tpu.memory_space<vmem>>) semaphore(%arg9 : memref<!tpu.dma_semaphore, #tpu.memory_space<semaphore_mem>>) {add = true}
      %dma_start3A_135 = arith.constant 17 : i32
      %dma_start3A_136 = arith.constant 0 : i32
      %dma_start3A_137 = tpu.memref_slice %arg6[%dma_start3A_135, %dma_start3A_136] : memref<26x128xi32, #tpu.memory_space<vmem>> -> memref<1x128xi32, #tpu.memory_space<vmem>>
      %dma_start3A_138 = tpu.memref_squeeze %dma_start3A_137 : memref<1x128xi32, #tpu.memory_space<vmem>> -> memref<128xi32, #tpu.memory_space<vmem>>
      %dma_start3A_139 = arith.constant 0 : i32
      %dma_start3A_140 = arith.constant 0 : i32
      %dma_start3A_141 = tpu.memref_slice %arg8[%dma_start3A_139, %dma_start3A_140] : memref<10240x8xf32, #tpu.memory_space<vmem_shared>> -> memref<10240x8xf32, #tpu.memory_space<vmem_shared>>
      tpu.enqueue_indirect_dma source(%arg7 : memref<128x8xf32, #tpu.memory_space<vmem>>) target(%dma_start3A_141 : memref<10240x8xf32, #tpu.memory_space<vmem_shared>>) offsets(%dma_start3A_138 : memref<128xi32, #tpu.memory_space<vmem>>) semaphore(%arg9 : memref<!tpu.dma_semaphore, #tpu.memory_space<semaphore_mem>>) {add = true}
      %dma_start3A_142 = arith.constant 18 : i32
      %dma_start3A_143 = arith.constant 0 : i32
      %dma_start3A_144 = tpu.memref_slice %arg6[%dma_start3A_142, %dma_start3A_143] : memref<26x128xi32, #tpu.memory_space<vmem>> -> memref<1x128xi32, #tpu.memory_space<vmem>>
      %dma_start3A_145 = tpu.memref_squeeze %dma_start3A_144 : memref<1x128xi32, #tpu.memory_space<vmem>> -> memref<128xi32, #tpu.memory_space<vmem>>
      %dma_start3A_146 = arith.constant 0 : i32
      %dma_start3A_147 = arith.constant 0 : i32
      %dma_start3A_148 = tpu.memref_slice %arg8[%dma_start3A_146, %dma_start3A_147] : memref<10240x8xf32, #tpu.memory_space<vmem_shared>> -> memref<10240x8xf32, #tpu.memory_space<vmem_shared>>
      tpu.enqueue_indirect_dma source(%arg7 : memref<128x8xf32, #tpu.memory_space<vmem>>) target(%dma_start3A_148 : memref<10240x8xf32, #tpu.memory_space<vmem_shared>>) offsets(%dma_start3A_145 : memref<128xi32, #tpu.memory_space<vmem>>) semaphore(%arg9 : memref<!tpu.dma_semaphore, #tpu.memory_space<semaphore_mem>>) {add = true}
      %dma_start3A_149 = arith.constant 19 : i32
      %dma_start3A_150 = arith.constant 0 : i32
      %dma_start3A_151 = tpu.memref_slice %arg6[%dma_start3A_149, %dma_start3A_150] : memref<26x128xi32, #tpu.memory_space<vmem>> -> memref<1x128xi32, #tpu.memory_space<vmem>>
      %dma_start3A_152 = tpu.memref_squeeze %dma_start3A_151 : memref<1x128xi32, #tpu.memory_space<vmem>> -> memref<128xi32, #tpu.memory_space<vmem>>
      %dma_start3A_153 = arith.constant 0 : i32
      %dma_start3A_154 = arith.constant 0 : i32
      %dma_start3A_155 = tpu.memref_slice %arg8[%dma_start3A_153, %dma_start3A_154] : memref<10240x8xf32, #tpu.memory_space<vmem_shared>> -> memref<10240x8xf32, #tpu.memory_space<vmem_shared>>
      tpu.enqueue_indirect_dma source(%arg7 : memref<128x8xf32, #tpu.memory_space<vmem>>) target(%dma_start3A_155 : memref<10240x8xf32, #tpu.memory_space<vmem_shared>>) offsets(%dma_start3A_152 : memref<128xi32, #tpu.memory_space<vmem>>) semaphore(%arg9 : memref<!tpu.dma_semaphore, #tpu.memory_space<semaphore_mem>>) {add = true}
      %dma_start3A_156 = arith.constant 20 : i32
      %dma_start3A_157 = arith.constant 0 : i32
      %dma_start3A_158 = tpu.memref_slice %arg6[%dma_start3A_156, %dma_start3A_157] : memref<26x128xi32, #tpu.memory_space<vmem>> -> memref<1x128xi32, #tpu.memory_space<vmem>>
      %dma_start3A_159 = tpu.memref_squeeze %dma_start3A_158 : memref<1x128xi32, #tpu.memory_space<vmem>> -> memref<128xi32, #tpu.memory_space<vmem>>
      %dma_start3A_160 = arith.constant 0 : i32
      %dma_start3A_161 = arith.constant 0 : i32
      %dma_start3A_162 = tpu.memref_slice %arg8[%dma_start3A_160, %dma_start3A_161] : memref<10240x8xf32, #tpu.memory_space<vmem_shared>> -> memref<10240x8xf32, #tpu.memory_space<vmem_shared>>
      tpu.enqueue_indirect_dma source(%arg7 : memref<128x8xf32, #tpu.memory_space<vmem>>) target(%dma_start3A_162 : memref<10240x8xf32, #tpu.memory_space<vmem_shared>>) offsets(%dma_start3A_159 : memref<128xi32, #tpu.memory_space<vmem>>) semaphore(%arg9 : memref<!tpu.dma_semaphore, #tpu.memory_space<semaphore_mem>>) {add = true}
      %dma_start3A_163 = arith.constant 21 : i32
      %dma_start3A_164 = arith.constant 0 : i32
      %dma_start3A_165 = tpu.memref_slice %arg6[%dma_start3A_163, %dma_start3A_164] : memref<26x128xi32, #tpu.memory_space<vmem>> -> memref<1x128xi32, #tpu.memory_space<vmem>>
      %dma_start3A_166 = tpu.memref_squeeze %dma_start3A_165 : memref<1x128xi32, #tpu.memory_space<vmem>> -> memref<128xi32, #tpu.memory_space<vmem>>
      %dma_start3A_167 = arith.constant 0 : i32
      %dma_start3A_168 = arith.constant 0 : i32
      %dma_start3A_169 = tpu.memref_slice %arg8[%dma_start3A_167, %dma_start3A_168] : memref<10240x8xf32, #tpu.memory_space<vmem_shared>> -> memref<10240x8xf32, #tpu.memory_space<vmem_shared>>
      tpu.enqueue_indirect_dma source(%arg7 : memref<128x8xf32, #tpu.memory_space<vmem>>) target(%dma_start3A_169 : memref<10240x8xf32, #tpu.memory_space<vmem_shared>>) offsets(%dma_start3A_166 : memref<128xi32, #tpu.memory_space<vmem>>) semaphore(%arg9 : memref<!tpu.dma_semaphore, #tpu.memory_space<semaphore_mem>>) {add = true}
      %dma_start3A_170 = arith.constant 22 : i32
      %dma_start3A_171 = arith.constant 0 : i32
      %dma_start3A_172 = tpu.memref_slice %arg6[%dma_start3A_170, %dma_start3A_171] : memref<26x128xi32, #tpu.memory_space<vmem>> -> memref<1x128xi32, #tpu.memory_space<vmem>>
      %dma_start3A_173 = tpu.memref_squeeze %dma_start3A_172 : memref<1x128xi32, #tpu.memory_space<vmem>> -> memref<128xi32, #tpu.memory_space<vmem>>
      %dma_start3A_174 = arith.constant 0 : i32
      %dma_start3A_175 = arith.constant 0 : i32
      %dma_start3A_176 = tpu.memref_slice %arg8[%dma_start3A_174, %dma_start3A_175] : memref<10240x8xf32, #tpu.memory_space<vmem_shared>> -> memref<10240x8xf32, #tpu.memory_space<vmem_shared>>
      tpu.enqueue_indirect_dma source(%arg7 : memref<128x8xf32, #tpu.memory_space<vmem>>) target(%dma_start3A_176 : memref<10240x8xf32, #tpu.memory_space<vmem_shared>>) offsets(%dma_start3A_173 : memref<128xi32, #tpu.memory_space<vmem>>) semaphore(%arg9 : memref<!tpu.dma_semaphore, #tpu.memory_space<semaphore_mem>>) {add = true}
      %dma_start3A_177 = arith.constant 23 : i32
      %dma_start3A_178 = arith.constant 0 : i32
      %dma_start3A_179 = tpu.memref_slice %arg6[%dma_start3A_177, %dma_start3A_178] : memref<26x128xi32, #tpu.memory_space<vmem>> -> memref<1x128xi32, #tpu.memory_space<vmem>>
      %dma_start3A_180 = tpu.memref_squeeze %dma_start3A_179 : memref<1x128xi32, #tpu.memory_space<vmem>> -> memref<128xi32, #tpu.memory_space<vmem>>
      %dma_start3A_181 = arith.constant 0 : i32
      %dma_start3A_182 = arith.constant 0 : i32
      %dma_start3A_183 = tpu.memref_slice %arg8[%dma_start3A_181, %dma_start3A_182] : memref<10240x8xf32, #tpu.memory_space<vmem_shared>> -> memref<10240x8xf32, #tpu.memory_space<vmem_shared>>
      tpu.enqueue_indirect_dma source(%arg7 : memref<128x8xf32, #tpu.memory_space<vmem>>) target(%dma_start3A_183 : memref<10240x8xf32, #tpu.memory_space<vmem_shared>>) offsets(%dma_start3A_180 : memref<128xi32, #tpu.memory_space<vmem>>) semaphore(%arg9 : memref<!tpu.dma_semaphore, #tpu.memory_space<semaphore_mem>>) {add = true}
      %dma_start3A_184 = arith.constant 24 : i32
      %dma_start3A_185 = arith.constant 0 : i32
      %dma_start3A_186 = tpu.memref_slice %arg6[%dma_start3A_184, %dma_start3A_185] : memref<26x128xi32, #tpu.memory_space<vmem>> -> memref<1x128xi32, #tpu.memory_space<vmem>>
      %dma_start3A_187 = tpu.memref_squeeze %dma_start3A_186 : memref<1x128xi32, #tpu.memory_space<vmem>> -> memref<128xi32, #tpu.memory_space<vmem>>
      %dma_start3A_188 = arith.constant 0 : i32
      %dma_start3A_189 = arith.constant 0 : i32
      %dma_start3A_190 = tpu.memref_slice %arg8[%dma_start3A_188, %dma_start3A_189] : memref<10240x8xf32, #tpu.memory_space<vmem_shared>> -> memref<10240x8xf32, #tpu.memory_space<vmem_shared>>
      tpu.enqueue_indirect_dma source(%arg7 : memref<128x8xf32, #tpu.memory_space<vmem>>) target(%dma_start3A_190 : memref<10240x8xf32, #tpu.memory_space<vmem_shared>>) offsets(%dma_start3A_187 : memref<128xi32, #tpu.memory_space<vmem>>) semaphore(%arg9 : memref<!tpu.dma_semaphore, #tpu.memory_space<semaphore_mem>>) {add = true}
      %dma_start3A_191 = arith.constant 25 : i32
      %dma_start3A_192 = arith.constant 0 : i32
      %dma_start3A_193 = tpu.memref_slice %arg6[%dma_start3A_191, %dma_start3A_192] : memref<26x128xi32, #tpu.memory_space<vmem>> -> memref<1x128xi32, #tpu.memory_space<vmem>>
      %dma_start3A_194 = tpu.memref_squeeze %dma_start3A_193 : memref<1x128xi32, #tpu.memory_space<vmem>> -> memref<128xi32, #tpu.memory_space<vmem>>
      %dma_start3A_195 = arith.constant 0 : i32
      %dma_start3A_196 = arith.constant 0 : i32
      %dma_start3A_197 = tpu.memref_slice %arg8[%dma_start3A_195, %dma_start3A_196] : memref<10240x8xf32, #tpu.memory_space<vmem_shared>> -> memref<10240x8xf32, #tpu.memory_space<vmem_shared>>
      tpu.enqueue_indirect_dma source(%arg7 : memref<128x8xf32, #tpu.memory_space<vmem>>) target(%dma_start3A_197 : memref<10240x8xf32, #tpu.memory_space<vmem_shared>>) offsets(%dma_start3A_194 : memref<128xi32, #tpu.memory_space<vmem>>) semaphore(%arg9 : memref<!tpu.dma_semaphore, #tpu.memory_space<semaphore_mem>>) {add = true}
      %dma_wait3A = arith.constant 0 : i32
      %dma_wait3A_198 = arith.constant 0 : i32
      %dma_wait3A_199 = tpu.memref_slice %arg6[%dma_wait3A, %dma_wait3A_198] : memref<26x128xi32, #tpu.memory_space<vmem>> -> memref<1x128xi32, #tpu.memory_space<vmem>>
      %dma_wait3A_200 = tpu.memref_squeeze %dma_wait3A_199 : memref<1x128xi32, #tpu.memory_space<vmem>> -> memref<128xi32, #tpu.memory_space<vmem>>
      %dma_wait3A_201 = arith.constant 0 : i32
      %dma_wait3A_202 = arith.constant 0 : i32
      %dma_wait3A_203 = tpu.memref_slice %arg8[%dma_wait3A_201, %dma_wait3A_202] : memref<10240x8xf32, #tpu.memory_space<vmem_shared>> -> memref<10240x8xf32, #tpu.memory_space<vmem_shared>>
      tpu.wait_indirect_dma semaphore(%arg9 : memref<!tpu.dma_semaphore, #tpu.memory_space<semaphore_mem>>) src(%arg7 : memref<128x8xf32, #tpu.memory_space<vmem>>) dst(%dma_wait3A_203 : memref<10240x8xf32, #tpu.memory_space<vmem_shared>>)
      %dma_wait3A_204 = arith.constant 1 : i32
      %dma_wait3A_205 = arith.constant 0 : i32
      %dma_wait3A_206 = tpu.memref_slice %arg6[%dma_wait3A_204, %dma_wait3A_205] : memref<26x128xi32, #tpu.memory_space<vmem>> -> memref<1x128xi32, #tpu.memory_space<vmem>>
      %dma_wait3A_207 = tpu.memref_squeeze %dma_wait3A_206 : memref<1x128xi32, #tpu.memory_space<vmem>> -> memref<128xi32, #tpu.memory_space<vmem>>
      %dma_wait3A_208 = arith.constant 0 : i32
      %dma_wait3A_209 = arith.constant 0 : i32
      %dma_wait3A_210 = tpu.memref_slice %arg8[%dma_wait3A_208, %dma_wait3A_209] : memref<10240x8xf32, #tpu.memory_space<vmem_shared>> -> memref<10240x8xf32, #tpu.memory_space<vmem_shared>>
      tpu.wait_indirect_dma semaphore(%arg9 : memref<!tpu.dma_semaphore, #tpu.memory_space<semaphore_mem>>) src(%arg7 : memref<128x8xf32, #tpu.memory_space<vmem>>) dst(%dma_wait3A_210 : memref<10240x8xf32, #tpu.memory_space<vmem_shared>>)
      %dma_wait3A_211 = arith.constant 2 : i32
      %dma_wait3A_212 = arith.constant 0 : i32
      %dma_wait3A_213 = tpu.memref_slice %arg6[%dma_wait3A_211, %dma_wait3A_212] : memref<26x128xi32, #tpu.memory_space<vmem>> -> memref<1x128xi32, #tpu.memory_space<vmem>>
      %dma_wait3A_214 = tpu.memref_squeeze %dma_wait3A_213 : memref<1x128xi32, #tpu.memory_space<vmem>> -> memref<128xi32, #tpu.memory_space<vmem>>
      %dma_wait3A_215 = arith.constant 0 : i32
      %dma_wait3A_216 = arith.constant 0 : i32
      %dma_wait3A_217 = tpu.memref_slice %arg8[%dma_wait3A_215, %dma_wait3A_216] : memref<10240x8xf32, #tpu.memory_space<vmem_shared>> -> memref<10240x8xf32, #tpu.memory_space<vmem_shared>>
      tpu.wait_indirect_dma semaphore(%arg9 : memref<!tpu.dma_semaphore, #tpu.memory_space<semaphore_mem>>) src(%arg7 : memref<128x8xf32, #tpu.memory_space<vmem>>) dst(%dma_wait3A_217 : memref<10240x8xf32, #tpu.memory_space<vmem_shared>>)
      %dma_wait3A_218 = arith.constant 3 : i32
      %dma_wait3A_219 = arith.constant 0 : i32
      %dma_wait3A_220 = tpu.memref_slice %arg6[%dma_wait3A_218, %dma_wait3A_219] : memref<26x128xi32, #tpu.memory_space<vmem>> -> memref<1x128xi32, #tpu.memory_space<vmem>>
      %dma_wait3A_221 = tpu.memref_squeeze %dma_wait3A_220 : memref<1x128xi32, #tpu.memory_space<vmem>> -> memref<128xi32, #tpu.memory_space<vmem>>
      %dma_wait3A_222 = arith.constant 0 : i32
      %dma_wait3A_223 = arith.constant 0 : i32
      %dma_wait3A_224 = tpu.memref_slice %arg8[%dma_wait3A_222, %dma_wait3A_223] : memref<10240x8xf32, #tpu.memory_space<vmem_shared>> -> memref<10240x8xf32, #tpu.memory_space<vmem_shared>>
      tpu.wait_indirect_dma semaphore(%arg9 : memref<!tpu.dma_semaphore, #tpu.memory_space<semaphore_mem>>) src(%arg7 : memref<128x8xf32, #tpu.memory_space<vmem>>) dst(%dma_wait3A_224 : memref<10240x8xf32, #tpu.memory_space<vmem_shared>>)
      %dma_wait3A_225 = arith.constant 4 : i32
      %dma_wait3A_226 = arith.constant 0 : i32
      %dma_wait3A_227 = tpu.memref_slice %arg6[%dma_wait3A_225, %dma_wait3A_226] : memref<26x128xi32, #tpu.memory_space<vmem>> -> memref<1x128xi32, #tpu.memory_space<vmem>>
      %dma_wait3A_228 = tpu.memref_squeeze %dma_wait3A_227 : memref<1x128xi32, #tpu.memory_space<vmem>> -> memref<128xi32, #tpu.memory_space<vmem>>
      %dma_wait3A_229 = arith.constant 0 : i32
      %dma_wait3A_230 = arith.constant 0 : i32
      %dma_wait3A_231 = tpu.memref_slice %arg8[%dma_wait3A_229, %dma_wait3A_230] : memref<10240x8xf32, #tpu.memory_space<vmem_shared>> -> memref<10240x8xf32, #tpu.memory_space<vmem_shared>>
      tpu.wait_indirect_dma semaphore(%arg9 : memref<!tpu.dma_semaphore, #tpu.memory_space<semaphore_mem>>) src(%arg7 : memref<128x8xf32, #tpu.memory_space<vmem>>) dst(%dma_wait3A_231 : memref<10240x8xf32, #tpu.memory_space<vmem_shared>>)
      %dma_wait3A_232 = arith.constant 5 : i32
      %dma_wait3A_233 = arith.constant 0 : i32
      %dma_wait3A_234 = tpu.memref_slice %arg6[%dma_wait3A_232, %dma_wait3A_233] : memref<26x128xi32, #tpu.memory_space<vmem>> -> memref<1x128xi32, #tpu.memory_space<vmem>>
      %dma_wait3A_235 = tpu.memref_squeeze %dma_wait3A_234 : memref<1x128xi32, #tpu.memory_space<vmem>> -> memref<128xi32, #tpu.memory_space<vmem>>
      %dma_wait3A_236 = arith.constant 0 : i32
      %dma_wait3A_237 = arith.constant 0 : i32
      %dma_wait3A_238 = tpu.memref_slice %arg8[%dma_wait3A_236, %dma_wait3A_237] : memref<10240x8xf32, #tpu.memory_space<vmem_shared>> -> memref<10240x8xf32, #tpu.memory_space<vmem_shared>>
      tpu.wait_indirect_dma semaphore(%arg9 : memref<!tpu.dma_semaphore, #tpu.memory_space<semaphore_mem>>) src(%arg7 : memref<128x8xf32, #tpu.memory_space<vmem>>) dst(%dma_wait3A_238 : memref<10240x8xf32, #tpu.memory_space<vmem_shared>>)
      %dma_wait3A_239 = arith.constant 6 : i32
      %dma_wait3A_240 = arith.constant 0 : i32
      %dma_wait3A_241 = tpu.memref_slice %arg6[%dma_wait3A_239, %dma_wait3A_240] : memref<26x128xi32, #tpu.memory_space<vmem>> -> memref<1x128xi32, #tpu.memory_space<vmem>>
      %dma_wait3A_242 = tpu.memref_squeeze %dma_wait3A_241 : memref<1x128xi32, #tpu.memory_space<vmem>> -> memref<128xi32, #tpu.memory_space<vmem>>
      %dma_wait3A_243 = arith.constant 0 : i32
      %dma_wait3A_244 = arith.constant 0 : i32
      %dma_wait3A_245 = tpu.memref_slice %arg8[%dma_wait3A_243, %dma_wait3A_244] : memref<10240x8xf32, #tpu.memory_space<vmem_shared>> -> memref<10240x8xf32, #tpu.memory_space<vmem_shared>>
      tpu.wait_indirect_dma semaphore(%arg9 : memref<!tpu.dma_semaphore, #tpu.memory_space<semaphore_mem>>) src(%arg7 : memref<128x8xf32, #tpu.memory_space<vmem>>) dst(%dma_wait3A_245 : memref<10240x8xf32, #tpu.memory_space<vmem_shared>>)
      %dma_wait3A_246 = arith.constant 7 : i32
      %dma_wait3A_247 = arith.constant 0 : i32
      %dma_wait3A_248 = tpu.memref_slice %arg6[%dma_wait3A_246, %dma_wait3A_247] : memref<26x128xi32, #tpu.memory_space<vmem>> -> memref<1x128xi32, #tpu.memory_space<vmem>>
      %dma_wait3A_249 = tpu.memref_squeeze %dma_wait3A_248 : memref<1x128xi32, #tpu.memory_space<vmem>> -> memref<128xi32, #tpu.memory_space<vmem>>
      %dma_wait3A_250 = arith.constant 0 : i32
      %dma_wait3A_251 = arith.constant 0 : i32
      %dma_wait3A_252 = tpu.memref_slice %arg8[%dma_wait3A_250, %dma_wait3A_251] : memref<10240x8xf32, #tpu.memory_space<vmem_shared>> -> memref<10240x8xf32, #tpu.memory_space<vmem_shared>>
      tpu.wait_indirect_dma semaphore(%arg9 : memref<!tpu.dma_semaphore, #tpu.memory_space<semaphore_mem>>) src(%arg7 : memref<128x8xf32, #tpu.memory_space<vmem>>) dst(%dma_wait3A_252 : memref<10240x8xf32, #tpu.memory_space<vmem_shared>>)
      %dma_wait3A_253 = arith.constant 8 : i32
      %dma_wait3A_254 = arith.constant 0 : i32
      %dma_wait3A_255 = tpu.memref_slice %arg6[%dma_wait3A_253, %dma_wait3A_254] : memref<26x128xi32, #tpu.memory_space<vmem>> -> memref<1x128xi32, #tpu.memory_space<vmem>>
      %dma_wait3A_256 = tpu.memref_squeeze %dma_wait3A_255 : memref<1x128xi32, #tpu.memory_space<vmem>> -> memref<128xi32, #tpu.memory_space<vmem>>
      %dma_wait3A_257 = arith.constant 0 : i32
      %dma_wait3A_258 = arith.constant 0 : i32
      %dma_wait3A_259 = tpu.memref_slice %arg8[%dma_wait3A_257, %dma_wait3A_258] : memref<10240x8xf32, #tpu.memory_space<vmem_shared>> -> memref<10240x8xf32, #tpu.memory_space<vmem_shared>>
      tpu.wait_indirect_dma semaphore(%arg9 : memref<!tpu.dma_semaphore, #tpu.memory_space<semaphore_mem>>) src(%arg7 : memref<128x8xf32, #tpu.memory_space<vmem>>) dst(%dma_wait3A_259 : memref<10240x8xf32, #tpu.memory_space<vmem_shared>>)
      %dma_wait3A_260 = arith.constant 9 : i32
      %dma_wait3A_261 = arith.constant 0 : i32
      %dma_wait3A_262 = tpu.memref_slice %arg6[%dma_wait3A_260, %dma_wait3A_261] : memref<26x128xi32, #tpu.memory_space<vmem>> -> memref<1x128xi32, #tpu.memory_space<vmem>>
      %dma_wait3A_263 = tpu.memref_squeeze %dma_wait3A_262 : memref<1x128xi32, #tpu.memory_space<vmem>> -> memref<128xi32, #tpu.memory_space<vmem>>
      %dma_wait3A_264 = arith.constant 0 : i32
      %dma_wait3A_265 = arith.constant 0 : i32
      %dma_wait3A_266 = tpu.memref_slice %arg8[%dma_wait3A_264, %dma_wait3A_265] : memref<10240x8xf32, #tpu.memory_space<vmem_shared>> -> memref<10240x8xf32, #tpu.memory_space<vmem_shared>>
      tpu.wait_indirect_dma semaphore(%arg9 : memref<!tpu.dma_semaphore, #tpu.memory_space<semaphore_mem>>) src(%arg7 : memref<128x8xf32, #tpu.memory_space<vmem>>) dst(%dma_wait3A_266 : memref<10240x8xf32, #tpu.memory_space<vmem_shared>>)
      %dma_wait3A_267 = arith.constant 10 : i32
      %dma_wait3A_268 = arith.constant 0 : i32
      %dma_wait3A_269 = tpu.memref_slice %arg6[%dma_wait3A_267, %dma_wait3A_268] : memref<26x128xi32, #tpu.memory_space<vmem>> -> memref<1x128xi32, #tpu.memory_space<vmem>>
      %dma_wait3A_270 = tpu.memref_squeeze %dma_wait3A_269 : memref<1x128xi32, #tpu.memory_space<vmem>> -> memref<128xi32, #tpu.memory_space<vmem>>
      %dma_wait3A_271 = arith.constant 0 : i32
      %dma_wait3A_272 = arith.constant 0 : i32
      %dma_wait3A_273 = tpu.memref_slice %arg8[%dma_wait3A_271, %dma_wait3A_272] : memref<10240x8xf32, #tpu.memory_space<vmem_shared>> -> memref<10240x8xf32, #tpu.memory_space<vmem_shared>>
      tpu.wait_indirect_dma semaphore(%arg9 : memref<!tpu.dma_semaphore, #tpu.memory_space<semaphore_mem>>) src(%arg7 : memref<128x8xf32, #tpu.memory_space<vmem>>) dst(%dma_wait3A_273 : memref<10240x8xf32, #tpu.memory_space<vmem_shared>>)
      %dma_wait3A_274 = arith.constant 11 : i32
      %dma_wait3A_275 = arith.constant 0 : i32
      %dma_wait3A_276 = tpu.memref_slice %arg6[%dma_wait3A_274, %dma_wait3A_275] : memref<26x128xi32, #tpu.memory_space<vmem>> -> memref<1x128xi32, #tpu.memory_space<vmem>>
      %dma_wait3A_277 = tpu.memref_squeeze %dma_wait3A_276 : memref<1x128xi32, #tpu.memory_space<vmem>> -> memref<128xi32, #tpu.memory_space<vmem>>
      %dma_wait3A_278 = arith.constant 0 : i32
      %dma_wait3A_279 = arith.constant 0 : i32
      %dma_wait3A_280 = tpu.memref_slice %arg8[%dma_wait3A_278, %dma_wait3A_279] : memref<10240x8xf32, #tpu.memory_space<vmem_shared>> -> memref<10240x8xf32, #tpu.memory_space<vmem_shared>>
      tpu.wait_indirect_dma semaphore(%arg9 : memref<!tpu.dma_semaphore, #tpu.memory_space<semaphore_mem>>) src(%arg7 : memref<128x8xf32, #tpu.memory_space<vmem>>) dst(%dma_wait3A_280 : memref<10240x8xf32, #tpu.memory_space<vmem_shared>>)
      %dma_wait3A_281 = arith.constant 12 : i32
      %dma_wait3A_282 = arith.constant 0 : i32
      %dma_wait3A_283 = tpu.memref_slice %arg6[%dma_wait3A_281, %dma_wait3A_282] : memref<26x128xi32, #tpu.memory_space<vmem>> -> memref<1x128xi32, #tpu.memory_space<vmem>>
      %dma_wait3A_284 = tpu.memref_squeeze %dma_wait3A_283 : memref<1x128xi32, #tpu.memory_space<vmem>> -> memref<128xi32, #tpu.memory_space<vmem>>
      %dma_wait3A_285 = arith.constant 0 : i32
      %dma_wait3A_286 = arith.constant 0 : i32
      %dma_wait3A_287 = tpu.memref_slice %arg8[%dma_wait3A_285, %dma_wait3A_286] : memref<10240x8xf32, #tpu.memory_space<vmem_shared>> -> memref<10240x8xf32, #tpu.memory_space<vmem_shared>>
      tpu.wait_indirect_dma semaphore(%arg9 : memref<!tpu.dma_semaphore, #tpu.memory_space<semaphore_mem>>) src(%arg7 : memref<128x8xf32, #tpu.memory_space<vmem>>) dst(%dma_wait3A_287 : memref<10240x8xf32, #tpu.memory_space<vmem_shared>>)
      %dma_wait3A_288 = arith.constant 13 : i32
      %dma_wait3A_289 = arith.constant 0 : i32
      %dma_wait3A_290 = tpu.memref_slice %arg6[%dma_wait3A_288, %dma_wait3A_289] : memref<26x128xi32, #tpu.memory_space<vmem>> -> memref<1x128xi32, #tpu.memory_space<vmem>>
      %dma_wait3A_291 = tpu.memref_squeeze %dma_wait3A_290 : memref<1x128xi32, #tpu.memory_space<vmem>> -> memref<128xi32, #tpu.memory_space<vmem>>
      %dma_wait3A_292 = arith.constant 0 : i32
      %dma_wait3A_293 = arith.constant 0 : i32
      %dma_wait3A_294 = tpu.memref_slice %arg8[%dma_wait3A_292, %dma_wait3A_293] : memref<10240x8xf32, #tpu.memory_space<vmem_shared>> -> memref<10240x8xf32, #tpu.memory_space<vmem_shared>>
      tpu.wait_indirect_dma semaphore(%arg9 : memref<!tpu.dma_semaphore, #tpu.memory_space<semaphore_mem>>) src(%arg7 : memref<128x8xf32, #tpu.memory_space<vmem>>) dst(%dma_wait3A_294 : memref<10240x8xf32, #tpu.memory_space<vmem_shared>>)
      %dma_wait3A_295 = arith.constant 14 : i32
      %dma_wait3A_296 = arith.constant 0 : i32
      %dma_wait3A_297 = tpu.memref_slice %arg6[%dma_wait3A_295, %dma_wait3A_296] : memref<26x128xi32, #tpu.memory_space<vmem>> -> memref<1x128xi32, #tpu.memory_space<vmem>>
      %dma_wait3A_298 = tpu.memref_squeeze %dma_wait3A_297 : memref<1x128xi32, #tpu.memory_space<vmem>> -> memref<128xi32, #tpu.memory_space<vmem>>
      %dma_wait3A_299 = arith.constant 0 : i32
      %dma_wait3A_300 = arith.constant 0 : i32
      %dma_wait3A_301 = tpu.memref_slice %arg8[%dma_wait3A_299, %dma_wait3A_300] : memref<10240x8xf32, #tpu.memory_space<vmem_shared>> -> memref<10240x8xf32, #tpu.memory_space<vmem_shared>>
      tpu.wait_indirect_dma semaphore(%arg9 : memref<!tpu.dma_semaphore, #tpu.memory_space<semaphore_mem>>) src(%arg7 : memref<128x8xf32, #tpu.memory_space<vmem>>) dst(%dma_wait3A_301 : memref<10240x8xf32, #tpu.memory_space<vmem_shared>>)
      %dma_wait3A_302 = arith.constant 15 : i32
      %dma_wait3A_303 = arith.constant 0 : i32
      %dma_wait3A_304 = tpu.memref_slice %arg6[%dma_wait3A_302, %dma_wait3A_303] : memref<26x128xi32, #tpu.memory_space<vmem>> -> memref<1x128xi32, #tpu.memory_space<vmem>>
      %dma_wait3A_305 = tpu.memref_squeeze %dma_wait3A_304 : memref<1x128xi32, #tpu.memory_space<vmem>> -> memref<128xi32, #tpu.memory_space<vmem>>
      %dma_wait3A_306 = arith.constant 0 : i32
      %dma_wait3A_307 = arith.constant 0 : i32
      %dma_wait3A_308 = tpu.memref_slice %arg8[%dma_wait3A_306, %dma_wait3A_307] : memref<10240x8xf32, #tpu.memory_space<vmem_shared>> -> memref<10240x8xf32, #tpu.memory_space<vmem_shared>>
      tpu.wait_indirect_dma semaphore(%arg9 : memref<!tpu.dma_semaphore, #tpu.memory_space<semaphore_mem>>) src(%arg7 : memref<128x8xf32, #tpu.memory_space<vmem>>) dst(%dma_wait3A_308 : memref<10240x8xf32, #tpu.memory_space<vmem_shared>>)
      %dma_wait3A_309 = arith.constant 16 : i32
      %dma_wait3A_310 = arith.constant 0 : i32
      %dma_wait3A_311 = tpu.memref_slice %arg6[%dma_wait3A_309, %dma_wait3A_310] : memref<26x128xi32, #tpu.memory_space<vmem>> -> memref<1x128xi32, #tpu.memory_space<vmem>>
      %dma_wait3A_312 = tpu.memref_squeeze %dma_wait3A_311 : memref<1x128xi32, #tpu.memory_space<vmem>> -> memref<128xi32, #tpu.memory_space<vmem>>
      %dma_wait3A_313 = arith.constant 0 : i32
      %dma_wait3A_314 = arith.constant 0 : i32
      %dma_wait3A_315 = tpu.memref_slice %arg8[%dma_wait3A_313, %dma_wait3A_314] : memref<10240x8xf32, #tpu.memory_space<vmem_shared>> -> memref<10240x8xf32, #tpu.memory_space<vmem_shared>>
      tpu.wait_indirect_dma semaphore(%arg9 : memref<!tpu.dma_semaphore, #tpu.memory_space<semaphore_mem>>) src(%arg7 : memref<128x8xf32, #tpu.memory_space<vmem>>) dst(%dma_wait3A_315 : memref<10240x8xf32, #tpu.memory_space<vmem_shared>>)
      %dma_wait3A_316 = arith.constant 17 : i32
      %dma_wait3A_317 = arith.constant 0 : i32
      %dma_wait3A_318 = tpu.memref_slice %arg6[%dma_wait3A_316, %dma_wait3A_317] : memref<26x128xi32, #tpu.memory_space<vmem>> -> memref<1x128xi32, #tpu.memory_space<vmem>>
      %dma_wait3A_319 = tpu.memref_squeeze %dma_wait3A_318 : memref<1x128xi32, #tpu.memory_space<vmem>> -> memref<128xi32, #tpu.memory_space<vmem>>
      %dma_wait3A_320 = arith.constant 0 : i32
      %dma_wait3A_321 = arith.constant 0 : i32
      %dma_wait3A_322 = tpu.memref_slice %arg8[%dma_wait3A_320, %dma_wait3A_321] : memref<10240x8xf32, #tpu.memory_space<vmem_shared>> -> memref<10240x8xf32, #tpu.memory_space<vmem_shared>>
      tpu.wait_indirect_dma semaphore(%arg9 : memref<!tpu.dma_semaphore, #tpu.memory_space<semaphore_mem>>) src(%arg7 : memref<128x8xf32, #tpu.memory_space<vmem>>) dst(%dma_wait3A_322 : memref<10240x8xf32, #tpu.memory_space<vmem_shared>>)
      %dma_wait3A_323 = arith.constant 18 : i32
      %dma_wait3A_324 = arith.constant 0 : i32
      %dma_wait3A_325 = tpu.memref_slice %arg6[%dma_wait3A_323, %dma_wait3A_324] : memref<26x128xi32, #tpu.memory_space<vmem>> -> memref<1x128xi32, #tpu.memory_space<vmem>>
      %dma_wait3A_326 = tpu.memref_squeeze %dma_wait3A_325 : memref<1x128xi32, #tpu.memory_space<vmem>> -> memref<128xi32, #tpu.memory_space<vmem>>
      %dma_wait3A_327 = arith.constant 0 : i32
      %dma_wait3A_328 = arith.constant 0 : i32
      %dma_wait3A_329 = tpu.memref_slice %arg8[%dma_wait3A_327, %dma_wait3A_328] : memref<10240x8xf32, #tpu.memory_space<vmem_shared>> -> memref<10240x8xf32, #tpu.memory_space<vmem_shared>>
      tpu.wait_indirect_dma semaphore(%arg9 : memref<!tpu.dma_semaphore, #tpu.memory_space<semaphore_mem>>) src(%arg7 : memref<128x8xf32, #tpu.memory_space<vmem>>) dst(%dma_wait3A_329 : memref<10240x8xf32, #tpu.memory_space<vmem_shared>>)
      %dma_wait3A_330 = arith.constant 19 : i32
      %dma_wait3A_331 = arith.constant 0 : i32
      %dma_wait3A_332 = tpu.memref_slice %arg6[%dma_wait3A_330, %dma_wait3A_331] : memref<26x128xi32, #tpu.memory_space<vmem>> -> memref<1x128xi32, #tpu.memory_space<vmem>>
      %dma_wait3A_333 = tpu.memref_squeeze %dma_wait3A_332 : memref<1x128xi32, #tpu.memory_space<vmem>> -> memref<128xi32, #tpu.memory_space<vmem>>
      %dma_wait3A_334 = arith.constant 0 : i32
      %dma_wait3A_335 = arith.constant 0 : i32
      %dma_wait3A_336 = tpu.memref_slice %arg8[%dma_wait3A_334, %dma_wait3A_335] : memref<10240x8xf32, #tpu.memory_space<vmem_shared>> -> memref<10240x8xf32, #tpu.memory_space<vmem_shared>>
      tpu.wait_indirect_dma semaphore(%arg9 : memref<!tpu.dma_semaphore, #tpu.memory_space<semaphore_mem>>) src(%arg7 : memref<128x8xf32, #tpu.memory_space<vmem>>) dst(%dma_wait3A_336 : memref<10240x8xf32, #tpu.memory_space<vmem_shared>>)
      %dma_wait3A_337 = arith.constant 20 : i32
      %dma_wait3A_338 = arith.constant 0 : i32
      %dma_wait3A_339 = tpu.memref_slice %arg6[%dma_wait3A_337, %dma_wait3A_338] : memref<26x128xi32, #tpu.memory_space<vmem>> -> memref<1x128xi32, #tpu.memory_space<vmem>>
      %dma_wait3A_340 = tpu.memref_squeeze %dma_wait3A_339 : memref<1x128xi32, #tpu.memory_space<vmem>> -> memref<128xi32, #tpu.memory_space<vmem>>
      %dma_wait3A_341 = arith.constant 0 : i32
      %dma_wait3A_342 = arith.constant 0 : i32
      %dma_wait3A_343 = tpu.memref_slice %arg8[%dma_wait3A_341, %dma_wait3A_342] : memref<10240x8xf32, #tpu.memory_space<vmem_shared>> -> memref<10240x8xf32, #tpu.memory_space<vmem_shared>>
      tpu.wait_indirect_dma semaphore(%arg9 : memref<!tpu.dma_semaphore, #tpu.memory_space<semaphore_mem>>) src(%arg7 : memref<128x8xf32, #tpu.memory_space<vmem>>) dst(%dma_wait3A_343 : memref<10240x8xf32, #tpu.memory_space<vmem_shared>>)
      %dma_wait3A_344 = arith.constant 21 : i32
      %dma_wait3A_345 = arith.constant 0 : i32
      %dma_wait3A_346 = tpu.memref_slice %arg6[%dma_wait3A_344, %dma_wait3A_345] : memref<26x128xi32, #tpu.memory_space<vmem>> -> memref<1x128xi32, #tpu.memory_space<vmem>>
      %dma_wait3A_347 = tpu.memref_squeeze %dma_wait3A_346 : memref<1x128xi32, #tpu.memory_space<vmem>> -> memref<128xi32, #tpu.memory_space<vmem>>
      %dma_wait3A_348 = arith.constant 0 : i32
      %dma_wait3A_349 = arith.constant 0 : i32
      %dma_wait3A_350 = tpu.memref_slice %arg8[%dma_wait3A_348, %dma_wait3A_349] : memref<10240x8xf32, #tpu.memory_space<vmem_shared>> -> memref<10240x8xf32, #tpu.memory_space<vmem_shared>>
      tpu.wait_indirect_dma semaphore(%arg9 : memref<!tpu.dma_semaphore, #tpu.memory_space<semaphore_mem>>) src(%arg7 : memref<128x8xf32, #tpu.memory_space<vmem>>) dst(%dma_wait3A_350 : memref<10240x8xf32, #tpu.memory_space<vmem_shared>>)
      %dma_wait3A_351 = arith.constant 22 : i32
      %dma_wait3A_352 = arith.constant 0 : i32
      %dma_wait3A_353 = tpu.memref_slice %arg6[%dma_wait3A_351, %dma_wait3A_352] : memref<26x128xi32, #tpu.memory_space<vmem>> -> memref<1x128xi32, #tpu.memory_space<vmem>>
      %dma_wait3A_354 = tpu.memref_squeeze %dma_wait3A_353 : memref<1x128xi32, #tpu.memory_space<vmem>> -> memref<128xi32, #tpu.memory_space<vmem>>
      %dma_wait3A_355 = arith.constant 0 : i32
      %dma_wait3A_356 = arith.constant 0 : i32
      %dma_wait3A_357 = tpu.memref_slice %arg8[%dma_wait3A_355, %dma_wait3A_356] : memref<10240x8xf32, #tpu.memory_space<vmem_shared>> -> memref<10240x8xf32, #tpu.memory_space<vmem_shared>>
      tpu.wait_indirect_dma semaphore(%arg9 : memref<!tpu.dma_semaphore, #tpu.memory_space<semaphore_mem>>) src(%arg7 : memref<128x8xf32, #tpu.memory_space<vmem>>) dst(%dma_wait3A_357 : memref<10240x8xf32, #tpu.memory_space<vmem_shared>>)
      %dma_wait3A_358 = arith.constant 23 : i32
      %dma_wait3A_359 = arith.constant 0 : i32
      %dma_wait3A_360 = tpu.memref_slice %arg6[%dma_wait3A_358, %dma_wait3A_359] : memref<26x128xi32, #tpu.memory_space<vmem>> -> memref<1x128xi32, #tpu.memory_space<vmem>>
      %dma_wait3A_361 = tpu.memref_squeeze %dma_wait3A_360 : memref<1x128xi32, #tpu.memory_space<vmem>> -> memref<128xi32, #tpu.memory_space<vmem>>
      %dma_wait3A_362 = arith.constant 0 : i32
      %dma_wait3A_363 = arith.constant 0 : i32
      %dma_wait3A_364 = tpu.memref_slice %arg8[%dma_wait3A_362, %dma_wait3A_363] : memref<10240x8xf32, #tpu.memory_space<vmem_shared>> -> memref<10240x8xf32, #tpu.memory_space<vmem_shared>>
      tpu.wait_indirect_dma semaphore(%arg9 : memref<!tpu.dma_semaphore, #tpu.memory_space<semaphore_mem>>) src(%arg7 : memref<128x8xf32, #tpu.memory_space<vmem>>) dst(%dma_wait3A_364 : memref<10240x8xf32, #tpu.memory_space<vmem_shared>>)
      %dma_wait3A_365 = arith.constant 24 : i32
      %dma_wait3A_366 = arith.constant 0 : i32
      %dma_wait3A_367 = tpu.memref_slice %arg6[%dma_wait3A_365, %dma_wait3A_366] : memref<26x128xi32, #tpu.memory_space<vmem>> -> memref<1x128xi32, #tpu.memory_space<vmem>>
      %dma_wait3A_368 = tpu.memref_squeeze %dma_wait3A_367 : memref<1x128xi32, #tpu.memory_space<vmem>> -> memref<128xi32, #tpu.memory_space<vmem>>
      %dma_wait3A_369 = arith.constant 0 : i32
      %dma_wait3A_370 = arith.constant 0 : i32
      %dma_wait3A_371 = tpu.memref_slice %arg8[%dma_wait3A_369, %dma_wait3A_370] : memref<10240x8xf32, #tpu.memory_space<vmem_shared>> -> memref<10240x8xf32, #tpu.memory_space<vmem_shared>>
      tpu.wait_indirect_dma semaphore(%arg9 : memref<!tpu.dma_semaphore, #tpu.memory_space<semaphore_mem>>) src(%arg7 : memref<128x8xf32, #tpu.memory_space<vmem>>) dst(%dma_wait3A_371 : memref<10240x8xf32, #tpu.memory_space<vmem_shared>>)
      %dma_wait3A_372 = arith.constant 25 : i32
      %dma_wait3A_373 = arith.constant 0 : i32
      %dma_wait3A_374 = tpu.memref_slice %arg6[%dma_wait3A_372, %dma_wait3A_373] : memref<26x128xi32, #tpu.memory_space<vmem>> -> memref<1x128xi32, #tpu.memory_space<vmem>>
      %dma_wait3A_375 = tpu.memref_squeeze %dma_wait3A_374 : memref<1x128xi32, #tpu.memory_space<vmem>> -> memref<128xi32, #tpu.memory_space<vmem>>
      %dma_wait3A_376 = arith.constant 0 : i32
      %dma_wait3A_377 = arith.constant 0 : i32
      %dma_wait3A_378 = tpu.memref_slice %arg8[%dma_wait3A_376, %dma_wait3A_377] : memref<10240x8xf32, #tpu.memory_space<vmem_shared>> -> memref<10240x8xf32, #tpu.memory_space<vmem_shared>>
      tpu.wait_indirect_dma semaphore(%arg9 : memref<!tpu.dma_semaphore, #tpu.memory_space<semaphore_mem>>) src(%arg7 : memref<128x8xf32, #tpu.memory_space<vmem>>) dst(%dma_wait3A_378 : memref<10240x8xf32, #tpu.memory_space<vmem_shared>>)
    }
    %scan3A_9 = arith.constant 3 : i32
    %lt3A = arith.constant 4 : i32
    %lt3A_10 = arith.cmpi slt, %add3A, %lt3A : i32
    %convert_element_type3A = arith.extui %lt3A_10 : i1 to i32
    %cond3A = arith.constant 0 : i32
    %cond3A_11 = arith.cmpi ne, %convert_element_type3A, %cond3A : i32
    scf.if %cond3A_11 {
      %add3A_13 = arith.constant 2496 : i32
      %add3A_14 = arith.addi %add3A_13, %add3A : i32
      "tpu.region"() ({
        %run_scoped3A = tpu.sem_alloc : memref<!tpu.dma_semaphore, #tpu.memory_space<semaphore_mem>>
        %dma_start3A_27 = arith.constant 0 : i32
        %dma_start3A_28 = arith.constant 0 : i32
        %dma_start3A_29 = tpu.memref_slice %arg6[%dma_start3A_27, %dma_start3A_28] : memref<26x128xi32, #tpu.memory_space<vmem>> -> memref<1x128xi32, #tpu.memory_space<vmem>>
        %dma_start3A_30 = arith.constant 0 : i32
        %dma_start3A_31 = tpu.memref_slice %arg2[%add3A_14, %dma_start3A_30] : memref<2500x128xi32, #tpu.memory_space<hbm>> -> memref<1x128xi32, #tpu.memory_space<hbm>>
        %dma_start3A_32 = arith.constant 0 : i32
        %dma_start3A_33 = arith.constant 0 : i32
        %dma_start3A_34 = tpu.memref_slice %arg6[%dma_start3A_32, %dma_start3A_33] : memref<26x128xi32, #tpu.memory_space<vmem>> -> memref<1x128xi32, #tpu.memory_space<vmem>>
        %dma_start3A_35 = arith.constant 0 : i32
        %dma_start3A_36 = tpu.memref_slice %arg2[%add3A_14, %dma_start3A_35] : memref<2500x128xi32, #tpu.memory_space<hbm>> -> memref<1x128xi32, #tpu.memory_space<hbm>>
        tpu.enqueue_dma source(%dma_start3A_36 : memref<1x128xi32, #tpu.memory_space<hbm>>) target(%dma_start3A_34 : memref<1x128xi32, #tpu.memory_space<vmem>>) target_semaphore(%run_scoped3A : memref<!tpu.dma_semaphore, #tpu.memory_space<semaphore_mem>>)
        %dma_wait3A_37 = arith.constant 0 : i32
        %dma_wait3A_38 = arith.constant 0 : i32
        %dma_wait3A_39 = tpu.memref_slice %arg6[%dma_wait3A_37, %dma_wait3A_38] : memref<26x128xi32, #tpu.memory_space<vmem>> -> memref<1x128xi32, #tpu.memory_space<vmem>>
        %dma_wait3A_40 = arith.constant 0 : i32
        %dma_wait3A_41 = tpu.memref_slice %arg2[%add3A_14, %dma_wait3A_40] : memref<2500x128xi32, #tpu.memory_space<hbm>> -> memref<1x128xi32, #tpu.memory_space<hbm>>
        %dma_wait3A_42 = arith.constant 0 : i32
        %dma_wait3A_43 = arith.constant 0 : i32
        %dma_wait3A_44 = tpu.memref_slice %arg6[%dma_wait3A_42, %dma_wait3A_43] : memref<26x128xi32, #tpu.memory_space<vmem>> -> memref<1x128xi32, #tpu.memory_space<vmem>>
        %dma_wait3A_45 = arith.constant 0 : i32
        %dma_wait3A_46 = tpu.memref_slice %arg2[%add3A_14, %dma_wait3A_45] : memref<2500x128xi32, #tpu.memory_space<hbm>> -> memref<1x128xi32, #tpu.memory_space<hbm>>
        tpu.wait_dma2 semaphore(%run_scoped3A : memref<!tpu.dma_semaphore, #tpu.memory_space<semaphore_mem>>) src(%dma_wait3A_46 : memref<1x128xi32, #tpu.memory_space<hbm>>) dst(%dma_wait3A_44 : memref<1x128xi32, #tpu.memory_space<vmem>>)
        tpu.yield
      }) : () -> ()
      %dma_start3A = arith.constant 0 : i32
      %dma_start3A_15 = arith.constant 0 : i32
      %dma_start3A_16 = tpu.memref_slice %arg6[%dma_start3A, %dma_start3A_15] : memref<26x128xi32, #tpu.memory_space<vmem>> -> memref<1x128xi32, #tpu.memory_space<vmem>>
      %dma_start3A_17 = tpu.memref_squeeze %dma_start3A_16 : memref<1x128xi32, #tpu.memory_space<vmem>> -> memref<128xi32, #tpu.memory_space<vmem>>
      %dma_start3A_18 = arith.constant 0 : i32
      %dma_start3A_19 = arith.constant 0 : i32
      %dma_start3A_20 = tpu.memref_slice %arg8[%dma_start3A_18, %dma_start3A_19] : memref<10240x8xf32, #tpu.memory_space<vmem_shared>> -> memref<10240x8xf32, #tpu.memory_space<vmem_shared>>
      tpu.enqueue_indirect_dma source(%arg7 : memref<128x8xf32, #tpu.memory_space<vmem>>) target(%dma_start3A_20 : memref<10240x8xf32, #tpu.memory_space<vmem_shared>>) offsets(%dma_start3A_17 : memref<128xi32, #tpu.memory_space<vmem>>) semaphore(%arg9 : memref<!tpu.dma_semaphore, #tpu.memory_space<semaphore_mem>>) {add = true}
      %dma_wait3A = arith.constant 0 : i32
      %dma_wait3A_21 = arith.constant 0 : i32
      %dma_wait3A_22 = tpu.memref_slice %arg6[%dma_wait3A, %dma_wait3A_21] : memref<26x128xi32, #tpu.memory_space<vmem>> -> memref<1x128xi32, #tpu.memory_space<vmem>>
      %dma_wait3A_23 = tpu.memref_squeeze %dma_wait3A_22 : memref<1x128xi32, #tpu.memory_space<vmem>> -> memref<128xi32, #tpu.memory_space<vmem>>
      %dma_wait3A_24 = arith.constant 0 : i32
      %dma_wait3A_25 = arith.constant 0 : i32
      %dma_wait3A_26 = tpu.memref_slice %arg8[%dma_wait3A_24, %dma_wait3A_25] : memref<10240x8xf32, #tpu.memory_space<vmem_shared>> -> memref<10240x8xf32, #tpu.memory_space<vmem_shared>>
      tpu.wait_indirect_dma semaphore(%arg9 : memref<!tpu.dma_semaphore, #tpu.memory_space<semaphore_mem>>) src(%arg7 : memref<128x8xf32, #tpu.memory_space<vmem>>) dst(%dma_wait3A_26 : memref<10240x8xf32, #tpu.memory_space<vmem_shared>>)
    } else {
    }
    %barrier3A_12 = arith.constant 0 : index
    tpu.barrier barrier_id(%barrier3A_12)
    "tpu.region"() ({
      %run_scoped3A = tpu.sem_alloc : memref<!tpu.dma_semaphore, #tpu.memory_space<semaphore_mem>>
      %dma_start3A = arith.constant 0 : i32
      %dma_start3A_13 = tpu.memref_slice %arg5[%arg0, %mul3A_2, %dma_start3A] : memref<2x10240x8xf32, #tpu.memory_space<hbm>> -> memref<1x640x8xf32, #tpu.memory_space<hbm>>
      %dma_start3A_14 = tpu.memref_squeeze %dma_start3A_13 : memref<1x640x8xf32, #tpu.memory_space<hbm>> -> memref<640x8xf32, #tpu.memory_space<hbm>>
      %dma_start3A_15 = arith.constant 0 : i32
      %dma_start3A_16 = tpu.memref_slice %arg8[%mul3A_2, %dma_start3A_15] : memref<10240x8xf32, #tpu.memory_space<vmem_shared>> -> memref<640x8xf32, #tpu.memory_space<vmem_shared>>
      tpu.enqueue_dma source(%dma_start3A_16 : memref<640x8xf32, #tpu.memory_space<vmem_shared>>) target(%dma_start3A_14 : memref<640x8xf32, #tpu.memory_space<hbm>>) target_semaphore(%run_scoped3A : memref<!tpu.dma_semaphore, #tpu.memory_space<semaphore_mem>>)
      %dma_wait3A = arith.constant 0 : i32
      %dma_wait3A_17 = tpu.memref_slice %arg5[%arg0, %mul3A_2, %dma_wait3A] : memref<2x10240x8xf32, #tpu.memory_space<hbm>> -> memref<1x640x8xf32, #tpu.memory_space<hbm>>
      %dma_wait3A_18 = tpu.memref_squeeze %dma_wait3A_17 : memref<1x640x8xf32, #tpu.memory_space<hbm>> -> memref<640x8xf32, #tpu.memory_space<hbm>>
      %dma_wait3A_19 = arith.constant 0 : i32
      %dma_wait3A_20 = tpu.memref_slice %arg8[%mul3A_2, %dma_wait3A_19] : memref<10240x8xf32, #tpu.memory_space<vmem_shared>> -> memref<640x8xf32, #tpu.memory_space<vmem_shared>>
      tpu.wait_dma2 semaphore(%run_scoped3A : memref<!tpu.dma_semaphore, #tpu.memory_space<semaphore_mem>>) src(%dma_wait3A_20 : memref<640x8xf32, #tpu.memory_space<vmem_shared>>) dst(%dma_wait3A_18 : memref<640x8xf32, #tpu.memory_space<hbm>>)
      tpu.yield
    }) : () -> ()
    return
  }
}

#map = affine_map<(d0, d1) -> (0, 0)>
#map1 = affine_map<(d0, d1) -> (0, 0, 0)>
module attributes {stable_mosaic.version = 14 : i64} {
  func.func @_edge_pass(%arg0: i32, %arg1: i32, %arg2: memref<10240x8xf32, #tpu.memory_space<hbm>>, %arg3: memref<2500x128xi32, #tpu.memory_space<hbm>>, %arg4: memref<2500x128xi32, #tpu.memory_space<hbm>>, %arg5: memref<640x8xf32, #tpu.memory_space<hbm>>, %arg6: memref<2x10240x8xf32, #tpu.memory_space<hbm>>, %arg7: memref<13x128xi32, #tpu.memory_space<vmem>>, %arg8: memref<13x128xi32, #tpu.memory_space<vmem>>, %arg9: memref<13x128x8xf32, #tpu.memory_space<vmem>>, %arg10: memref<10240x8xf32, #tpu.memory_space<vmem_shared>>, %arg11: memref<10240x8xf32, #tpu.memory_space<vmem_shared>>, %arg12: memref<!tpu.dma_semaphore, #tpu.memory_space<semaphore_mem>>, %arg13: memref<!tpu.dma_semaphore, #tpu.memory_space<semaphore_mem>>) attributes {dimension_semantics = [#tpu.dimension_semantics<core_parallel>, #tpu.dimension_semantics<subcore_parallel>], iteration_bounds = array<i64: 2, 16>, scalar_prefetch = 0 : i64, scratch_operands = 7 : i64, tpu.core_type = #tpu.core_type<sc_vector_subcore>, window_params = [{transform_indices = #map}, {transform_indices = #map}, {transform_indices = #map}, {transform_indices = #map}, {transform_indices = #map1}]} {
    %mul3A = arith.constant 16 : i32
    %mul3A_0 = arith.muli %arg0, %mul3A : i32
    %add3A = arith.addi %mul3A_0, %arg1 : i32
    %mul3A_1 = arith.constant 640 : i32
    %mul3A_2 = arith.muli %arg1, %mul3A_1 : i32
    %mul3A_3 = arith.constant 78 : i32
    %mul3A_4 = arith.muli %add3A, %mul3A_3 : i32
    "tpu.region"() ({
      %run_scoped3A = tpu.sem_alloc : memref<!tpu.dma_semaphore, #tpu.memory_space<semaphore_mem>>
      %dma_start3A = arith.constant 0 : i32
      %dma_start3A_13 = tpu.memref_slice %arg10[%mul3A_2, %dma_start3A] : memref<10240x8xf32, #tpu.memory_space<vmem_shared>> -> memref<640x8xf32, #tpu.memory_space<vmem_shared>>
      %dma_start3A_14 = arith.constant 0 : i32
      %dma_start3A_15 = tpu.memref_slice %arg2[%mul3A_2, %dma_start3A_14] : memref<10240x8xf32, #tpu.memory_space<hbm>> -> memref<640x8xf32, #tpu.memory_space<hbm>>
      tpu.enqueue_dma source(%dma_start3A_15 : memref<640x8xf32, #tpu.memory_space<hbm>>) target(%dma_start3A_13 : memref<640x8xf32, #tpu.memory_space<vmem_shared>>) target_semaphore(%run_scoped3A : memref<!tpu.dma_semaphore, #tpu.memory_space<semaphore_mem>>)
      %dma_wait3A = arith.constant 0 : i32
      %dma_wait3A_16 = tpu.memref_slice %arg10[%mul3A_2, %dma_wait3A] : memref<10240x8xf32, #tpu.memory_space<vmem_shared>> -> memref<640x8xf32, #tpu.memory_space<vmem_shared>>
      %dma_wait3A_17 = arith.constant 0 : i32
      %dma_wait3A_18 = tpu.memref_slice %arg2[%mul3A_2, %dma_wait3A_17] : memref<10240x8xf32, #tpu.memory_space<hbm>> -> memref<640x8xf32, #tpu.memory_space<hbm>>
      tpu.wait_dma2 semaphore(%run_scoped3A : memref<!tpu.dma_semaphore, #tpu.memory_space<semaphore_mem>>) src(%dma_wait3A_18 : memref<640x8xf32, #tpu.memory_space<hbm>>) dst(%dma_wait3A_16 : memref<640x8xf32, #tpu.memory_space<vmem_shared>>)
      tpu.yield
    }) : () -> ()
    "tpu.region"() ({
      %run_scoped3A = tpu.sem_alloc : memref<!tpu.dma_semaphore, #tpu.memory_space<semaphore_mem>>
      %dma_start3A = arith.constant 0 : i32
      %dma_start3A_13 = tpu.memref_slice %arg11[%mul3A_2, %dma_start3A] : memref<10240x8xf32, #tpu.memory_space<vmem_shared>> -> memref<640x8xf32, #tpu.memory_space<vmem_shared>>
      tpu.enqueue_dma source(%arg5 : memref<640x8xf32, #tpu.memory_space<hbm>>) target(%dma_start3A_13 : memref<640x8xf32, #tpu.memory_space<vmem_shared>>) target_semaphore(%run_scoped3A : memref<!tpu.dma_semaphore, #tpu.memory_space<semaphore_mem>>)
      %dma_wait3A = arith.constant 0 : i32
      %dma_wait3A_14 = tpu.memref_slice %arg11[%mul3A_2, %dma_wait3A] : memref<10240x8xf32, #tpu.memory_space<vmem_shared>> -> memref<640x8xf32, #tpu.memory_space<vmem_shared>>
      tpu.wait_dma2 semaphore(%run_scoped3A : memref<!tpu.dma_semaphore, #tpu.memory_space<semaphore_mem>>) src(%arg5 : memref<640x8xf32, #tpu.memory_space<hbm>>) dst(%dma_wait3A_14 : memref<640x8xf32, #tpu.memory_space<vmem_shared>>)
      tpu.yield
    }) : () -> ()
    %barrier3A = arith.constant 0 : index
    tpu.barrier barrier_id(%barrier3A)
    %scan3A = arith.constant 0 : i32
    %scan3A_5 = arith.constant 0 : i32
    %scan3A_6 = arith.constant 6 : i32
    %scan3A_7 = arith.addi %scan3A_5, %scan3A_6 : i32
    %scan3A_8 = arith.constant 1 : i32
    scf.for %scan3A_13 = %scan3A_5 to %scan3A_7 step %scan3A_8  : i32 {
      %mul3A_14 = arith.constant 13 : i32
      %mul3A_15 = arith.muli %scan3A_13, %mul3A_14 : i32
      %add3A_16 = arith.addi %mul3A_4, %mul3A_15 : i32
      "tpu.region"() ({
        %run_scoped3A = tpu.sem_alloc : memref<!tpu.dma_semaphore, #tpu.memory_space<semaphore_mem>>
        %dma_start3A_642 = arith.constant 0 : i32
        %dma_start3A_643 = tpu.memref_slice %arg3[%add3A_16, %dma_start3A_642] : memref<2500x128xi32, #tpu.memory_space<hbm>> -> memref<13x128xi32, #tpu.memory_space<hbm>>
        %dma_start3A_644 = arith.constant 0 : i32
        %dma_start3A_645 = tpu.memref_slice %arg3[%add3A_16, %dma_start3A_644] : memref<2500x128xi32, #tpu.memory_space<hbm>> -> memref<13x128xi32, #tpu.memory_space<hbm>>
        tpu.enqueue_dma source(%dma_start3A_645 : memref<13x128xi32, #tpu.memory_space<hbm>>) target(%arg7 : memref<13x128xi32, #tpu.memory_space<vmem>>) target_semaphore(%run_scoped3A : memref<!tpu.dma_semaphore, #tpu.memory_space<semaphore_mem>>)
        %dma_wait3A_646 = arith.constant 0 : i32
        %dma_wait3A_647 = tpu.memref_slice %arg3[%add3A_16, %dma_wait3A_646] : memref<2500x128xi32, #tpu.memory_space<hbm>> -> memref<13x128xi32, #tpu.memory_space<hbm>>
        %dma_wait3A_648 = arith.constant 0 : i32
        %dma_wait3A_649 = tpu.memref_slice %arg3[%add3A_16, %dma_wait3A_648] : memref<2500x128xi32, #tpu.memory_space<hbm>> -> memref<13x128xi32, #tpu.memory_space<hbm>>
        tpu.wait_dma2 semaphore(%run_scoped3A : memref<!tpu.dma_semaphore, #tpu.memory_space<semaphore_mem>>) src(%dma_wait3A_649 : memref<13x128xi32, #tpu.memory_space<hbm>>) dst(%arg7 : memref<13x128xi32, #tpu.memory_space<vmem>>)
        tpu.yield
      }) : () -> ()
      %mul3A_17 = arith.constant 13 : i32
      %mul3A_18 = arith.muli %scan3A_13, %mul3A_17 : i32
      %add3A_19 = arith.addi %mul3A_4, %mul3A_18 : i32
      "tpu.region"() ({
        %run_scoped3A = tpu.sem_alloc : memref<!tpu.dma_semaphore, #tpu.memory_space<semaphore_mem>>
        %dma_start3A_642 = arith.constant 0 : i32
        %dma_start3A_643 = tpu.memref_slice %arg4[%add3A_19, %dma_start3A_642] : memref<2500x128xi32, #tpu.memory_space<hbm>> -> memref<13x128xi32, #tpu.memory_space<hbm>>
        %dma_start3A_644 = arith.constant 0 : i32
        %dma_start3A_645 = tpu.memref_slice %arg4[%add3A_19, %dma_start3A_644] : memref<2500x128xi32, #tpu.memory_space<hbm>> -> memref<13x128xi32, #tpu.memory_space<hbm>>
        tpu.enqueue_dma source(%dma_start3A_645 : memref<13x128xi32, #tpu.memory_space<hbm>>) target(%arg8 : memref<13x128xi32, #tpu.memory_space<vmem>>) target_semaphore(%run_scoped3A : memref<!tpu.dma_semaphore, #tpu.memory_space<semaphore_mem>>)
        %dma_wait3A_646 = arith.constant 0 : i32
        %dma_wait3A_647 = tpu.memref_slice %arg4[%add3A_19, %dma_wait3A_646] : memref<2500x128xi32, #tpu.memory_space<hbm>> -> memref<13x128xi32, #tpu.memory_space<hbm>>
        %dma_wait3A_648 = arith.constant 0 : i32
        %dma_wait3A_649 = tpu.memref_slice %arg4[%add3A_19, %dma_wait3A_648] : memref<2500x128xi32, #tpu.memory_space<hbm>> -> memref<13x128xi32, #tpu.memory_space<hbm>>
        tpu.wait_dma2 semaphore(%run_scoped3A : memref<!tpu.dma_semaphore, #tpu.memory_space<semaphore_mem>>) src(%dma_wait3A_649 : memref<13x128xi32, #tpu.memory_space<hbm>>) dst(%arg8 : memref<13x128xi32, #tpu.memory_space<vmem>>)
        tpu.yield
      }) : () -> ()
      %dma_start3A = arith.constant 0 : i32
      %dma_start3A_20 = arith.constant 0 : i32
      %dma_start3A_21 = arith.constant 0 : i32
      %dma_start3A_22 = arith.constant 0 : i32
      %dma_start3A_23 = tpu.memref_slice %arg9[%dma_start3A_20, %dma_start3A_21, %dma_start3A_22] : memref<13x128x8xf32, #tpu.memory_space<vmem>> -> memref<1x128x8xf32, #tpu.memory_space<vmem>>
      %dma_start3A_24 = tpu.memref_squeeze %dma_start3A_23 : memref<1x128x8xf32, #tpu.memory_space<vmem>> -> memref<128x8xf32, #tpu.memory_space<vmem>>
      %dma_start3A_25 = arith.constant 0 : i32
      %dma_start3A_26 = tpu.memref_slice %arg7[%dma_start3A, %dma_start3A_25] : memref<13x128xi32, #tpu.memory_space<vmem>> -> memref<1x128xi32, #tpu.memory_space<vmem>>
      %dma_start3A_27 = tpu.memref_squeeze %dma_start3A_26 : memref<1x128xi32, #tpu.memory_space<vmem>> -> memref<128xi32, #tpu.memory_space<vmem>>
      %dma_start3A_28 = arith.constant 0 : i32
      %dma_start3A_29 = arith.constant 0 : i32
      %dma_start3A_30 = tpu.memref_slice %arg10[%dma_start3A_28, %dma_start3A_29] : memref<10240x8xf32, #tpu.memory_space<vmem_shared>> -> memref<10240x8xf32, #tpu.memory_space<vmem_shared>>
      tpu.enqueue_indirect_dma source(%dma_start3A_30 : memref<10240x8xf32, #tpu.memory_space<vmem_shared>>) target(%dma_start3A_24 : memref<128x8xf32, #tpu.memory_space<vmem>>) offsets(%dma_start3A_27 : memref<128xi32, #tpu.memory_space<vmem>>) semaphore(%arg12 : memref<!tpu.dma_semaphore, #tpu.memory_space<semaphore_mem>>)
      %dma_start3A_31 = arith.constant 1 : i32
      %dma_start3A_32 = arith.constant 1 : i32
      %dma_start3A_33 = arith.constant 0 : i32
      %dma_start3A_34 = arith.constant 0 : i32
      %dma_start3A_35 = tpu.memref_slice %arg9[%dma_start3A_32, %dma_start3A_33, %dma_start3A_34] : memref<13x128x8xf32, #tpu.memory_space<vmem>> -> memref<1x128x8xf32, #tpu.memory_space<vmem>>
      %dma_start3A_36 = tpu.memref_squeeze %dma_start3A_35 : memref<1x128x8xf32, #tpu.memory_space<vmem>> -> memref<128x8xf32, #tpu.memory_space<vmem>>
      %dma_start3A_37 = arith.constant 0 : i32
      %dma_start3A_38 = tpu.memref_slice %arg7[%dma_start3A_31, %dma_start3A_37] : memref<13x128xi32, #tpu.memory_space<vmem>> -> memref<1x128xi32, #tpu.memory_space<vmem>>
      %dma_start3A_39 = tpu.memref_squeeze %dma_start3A_38 : memref<1x128xi32, #tpu.memory_space<vmem>> -> memref<128xi32, #tpu.memory_space<vmem>>
      %dma_start3A_40 = arith.constant 0 : i32
      %dma_start3A_41 = arith.constant 0 : i32
      %dma_start3A_42 = tpu.memref_slice %arg10[%dma_start3A_40, %dma_start3A_41] : memref<10240x8xf32, #tpu.memory_space<vmem_shared>> -> memref<10240x8xf32, #tpu.memory_space<vmem_shared>>
      tpu.enqueue_indirect_dma source(%dma_start3A_42 : memref<10240x8xf32, #tpu.memory_space<vmem_shared>>) target(%dma_start3A_36 : memref<128x8xf32, #tpu.memory_space<vmem>>) offsets(%dma_start3A_39 : memref<128xi32, #tpu.memory_space<vmem>>) semaphore(%arg12 : memref<!tpu.dma_semaphore, #tpu.memory_space<semaphore_mem>>)
      %dma_start3A_43 = arith.constant 2 : i32
      %dma_start3A_44 = arith.constant 2 : i32
      %dma_start3A_45 = arith.constant 0 : i32
      %dma_start3A_46 = arith.constant 0 : i32
      %dma_start3A_47 = tpu.memref_slice %arg9[%dma_start3A_44, %dma_start3A_45, %dma_start3A_46] : memref<13x128x8xf32, #tpu.memory_space<vmem>> -> memref<1x128x8xf32, #tpu.memory_space<vmem>>
      %dma_start3A_48 = tpu.memref_squeeze %dma_start3A_47 : memref<1x128x8xf32, #tpu.memory_space<vmem>> -> memref<128x8xf32, #tpu.memory_space<vmem>>
      %dma_start3A_49 = arith.constant 0 : i32
      %dma_start3A_50 = tpu.memref_slice %arg7[%dma_start3A_43, %dma_start3A_49] : memref<13x128xi32, #tpu.memory_space<vmem>> -> memref<1x128xi32, #tpu.memory_space<vmem>>
      %dma_start3A_51 = tpu.memref_squeeze %dma_start3A_50 : memref<1x128xi32, #tpu.memory_space<vmem>> -> memref<128xi32, #tpu.memory_space<vmem>>
      %dma_start3A_52 = arith.constant 0 : i32
      %dma_start3A_53 = arith.constant 0 : i32
      %dma_start3A_54 = tpu.memref_slice %arg10[%dma_start3A_52, %dma_start3A_53] : memref<10240x8xf32, #tpu.memory_space<vmem_shared>> -> memref<10240x8xf32, #tpu.memory_space<vmem_shared>>
      tpu.enqueue_indirect_dma source(%dma_start3A_54 : memref<10240x8xf32, #tpu.memory_space<vmem_shared>>) target(%dma_start3A_48 : memref<128x8xf32, #tpu.memory_space<vmem>>) offsets(%dma_start3A_51 : memref<128xi32, #tpu.memory_space<vmem>>) semaphore(%arg12 : memref<!tpu.dma_semaphore, #tpu.memory_space<semaphore_mem>>)
      %dma_start3A_55 = arith.constant 3 : i32
      %dma_start3A_56 = arith.constant 3 : i32
      %dma_start3A_57 = arith.constant 0 : i32
      %dma_start3A_58 = arith.constant 0 : i32
      %dma_start3A_59 = tpu.memref_slice %arg9[%dma_start3A_56, %dma_start3A_57, %dma_start3A_58] : memref<13x128x8xf32, #tpu.memory_space<vmem>> -> memref<1x128x8xf32, #tpu.memory_space<vmem>>
      %dma_start3A_60 = tpu.memref_squeeze %dma_start3A_59 : memref<1x128x8xf32, #tpu.memory_space<vmem>> -> memref<128x8xf32, #tpu.memory_space<vmem>>
      %dma_start3A_61 = arith.constant 0 : i32
      %dma_start3A_62 = tpu.memref_slice %arg7[%dma_start3A_55, %dma_start3A_61] : memref<13x128xi32, #tpu.memory_space<vmem>> -> memref<1x128xi32, #tpu.memory_space<vmem>>
      %dma_start3A_63 = tpu.memref_squeeze %dma_start3A_62 : memref<1x128xi32, #tpu.memory_space<vmem>> -> memref<128xi32, #tpu.memory_space<vmem>>
      %dma_start3A_64 = arith.constant 0 : i32
      %dma_start3A_65 = arith.constant 0 : i32
      %dma_start3A_66 = tpu.memref_slice %arg10[%dma_start3A_64, %dma_start3A_65] : memref<10240x8xf32, #tpu.memory_space<vmem_shared>> -> memref<10240x8xf32, #tpu.memory_space<vmem_shared>>
      tpu.enqueue_indirect_dma source(%dma_start3A_66 : memref<10240x8xf32, #tpu.memory_space<vmem_shared>>) target(%dma_start3A_60 : memref<128x8xf32, #tpu.memory_space<vmem>>) offsets(%dma_start3A_63 : memref<128xi32, #tpu.memory_space<vmem>>) semaphore(%arg12 : memref<!tpu.dma_semaphore, #tpu.memory_space<semaphore_mem>>)
      %dma_start3A_67 = arith.constant 4 : i32
      %dma_start3A_68 = arith.constant 4 : i32
      %dma_start3A_69 = arith.constant 0 : i32
      %dma_start3A_70 = arith.constant 0 : i32
      %dma_start3A_71 = tpu.memref_slice %arg9[%dma_start3A_68, %dma_start3A_69, %dma_start3A_70] : memref<13x128x8xf32, #tpu.memory_space<vmem>> -> memref<1x128x8xf32, #tpu.memory_space<vmem>>
      %dma_start3A_72 = tpu.memref_squeeze %dma_start3A_71 : memref<1x128x8xf32, #tpu.memory_space<vmem>> -> memref<128x8xf32, #tpu.memory_space<vmem>>
      %dma_start3A_73 = arith.constant 0 : i32
      %dma_start3A_74 = tpu.memref_slice %arg7[%dma_start3A_67, %dma_start3A_73] : memref<13x128xi32, #tpu.memory_space<vmem>> -> memref<1x128xi32, #tpu.memory_space<vmem>>
      %dma_start3A_75 = tpu.memref_squeeze %dma_start3A_74 : memref<1x128xi32, #tpu.memory_space<vmem>> -> memref<128xi32, #tpu.memory_space<vmem>>
      %dma_start3A_76 = arith.constant 0 : i32
      %dma_start3A_77 = arith.constant 0 : i32
      %dma_start3A_78 = tpu.memref_slice %arg10[%dma_start3A_76, %dma_start3A_77] : memref<10240x8xf32, #tpu.memory_space<vmem_shared>> -> memref<10240x8xf32, #tpu.memory_space<vmem_shared>>
      tpu.enqueue_indirect_dma source(%dma_start3A_78 : memref<10240x8xf32, #tpu.memory_space<vmem_shared>>) target(%dma_start3A_72 : memref<128x8xf32, #tpu.memory_space<vmem>>) offsets(%dma_start3A_75 : memref<128xi32, #tpu.memory_space<vmem>>) semaphore(%arg12 : memref<!tpu.dma_semaphore, #tpu.memory_space<semaphore_mem>>)
      %dma_start3A_79 = arith.constant 5 : i32
      %dma_start3A_80 = arith.constant 5 : i32
      %dma_start3A_81 = arith.constant 0 : i32
      %dma_start3A_82 = arith.constant 0 : i32
      %dma_start3A_83 = tpu.memref_slice %arg9[%dma_start3A_80, %dma_start3A_81, %dma_start3A_82] : memref<13x128x8xf32, #tpu.memory_space<vmem>> -> memref<1x128x8xf32, #tpu.memory_space<vmem>>
      %dma_start3A_84 = tpu.memref_squeeze %dma_start3A_83 : memref<1x128x8xf32, #tpu.memory_space<vmem>> -> memref<128x8xf32, #tpu.memory_space<vmem>>
      %dma_start3A_85 = arith.constant 0 : i32
      %dma_start3A_86 = tpu.memref_slice %arg7[%dma_start3A_79, %dma_start3A_85] : memref<13x128xi32, #tpu.memory_space<vmem>> -> memref<1x128xi32, #tpu.memory_space<vmem>>
      %dma_start3A_87 = tpu.memref_squeeze %dma_start3A_86 : memref<1x128xi32, #tpu.memory_space<vmem>> -> memref<128xi32, #tpu.memory_space<vmem>>
      %dma_start3A_88 = arith.constant 0 : i32
      %dma_start3A_89 = arith.constant 0 : i32
      %dma_start3A_90 = tpu.memref_slice %arg10[%dma_start3A_88, %dma_start3A_89] : memref<10240x8xf32, #tpu.memory_space<vmem_shared>> -> memref<10240x8xf32, #tpu.memory_space<vmem_shared>>
      tpu.enqueue_indirect_dma source(%dma_start3A_90 : memref<10240x8xf32, #tpu.memory_space<vmem_shared>>) target(%dma_start3A_84 : memref<128x8xf32, #tpu.memory_space<vmem>>) offsets(%dma_start3A_87 : memref<128xi32, #tpu.memory_space<vmem>>) semaphore(%arg12 : memref<!tpu.dma_semaphore, #tpu.memory_space<semaphore_mem>>)
      %dma_start3A_91 = arith.constant 6 : i32
      %dma_start3A_92 = arith.constant 6 : i32
      %dma_start3A_93 = arith.constant 0 : i32
      %dma_start3A_94 = arith.constant 0 : i32
      %dma_start3A_95 = tpu.memref_slice %arg9[%dma_start3A_92, %dma_start3A_93, %dma_start3A_94] : memref<13x128x8xf32, #tpu.memory_space<vmem>> -> memref<1x128x8xf32, #tpu.memory_space<vmem>>
      %dma_start3A_96 = tpu.memref_squeeze %dma_start3A_95 : memref<1x128x8xf32, #tpu.memory_space<vmem>> -> memref<128x8xf32, #tpu.memory_space<vmem>>
      %dma_start3A_97 = arith.constant 0 : i32
      %dma_start3A_98 = tpu.memref_slice %arg7[%dma_start3A_91, %dma_start3A_97] : memref<13x128xi32, #tpu.memory_space<vmem>> -> memref<1x128xi32, #tpu.memory_space<vmem>>
      %dma_start3A_99 = tpu.memref_squeeze %dma_start3A_98 : memref<1x128xi32, #tpu.memory_space<vmem>> -> memref<128xi32, #tpu.memory_space<vmem>>
      %dma_start3A_100 = arith.constant 0 : i32
      %dma_start3A_101 = arith.constant 0 : i32
      %dma_start3A_102 = tpu.memref_slice %arg10[%dma_start3A_100, %dma_start3A_101] : memref<10240x8xf32, #tpu.memory_space<vmem_shared>> -> memref<10240x8xf32, #tpu.memory_space<vmem_shared>>
      tpu.enqueue_indirect_dma source(%dma_start3A_102 : memref<10240x8xf32, #tpu.memory_space<vmem_shared>>) target(%dma_start3A_96 : memref<128x8xf32, #tpu.memory_space<vmem>>) offsets(%dma_start3A_99 : memref<128xi32, #tpu.memory_space<vmem>>) semaphore(%arg12 : memref<!tpu.dma_semaphore, #tpu.memory_space<semaphore_mem>>)
      %dma_start3A_103 = arith.constant 7 : i32
      %dma_start3A_104 = arith.constant 7 : i32
      %dma_start3A_105 = arith.constant 0 : i32
      %dma_start3A_106 = arith.constant 0 : i32
      %dma_start3A_107 = tpu.memref_slice %arg9[%dma_start3A_104, %dma_start3A_105, %dma_start3A_106] : memref<13x128x8xf32, #tpu.memory_space<vmem>> -> memref<1x128x8xf32, #tpu.memory_space<vmem>>
      %dma_start3A_108 = tpu.memref_squeeze %dma_start3A_107 : memref<1x128x8xf32, #tpu.memory_space<vmem>> -> memref<128x8xf32, #tpu.memory_space<vmem>>
      %dma_start3A_109 = arith.constant 0 : i32
      %dma_start3A_110 = tpu.memref_slice %arg7[%dma_start3A_103, %dma_start3A_109] : memref<13x128xi32, #tpu.memory_space<vmem>> -> memref<1x128xi32, #tpu.memory_space<vmem>>
      %dma_start3A_111 = tpu.memref_squeeze %dma_start3A_110 : memref<1x128xi32, #tpu.memory_space<vmem>> -> memref<128xi32, #tpu.memory_space<vmem>>
      %dma_start3A_112 = arith.constant 0 : i32
      %dma_start3A_113 = arith.constant 0 : i32
      %dma_start3A_114 = tpu.memref_slice %arg10[%dma_start3A_112, %dma_start3A_113] : memref<10240x8xf32, #tpu.memory_space<vmem_shared>> -> memref<10240x8xf32, #tpu.memory_space<vmem_shared>>
      tpu.enqueue_indirect_dma source(%dma_start3A_114 : memref<10240x8xf32, #tpu.memory_space<vmem_shared>>) target(%dma_start3A_108 : memref<128x8xf32, #tpu.memory_space<vmem>>) offsets(%dma_start3A_111 : memref<128xi32, #tpu.memory_space<vmem>>) semaphore(%arg12 : memref<!tpu.dma_semaphore, #tpu.memory_space<semaphore_mem>>)
      %dma_start3A_115 = arith.constant 8 : i32
      %dma_start3A_116 = arith.constant 8 : i32
      %dma_start3A_117 = arith.constant 0 : i32
      %dma_start3A_118 = arith.constant 0 : i32
      %dma_start3A_119 = tpu.memref_slice %arg9[%dma_start3A_116, %dma_start3A_117, %dma_start3A_118] : memref<13x128x8xf32, #tpu.memory_space<vmem>> -> memref<1x128x8xf32, #tpu.memory_space<vmem>>
      %dma_start3A_120 = tpu.memref_squeeze %dma_start3A_119 : memref<1x128x8xf32, #tpu.memory_space<vmem>> -> memref<128x8xf32, #tpu.memory_space<vmem>>
      %dma_start3A_121 = arith.constant 0 : i32
      %dma_start3A_122 = tpu.memref_slice %arg7[%dma_start3A_115, %dma_start3A_121] : memref<13x128xi32, #tpu.memory_space<vmem>> -> memref<1x128xi32, #tpu.memory_space<vmem>>
      %dma_start3A_123 = tpu.memref_squeeze %dma_start3A_122 : memref<1x128xi32, #tpu.memory_space<vmem>> -> memref<128xi32, #tpu.memory_space<vmem>>
      %dma_start3A_124 = arith.constant 0 : i32
      %dma_start3A_125 = arith.constant 0 : i32
      %dma_start3A_126 = tpu.memref_slice %arg10[%dma_start3A_124, %dma_start3A_125] : memref<10240x8xf32, #tpu.memory_space<vmem_shared>> -> memref<10240x8xf32, #tpu.memory_space<vmem_shared>>
      tpu.enqueue_indirect_dma source(%dma_start3A_126 : memref<10240x8xf32, #tpu.memory_space<vmem_shared>>) target(%dma_start3A_120 : memref<128x8xf32, #tpu.memory_space<vmem>>) offsets(%dma_start3A_123 : memref<128xi32, #tpu.memory_space<vmem>>) semaphore(%arg12 : memref<!tpu.dma_semaphore, #tpu.memory_space<semaphore_mem>>)
      %dma_start3A_127 = arith.constant 9 : i32
      %dma_start3A_128 = arith.constant 9 : i32
      %dma_start3A_129 = arith.constant 0 : i32
      %dma_start3A_130 = arith.constant 0 : i32
      %dma_start3A_131 = tpu.memref_slice %arg9[%dma_start3A_128, %dma_start3A_129, %dma_start3A_130] : memref<13x128x8xf32, #tpu.memory_space<vmem>> -> memref<1x128x8xf32, #tpu.memory_space<vmem>>
      %dma_start3A_132 = tpu.memref_squeeze %dma_start3A_131 : memref<1x128x8xf32, #tpu.memory_space<vmem>> -> memref<128x8xf32, #tpu.memory_space<vmem>>
      %dma_start3A_133 = arith.constant 0 : i32
      %dma_start3A_134 = tpu.memref_slice %arg7[%dma_start3A_127, %dma_start3A_133] : memref<13x128xi32, #tpu.memory_space<vmem>> -> memref<1x128xi32, #tpu.memory_space<vmem>>
      %dma_start3A_135 = tpu.memref_squeeze %dma_start3A_134 : memref<1x128xi32, #tpu.memory_space<vmem>> -> memref<128xi32, #tpu.memory_space<vmem>>
      %dma_start3A_136 = arith.constant 0 : i32
      %dma_start3A_137 = arith.constant 0 : i32
      %dma_start3A_138 = tpu.memref_slice %arg10[%dma_start3A_136, %dma_start3A_137] : memref<10240x8xf32, #tpu.memory_space<vmem_shared>> -> memref<10240x8xf32, #tpu.memory_space<vmem_shared>>
      tpu.enqueue_indirect_dma source(%dma_start3A_138 : memref<10240x8xf32, #tpu.memory_space<vmem_shared>>) target(%dma_start3A_132 : memref<128x8xf32, #tpu.memory_space<vmem>>) offsets(%dma_start3A_135 : memref<128xi32, #tpu.memory_space<vmem>>) semaphore(%arg12 : memref<!tpu.dma_semaphore, #tpu.memory_space<semaphore_mem>>)
      %dma_start3A_139 = arith.constant 10 : i32
      %dma_start3A_140 = arith.constant 10 : i32
      %dma_start3A_141 = arith.constant 0 : i32
      %dma_start3A_142 = arith.constant 0 : i32
      %dma_start3A_143 = tpu.memref_slice %arg9[%dma_start3A_140, %dma_start3A_141, %dma_start3A_142] : memref<13x128x8xf32, #tpu.memory_space<vmem>> -> memref<1x128x8xf32, #tpu.memory_space<vmem>>
      %dma_start3A_144 = tpu.memref_squeeze %dma_start3A_143 : memref<1x128x8xf32, #tpu.memory_space<vmem>> -> memref<128x8xf32, #tpu.memory_space<vmem>>
      %dma_start3A_145 = arith.constant 0 : i32
      %dma_start3A_146 = tpu.memref_slice %arg7[%dma_start3A_139, %dma_start3A_145] : memref<13x128xi32, #tpu.memory_space<vmem>> -> memref<1x128xi32, #tpu.memory_space<vmem>>
      %dma_start3A_147 = tpu.memref_squeeze %dma_start3A_146 : memref<1x128xi32, #tpu.memory_space<vmem>> -> memref<128xi32, #tpu.memory_space<vmem>>
      %dma_start3A_148 = arith.constant 0 : i32
      %dma_start3A_149 = arith.constant 0 : i32
      %dma_start3A_150 = tpu.memref_slice %arg10[%dma_start3A_148, %dma_start3A_149] : memref<10240x8xf32, #tpu.memory_space<vmem_shared>> -> memref<10240x8xf32, #tpu.memory_space<vmem_shared>>
      tpu.enqueue_indirect_dma source(%dma_start3A_150 : memref<10240x8xf32, #tpu.memory_space<vmem_shared>>) target(%dma_start3A_144 : memref<128x8xf32, #tpu.memory_space<vmem>>) offsets(%dma_start3A_147 : memref<128xi32, #tpu.memory_space<vmem>>) semaphore(%arg12 : memref<!tpu.dma_semaphore, #tpu.memory_space<semaphore_mem>>)
      %dma_start3A_151 = arith.constant 11 : i32
      %dma_start3A_152 = arith.constant 11 : i32
      %dma_start3A_153 = arith.constant 0 : i32
      %dma_start3A_154 = arith.constant 0 : i32
      %dma_start3A_155 = tpu.memref_slice %arg9[%dma_start3A_152, %dma_start3A_153, %dma_start3A_154] : memref<13x128x8xf32, #tpu.memory_space<vmem>> -> memref<1x128x8xf32, #tpu.memory_space<vmem>>
      %dma_start3A_156 = tpu.memref_squeeze %dma_start3A_155 : memref<1x128x8xf32, #tpu.memory_space<vmem>> -> memref<128x8xf32, #tpu.memory_space<vmem>>
      %dma_start3A_157 = arith.constant 0 : i32
      %dma_start3A_158 = tpu.memref_slice %arg7[%dma_start3A_151, %dma_start3A_157] : memref<13x128xi32, #tpu.memory_space<vmem>> -> memref<1x128xi32, #tpu.memory_space<vmem>>
      %dma_start3A_159 = tpu.memref_squeeze %dma_start3A_158 : memref<1x128xi32, #tpu.memory_space<vmem>> -> memref<128xi32, #tpu.memory_space<vmem>>
      %dma_start3A_160 = arith.constant 0 : i32
      %dma_start3A_161 = arith.constant 0 : i32
      %dma_start3A_162 = tpu.memref_slice %arg10[%dma_start3A_160, %dma_start3A_161] : memref<10240x8xf32, #tpu.memory_space<vmem_shared>> -> memref<10240x8xf32, #tpu.memory_space<vmem_shared>>
      tpu.enqueue_indirect_dma source(%dma_start3A_162 : memref<10240x8xf32, #tpu.memory_space<vmem_shared>>) target(%dma_start3A_156 : memref<128x8xf32, #tpu.memory_space<vmem>>) offsets(%dma_start3A_159 : memref<128xi32, #tpu.memory_space<vmem>>) semaphore(%arg12 : memref<!tpu.dma_semaphore, #tpu.memory_space<semaphore_mem>>)
      %dma_start3A_163 = arith.constant 12 : i32
      %dma_start3A_164 = arith.constant 12 : i32
      %dma_start3A_165 = arith.constant 0 : i32
      %dma_start3A_166 = arith.constant 0 : i32
      %dma_start3A_167 = tpu.memref_slice %arg9[%dma_start3A_164, %dma_start3A_165, %dma_start3A_166] : memref<13x128x8xf32, #tpu.memory_space<vmem>> -> memref<1x128x8xf32, #tpu.memory_space<vmem>>
      %dma_start3A_168 = tpu.memref_squeeze %dma_start3A_167 : memref<1x128x8xf32, #tpu.memory_space<vmem>> -> memref<128x8xf32, #tpu.memory_space<vmem>>
      %dma_start3A_169 = arith.constant 0 : i32
      %dma_start3A_170 = tpu.memref_slice %arg7[%dma_start3A_163, %dma_start3A_169] : memref<13x128xi32, #tpu.memory_space<vmem>> -> memref<1x128xi32, #tpu.memory_space<vmem>>
      %dma_start3A_171 = tpu.memref_squeeze %dma_start3A_170 : memref<1x128xi32, #tpu.memory_space<vmem>> -> memref<128xi32, #tpu.memory_space<vmem>>
      %dma_start3A_172 = arith.constant 0 : i32
      %dma_start3A_173 = arith.constant 0 : i32
      %dma_start3A_174 = tpu.memref_slice %arg10[%dma_start3A_172, %dma_start3A_173] : memref<10240x8xf32, #tpu.memory_space<vmem_shared>> -> memref<10240x8xf32, #tpu.memory_space<vmem_shared>>
      tpu.enqueue_indirect_dma source(%dma_start3A_174 : memref<10240x8xf32, #tpu.memory_space<vmem_shared>>) target(%dma_start3A_168 : memref<128x8xf32, #tpu.memory_space<vmem>>) offsets(%dma_start3A_171 : memref<128xi32, #tpu.memory_space<vmem>>) semaphore(%arg12 : memref<!tpu.dma_semaphore, #tpu.memory_space<semaphore_mem>>)
      %dma_wait3A = arith.constant 0 : i32
      %dma_wait3A_175 = arith.constant 0 : i32
      %dma_wait3A_176 = arith.constant 0 : i32
      %dma_wait3A_177 = arith.constant 0 : i32
      %dma_wait3A_178 = tpu.memref_slice %arg9[%dma_wait3A_175, %dma_wait3A_176, %dma_wait3A_177] : memref<13x128x8xf32, #tpu.memory_space<vmem>> -> memref<1x128x8xf32, #tpu.memory_space<vmem>>
      %dma_wait3A_179 = tpu.memref_squeeze %dma_wait3A_178 : memref<1x128x8xf32, #tpu.memory_space<vmem>> -> memref<128x8xf32, #tpu.memory_space<vmem>>
      %dma_wait3A_180 = arith.constant 0 : i32
      %dma_wait3A_181 = tpu.memref_slice %arg7[%dma_wait3A, %dma_wait3A_180] : memref<13x128xi32, #tpu.memory_space<vmem>> -> memref<1x128xi32, #tpu.memory_space<vmem>>
      %dma_wait3A_182 = tpu.memref_squeeze %dma_wait3A_181 : memref<1x128xi32, #tpu.memory_space<vmem>> -> memref<128xi32, #tpu.memory_space<vmem>>
      %dma_wait3A_183 = arith.constant 0 : i32
      %dma_wait3A_184 = arith.constant 0 : i32
      %dma_wait3A_185 = tpu.memref_slice %arg10[%dma_wait3A_183, %dma_wait3A_184] : memref<10240x8xf32, #tpu.memory_space<vmem_shared>> -> memref<10240x8xf32, #tpu.memory_space<vmem_shared>>
      tpu.wait_indirect_dma semaphore(%arg12 : memref<!tpu.dma_semaphore, #tpu.memory_space<semaphore_mem>>) src(%dma_wait3A_185 : memref<10240x8xf32, #tpu.memory_space<vmem_shared>>) dst(%dma_wait3A_179 : memref<128x8xf32, #tpu.memory_space<vmem>>)
      %dma_start3A_186 = arith.constant 0 : i32
      %dma_start3A_187 = arith.constant 0 : i32
      %dma_start3A_188 = arith.constant 0 : i32
      %dma_start3A_189 = arith.constant 0 : i32
      %dma_start3A_190 = tpu.memref_slice %arg9[%dma_start3A_186, %dma_start3A_188, %dma_start3A_189] : memref<13x128x8xf32, #tpu.memory_space<vmem>> -> memref<1x128x8xf32, #tpu.memory_space<vmem>>
      %dma_start3A_191 = tpu.memref_squeeze %dma_start3A_190 : memref<1x128x8xf32, #tpu.memory_space<vmem>> -> memref<128x8xf32, #tpu.memory_space<vmem>>
      %dma_start3A_192 = arith.constant 0 : i32
      %dma_start3A_193 = tpu.memref_slice %arg8[%dma_start3A_187, %dma_start3A_192] : memref<13x128xi32, #tpu.memory_space<vmem>> -> memref<1x128xi32, #tpu.memory_space<vmem>>
      %dma_start3A_194 = tpu.memref_squeeze %dma_start3A_193 : memref<1x128xi32, #tpu.memory_space<vmem>> -> memref<128xi32, #tpu.memory_space<vmem>>
      %dma_start3A_195 = arith.constant 0 : i32
      %dma_start3A_196 = arith.constant 0 : i32
      %dma_start3A_197 = tpu.memref_slice %arg11[%dma_start3A_195, %dma_start3A_196] : memref<10240x8xf32, #tpu.memory_space<vmem_shared>> -> memref<10240x8xf32, #tpu.memory_space<vmem_shared>>
      tpu.enqueue_indirect_dma source(%dma_start3A_191 : memref<128x8xf32, #tpu.memory_space<vmem>>) target(%dma_start3A_197 : memref<10240x8xf32, #tpu.memory_space<vmem_shared>>) offsets(%dma_start3A_194 : memref<128xi32, #tpu.memory_space<vmem>>) semaphore(%arg13 : memref<!tpu.dma_semaphore, #tpu.memory_space<semaphore_mem>>) {add = true}
      %dma_wait3A_198 = arith.constant 1 : i32
      %dma_wait3A_199 = arith.constant 1 : i32
      %dma_wait3A_200 = arith.constant 0 : i32
      %dma_wait3A_201 = arith.constant 0 : i32
      %dma_wait3A_202 = tpu.memref_slice %arg9[%dma_wait3A_199, %dma_wait3A_200, %dma_wait3A_201] : memref<13x128x8xf32, #tpu.memory_space<vmem>> -> memref<1x128x8xf32, #tpu.memory_space<vmem>>
      %dma_wait3A_203 = tpu.memref_squeeze %dma_wait3A_202 : memref<1x128x8xf32, #tpu.memory_space<vmem>> -> memref<128x8xf32, #tpu.memory_space<vmem>>
      %dma_wait3A_204 = arith.constant 0 : i32
      %dma_wait3A_205 = tpu.memref_slice %arg7[%dma_wait3A_198, %dma_wait3A_204] : memref<13x128xi32, #tpu.memory_space<vmem>> -> memref<1x128xi32, #tpu.memory_space<vmem>>
      %dma_wait3A_206 = tpu.memref_squeeze %dma_wait3A_205 : memref<1x128xi32, #tpu.memory_space<vmem>> -> memref<128xi32, #tpu.memory_space<vmem>>
      %dma_wait3A_207 = arith.constant 0 : i32
      %dma_wait3A_208 = arith.constant 0 : i32
      %dma_wait3A_209 = tpu.memref_slice %arg10[%dma_wait3A_207, %dma_wait3A_208] : memref<10240x8xf32, #tpu.memory_space<vmem_shared>> -> memref<10240x8xf32, #tpu.memory_space<vmem_shared>>
      tpu.wait_indirect_dma semaphore(%arg12 : memref<!tpu.dma_semaphore, #tpu.memory_space<semaphore_mem>>) src(%dma_wait3A_209 : memref<10240x8xf32, #tpu.memory_space<vmem_shared>>) dst(%dma_wait3A_203 : memref<128x8xf32, #tpu.memory_space<vmem>>)
      %dma_start3A_210 = arith.constant 1 : i32
      %dma_start3A_211 = arith.constant 1 : i32
      %dma_start3A_212 = arith.constant 0 : i32
      %dma_start3A_213 = arith.constant 0 : i32
      %dma_start3A_214 = tpu.memref_slice %arg9[%dma_start3A_210, %dma_start3A_212, %dma_start3A_213] : memref<13x128x8xf32, #tpu.memory_space<vmem>> -> memref<1x128x8xf32, #tpu.memory_space<vmem>>
      %dma_start3A_215 = tpu.memref_squeeze %dma_start3A_214 : memref<1x128x8xf32, #tpu.memory_space<vmem>> -> memref<128x8xf32, #tpu.memory_space<vmem>>
      %dma_start3A_216 = arith.constant 0 : i32
      %dma_start3A_217 = tpu.memref_slice %arg8[%dma_start3A_211, %dma_start3A_216] : memref<13x128xi32, #tpu.memory_space<vmem>> -> memref<1x128xi32, #tpu.memory_space<vmem>>
      %dma_start3A_218 = tpu.memref_squeeze %dma_start3A_217 : memref<1x128xi32, #tpu.memory_space<vmem>> -> memref<128xi32, #tpu.memory_space<vmem>>
      %dma_start3A_219 = arith.constant 0 : i32
      %dma_start3A_220 = arith.constant 0 : i32
      %dma_start3A_221 = tpu.memref_slice %arg11[%dma_start3A_219, %dma_start3A_220] : memref<10240x8xf32, #tpu.memory_space<vmem_shared>> -> memref<10240x8xf32, #tpu.memory_space<vmem_shared>>
      tpu.enqueue_indirect_dma source(%dma_start3A_215 : memref<128x8xf32, #tpu.memory_space<vmem>>) target(%dma_start3A_221 : memref<10240x8xf32, #tpu.memory_space<vmem_shared>>) offsets(%dma_start3A_218 : memref<128xi32, #tpu.memory_space<vmem>>) semaphore(%arg13 : memref<!tpu.dma_semaphore, #tpu.memory_space<semaphore_mem>>) {add = true}
      %dma_wait3A_222 = arith.constant 2 : i32
      %dma_wait3A_223 = arith.constant 2 : i32
      %dma_wait3A_224 = arith.constant 0 : i32
      %dma_wait3A_225 = arith.constant 0 : i32
      %dma_wait3A_226 = tpu.memref_slice %arg9[%dma_wait3A_223, %dma_wait3A_224, %dma_wait3A_225] : memref<13x128x8xf32, #tpu.memory_space<vmem>> -> memref<1x128x8xf32, #tpu.memory_space<vmem>>
      %dma_wait3A_227 = tpu.memref_squeeze %dma_wait3A_226 : memref<1x128x8xf32, #tpu.memory_space<vmem>> -> memref<128x8xf32, #tpu.memory_space<vmem>>
      %dma_wait3A_228 = arith.constant 0 : i32
      %dma_wait3A_229 = tpu.memref_slice %arg7[%dma_wait3A_222, %dma_wait3A_228] : memref<13x128xi32, #tpu.memory_space<vmem>> -> memref<1x128xi32, #tpu.memory_space<vmem>>
      %dma_wait3A_230 = tpu.memref_squeeze %dma_wait3A_229 : memref<1x128xi32, #tpu.memory_space<vmem>> -> memref<128xi32, #tpu.memory_space<vmem>>
      %dma_wait3A_231 = arith.constant 0 : i32
      %dma_wait3A_232 = arith.constant 0 : i32
      %dma_wait3A_233 = tpu.memref_slice %arg10[%dma_wait3A_231, %dma_wait3A_232] : memref<10240x8xf32, #tpu.memory_space<vmem_shared>> -> memref<10240x8xf32, #tpu.memory_space<vmem_shared>>
      tpu.wait_indirect_dma semaphore(%arg12 : memref<!tpu.dma_semaphore, #tpu.memory_space<semaphore_mem>>) src(%dma_wait3A_233 : memref<10240x8xf32, #tpu.memory_space<vmem_shared>>) dst(%dma_wait3A_227 : memref<128x8xf32, #tpu.memory_space<vmem>>)
      %dma_start3A_234 = arith.constant 2 : i32
      %dma_start3A_235 = arith.constant 2 : i32
      %dma_start3A_236 = arith.constant 0 : i32
      %dma_start3A_237 = arith.constant 0 : i32
      %dma_start3A_238 = tpu.memref_slice %arg9[%dma_start3A_234, %dma_start3A_236, %dma_start3A_237] : memref<13x128x8xf32, #tpu.memory_space<vmem>> -> memref<1x128x8xf32, #tpu.memory_space<vmem>>
      %dma_start3A_239 = tpu.memref_squeeze %dma_start3A_238 : memref<1x128x8xf32, #tpu.memory_space<vmem>> -> memref<128x8xf32, #tpu.memory_space<vmem>>
      %dma_start3A_240 = arith.constant 0 : i32
      %dma_start3A_241 = tpu.memref_slice %arg8[%dma_start3A_235, %dma_start3A_240] : memref<13x128xi32, #tpu.memory_space<vmem>> -> memref<1x128xi32, #tpu.memory_space<vmem>>
      %dma_start3A_242 = tpu.memref_squeeze %dma_start3A_241 : memref<1x128xi32, #tpu.memory_space<vmem>> -> memref<128xi32, #tpu.memory_space<vmem>>
      %dma_start3A_243 = arith.constant 0 : i32
      %dma_start3A_244 = arith.constant 0 : i32
      %dma_start3A_245 = tpu.memref_slice %arg11[%dma_start3A_243, %dma_start3A_244] : memref<10240x8xf32, #tpu.memory_space<vmem_shared>> -> memref<10240x8xf32, #tpu.memory_space<vmem_shared>>
      tpu.enqueue_indirect_dma source(%dma_start3A_239 : memref<128x8xf32, #tpu.memory_space<vmem>>) target(%dma_start3A_245 : memref<10240x8xf32, #tpu.memory_space<vmem_shared>>) offsets(%dma_start3A_242 : memref<128xi32, #tpu.memory_space<vmem>>) semaphore(%arg13 : memref<!tpu.dma_semaphore, #tpu.memory_space<semaphore_mem>>) {add = true}
      %dma_wait3A_246 = arith.constant 3 : i32
      %dma_wait3A_247 = arith.constant 3 : i32
      %dma_wait3A_248 = arith.constant 0 : i32
      %dma_wait3A_249 = arith.constant 0 : i32
      %dma_wait3A_250 = tpu.memref_slice %arg9[%dma_wait3A_247, %dma_wait3A_248, %dma_wait3A_249] : memref<13x128x8xf32, #tpu.memory_space<vmem>> -> memref<1x128x8xf32, #tpu.memory_space<vmem>>
      %dma_wait3A_251 = tpu.memref_squeeze %dma_wait3A_250 : memref<1x128x8xf32, #tpu.memory_space<vmem>> -> memref<128x8xf32, #tpu.memory_space<vmem>>
      %dma_wait3A_252 = arith.constant 0 : i32
      %dma_wait3A_253 = tpu.memref_slice %arg7[%dma_wait3A_246, %dma_wait3A_252] : memref<13x128xi32, #tpu.memory_space<vmem>> -> memref<1x128xi32, #tpu.memory_space<vmem>>
      %dma_wait3A_254 = tpu.memref_squeeze %dma_wait3A_253 : memref<1x128xi32, #tpu.memory_space<vmem>> -> memref<128xi32, #tpu.memory_space<vmem>>
      %dma_wait3A_255 = arith.constant 0 : i32
      %dma_wait3A_256 = arith.constant 0 : i32
      %dma_wait3A_257 = tpu.memref_slice %arg10[%dma_wait3A_255, %dma_wait3A_256] : memref<10240x8xf32, #tpu.memory_space<vmem_shared>> -> memref<10240x8xf32, #tpu.memory_space<vmem_shared>>
      tpu.wait_indirect_dma semaphore(%arg12 : memref<!tpu.dma_semaphore, #tpu.memory_space<semaphore_mem>>) src(%dma_wait3A_257 : memref<10240x8xf32, #tpu.memory_space<vmem_shared>>) dst(%dma_wait3A_251 : memref<128x8xf32, #tpu.memory_space<vmem>>)
      %dma_start3A_258 = arith.constant 3 : i32
      %dma_start3A_259 = arith.constant 3 : i32
      %dma_start3A_260 = arith.constant 0 : i32
      %dma_start3A_261 = arith.constant 0 : i32
      %dma_start3A_262 = tpu.memref_slice %arg9[%dma_start3A_258, %dma_start3A_260, %dma_start3A_261] : memref<13x128x8xf32, #tpu.memory_space<vmem>> -> memref<1x128x8xf32, #tpu.memory_space<vmem>>
      %dma_start3A_263 = tpu.memref_squeeze %dma_start3A_262 : memref<1x128x8xf32, #tpu.memory_space<vmem>> -> memref<128x8xf32, #tpu.memory_space<vmem>>
      %dma_start3A_264 = arith.constant 0 : i32
      %dma_start3A_265 = tpu.memref_slice %arg8[%dma_start3A_259, %dma_start3A_264] : memref<13x128xi32, #tpu.memory_space<vmem>> -> memref<1x128xi32, #tpu.memory_space<vmem>>
      %dma_start3A_266 = tpu.memref_squeeze %dma_start3A_265 : memref<1x128xi32, #tpu.memory_space<vmem>> -> memref<128xi32, #tpu.memory_space<vmem>>
      %dma_start3A_267 = arith.constant 0 : i32
      %dma_start3A_268 = arith.constant 0 : i32
      %dma_start3A_269 = tpu.memref_slice %arg11[%dma_start3A_267, %dma_start3A_268] : memref<10240x8xf32, #tpu.memory_space<vmem_shared>> -> memref<10240x8xf32, #tpu.memory_space<vmem_shared>>
      tpu.enqueue_indirect_dma source(%dma_start3A_263 : memref<128x8xf32, #tpu.memory_space<vmem>>) target(%dma_start3A_269 : memref<10240x8xf32, #tpu.memory_space<vmem_shared>>) offsets(%dma_start3A_266 : memref<128xi32, #tpu.memory_space<vmem>>) semaphore(%arg13 : memref<!tpu.dma_semaphore, #tpu.memory_space<semaphore_mem>>) {add = true}
      %dma_wait3A_270 = arith.constant 4 : i32
      %dma_wait3A_271 = arith.constant 4 : i32
      %dma_wait3A_272 = arith.constant 0 : i32
      %dma_wait3A_273 = arith.constant 0 : i32
      %dma_wait3A_274 = tpu.memref_slice %arg9[%dma_wait3A_271, %dma_wait3A_272, %dma_wait3A_273] : memref<13x128x8xf32, #tpu.memory_space<vmem>> -> memref<1x128x8xf32, #tpu.memory_space<vmem>>
      %dma_wait3A_275 = tpu.memref_squeeze %dma_wait3A_274 : memref<1x128x8xf32, #tpu.memory_space<vmem>> -> memref<128x8xf32, #tpu.memory_space<vmem>>
      %dma_wait3A_276 = arith.constant 0 : i32
      %dma_wait3A_277 = tpu.memref_slice %arg7[%dma_wait3A_270, %dma_wait3A_276] : memref<13x128xi32, #tpu.memory_space<vmem>> -> memref<1x128xi32, #tpu.memory_space<vmem>>
      %dma_wait3A_278 = tpu.memref_squeeze %dma_wait3A_277 : memref<1x128xi32, #tpu.memory_space<vmem>> -> memref<128xi32, #tpu.memory_space<vmem>>
      %dma_wait3A_279 = arith.constant 0 : i32
      %dma_wait3A_280 = arith.constant 0 : i32
      %dma_wait3A_281 = tpu.memref_slice %arg10[%dma_wait3A_279, %dma_wait3A_280] : memref<10240x8xf32, #tpu.memory_space<vmem_shared>> -> memref<10240x8xf32, #tpu.memory_space<vmem_shared>>
      tpu.wait_indirect_dma semaphore(%arg12 : memref<!tpu.dma_semaphore, #tpu.memory_space<semaphore_mem>>) src(%dma_wait3A_281 : memref<10240x8xf32, #tpu.memory_space<vmem_shared>>) dst(%dma_wait3A_275 : memref<128x8xf32, #tpu.memory_space<vmem>>)
      %dma_start3A_282 = arith.constant 4 : i32
      %dma_start3A_283 = arith.constant 4 : i32
      %dma_start3A_284 = arith.constant 0 : i32
      %dma_start3A_285 = arith.constant 0 : i32
      %dma_start3A_286 = tpu.memref_slice %arg9[%dma_start3A_282, %dma_start3A_284, %dma_start3A_285] : memref<13x128x8xf32, #tpu.memory_space<vmem>> -> memref<1x128x8xf32, #tpu.memory_space<vmem>>
      %dma_start3A_287 = tpu.memref_squeeze %dma_start3A_286 : memref<1x128x8xf32, #tpu.memory_space<vmem>> -> memref<128x8xf32, #tpu.memory_space<vmem>>
      %dma_start3A_288 = arith.constant 0 : i32
      %dma_start3A_289 = tpu.memref_slice %arg8[%dma_start3A_283, %dma_start3A_288] : memref<13x128xi32, #tpu.memory_space<vmem>> -> memref<1x128xi32, #tpu.memory_space<vmem>>
      %dma_start3A_290 = tpu.memref_squeeze %dma_start3A_289 : memref<1x128xi32, #tpu.memory_space<vmem>> -> memref<128xi32, #tpu.memory_space<vmem>>
      %dma_start3A_291 = arith.constant 0 : i32
      %dma_start3A_292 = arith.constant 0 : i32
      %dma_start3A_293 = tpu.memref_slice %arg11[%dma_start3A_291, %dma_start3A_292] : memref<10240x8xf32, #tpu.memory_space<vmem_shared>> -> memref<10240x8xf32, #tpu.memory_space<vmem_shared>>
      tpu.enqueue_indirect_dma source(%dma_start3A_287 : memref<128x8xf32, #tpu.memory_space<vmem>>) target(%dma_start3A_293 : memref<10240x8xf32, #tpu.memory_space<vmem_shared>>) offsets(%dma_start3A_290 : memref<128xi32, #tpu.memory_space<vmem>>) semaphore(%arg13 : memref<!tpu.dma_semaphore, #tpu.memory_space<semaphore_mem>>) {add = true}
      %dma_wait3A_294 = arith.constant 5 : i32
      %dma_wait3A_295 = arith.constant 5 : i32
      %dma_wait3A_296 = arith.constant 0 : i32
      %dma_wait3A_297 = arith.constant 0 : i32
      %dma_wait3A_298 = tpu.memref_slice %arg9[%dma_wait3A_295, %dma_wait3A_296, %dma_wait3A_297] : memref<13x128x8xf32, #tpu.memory_space<vmem>> -> memref<1x128x8xf32, #tpu.memory_space<vmem>>
      %dma_wait3A_299 = tpu.memref_squeeze %dma_wait3A_298 : memref<1x128x8xf32, #tpu.memory_space<vmem>> -> memref<128x8xf32, #tpu.memory_space<vmem>>
      %dma_wait3A_300 = arith.constant 0 : i32
      %dma_wait3A_301 = tpu.memref_slice %arg7[%dma_wait3A_294, %dma_wait3A_300] : memref<13x128xi32, #tpu.memory_space<vmem>> -> memref<1x128xi32, #tpu.memory_space<vmem>>
      %dma_wait3A_302 = tpu.memref_squeeze %dma_wait3A_301 : memref<1x128xi32, #tpu.memory_space<vmem>> -> memref<128xi32, #tpu.memory_space<vmem>>
      %dma_wait3A_303 = arith.constant 0 : i32
      %dma_wait3A_304 = arith.constant 0 : i32
      %dma_wait3A_305 = tpu.memref_slice %arg10[%dma_wait3A_303, %dma_wait3A_304] : memref<10240x8xf32, #tpu.memory_space<vmem_shared>> -> memref<10240x8xf32, #tpu.memory_space<vmem_shared>>
      tpu.wait_indirect_dma semaphore(%arg12 : memref<!tpu.dma_semaphore, #tpu.memory_space<semaphore_mem>>) src(%dma_wait3A_305 : memref<10240x8xf32, #tpu.memory_space<vmem_shared>>) dst(%dma_wait3A_299 : memref<128x8xf32, #tpu.memory_space<vmem>>)
      %dma_start3A_306 = arith.constant 5 : i32
      %dma_start3A_307 = arith.constant 5 : i32
      %dma_start3A_308 = arith.constant 0 : i32
      %dma_start3A_309 = arith.constant 0 : i32
      %dma_start3A_310 = tpu.memref_slice %arg9[%dma_start3A_306, %dma_start3A_308, %dma_start3A_309] : memref<13x128x8xf32, #tpu.memory_space<vmem>> -> memref<1x128x8xf32, #tpu.memory_space<vmem>>
      %dma_start3A_311 = tpu.memref_squeeze %dma_start3A_310 : memref<1x128x8xf32, #tpu.memory_space<vmem>> -> memref<128x8xf32, #tpu.memory_space<vmem>>
      %dma_start3A_312 = arith.constant 0 : i32
      %dma_start3A_313 = tpu.memref_slice %arg8[%dma_start3A_307, %dma_start3A_312] : memref<13x128xi32, #tpu.memory_space<vmem>> -> memref<1x128xi32, #tpu.memory_space<vmem>>
      %dma_start3A_314 = tpu.memref_squeeze %dma_start3A_313 : memref<1x128xi32, #tpu.memory_space<vmem>> -> memref<128xi32, #tpu.memory_space<vmem>>
      %dma_start3A_315 = arith.constant 0 : i32
      %dma_start3A_316 = arith.constant 0 : i32
      %dma_start3A_317 = tpu.memref_slice %arg11[%dma_start3A_315, %dma_start3A_316] : memref<10240x8xf32, #tpu.memory_space<vmem_shared>> -> memref<10240x8xf32, #tpu.memory_space<vmem_shared>>
      tpu.enqueue_indirect_dma source(%dma_start3A_311 : memref<128x8xf32, #tpu.memory_space<vmem>>) target(%dma_start3A_317 : memref<10240x8xf32, #tpu.memory_space<vmem_shared>>) offsets(%dma_start3A_314 : memref<128xi32, #tpu.memory_space<vmem>>) semaphore(%arg13 : memref<!tpu.dma_semaphore, #tpu.memory_space<semaphore_mem>>) {add = true}
      %dma_wait3A_318 = arith.constant 6 : i32
      %dma_wait3A_319 = arith.constant 6 : i32
      %dma_wait3A_320 = arith.constant 0 : i32
      %dma_wait3A_321 = arith.constant 0 : i32
      %dma_wait3A_322 = tpu.memref_slice %arg9[%dma_wait3A_319, %dma_wait3A_320, %dma_wait3A_321] : memref<13x128x8xf32, #tpu.memory_space<vmem>> -> memref<1x128x8xf32, #tpu.memory_space<vmem>>
      %dma_wait3A_323 = tpu.memref_squeeze %dma_wait3A_322 : memref<1x128x8xf32, #tpu.memory_space<vmem>> -> memref<128x8xf32, #tpu.memory_space<vmem>>
      %dma_wait3A_324 = arith.constant 0 : i32
      %dma_wait3A_325 = tpu.memref_slice %arg7[%dma_wait3A_318, %dma_wait3A_324] : memref<13x128xi32, #tpu.memory_space<vmem>> -> memref<1x128xi32, #tpu.memory_space<vmem>>
      %dma_wait3A_326 = tpu.memref_squeeze %dma_wait3A_325 : memref<1x128xi32, #tpu.memory_space<vmem>> -> memref<128xi32, #tpu.memory_space<vmem>>
      %dma_wait3A_327 = arith.constant 0 : i32
      %dma_wait3A_328 = arith.constant 0 : i32
      %dma_wait3A_329 = tpu.memref_slice %arg10[%dma_wait3A_327, %dma_wait3A_328] : memref<10240x8xf32, #tpu.memory_space<vmem_shared>> -> memref<10240x8xf32, #tpu.memory_space<vmem_shared>>
      tpu.wait_indirect_dma semaphore(%arg12 : memref<!tpu.dma_semaphore, #tpu.memory_space<semaphore_mem>>) src(%dma_wait3A_329 : memref<10240x8xf32, #tpu.memory_space<vmem_shared>>) dst(%dma_wait3A_323 : memref<128x8xf32, #tpu.memory_space<vmem>>)
      %dma_start3A_330 = arith.constant 6 : i32
      %dma_start3A_331 = arith.constant 6 : i32
      %dma_start3A_332 = arith.constant 0 : i32
      %dma_start3A_333 = arith.constant 0 : i32
      %dma_start3A_334 = tpu.memref_slice %arg9[%dma_start3A_330, %dma_start3A_332, %dma_start3A_333] : memref<13x128x8xf32, #tpu.memory_space<vmem>> -> memref<1x128x8xf32, #tpu.memory_space<vmem>>
      %dma_start3A_335 = tpu.memref_squeeze %dma_start3A_334 : memref<1x128x8xf32, #tpu.memory_space<vmem>> -> memref<128x8xf32, #tpu.memory_space<vmem>>
      %dma_start3A_336 = arith.constant 0 : i32
      %dma_start3A_337 = tpu.memref_slice %arg8[%dma_start3A_331, %dma_start3A_336] : memref<13x128xi32, #tpu.memory_space<vmem>> -> memref<1x128xi32, #tpu.memory_space<vmem>>
      %dma_start3A_338 = tpu.memref_squeeze %dma_start3A_337 : memref<1x128xi32, #tpu.memory_space<vmem>> -> memref<128xi32, #tpu.memory_space<vmem>>
      %dma_start3A_339 = arith.constant 0 : i32
      %dma_start3A_340 = arith.constant 0 : i32
      %dma_start3A_341 = tpu.memref_slice %arg11[%dma_start3A_339, %dma_start3A_340] : memref<10240x8xf32, #tpu.memory_space<vmem_shared>> -> memref<10240x8xf32, #tpu.memory_space<vmem_shared>>
      tpu.enqueue_indirect_dma source(%dma_start3A_335 : memref<128x8xf32, #tpu.memory_space<vmem>>) target(%dma_start3A_341 : memref<10240x8xf32, #tpu.memory_space<vmem_shared>>) offsets(%dma_start3A_338 : memref<128xi32, #tpu.memory_space<vmem>>) semaphore(%arg13 : memref<!tpu.dma_semaphore, #tpu.memory_space<semaphore_mem>>) {add = true}
      %dma_wait3A_342 = arith.constant 7 : i32
      %dma_wait3A_343 = arith.constant 7 : i32
      %dma_wait3A_344 = arith.constant 0 : i32
      %dma_wait3A_345 = arith.constant 0 : i32
      %dma_wait3A_346 = tpu.memref_slice %arg9[%dma_wait3A_343, %dma_wait3A_344, %dma_wait3A_345] : memref<13x128x8xf32, #tpu.memory_space<vmem>> -> memref<1x128x8xf32, #tpu.memory_space<vmem>>
      %dma_wait3A_347 = tpu.memref_squeeze %dma_wait3A_346 : memref<1x128x8xf32, #tpu.memory_space<vmem>> -> memref<128x8xf32, #tpu.memory_space<vmem>>
      %dma_wait3A_348 = arith.constant 0 : i32
      %dma_wait3A_349 = tpu.memref_slice %arg7[%dma_wait3A_342, %dma_wait3A_348] : memref<13x128xi32, #tpu.memory_space<vmem>> -> memref<1x128xi32, #tpu.memory_space<vmem>>
      %dma_wait3A_350 = tpu.memref_squeeze %dma_wait3A_349 : memref<1x128xi32, #tpu.memory_space<vmem>> -> memref<128xi32, #tpu.memory_space<vmem>>
      %dma_wait3A_351 = arith.constant 0 : i32
      %dma_wait3A_352 = arith.constant 0 : i32
      %dma_wait3A_353 = tpu.memref_slice %arg10[%dma_wait3A_351, %dma_wait3A_352] : memref<10240x8xf32, #tpu.memory_space<vmem_shared>> -> memref<10240x8xf32, #tpu.memory_space<vmem_shared>>
      tpu.wait_indirect_dma semaphore(%arg12 : memref<!tpu.dma_semaphore, #tpu.memory_space<semaphore_mem>>) src(%dma_wait3A_353 : memref<10240x8xf32, #tpu.memory_space<vmem_shared>>) dst(%dma_wait3A_347 : memref<128x8xf32, #tpu.memory_space<vmem>>)
      %dma_start3A_354 = arith.constant 7 : i32
      %dma_start3A_355 = arith.constant 7 : i32
      %dma_start3A_356 = arith.constant 0 : i32
      %dma_start3A_357 = arith.constant 0 : i32
      %dma_start3A_358 = tpu.memref_slice %arg9[%dma_start3A_354, %dma_start3A_356, %dma_start3A_357] : memref<13x128x8xf32, #tpu.memory_space<vmem>> -> memref<1x128x8xf32, #tpu.memory_space<vmem>>
      %dma_start3A_359 = tpu.memref_squeeze %dma_start3A_358 : memref<1x128x8xf32, #tpu.memory_space<vmem>> -> memref<128x8xf32, #tpu.memory_space<vmem>>
      %dma_start3A_360 = arith.constant 0 : i32
      %dma_start3A_361 = tpu.memref_slice %arg8[%dma_start3A_355, %dma_start3A_360] : memref<13x128xi32, #tpu.memory_space<vmem>> -> memref<1x128xi32, #tpu.memory_space<vmem>>
      %dma_start3A_362 = tpu.memref_squeeze %dma_start3A_361 : memref<1x128xi32, #tpu.memory_space<vmem>> -> memref<128xi32, #tpu.memory_space<vmem>>
      %dma_start3A_363 = arith.constant 0 : i32
      %dma_start3A_364 = arith.constant 0 : i32
      %dma_start3A_365 = tpu.memref_slice %arg11[%dma_start3A_363, %dma_start3A_364] : memref<10240x8xf32, #tpu.memory_space<vmem_shared>> -> memref<10240x8xf32, #tpu.memory_space<vmem_shared>>
      tpu.enqueue_indirect_dma source(%dma_start3A_359 : memref<128x8xf32, #tpu.memory_space<vmem>>) target(%dma_start3A_365 : memref<10240x8xf32, #tpu.memory_space<vmem_shared>>) offsets(%dma_start3A_362 : memref<128xi32, #tpu.memory_space<vmem>>) semaphore(%arg13 : memref<!tpu.dma_semaphore, #tpu.memory_space<semaphore_mem>>) {add = true}
      %dma_wait3A_366 = arith.constant 8 : i32
      %dma_wait3A_367 = arith.constant 8 : i32
      %dma_wait3A_368 = arith.constant 0 : i32
      %dma_wait3A_369 = arith.constant 0 : i32
      %dma_wait3A_370 = tpu.memref_slice %arg9[%dma_wait3A_367, %dma_wait3A_368, %dma_wait3A_369] : memref<13x128x8xf32, #tpu.memory_space<vmem>> -> memref<1x128x8xf32, #tpu.memory_space<vmem>>
      %dma_wait3A_371 = tpu.memref_squeeze %dma_wait3A_370 : memref<1x128x8xf32, #tpu.memory_space<vmem>> -> memref<128x8xf32, #tpu.memory_space<vmem>>
      %dma_wait3A_372 = arith.constant 0 : i32
      %dma_wait3A_373 = tpu.memref_slice %arg7[%dma_wait3A_366, %dma_wait3A_372] : memref<13x128xi32, #tpu.memory_space<vmem>> -> memref<1x128xi32, #tpu.memory_space<vmem>>
      %dma_wait3A_374 = tpu.memref_squeeze %dma_wait3A_373 : memref<1x128xi32, #tpu.memory_space<vmem>> -> memref<128xi32, #tpu.memory_space<vmem>>
      %dma_wait3A_375 = arith.constant 0 : i32
      %dma_wait3A_376 = arith.constant 0 : i32
      %dma_wait3A_377 = tpu.memref_slice %arg10[%dma_wait3A_375, %dma_wait3A_376] : memref<10240x8xf32, #tpu.memory_space<vmem_shared>> -> memref<10240x8xf32, #tpu.memory_space<vmem_shared>>
      tpu.wait_indirect_dma semaphore(%arg12 : memref<!tpu.dma_semaphore, #tpu.memory_space<semaphore_mem>>) src(%dma_wait3A_377 : memref<10240x8xf32, #tpu.memory_space<vmem_shared>>) dst(%dma_wait3A_371 : memref<128x8xf32, #tpu.memory_space<vmem>>)
      %dma_start3A_378 = arith.constant 8 : i32
      %dma_start3A_379 = arith.constant 8 : i32
      %dma_start3A_380 = arith.constant 0 : i32
      %dma_start3A_381 = arith.constant 0 : i32
      %dma_start3A_382 = tpu.memref_slice %arg9[%dma_start3A_378, %dma_start3A_380, %dma_start3A_381] : memref<13x128x8xf32, #tpu.memory_space<vmem>> -> memref<1x128x8xf32, #tpu.memory_space<vmem>>
      %dma_start3A_383 = tpu.memref_squeeze %dma_start3A_382 : memref<1x128x8xf32, #tpu.memory_space<vmem>> -> memref<128x8xf32, #tpu.memory_space<vmem>>
      %dma_start3A_384 = arith.constant 0 : i32
      %dma_start3A_385 = tpu.memref_slice %arg8[%dma_start3A_379, %dma_start3A_384] : memref<13x128xi32, #tpu.memory_space<vmem>> -> memref<1x128xi32, #tpu.memory_space<vmem>>
      %dma_start3A_386 = tpu.memref_squeeze %dma_start3A_385 : memref<1x128xi32, #tpu.memory_space<vmem>> -> memref<128xi32, #tpu.memory_space<vmem>>
      %dma_start3A_387 = arith.constant 0 : i32
      %dma_start3A_388 = arith.constant 0 : i32
      %dma_start3A_389 = tpu.memref_slice %arg11[%dma_start3A_387, %dma_start3A_388] : memref<10240x8xf32, #tpu.memory_space<vmem_shared>> -> memref<10240x8xf32, #tpu.memory_space<vmem_shared>>
      tpu.enqueue_indirect_dma source(%dma_start3A_383 : memref<128x8xf32, #tpu.memory_space<vmem>>) target(%dma_start3A_389 : memref<10240x8xf32, #tpu.memory_space<vmem_shared>>) offsets(%dma_start3A_386 : memref<128xi32, #tpu.memory_space<vmem>>) semaphore(%arg13 : memref<!tpu.dma_semaphore, #tpu.memory_space<semaphore_mem>>) {add = true}
      %dma_wait3A_390 = arith.constant 9 : i32
      %dma_wait3A_391 = arith.constant 9 : i32
      %dma_wait3A_392 = arith.constant 0 : i32
      %dma_wait3A_393 = arith.constant 0 : i32
      %dma_wait3A_394 = tpu.memref_slice %arg9[%dma_wait3A_391, %dma_wait3A_392, %dma_wait3A_393] : memref<13x128x8xf32, #tpu.memory_space<vmem>> -> memref<1x128x8xf32, #tpu.memory_space<vmem>>
      %dma_wait3A_395 = tpu.memref_squeeze %dma_wait3A_394 : memref<1x128x8xf32, #tpu.memory_space<vmem>> -> memref<128x8xf32, #tpu.memory_space<vmem>>
      %dma_wait3A_396 = arith.constant 0 : i32
      %dma_wait3A_397 = tpu.memref_slice %arg7[%dma_wait3A_390, %dma_wait3A_396] : memref<13x128xi32, #tpu.memory_space<vmem>> -> memref<1x128xi32, #tpu.memory_space<vmem>>
      %dma_wait3A_398 = tpu.memref_squeeze %dma_wait3A_397 : memref<1x128xi32, #tpu.memory_space<vmem>> -> memref<128xi32, #tpu.memory_space<vmem>>
      %dma_wait3A_399 = arith.constant 0 : i32
      %dma_wait3A_400 = arith.constant 0 : i32
      %dma_wait3A_401 = tpu.memref_slice %arg10[%dma_wait3A_399, %dma_wait3A_400] : memref<10240x8xf32, #tpu.memory_space<vmem_shared>> -> memref<10240x8xf32, #tpu.memory_space<vmem_shared>>
      tpu.wait_indirect_dma semaphore(%arg12 : memref<!tpu.dma_semaphore, #tpu.memory_space<semaphore_mem>>) src(%dma_wait3A_401 : memref<10240x8xf32, #tpu.memory_space<vmem_shared>>) dst(%dma_wait3A_395 : memref<128x8xf32, #tpu.memory_space<vmem>>)
      %dma_start3A_402 = arith.constant 9 : i32
      %dma_start3A_403 = arith.constant 9 : i32
      %dma_start3A_404 = arith.constant 0 : i32
      %dma_start3A_405 = arith.constant 0 : i32
      %dma_start3A_406 = tpu.memref_slice %arg9[%dma_start3A_402, %dma_start3A_404, %dma_start3A_405] : memref<13x128x8xf32, #tpu.memory_space<vmem>> -> memref<1x128x8xf32, #tpu.memory_space<vmem>>
      %dma_start3A_407 = tpu.memref_squeeze %dma_start3A_406 : memref<1x128x8xf32, #tpu.memory_space<vmem>> -> memref<128x8xf32, #tpu.memory_space<vmem>>
      %dma_start3A_408 = arith.constant 0 : i32
      %dma_start3A_409 = tpu.memref_slice %arg8[%dma_start3A_403, %dma_start3A_408] : memref<13x128xi32, #tpu.memory_space<vmem>> -> memref<1x128xi32, #tpu.memory_space<vmem>>
      %dma_start3A_410 = tpu.memref_squeeze %dma_start3A_409 : memref<1x128xi32, #tpu.memory_space<vmem>> -> memref<128xi32, #tpu.memory_space<vmem>>
      %dma_start3A_411 = arith.constant 0 : i32
      %dma_start3A_412 = arith.constant 0 : i32
      %dma_start3A_413 = tpu.memref_slice %arg11[%dma_start3A_411, %dma_start3A_412] : memref<10240x8xf32, #tpu.memory_space<vmem_shared>> -> memref<10240x8xf32, #tpu.memory_space<vmem_shared>>
      tpu.enqueue_indirect_dma source(%dma_start3A_407 : memref<128x8xf32, #tpu.memory_space<vmem>>) target(%dma_start3A_413 : memref<10240x8xf32, #tpu.memory_space<vmem_shared>>) offsets(%dma_start3A_410 : memref<128xi32, #tpu.memory_space<vmem>>) semaphore(%arg13 : memref<!tpu.dma_semaphore, #tpu.memory_space<semaphore_mem>>) {add = true}
      %dma_wait3A_414 = arith.constant 10 : i32
      %dma_wait3A_415 = arith.constant 10 : i32
      %dma_wait3A_416 = arith.constant 0 : i32
      %dma_wait3A_417 = arith.constant 0 : i32
      %dma_wait3A_418 = tpu.memref_slice %arg9[%dma_wait3A_415, %dma_wait3A_416, %dma_wait3A_417] : memref<13x128x8xf32, #tpu.memory_space<vmem>> -> memref<1x128x8xf32, #tpu.memory_space<vmem>>
      %dma_wait3A_419 = tpu.memref_squeeze %dma_wait3A_418 : memref<1x128x8xf32, #tpu.memory_space<vmem>> -> memref<128x8xf32, #tpu.memory_space<vmem>>
      %dma_wait3A_420 = arith.constant 0 : i32
      %dma_wait3A_421 = tpu.memref_slice %arg7[%dma_wait3A_414, %dma_wait3A_420] : memref<13x128xi32, #tpu.memory_space<vmem>> -> memref<1x128xi32, #tpu.memory_space<vmem>>
      %dma_wait3A_422 = tpu.memref_squeeze %dma_wait3A_421 : memref<1x128xi32, #tpu.memory_space<vmem>> -> memref<128xi32, #tpu.memory_space<vmem>>
      %dma_wait3A_423 = arith.constant 0 : i32
      %dma_wait3A_424 = arith.constant 0 : i32
      %dma_wait3A_425 = tpu.memref_slice %arg10[%dma_wait3A_423, %dma_wait3A_424] : memref<10240x8xf32, #tpu.memory_space<vmem_shared>> -> memref<10240x8xf32, #tpu.memory_space<vmem_shared>>
      tpu.wait_indirect_dma semaphore(%arg12 : memref<!tpu.dma_semaphore, #tpu.memory_space<semaphore_mem>>) src(%dma_wait3A_425 : memref<10240x8xf32, #tpu.memory_space<vmem_shared>>) dst(%dma_wait3A_419 : memref<128x8xf32, #tpu.memory_space<vmem>>)
      %dma_start3A_426 = arith.constant 10 : i32
      %dma_start3A_427 = arith.constant 10 : i32
      %dma_start3A_428 = arith.constant 0 : i32
      %dma_start3A_429 = arith.constant 0 : i32
      %dma_start3A_430 = tpu.memref_slice %arg9[%dma_start3A_426, %dma_start3A_428, %dma_start3A_429] : memref<13x128x8xf32, #tpu.memory_space<vmem>> -> memref<1x128x8xf32, #tpu.memory_space<vmem>>
      %dma_start3A_431 = tpu.memref_squeeze %dma_start3A_430 : memref<1x128x8xf32, #tpu.memory_space<vmem>> -> memref<128x8xf32, #tpu.memory_space<vmem>>
      %dma_start3A_432 = arith.constant 0 : i32
      %dma_start3A_433 = tpu.memref_slice %arg8[%dma_start3A_427, %dma_start3A_432] : memref<13x128xi32, #tpu.memory_space<vmem>> -> memref<1x128xi32, #tpu.memory_space<vmem>>
      %dma_start3A_434 = tpu.memref_squeeze %dma_start3A_433 : memref<1x128xi32, #tpu.memory_space<vmem>> -> memref<128xi32, #tpu.memory_space<vmem>>
      %dma_start3A_435 = arith.constant 0 : i32
      %dma_start3A_436 = arith.constant 0 : i32
      %dma_start3A_437 = tpu.memref_slice %arg11[%dma_start3A_435, %dma_start3A_436] : memref<10240x8xf32, #tpu.memory_space<vmem_shared>> -> memref<10240x8xf32, #tpu.memory_space<vmem_shared>>
      tpu.enqueue_indirect_dma source(%dma_start3A_431 : memref<128x8xf32, #tpu.memory_space<vmem>>) target(%dma_start3A_437 : memref<10240x8xf32, #tpu.memory_space<vmem_shared>>) offsets(%dma_start3A_434 : memref<128xi32, #tpu.memory_space<vmem>>) semaphore(%arg13 : memref<!tpu.dma_semaphore, #tpu.memory_space<semaphore_mem>>) {add = true}
      %dma_wait3A_438 = arith.constant 11 : i32
      %dma_wait3A_439 = arith.constant 11 : i32
      %dma_wait3A_440 = arith.constant 0 : i32
      %dma_wait3A_441 = arith.constant 0 : i32
      %dma_wait3A_442 = tpu.memref_slice %arg9[%dma_wait3A_439, %dma_wait3A_440, %dma_wait3A_441] : memref<13x128x8xf32, #tpu.memory_space<vmem>> -> memref<1x128x8xf32, #tpu.memory_space<vmem>>
      %dma_wait3A_443 = tpu.memref_squeeze %dma_wait3A_442 : memref<1x128x8xf32, #tpu.memory_space<vmem>> -> memref<128x8xf32, #tpu.memory_space<vmem>>
      %dma_wait3A_444 = arith.constant 0 : i32
      %dma_wait3A_445 = tpu.memref_slice %arg7[%dma_wait3A_438, %dma_wait3A_444] : memref<13x128xi32, #tpu.memory_space<vmem>> -> memref<1x128xi32, #tpu.memory_space<vmem>>
      %dma_wait3A_446 = tpu.memref_squeeze %dma_wait3A_445 : memref<1x128xi32, #tpu.memory_space<vmem>> -> memref<128xi32, #tpu.memory_space<vmem>>
      %dma_wait3A_447 = arith.constant 0 : i32
      %dma_wait3A_448 = arith.constant 0 : i32
      %dma_wait3A_449 = tpu.memref_slice %arg10[%dma_wait3A_447, %dma_wait3A_448] : memref<10240x8xf32, #tpu.memory_space<vmem_shared>> -> memref<10240x8xf32, #tpu.memory_space<vmem_shared>>
      tpu.wait_indirect_dma semaphore(%arg12 : memref<!tpu.dma_semaphore, #tpu.memory_space<semaphore_mem>>) src(%dma_wait3A_449 : memref<10240x8xf32, #tpu.memory_space<vmem_shared>>) dst(%dma_wait3A_443 : memref<128x8xf32, #tpu.memory_space<vmem>>)
      %dma_start3A_450 = arith.constant 11 : i32
      %dma_start3A_451 = arith.constant 11 : i32
      %dma_start3A_452 = arith.constant 0 : i32
      %dma_start3A_453 = arith.constant 0 : i32
      %dma_start3A_454 = tpu.memref_slice %arg9[%dma_start3A_450, %dma_start3A_452, %dma_start3A_453] : memref<13x128x8xf32, #tpu.memory_space<vmem>> -> memref<1x128x8xf32, #tpu.memory_space<vmem>>
      %dma_start3A_455 = tpu.memref_squeeze %dma_start3A_454 : memref<1x128x8xf32, #tpu.memory_space<vmem>> -> memref<128x8xf32, #tpu.memory_space<vmem>>
      %dma_start3A_456 = arith.constant 0 : i32
      %dma_start3A_457 = tpu.memref_slice %arg8[%dma_start3A_451, %dma_start3A_456] : memref<13x128xi32, #tpu.memory_space<vmem>> -> memref<1x128xi32, #tpu.memory_space<vmem>>
      %dma_start3A_458 = tpu.memref_squeeze %dma_start3A_457 : memref<1x128xi32, #tpu.memory_space<vmem>> -> memref<128xi32, #tpu.memory_space<vmem>>
      %dma_start3A_459 = arith.constant 0 : i32
      %dma_start3A_460 = arith.constant 0 : i32
      %dma_start3A_461 = tpu.memref_slice %arg11[%dma_start3A_459, %dma_start3A_460] : memref<10240x8xf32, #tpu.memory_space<vmem_shared>> -> memref<10240x8xf32, #tpu.memory_space<vmem_shared>>
      tpu.enqueue_indirect_dma source(%dma_start3A_455 : memref<128x8xf32, #tpu.memory_space<vmem>>) target(%dma_start3A_461 : memref<10240x8xf32, #tpu.memory_space<vmem_shared>>) offsets(%dma_start3A_458 : memref<128xi32, #tpu.memory_space<vmem>>) semaphore(%arg13 : memref<!tpu.dma_semaphore, #tpu.memory_space<semaphore_mem>>) {add = true}
      %dma_wait3A_462 = arith.constant 12 : i32
      %dma_wait3A_463 = arith.constant 12 : i32
      %dma_wait3A_464 = arith.constant 0 : i32
      %dma_wait3A_465 = arith.constant 0 : i32
      %dma_wait3A_466 = tpu.memref_slice %arg9[%dma_wait3A_463, %dma_wait3A_464, %dma_wait3A_465] : memref<13x128x8xf32, #tpu.memory_space<vmem>> -> memref<1x128x8xf32, #tpu.memory_space<vmem>>
      %dma_wait3A_467 = tpu.memref_squeeze %dma_wait3A_466 : memref<1x128x8xf32, #tpu.memory_space<vmem>> -> memref<128x8xf32, #tpu.memory_space<vmem>>
      %dma_wait3A_468 = arith.constant 0 : i32
      %dma_wait3A_469 = tpu.memref_slice %arg7[%dma_wait3A_462, %dma_wait3A_468] : memref<13x128xi32, #tpu.memory_space<vmem>> -> memref<1x128xi32, #tpu.memory_space<vmem>>
      %dma_wait3A_470 = tpu.memref_squeeze %dma_wait3A_469 : memref<1x128xi32, #tpu.memory_space<vmem>> -> memref<128xi32, #tpu.memory_space<vmem>>
      %dma_wait3A_471 = arith.constant 0 : i32
      %dma_wait3A_472 = arith.constant 0 : i32
      %dma_wait3A_473 = tpu.memref_slice %arg10[%dma_wait3A_471, %dma_wait3A_472] : memref<10240x8xf32, #tpu.memory_space<vmem_shared>> -> memref<10240x8xf32, #tpu.memory_space<vmem_shared>>
      tpu.wait_indirect_dma semaphore(%arg12 : memref<!tpu.dma_semaphore, #tpu.memory_space<semaphore_mem>>) src(%dma_wait3A_473 : memref<10240x8xf32, #tpu.memory_space<vmem_shared>>) dst(%dma_wait3A_467 : memref<128x8xf32, #tpu.memory_space<vmem>>)
      %dma_start3A_474 = arith.constant 12 : i32
      %dma_start3A_475 = arith.constant 12 : i32
      %dma_start3A_476 = arith.constant 0 : i32
      %dma_start3A_477 = arith.constant 0 : i32
      %dma_start3A_478 = tpu.memref_slice %arg9[%dma_start3A_474, %dma_start3A_476, %dma_start3A_477] : memref<13x128x8xf32, #tpu.memory_space<vmem>> -> memref<1x128x8xf32, #tpu.memory_space<vmem>>
      %dma_start3A_479 = tpu.memref_squeeze %dma_start3A_478 : memref<1x128x8xf32, #tpu.memory_space<vmem>> -> memref<128x8xf32, #tpu.memory_space<vmem>>
      %dma_start3A_480 = arith.constant 0 : i32
      %dma_start3A_481 = tpu.memref_slice %arg8[%dma_start3A_475, %dma_start3A_480] : memref<13x128xi32, #tpu.memory_space<vmem>> -> memref<1x128xi32, #tpu.memory_space<vmem>>
      %dma_start3A_482 = tpu.memref_squeeze %dma_start3A_481 : memref<1x128xi32, #tpu.memory_space<vmem>> -> memref<128xi32, #tpu.memory_space<vmem>>
      %dma_start3A_483 = arith.constant 0 : i32
      %dma_start3A_484 = arith.constant 0 : i32
      %dma_start3A_485 = tpu.memref_slice %arg11[%dma_start3A_483, %dma_start3A_484] : memref<10240x8xf32, #tpu.memory_space<vmem_shared>> -> memref<10240x8xf32, #tpu.memory_space<vmem_shared>>
      tpu.enqueue_indirect_dma source(%dma_start3A_479 : memref<128x8xf32, #tpu.memory_space<vmem>>) target(%dma_start3A_485 : memref<10240x8xf32, #tpu.memory_space<vmem_shared>>) offsets(%dma_start3A_482 : memref<128xi32, #tpu.memory_space<vmem>>) semaphore(%arg13 : memref<!tpu.dma_semaphore, #tpu.memory_space<semaphore_mem>>) {add = true}
      %dma_wait3A_486 = arith.constant 0 : i32
      %dma_wait3A_487 = arith.constant 0 : i32
      %dma_wait3A_488 = arith.constant 0 : i32
      %dma_wait3A_489 = arith.constant 0 : i32
      %dma_wait3A_490 = tpu.memref_slice %arg9[%dma_wait3A_486, %dma_wait3A_488, %dma_wait3A_489] : memref<13x128x8xf32, #tpu.memory_space<vmem>> -> memref<1x128x8xf32, #tpu.memory_space<vmem>>
      %dma_wait3A_491 = tpu.memref_squeeze %dma_wait3A_490 : memref<1x128x8xf32, #tpu.memory_space<vmem>> -> memref<128x8xf32, #tpu.memory_space<vmem>>
      %dma_wait3A_492 = arith.constant 0 : i32
      %dma_wait3A_493 = tpu.memref_slice %arg8[%dma_wait3A_487, %dma_wait3A_492] : memref<13x128xi32, #tpu.memory_space<vmem>> -> memref<1x128xi32, #tpu.memory_space<vmem>>
      %dma_wait3A_494 = tpu.memref_squeeze %dma_wait3A_493 : memref<1x128xi32, #tpu.memory_space<vmem>> -> memref<128xi32, #tpu.memory_space<vmem>>
      %dma_wait3A_495 = arith.constant 0 : i32
      %dma_wait3A_496 = arith.constant 0 : i32
      %dma_wait3A_497 = tpu.memref_slice %arg11[%dma_wait3A_495, %dma_wait3A_496] : memref<10240x8xf32, #tpu.memory_space<vmem_shared>> -> memref<10240x8xf32, #tpu.memory_space<vmem_shared>>
      tpu.wait_indirect_dma semaphore(%arg13 : memref<!tpu.dma_semaphore, #tpu.memory_space<semaphore_mem>>) src(%dma_wait3A_491 : memref<128x8xf32, #tpu.memory_space<vmem>>) dst(%dma_wait3A_497 : memref<10240x8xf32, #tpu.memory_space<vmem_shared>>)
      %dma_wait3A_498 = arith.constant 1 : i32
      %dma_wait3A_499 = arith.constant 1 : i32
      %dma_wait3A_500 = arith.constant 0 : i32
      %dma_wait3A_501 = arith.constant 0 : i32
      %dma_wait3A_502 = tpu.memref_slice %arg9[%dma_wait3A_498, %dma_wait3A_500, %dma_wait3A_501] : memref<13x128x8xf32, #tpu.memory_space<vmem>> -> memref<1x128x8xf32, #tpu.memory_space<vmem>>
      %dma_wait3A_503 = tpu.memref_squeeze %dma_wait3A_502 : memref<1x128x8xf32, #tpu.memory_space<vmem>> -> memref<128x8xf32, #tpu.memory_space<vmem>>
      %dma_wait3A_504 = arith.constant 0 : i32
      %dma_wait3A_505 = tpu.memref_slice %arg8[%dma_wait3A_499, %dma_wait3A_504] : memref<13x128xi32, #tpu.memory_space<vmem>> -> memref<1x128xi32, #tpu.memory_space<vmem>>
      %dma_wait3A_506 = tpu.memref_squeeze %dma_wait3A_505 : memref<1x128xi32, #tpu.memory_space<vmem>> -> memref<128xi32, #tpu.memory_space<vmem>>
      %dma_wait3A_507 = arith.constant 0 : i32
      %dma_wait3A_508 = arith.constant 0 : i32
      %dma_wait3A_509 = tpu.memref_slice %arg11[%dma_wait3A_507, %dma_wait3A_508] : memref<10240x8xf32, #tpu.memory_space<vmem_shared>> -> memref<10240x8xf32, #tpu.memory_space<vmem_shared>>
      tpu.wait_indirect_dma semaphore(%arg13 : memref<!tpu.dma_semaphore, #tpu.memory_space<semaphore_mem>>) src(%dma_wait3A_503 : memref<128x8xf32, #tpu.memory_space<vmem>>) dst(%dma_wait3A_509 : memref<10240x8xf32, #tpu.memory_space<vmem_shared>>)
      %dma_wait3A_510 = arith.constant 2 : i32
      %dma_wait3A_511 = arith.constant 2 : i32
      %dma_wait3A_512 = arith.constant 0 : i32
      %dma_wait3A_513 = arith.constant 0 : i32
      %dma_wait3A_514 = tpu.memref_slice %arg9[%dma_wait3A_510, %dma_wait3A_512, %dma_wait3A_513] : memref<13x128x8xf32, #tpu.memory_space<vmem>> -> memref<1x128x8xf32, #tpu.memory_space<vmem>>
      %dma_wait3A_515 = tpu.memref_squeeze %dma_wait3A_514 : memref<1x128x8xf32, #tpu.memory_space<vmem>> -> memref<128x8xf32, #tpu.memory_space<vmem>>
      %dma_wait3A_516 = arith.constant 0 : i32
      %dma_wait3A_517 = tpu.memref_slice %arg8[%dma_wait3A_511, %dma_wait3A_516] : memref<13x128xi32, #tpu.memory_space<vmem>> -> memref<1x128xi32, #tpu.memory_space<vmem>>
      %dma_wait3A_518 = tpu.memref_squeeze %dma_wait3A_517 : memref<1x128xi32, #tpu.memory_space<vmem>> -> memref<128xi32, #tpu.memory_space<vmem>>
      %dma_wait3A_519 = arith.constant 0 : i32
      %dma_wait3A_520 = arith.constant 0 : i32
      %dma_wait3A_521 = tpu.memref_slice %arg11[%dma_wait3A_519, %dma_wait3A_520] : memref<10240x8xf32, #tpu.memory_space<vmem_shared>> -> memref<10240x8xf32, #tpu.memory_space<vmem_shared>>
      tpu.wait_indirect_dma semaphore(%arg13 : memref<!tpu.dma_semaphore, #tpu.memory_space<semaphore_mem>>) src(%dma_wait3A_515 : memref<128x8xf32, #tpu.memory_space<vmem>>) dst(%dma_wait3A_521 : memref<10240x8xf32, #tpu.memory_space<vmem_shared>>)
      %dma_wait3A_522 = arith.constant 3 : i32
      %dma_wait3A_523 = arith.constant 3 : i32
      %dma_wait3A_524 = arith.constant 0 : i32
      %dma_wait3A_525 = arith.constant 0 : i32
      %dma_wait3A_526 = tpu.memref_slice %arg9[%dma_wait3A_522, %dma_wait3A_524, %dma_wait3A_525] : memref<13x128x8xf32, #tpu.memory_space<vmem>> -> memref<1x128x8xf32, #tpu.memory_space<vmem>>
      %dma_wait3A_527 = tpu.memref_squeeze %dma_wait3A_526 : memref<1x128x8xf32, #tpu.memory_space<vmem>> -> memref<128x8xf32, #tpu.memory_space<vmem>>
      %dma_wait3A_528 = arith.constant 0 : i32
      %dma_wait3A_529 = tpu.memref_slice %arg8[%dma_wait3A_523, %dma_wait3A_528] : memref<13x128xi32, #tpu.memory_space<vmem>> -> memref<1x128xi32, #tpu.memory_space<vmem>>
      %dma_wait3A_530 = tpu.memref_squeeze %dma_wait3A_529 : memref<1x128xi32, #tpu.memory_space<vmem>> -> memref<128xi32, #tpu.memory_space<vmem>>
      %dma_wait3A_531 = arith.constant 0 : i32
      %dma_wait3A_532 = arith.constant 0 : i32
      %dma_wait3A_533 = tpu.memref_slice %arg11[%dma_wait3A_531, %dma_wait3A_532] : memref<10240x8xf32, #tpu.memory_space<vmem_shared>> -> memref<10240x8xf32, #tpu.memory_space<vmem_shared>>
      tpu.wait_indirect_dma semaphore(%arg13 : memref<!tpu.dma_semaphore, #tpu.memory_space<semaphore_mem>>) src(%dma_wait3A_527 : memref<128x8xf32, #tpu.memory_space<vmem>>) dst(%dma_wait3A_533 : memref<10240x8xf32, #tpu.memory_space<vmem_shared>>)
      %dma_wait3A_534 = arith.constant 4 : i32
      %dma_wait3A_535 = arith.constant 4 : i32
      %dma_wait3A_536 = arith.constant 0 : i32
      %dma_wait3A_537 = arith.constant 0 : i32
      %dma_wait3A_538 = tpu.memref_slice %arg9[%dma_wait3A_534, %dma_wait3A_536, %dma_wait3A_537] : memref<13x128x8xf32, #tpu.memory_space<vmem>> -> memref<1x128x8xf32, #tpu.memory_space<vmem>>
      %dma_wait3A_539 = tpu.memref_squeeze %dma_wait3A_538 : memref<1x128x8xf32, #tpu.memory_space<vmem>> -> memref<128x8xf32, #tpu.memory_space<vmem>>
      %dma_wait3A_540 = arith.constant 0 : i32
      %dma_wait3A_541 = tpu.memref_slice %arg8[%dma_wait3A_535, %dma_wait3A_540] : memref<13x128xi32, #tpu.memory_space<vmem>> -> memref<1x128xi32, #tpu.memory_space<vmem>>
      %dma_wait3A_542 = tpu.memref_squeeze %dma_wait3A_541 : memref<1x128xi32, #tpu.memory_space<vmem>> -> memref<128xi32, #tpu.memory_space<vmem>>
      %dma_wait3A_543 = arith.constant 0 : i32
      %dma_wait3A_544 = arith.constant 0 : i32
      %dma_wait3A_545 = tpu.memref_slice %arg11[%dma_wait3A_543, %dma_wait3A_544] : memref<10240x8xf32, #tpu.memory_space<vmem_shared>> -> memref<10240x8xf32, #tpu.memory_space<vmem_shared>>
      tpu.wait_indirect_dma semaphore(%arg13 : memref<!tpu.dma_semaphore, #tpu.memory_space<semaphore_mem>>) src(%dma_wait3A_539 : memref<128x8xf32, #tpu.memory_space<vmem>>) dst(%dma_wait3A_545 : memref<10240x8xf32, #tpu.memory_space<vmem_shared>>)
      %dma_wait3A_546 = arith.constant 5 : i32
      %dma_wait3A_547 = arith.constant 5 : i32
      %dma_wait3A_548 = arith.constant 0 : i32
      %dma_wait3A_549 = arith.constant 0 : i32
      %dma_wait3A_550 = tpu.memref_slice %arg9[%dma_wait3A_546, %dma_wait3A_548, %dma_wait3A_549] : memref<13x128x8xf32, #tpu.memory_space<vmem>> -> memref<1x128x8xf32, #tpu.memory_space<vmem>>
      %dma_wait3A_551 = tpu.memref_squeeze %dma_wait3A_550 : memref<1x128x8xf32, #tpu.memory_space<vmem>> -> memref<128x8xf32, #tpu.memory_space<vmem>>
      %dma_wait3A_552 = arith.constant 0 : i32
      %dma_wait3A_553 = tpu.memref_slice %arg8[%dma_wait3A_547, %dma_wait3A_552] : memref<13x128xi32, #tpu.memory_space<vmem>> -> memref<1x128xi32, #tpu.memory_space<vmem>>
      %dma_wait3A_554 = tpu.memref_squeeze %dma_wait3A_553 : memref<1x128xi32, #tpu.memory_space<vmem>> -> memref<128xi32, #tpu.memory_space<vmem>>
      %dma_wait3A_555 = arith.constant 0 : i32
      %dma_wait3A_556 = arith.constant 0 : i32
      %dma_wait3A_557 = tpu.memref_slice %arg11[%dma_wait3A_555, %dma_wait3A_556] : memref<10240x8xf32, #tpu.memory_space<vmem_shared>> -> memref<10240x8xf32, #tpu.memory_space<vmem_shared>>
      tpu.wait_indirect_dma semaphore(%arg13 : memref<!tpu.dma_semaphore, #tpu.memory_space<semaphore_mem>>) src(%dma_wait3A_551 : memref<128x8xf32, #tpu.memory_space<vmem>>) dst(%dma_wait3A_557 : memref<10240x8xf32, #tpu.memory_space<vmem_shared>>)
      %dma_wait3A_558 = arith.constant 6 : i32
      %dma_wait3A_559 = arith.constant 6 : i32
      %dma_wait3A_560 = arith.constant 0 : i32
      %dma_wait3A_561 = arith.constant 0 : i32
      %dma_wait3A_562 = tpu.memref_slice %arg9[%dma_wait3A_558, %dma_wait3A_560, %dma_wait3A_561] : memref<13x128x8xf32, #tpu.memory_space<vmem>> -> memref<1x128x8xf32, #tpu.memory_space<vmem>>
      %dma_wait3A_563 = tpu.memref_squeeze %dma_wait3A_562 : memref<1x128x8xf32, #tpu.memory_space<vmem>> -> memref<128x8xf32, #tpu.memory_space<vmem>>
      %dma_wait3A_564 = arith.constant 0 : i32
      %dma_wait3A_565 = tpu.memref_slice %arg8[%dma_wait3A_559, %dma_wait3A_564] : memref<13x128xi32, #tpu.memory_space<vmem>> -> memref<1x128xi32, #tpu.memory_space<vmem>>
      %dma_wait3A_566 = tpu.memref_squeeze %dma_wait3A_565 : memref<1x128xi32, #tpu.memory_space<vmem>> -> memref<128xi32, #tpu.memory_space<vmem>>
      %dma_wait3A_567 = arith.constant 0 : i32
      %dma_wait3A_568 = arith.constant 0 : i32
      %dma_wait3A_569 = tpu.memref_slice %arg11[%dma_wait3A_567, %dma_wait3A_568] : memref<10240x8xf32, #tpu.memory_space<vmem_shared>> -> memref<10240x8xf32, #tpu.memory_space<vmem_shared>>
      tpu.wait_indirect_dma semaphore(%arg13 : memref<!tpu.dma_semaphore, #tpu.memory_space<semaphore_mem>>) src(%dma_wait3A_563 : memref<128x8xf32, #tpu.memory_space<vmem>>) dst(%dma_wait3A_569 : memref<10240x8xf32, #tpu.memory_space<vmem_shared>>)
      %dma_wait3A_570 = arith.constant 7 : i32
      %dma_wait3A_571 = arith.constant 7 : i32
      %dma_wait3A_572 = arith.constant 0 : i32
      %dma_wait3A_573 = arith.constant 0 : i32
      %dma_wait3A_574 = tpu.memref_slice %arg9[%dma_wait3A_570, %dma_wait3A_572, %dma_wait3A_573] : memref<13x128x8xf32, #tpu.memory_space<vmem>> -> memref<1x128x8xf32, #tpu.memory_space<vmem>>
      %dma_wait3A_575 = tpu.memref_squeeze %dma_wait3A_574 : memref<1x128x8xf32, #tpu.memory_space<vmem>> -> memref<128x8xf32, #tpu.memory_space<vmem>>
      %dma_wait3A_576 = arith.constant 0 : i32
      %dma_wait3A_577 = tpu.memref_slice %arg8[%dma_wait3A_571, %dma_wait3A_576] : memref<13x128xi32, #tpu.memory_space<vmem>> -> memref<1x128xi32, #tpu.memory_space<vmem>>
      %dma_wait3A_578 = tpu.memref_squeeze %dma_wait3A_577 : memref<1x128xi32, #tpu.memory_space<vmem>> -> memref<128xi32, #tpu.memory_space<vmem>>
      %dma_wait3A_579 = arith.constant 0 : i32
      %dma_wait3A_580 = arith.constant 0 : i32
      %dma_wait3A_581 = tpu.memref_slice %arg11[%dma_wait3A_579, %dma_wait3A_580] : memref<10240x8xf32, #tpu.memory_space<vmem_shared>> -> memref<10240x8xf32, #tpu.memory_space<vmem_shared>>
      tpu.wait_indirect_dma semaphore(%arg13 : memref<!tpu.dma_semaphore, #tpu.memory_space<semaphore_mem>>) src(%dma_wait3A_575 : memref<128x8xf32, #tpu.memory_space<vmem>>) dst(%dma_wait3A_581 : memref<10240x8xf32, #tpu.memory_space<vmem_shared>>)
      %dma_wait3A_582 = arith.constant 8 : i32
      %dma_wait3A_583 = arith.constant 8 : i32
      %dma_wait3A_584 = arith.constant 0 : i32
      %dma_wait3A_585 = arith.constant 0 : i32
      %dma_wait3A_586 = tpu.memref_slice %arg9[%dma_wait3A_582, %dma_wait3A_584, %dma_wait3A_585] : memref<13x128x8xf32, #tpu.memory_space<vmem>> -> memref<1x128x8xf32, #tpu.memory_space<vmem>>
      %dma_wait3A_587 = tpu.memref_squeeze %dma_wait3A_586 : memref<1x128x8xf32, #tpu.memory_space<vmem>> -> memref<128x8xf32, #tpu.memory_space<vmem>>
      %dma_wait3A_588 = arith.constant 0 : i32
      %dma_wait3A_589 = tpu.memref_slice %arg8[%dma_wait3A_583, %dma_wait3A_588] : memref<13x128xi32, #tpu.memory_space<vmem>> -> memref<1x128xi32, #tpu.memory_space<vmem>>
      %dma_wait3A_590 = tpu.memref_squeeze %dma_wait3A_589 : memref<1x128xi32, #tpu.memory_space<vmem>> -> memref<128xi32, #tpu.memory_space<vmem>>
      %dma_wait3A_591 = arith.constant 0 : i32
      %dma_wait3A_592 = arith.constant 0 : i32
      %dma_wait3A_593 = tpu.memref_slice %arg11[%dma_wait3A_591, %dma_wait3A_592] : memref<10240x8xf32, #tpu.memory_space<vmem_shared>> -> memref<10240x8xf32, #tpu.memory_space<vmem_shared>>
      tpu.wait_indirect_dma semaphore(%arg13 : memref<!tpu.dma_semaphore, #tpu.memory_space<semaphore_mem>>) src(%dma_wait3A_587 : memref<128x8xf32, #tpu.memory_space<vmem>>) dst(%dma_wait3A_593 : memref<10240x8xf32, #tpu.memory_space<vmem_shared>>)
      %dma_wait3A_594 = arith.constant 9 : i32
      %dma_wait3A_595 = arith.constant 9 : i32
      %dma_wait3A_596 = arith.constant 0 : i32
      %dma_wait3A_597 = arith.constant 0 : i32
      %dma_wait3A_598 = tpu.memref_slice %arg9[%dma_wait3A_594, %dma_wait3A_596, %dma_wait3A_597] : memref<13x128x8xf32, #tpu.memory_space<vmem>> -> memref<1x128x8xf32, #tpu.memory_space<vmem>>
      %dma_wait3A_599 = tpu.memref_squeeze %dma_wait3A_598 : memref<1x128x8xf32, #tpu.memory_space<vmem>> -> memref<128x8xf32, #tpu.memory_space<vmem>>
      %dma_wait3A_600 = arith.constant 0 : i32
      %dma_wait3A_601 = tpu.memref_slice %arg8[%dma_wait3A_595, %dma_wait3A_600] : memref<13x128xi32, #tpu.memory_space<vmem>> -> memref<1x128xi32, #tpu.memory_space<vmem>>
      %dma_wait3A_602 = tpu.memref_squeeze %dma_wait3A_601 : memref<1x128xi32, #tpu.memory_space<vmem>> -> memref<128xi32, #tpu.memory_space<vmem>>
      %dma_wait3A_603 = arith.constant 0 : i32
      %dma_wait3A_604 = arith.constant 0 : i32
      %dma_wait3A_605 = tpu.memref_slice %arg11[%dma_wait3A_603, %dma_wait3A_604] : memref<10240x8xf32, #tpu.memory_space<vmem_shared>> -> memref<10240x8xf32, #tpu.memory_space<vmem_shared>>
      tpu.wait_indirect_dma semaphore(%arg13 : memref<!tpu.dma_semaphore, #tpu.memory_space<semaphore_mem>>) src(%dma_wait3A_599 : memref<128x8xf32, #tpu.memory_space<vmem>>) dst(%dma_wait3A_605 : memref<10240x8xf32, #tpu.memory_space<vmem_shared>>)
      %dma_wait3A_606 = arith.constant 10 : i32
      %dma_wait3A_607 = arith.constant 10 : i32
      %dma_wait3A_608 = arith.constant 0 : i32
      %dma_wait3A_609 = arith.constant 0 : i32
      %dma_wait3A_610 = tpu.memref_slice %arg9[%dma_wait3A_606, %dma_wait3A_608, %dma_wait3A_609] : memref<13x128x8xf32, #tpu.memory_space<vmem>> -> memref<1x128x8xf32, #tpu.memory_space<vmem>>
      %dma_wait3A_611 = tpu.memref_squeeze %dma_wait3A_610 : memref<1x128x8xf32, #tpu.memory_space<vmem>> -> memref<128x8xf32, #tpu.memory_space<vmem>>
      %dma_wait3A_612 = arith.constant 0 : i32
      %dma_wait3A_613 = tpu.memref_slice %arg8[%dma_wait3A_607, %dma_wait3A_612] : memref<13x128xi32, #tpu.memory_space<vmem>> -> memref<1x128xi32, #tpu.memory_space<vmem>>
      %dma_wait3A_614 = tpu.memref_squeeze %dma_wait3A_613 : memref<1x128xi32, #tpu.memory_space<vmem>> -> memref<128xi32, #tpu.memory_space<vmem>>
      %dma_wait3A_615 = arith.constant 0 : i32
      %dma_wait3A_616 = arith.constant 0 : i32
      %dma_wait3A_617 = tpu.memref_slice %arg11[%dma_wait3A_615, %dma_wait3A_616] : memref<10240x8xf32, #tpu.memory_space<vmem_shared>> -> memref<10240x8xf32, #tpu.memory_space<vmem_shared>>
      tpu.wait_indirect_dma semaphore(%arg13 : memref<!tpu.dma_semaphore, #tpu.memory_space<semaphore_mem>>) src(%dma_wait3A_611 : memref<128x8xf32, #tpu.memory_space<vmem>>) dst(%dma_wait3A_617 : memref<10240x8xf32, #tpu.memory_space<vmem_shared>>)
      %dma_wait3A_618 = arith.constant 11 : i32
      %dma_wait3A_619 = arith.constant 11 : i32
      %dma_wait3A_620 = arith.constant 0 : i32
      %dma_wait3A_621 = arith.constant 0 : i32
      %dma_wait3A_622 = tpu.memref_slice %arg9[%dma_wait3A_618, %dma_wait3A_620, %dma_wait3A_621] : memref<13x128x8xf32, #tpu.memory_space<vmem>> -> memref<1x128x8xf32, #tpu.memory_space<vmem>>
      %dma_wait3A_623 = tpu.memref_squeeze %dma_wait3A_622 : memref<1x128x8xf32, #tpu.memory_space<vmem>> -> memref<128x8xf32, #tpu.memory_space<vmem>>
      %dma_wait3A_624 = arith.constant 0 : i32
      %dma_wait3A_625 = tpu.memref_slice %arg8[%dma_wait3A_619, %dma_wait3A_624] : memref<13x128xi32, #tpu.memory_space<vmem>> -> memref<1x128xi32, #tpu.memory_space<vmem>>
      %dma_wait3A_626 = tpu.memref_squeeze %dma_wait3A_625 : memref<1x128xi32, #tpu.memory_space<vmem>> -> memref<128xi32, #tpu.memory_space<vmem>>
      %dma_wait3A_627 = arith.constant 0 : i32
      %dma_wait3A_628 = arith.constant 0 : i32
      %dma_wait3A_629 = tpu.memref_slice %arg11[%dma_wait3A_627, %dma_wait3A_628] : memref<10240x8xf32, #tpu.memory_space<vmem_shared>> -> memref<10240x8xf32, #tpu.memory_space<vmem_shared>>
      tpu.wait_indirect_dma semaphore(%arg13 : memref<!tpu.dma_semaphore, #tpu.memory_space<semaphore_mem>>) src(%dma_wait3A_623 : memref<128x8xf32, #tpu.memory_space<vmem>>) dst(%dma_wait3A_629 : memref<10240x8xf32, #tpu.memory_space<vmem_shared>>)
      %dma_wait3A_630 = arith.constant 12 : i32
      %dma_wait3A_631 = arith.constant 12 : i32
      %dma_wait3A_632 = arith.constant 0 : i32
      %dma_wait3A_633 = arith.constant 0 : i32
      %dma_wait3A_634 = tpu.memref_slice %arg9[%dma_wait3A_630, %dma_wait3A_632, %dma_wait3A_633] : memref<13x128x8xf32, #tpu.memory_space<vmem>> -> memref<1x128x8xf32, #tpu.memory_space<vmem>>
      %dma_wait3A_635 = tpu.memref_squeeze %dma_wait3A_634 : memref<1x128x8xf32, #tpu.memory_space<vmem>> -> memref<128x8xf32, #tpu.memory_space<vmem>>
      %dma_wait3A_636 = arith.constant 0 : i32
      %dma_wait3A_637 = tpu.memref_slice %arg8[%dma_wait3A_631, %dma_wait3A_636] : memref<13x128xi32, #tpu.memory_space<vmem>> -> memref<1x128xi32, #tpu.memory_space<vmem>>
      %dma_wait3A_638 = tpu.memref_squeeze %dma_wait3A_637 : memref<1x128xi32, #tpu.memory_space<vmem>> -> memref<128xi32, #tpu.memory_space<vmem>>
      %dma_wait3A_639 = arith.constant 0 : i32
      %dma_wait3A_640 = arith.constant 0 : i32
      %dma_wait3A_641 = tpu.memref_slice %arg11[%dma_wait3A_639, %dma_wait3A_640] : memref<10240x8xf32, #tpu.memory_space<vmem_shared>> -> memref<10240x8xf32, #tpu.memory_space<vmem_shared>>
      tpu.wait_indirect_dma semaphore(%arg13 : memref<!tpu.dma_semaphore, #tpu.memory_space<semaphore_mem>>) src(%dma_wait3A_635 : memref<128x8xf32, #tpu.memory_space<vmem>>) dst(%dma_wait3A_641 : memref<10240x8xf32, #tpu.memory_space<vmem_shared>>)
    }
    %scan3A_9 = arith.constant 6 : i32
    %lt3A = arith.constant 4 : i32
    %lt3A_10 = arith.cmpi slt, %add3A, %lt3A : i32
    %convert_element_type3A = arith.extui %lt3A_10 : i1 to i32
    %cond3A = arith.constant 0 : i32
    %cond3A_11 = arith.cmpi ne, %convert_element_type3A, %cond3A : i32
    scf.if %cond3A_11 {
      %add3A_13 = arith.constant 2496 : i32
      %add3A_14 = arith.addi %add3A_13, %add3A : i32
      "tpu.region"() ({
        %run_scoped3A = tpu.sem_alloc : memref<!tpu.dma_semaphore, #tpu.memory_space<semaphore_mem>>
        %dma_start3A_63 = arith.constant 0 : i32
        %dma_start3A_64 = arith.constant 0 : i32
        %dma_start3A_65 = tpu.memref_slice %arg7[%dma_start3A_63, %dma_start3A_64] : memref<13x128xi32, #tpu.memory_space<vmem>> -> memref<1x128xi32, #tpu.memory_space<vmem>>
        %dma_start3A_66 = arith.constant 0 : i32
        %dma_start3A_67 = tpu.memref_slice %arg3[%add3A_14, %dma_start3A_66] : memref<2500x128xi32, #tpu.memory_space<hbm>> -> memref<1x128xi32, #tpu.memory_space<hbm>>
        %dma_start3A_68 = arith.constant 0 : i32
        %dma_start3A_69 = arith.constant 0 : i32
        %dma_start3A_70 = tpu.memref_slice %arg7[%dma_start3A_68, %dma_start3A_69] : memref<13x128xi32, #tpu.memory_space<vmem>> -> memref<1x128xi32, #tpu.memory_space<vmem>>
        %dma_start3A_71 = arith.constant 0 : i32
        %dma_start3A_72 = tpu.memref_slice %arg3[%add3A_14, %dma_start3A_71] : memref<2500x128xi32, #tpu.memory_space<hbm>> -> memref<1x128xi32, #tpu.memory_space<hbm>>
        tpu.enqueue_dma source(%dma_start3A_72 : memref<1x128xi32, #tpu.memory_space<hbm>>) target(%dma_start3A_70 : memref<1x128xi32, #tpu.memory_space<vmem>>) target_semaphore(%run_scoped3A : memref<!tpu.dma_semaphore, #tpu.memory_space<semaphore_mem>>)
        %dma_wait3A_73 = arith.constant 0 : i32
        %dma_wait3A_74 = arith.constant 0 : i32
        %dma_wait3A_75 = tpu.memref_slice %arg7[%dma_wait3A_73, %dma_wait3A_74] : memref<13x128xi32, #tpu.memory_space<vmem>> -> memref<1x128xi32, #tpu.memory_space<vmem>>
        %dma_wait3A_76 = arith.constant 0 : i32
        %dma_wait3A_77 = tpu.memref_slice %arg3[%add3A_14, %dma_wait3A_76] : memref<2500x128xi32, #tpu.memory_space<hbm>> -> memref<1x128xi32, #tpu.memory_space<hbm>>
        %dma_wait3A_78 = arith.constant 0 : i32
        %dma_wait3A_79 = arith.constant 0 : i32
        %dma_wait3A_80 = tpu.memref_slice %arg7[%dma_wait3A_78, %dma_wait3A_79] : memref<13x128xi32, #tpu.memory_space<vmem>> -> memref<1x128xi32, #tpu.memory_space<vmem>>
        %dma_wait3A_81 = arith.constant 0 : i32
        %dma_wait3A_82 = tpu.memref_slice %arg3[%add3A_14, %dma_wait3A_81] : memref<2500x128xi32, #tpu.memory_space<hbm>> -> memref<1x128xi32, #tpu.memory_space<hbm>>
        tpu.wait_dma2 semaphore(%run_scoped3A : memref<!tpu.dma_semaphore, #tpu.memory_space<semaphore_mem>>) src(%dma_wait3A_82 : memref<1x128xi32, #tpu.memory_space<hbm>>) dst(%dma_wait3A_80 : memref<1x128xi32, #tpu.memory_space<vmem>>)
        tpu.yield
      }) : () -> ()
      %add3A_15 = arith.constant 2496 : i32
      %add3A_16 = arith.addi %add3A_15, %add3A : i32
      "tpu.region"() ({
        %run_scoped3A = tpu.sem_alloc : memref<!tpu.dma_semaphore, #tpu.memory_space<semaphore_mem>>
        %dma_start3A_63 = arith.constant 0 : i32
        %dma_start3A_64 = arith.constant 0 : i32
        %dma_start3A_65 = tpu.memref_slice %arg8[%dma_start3A_63, %dma_start3A_64] : memref<13x128xi32, #tpu.memory_space<vmem>> -> memref<1x128xi32, #tpu.memory_space<vmem>>
        %dma_start3A_66 = arith.constant 0 : i32
        %dma_start3A_67 = tpu.memref_slice %arg4[%add3A_16, %dma_start3A_66] : memref<2500x128xi32, #tpu.memory_space<hbm>> -> memref<1x128xi32, #tpu.memory_space<hbm>>
        %dma_start3A_68 = arith.constant 0 : i32
        %dma_start3A_69 = arith.constant 0 : i32
        %dma_start3A_70 = tpu.memref_slice %arg8[%dma_start3A_68, %dma_start3A_69] : memref<13x128xi32, #tpu.memory_space<vmem>> -> memref<1x128xi32, #tpu.memory_space<vmem>>
        %dma_start3A_71 = arith.constant 0 : i32
        %dma_start3A_72 = tpu.memref_slice %arg4[%add3A_16, %dma_start3A_71] : memref<2500x128xi32, #tpu.memory_space<hbm>> -> memref<1x128xi32, #tpu.memory_space<hbm>>
        tpu.enqueue_dma source(%dma_start3A_72 : memref<1x128xi32, #tpu.memory_space<hbm>>) target(%dma_start3A_70 : memref<1x128xi32, #tpu.memory_space<vmem>>) target_semaphore(%run_scoped3A : memref<!tpu.dma_semaphore, #tpu.memory_space<semaphore_mem>>)
        %dma_wait3A_73 = arith.constant 0 : i32
        %dma_wait3A_74 = arith.constant 0 : i32
        %dma_wait3A_75 = tpu.memref_slice %arg8[%dma_wait3A_73, %dma_wait3A_74] : memref<13x128xi32, #tpu.memory_space<vmem>> -> memref<1x128xi32, #tpu.memory_space<vmem>>
        %dma_wait3A_76 = arith.constant 0 : i32
        %dma_wait3A_77 = tpu.memref_slice %arg4[%add3A_16, %dma_wait3A_76] : memref<2500x128xi32, #tpu.memory_space<hbm>> -> memref<1x128xi32, #tpu.memory_space<hbm>>
        %dma_wait3A_78 = arith.constant 0 : i32
        %dma_wait3A_79 = arith.constant 0 : i32
        %dma_wait3A_80 = tpu.memref_slice %arg8[%dma_wait3A_78, %dma_wait3A_79] : memref<13x128xi32, #tpu.memory_space<vmem>> -> memref<1x128xi32, #tpu.memory_space<vmem>>
        %dma_wait3A_81 = arith.constant 0 : i32
        %dma_wait3A_82 = tpu.memref_slice %arg4[%add3A_16, %dma_wait3A_81] : memref<2500x128xi32, #tpu.memory_space<hbm>> -> memref<1x128xi32, #tpu.memory_space<hbm>>
        tpu.wait_dma2 semaphore(%run_scoped3A : memref<!tpu.dma_semaphore, #tpu.memory_space<semaphore_mem>>) src(%dma_wait3A_82 : memref<1x128xi32, #tpu.memory_space<hbm>>) dst(%dma_wait3A_80 : memref<1x128xi32, #tpu.memory_space<vmem>>)
        tpu.yield
      }) : () -> ()
      %dma_start3A = arith.constant 0 : i32
      %dma_start3A_17 = arith.constant 0 : i32
      %dma_start3A_18 = arith.constant 0 : i32
      %dma_start3A_19 = arith.constant 0 : i32
      %dma_start3A_20 = tpu.memref_slice %arg9[%dma_start3A_17, %dma_start3A_18, %dma_start3A_19] : memref<13x128x8xf32, #tpu.memory_space<vmem>> -> memref<1x128x8xf32, #tpu.memory_space<vmem>>
      %dma_start3A_21 = tpu.memref_squeeze %dma_start3A_20 : memref<1x128x8xf32, #tpu.memory_space<vmem>> -> memref<128x8xf32, #tpu.memory_space<vmem>>
      %dma_start3A_22 = arith.constant 0 : i32
      %dma_start3A_23 = tpu.memref_slice %arg7[%dma_start3A, %dma_start3A_22] : memref<13x128xi32, #tpu.memory_space<vmem>> -> memref<1x128xi32, #tpu.memory_space<vmem>>
      %dma_start3A_24 = tpu.memref_squeeze %dma_start3A_23 : memref<1x128xi32, #tpu.memory_space<vmem>> -> memref<128xi32, #tpu.memory_space<vmem>>
      %dma_start3A_25 = arith.constant 0 : i32
      %dma_start3A_26 = arith.constant 0 : i32
      %dma_start3A_27 = tpu.memref_slice %arg10[%dma_start3A_25, %dma_start3A_26] : memref<10240x8xf32, #tpu.memory_space<vmem_shared>> -> memref<10240x8xf32, #tpu.memory_space<vmem_shared>>
      tpu.enqueue_indirect_dma source(%dma_start3A_27 : memref<10240x8xf32, #tpu.memory_space<vmem_shared>>) target(%dma_start3A_21 : memref<128x8xf32, #tpu.memory_space<vmem>>) offsets(%dma_start3A_24 : memref<128xi32, #tpu.memory_space<vmem>>) semaphore(%arg12 : memref<!tpu.dma_semaphore, #tpu.memory_space<semaphore_mem>>)
      %dma_wait3A = arith.constant 0 : i32
      %dma_wait3A_28 = arith.constant 0 : i32
      %dma_wait3A_29 = arith.constant 0 : i32
      %dma_wait3A_30 = arith.constant 0 : i32
      %dma_wait3A_31 = tpu.memref_slice %arg9[%dma_wait3A_28, %dma_wait3A_29, %dma_wait3A_30] : memref<13x128x8xf32, #tpu.memory_space<vmem>> -> memref<1x128x8xf32, #tpu.memory_space<vmem>>
      %dma_wait3A_32 = tpu.memref_squeeze %dma_wait3A_31 : memref<1x128x8xf32, #tpu.memory_space<vmem>> -> memref<128x8xf32, #tpu.memory_space<vmem>>
      %dma_wait3A_33 = arith.constant 0 : i32
      %dma_wait3A_34 = tpu.memref_slice %arg7[%dma_wait3A, %dma_wait3A_33] : memref<13x128xi32, #tpu.memory_space<vmem>> -> memref<1x128xi32, #tpu.memory_space<vmem>>
      %dma_wait3A_35 = tpu.memref_squeeze %dma_wait3A_34 : memref<1x128xi32, #tpu.memory_space<vmem>> -> memref<128xi32, #tpu.memory_space<vmem>>
      %dma_wait3A_36 = arith.constant 0 : i32
      %dma_wait3A_37 = arith.constant 0 : i32
      %dma_wait3A_38 = tpu.memref_slice %arg10[%dma_wait3A_36, %dma_wait3A_37] : memref<10240x8xf32, #tpu.memory_space<vmem_shared>> -> memref<10240x8xf32, #tpu.memory_space<vmem_shared>>
      tpu.wait_indirect_dma semaphore(%arg12 : memref<!tpu.dma_semaphore, #tpu.memory_space<semaphore_mem>>) src(%dma_wait3A_38 : memref<10240x8xf32, #tpu.memory_space<vmem_shared>>) dst(%dma_wait3A_32 : memref<128x8xf32, #tpu.memory_space<vmem>>)
      %dma_start3A_39 = arith.constant 0 : i32
      %dma_start3A_40 = arith.constant 0 : i32
      %dma_start3A_41 = arith.constant 0 : i32
      %dma_start3A_42 = arith.constant 0 : i32
      %dma_start3A_43 = tpu.memref_slice %arg9[%dma_start3A_39, %dma_start3A_41, %dma_start3A_42] : memref<13x128x8xf32, #tpu.memory_space<vmem>> -> memref<1x128x8xf32, #tpu.memory_space<vmem>>
      %dma_start3A_44 = tpu.memref_squeeze %dma_start3A_43 : memref<1x128x8xf32, #tpu.memory_space<vmem>> -> memref<128x8xf32, #tpu.memory_space<vmem>>
      %dma_start3A_45 = arith.constant 0 : i32
      %dma_start3A_46 = tpu.memref_slice %arg8[%dma_start3A_40, %dma_start3A_45] : memref<13x128xi32, #tpu.memory_space<vmem>> -> memref<1x128xi32, #tpu.memory_space<vmem>>
      %dma_start3A_47 = tpu.memref_squeeze %dma_start3A_46 : memref<1x128xi32, #tpu.memory_space<vmem>> -> memref<128xi32, #tpu.memory_space<vmem>>
      %dma_start3A_48 = arith.constant 0 : i32
      %dma_start3A_49 = arith.constant 0 : i32
      %dma_start3A_50 = tpu.memref_slice %arg11[%dma_start3A_48, %dma_start3A_49] : memref<10240x8xf32, #tpu.memory_space<vmem_shared>> -> memref<10240x8xf32, #tpu.memory_space<vmem_shared>>
      tpu.enqueue_indirect_dma source(%dma_start3A_44 : memref<128x8xf32, #tpu.memory_space<vmem>>) target(%dma_start3A_50 : memref<10240x8xf32, #tpu.memory_space<vmem_shared>>) offsets(%dma_start3A_47 : memref<128xi32, #tpu.memory_space<vmem>>) semaphore(%arg13 : memref<!tpu.dma_semaphore, #tpu.memory_space<semaphore_mem>>) {add = true}
      %dma_wait3A_51 = arith.constant 0 : i32
      %dma_wait3A_52 = arith.constant 0 : i32
      %dma_wait3A_53 = arith.constant 0 : i32
      %dma_wait3A_54 = arith.constant 0 : i32
      %dma_wait3A_55 = tpu.memref_slice %arg9[%dma_wait3A_51, %dma_wait3A_53, %dma_wait3A_54] : memref<13x128x8xf32, #tpu.memory_space<vmem>> -> memref<1x128x8xf32, #tpu.memory_space<vmem>>
      %dma_wait3A_56 = tpu.memref_squeeze %dma_wait3A_55 : memref<1x128x8xf32, #tpu.memory_space<vmem>> -> memref<128x8xf32, #tpu.memory_space<vmem>>
      %dma_wait3A_57 = arith.constant 0 : i32
      %dma_wait3A_58 = tpu.memref_slice %arg8[%dma_wait3A_52, %dma_wait3A_57] : memref<13x128xi32, #tpu.memory_space<vmem>> -> memref<1x128xi32, #tpu.memory_space<vmem>>
      %dma_wait3A_59 = tpu.memref_squeeze %dma_wait3A_58 : memref<1x128xi32, #tpu.memory_space<vmem>> -> memref<128xi32, #tpu.memory_space<vmem>>
      %dma_wait3A_60 = arith.constant 0 : i32
      %dma_wait3A_61 = arith.constant 0 : i32
      %dma_wait3A_62 = tpu.memref_slice %arg11[%dma_wait3A_60, %dma_wait3A_61] : memref<10240x8xf32, #tpu.memory_space<vmem_shared>> -> memref<10240x8xf32, #tpu.memory_space<vmem_shared>>
      tpu.wait_indirect_dma semaphore(%arg13 : memref<!tpu.dma_semaphore, #tpu.memory_space<semaphore_mem>>) src(%dma_wait3A_56 : memref<128x8xf32, #tpu.memory_space<vmem>>) dst(%dma_wait3A_62 : memref<10240x8xf32, #tpu.memory_space<vmem_shared>>)
    } else {
    }
    %barrier3A_12 = arith.constant 0 : index
    tpu.barrier barrier_id(%barrier3A_12)
    "tpu.region"() ({
      %run_scoped3A = tpu.sem_alloc : memref<!tpu.dma_semaphore, #tpu.memory_space<semaphore_mem>>
      %dma_start3A = arith.constant 0 : i32
      %dma_start3A_13 = tpu.memref_slice %arg6[%arg0, %mul3A_2, %dma_start3A] : memref<2x10240x8xf32, #tpu.memory_space<hbm>> -> memref<1x640x8xf32, #tpu.memory_space<hbm>>
      %dma_start3A_14 = tpu.memref_squeeze %dma_start3A_13 : memref<1x640x8xf32, #tpu.memory_space<hbm>> -> memref<640x8xf32, #tpu.memory_space<hbm>>
      %dma_start3A_15 = arith.constant 0 : i32
      %dma_start3A_16 = tpu.memref_slice %arg11[%mul3A_2, %dma_start3A_15] : memref<10240x8xf32, #tpu.memory_space<vmem_shared>> -> memref<640x8xf32, #tpu.memory_space<vmem_shared>>
      tpu.enqueue_dma source(%dma_start3A_16 : memref<640x8xf32, #tpu.memory_space<vmem_shared>>) target(%dma_start3A_14 : memref<640x8xf32, #tpu.memory_space<hbm>>) target_semaphore(%run_scoped3A : memref<!tpu.dma_semaphore, #tpu.memory_space<semaphore_mem>>)
      %dma_wait3A = arith.constant 0 : i32
      %dma_wait3A_17 = tpu.memref_slice %arg6[%arg0, %mul3A_2, %dma_wait3A] : memref<2x10240x8xf32, #tpu.memory_space<hbm>> -> memref<1x640x8xf32, #tpu.memory_space<hbm>>
      %dma_wait3A_18 = tpu.memref_squeeze %dma_wait3A_17 : memref<1x640x8xf32, #tpu.memory_space<hbm>> -> memref<640x8xf32, #tpu.memory_space<hbm>>
      %dma_wait3A_19 = arith.constant 0 : i32
      %dma_wait3A_20 = tpu.memref_slice %arg11[%mul3A_2, %dma_wait3A_19] : memref<10240x8xf32, #tpu.memory_space<vmem_shared>> -> memref<640x8xf32, #tpu.memory_space<vmem_shared>>
      tpu.wait_dma2 semaphore(%run_scoped3A : memref<!tpu.dma_semaphore, #tpu.memory_space<semaphore_mem>>) src(%dma_wait3A_20 : memref<640x8xf32, #tpu.memory_space<vmem_shared>>) dst(%dma_wait3A_18 : memref<640x8xf32, #tpu.memory_space<hbm>>)
      tpu.yield
    }) : () -> ()
    return
  }
}

module attributes {stable_mosaic.version = 14 : i64} {
  func.func @_mm_body(%arg0: memref<10000x128xf32, #tpu.memory_space<vmem>>, %arg1: memref<128x128xf32, #tpu.memory_space<vmem>>, %arg2: memref<128x8xf32, #tpu.memory_space<vmem>>, %arg3: memref<10000x8xf32, #tpu.memory_space<vmem>>) attributes {dimension_semantics = [], scalar_prefetch = 0 : i64, scratch_operands = 0 : i64, tpu.core_type = #tpu.core_type<tc>} {
    %get3A = arith.constant 0 : index
    %get3A_0 = arith.constant 0 : index
    %get3A_1 = vector.load %arg1[%get3A, %get3A_0] : memref<128x128xf32, #tpu.memory_space<vmem>>, vector<128x128xf32>
    %get3A_2 = arith.constant 0 : index
    %get3A_3 = arith.constant 0 : index
    %get3A_4 = vector.load %arg2[%get3A_2, %get3A_3] : memref<128x8xf32, #tpu.memory_space<vmem>>, vector<128x8xf32>
    %dot_general3A = arith.constant dense<0.000000e+00> : vector<128x8xf32>
    %dot_general3A_5 = tpu.matmul %get3A_1, %get3A_4, %dot_general3A {dimension_numbers = #tpu.dot_dimension_numbers<[1], [0], [0], [1], [0, 0, 1, 1], [], []>, precision = #tpu.contract_precision<fp32>, transpose_lhs_hint = false} : vector<128x128xf32>, vector<128x8xf32>, vector<128x8xf32> -> vector<128x8xf32>
    %get3A_6 = arith.constant 0 : index
    %get3A_7 = arith.constant 0 : index
    %get3A_8 = vector.load %arg0[%get3A_6, %get3A_7] : memref<10000x128xf32, #tpu.memory_space<vmem>>, vector<10000x128xf32>
    %dot_general3A_9 = arith.constant dense<0.000000e+00> : vector<10000x8xf32>
    %dot_general3A_10 = tpu.matmul %get3A_8, %dot_general3A_5, %dot_general3A_9 {dimension_numbers = #tpu.dot_dimension_numbers<[1], [0], [0], [1], [0, 0, 1, 1], [], []>, transpose_lhs_hint = false} : vector<10000x128xf32>, vector<128x8xf32>, vector<10000x8xf32> -> vector<10000x8xf32>
    %iota3A = tpu.iota {dimensions = array<i32: 1>} : vector<10000x8xi32>
    %eq3A = arith.constant 3 : i32
    %eq3A_11 = vector.broadcast %eq3A : i32 to vector<10000x8xi32>
    %eq3A_12 = arith.cmpi eq, %iota3A, %eq3A_11 : vector<10000x8xi32>
    %jit3A = arith.constant 1.000000e+00 : f32
    %broadcast_in_dim3A = vector.broadcast %jit3A : f32 to vector<10000x8xf32>
    %select_n3A = arith.select %eq3A_12, %broadcast_in_dim3A, %dot_general3A_10 : vector<10000x8xi1>, vector<10000x8xf32>
    %swap3A = arith.constant 0 : index
    %swap3A_13 = arith.constant 0 : index
    %swap3A_14 = vector.load %arg3[%swap3A, %swap3A_13] : memref<10000x8xf32, #tpu.memory_space<vmem>>, vector<10000x8xf32>
    tpu.vector_store %arg3[%swap3A, %swap3A_13], %select_n3A {strides = array<i32>} : memref<10000x8xf32, #tpu.memory_space<vmem>>, vector<10000x8xf32>,
    return
  }
}

module attributes {stable_mosaic.version = 14 : i64} {
  func.func @_scale_body(%arg0: memref<625x128xf32, #tpu.memory_space<vmem>>, %arg1: memref<2x640x128xf32, #tpu.memory_space<vmem>>, %arg2: memref<640x128xf32, #tpu.memory_space<vmem>>, %arg3: memref<640x128xf32, #tpu.memory_space<vmem>>) attributes {dimension_semantics = [], scalar_prefetch = 0 : i64, scratch_operands = 0 : i64, tpu.core_type = #tpu.core_type<tc>} {
    %get3A = arith.constant 0 : index
    %get3A_0 = arith.constant 0 : index
    %get3A_1 = arith.constant 0 : index
    %get3A_2 = vector.load %arg1[%get3A, %get3A_0, %get3A_1] : memref<2x640x128xf32, #tpu.memory_space<vmem>>, vector<2x640x128xf32>
    %slice3A = vector.extract_strided_slice %get3A_2 {offsets = [0, 0, 0], sizes = [1, 640, 128], strides = [1, 1, 1]} : vector<2x640x128xf32> to vector<1x640x128xf32>
    %squeeze3A = vector.shape_cast %slice3A : vector<1x640x128xf32> to vector<640x128xf32>
    %slice3A_3 = vector.extract_strided_slice %get3A_2 {offsets = [1, 0, 0], sizes = [1, 640, 128], strides = [1, 1, 1]} : vector<2x640x128xf32> to vector<1x640x128xf32>
    %squeeze3A_4 = vector.shape_cast %slice3A_3 : vector<1x640x128xf32> to vector<640x128xf32>
    %add3A = arith.addf %squeeze3A, %squeeze3A_4 : vector<640x128xf32>
    %add3A_5 = arith.constant 1.000000e+00 : f32
    %add3A_6 = vector.broadcast %add3A_5 : f32 to vector<640x128xf32>
    %add3A_7 = arith.addf %add3A, %add3A_6 : vector<640x128xf32>
    %rsqrt3A = math.rsqrt %add3A_7 : vector<640x128xf32>
    %swap3A = arith.constant 0 : index
    %swap3A_8 = arith.constant 0 : index
    %swap3A_9 = vector.load %arg3[%swap3A, %swap3A_8] : memref<640x128xf32, #tpu.memory_space<vmem>>, vector<640x128xf32>
    tpu.vector_store %arg3[%swap3A, %swap3A_8], %rsqrt3A {strides = array<i32>} : memref<640x128xf32, #tpu.memory_space<vmem>>, vector<640x128xf32>,
    %slice3A_10 = vector.extract_strided_slice %rsqrt3A {offsets = [0, 0], sizes = [625, 128], strides = [1, 1]} : vector<640x128xf32> to vector<625x128xf32>
    %get3A_11 = arith.constant 0 : index
    %get3A_12 = arith.constant 0 : index
    %get3A_13 = vector.load %arg0[%get3A_11, %get3A_12] : memref<625x128xf32, #tpu.memory_space<vmem>>, vector<625x128xf32>
    %mul3A = arith.mulf %slice3A_10, %get3A_13 : vector<625x128xf32>
    %swap3A_14 = arith.constant 0 : index
    %swap3A_15 = arith.constant 0 : index
    %swap3A_16 = vector.load %arg2[%swap3A_14, %swap3A_15] : memref<640x128xf32, #tpu.memory_space<vmem>>, vector<625x128xf32>
    tpu.vector_store %arg2[%swap3A_14, %swap3A_15], %mul3A {strides = array<i32>} : memref<640x128xf32, #tpu.memory_space<vmem>>, vector<625x128xf32>,
    %broadcast_in_dim3A = arith.constant 0.000000e+00 : f32
    %broadcast_in_dim3A_17 = vector.broadcast %broadcast_in_dim3A : f32 to vector<15x128xf32>
    %swap3A_18 = arith.constant 625 : index
    %swap3A_19 = arith.constant 0 : index
    %swap3A_20 = vector.load %arg2[%swap3A_18, %swap3A_19] : memref<640x128xf32, #tpu.memory_space<vmem>>, vector<15x128xf32>
    tpu.vector_store %arg2[%swap3A_18, %swap3A_19], %broadcast_in_dim3A_17 {strides = array<i32>} : memref<640x128xf32, #tpu.memory_space<vmem>>, vector<15x128xf32>,
    return
  }
}

module attributes {stable_mosaic.version = 14 : i64} {
  func.func @_mid2_body(%arg0: memref<640x128xf32, #tpu.memory_space<vmem>>, %arg1: memref<640x128xf32, #tpu.memory_space<vmem>>, %arg2: memref<2x640x128xf32, #tpu.memory_space<vmem>>, %arg3: memref<640x128xf32, #tpu.memory_space<vmem>>) attributes {dimension_semantics = [], scalar_prefetch = 0 : i64, scratch_operands = 0 : i64, tpu.core_type = #tpu.core_type<tc>} {
    %get3A = arith.constant 0 : index
    %get3A_0 = arith.constant 0 : index
    %get3A_1 = arith.constant 0 : index
    %get3A_2 = vector.load %arg2[%get3A, %get3A_0, %get3A_1] : memref<2x640x128xf32, #tpu.memory_space<vmem>>, vector<2x640x128xf32>
    %get3A_3 = arith.constant 0 : index
    %get3A_4 = arith.constant 0 : index
    %get3A_5 = vector.load %arg0[%get3A_3, %get3A_4] : memref<640x128xf32, #tpu.memory_space<vmem>>, vector<640x128xf32>
    %slice3A = vector.extract_strided_slice %get3A_2 {offsets = [0, 0, 0], sizes = [1, 640, 128], strides = [1, 1, 1]} : vector<2x640x128xf32> to vector<1x640x128xf32>
    %squeeze3A = vector.shape_cast %slice3A : vector<1x640x128xf32> to vector<640x128xf32>
    %slice3A_6 = vector.extract_strided_slice %get3A_2 {offsets = [1, 0, 0], sizes = [1, 640, 128], strides = [1, 1, 1]} : vector<2x640x128xf32> to vector<1x640x128xf32>
    %squeeze3A_7 = vector.shape_cast %slice3A_6 : vector<1x640x128xf32> to vector<640x128xf32>
    %add3A = arith.addf %squeeze3A, %squeeze3A_7 : vector<640x128xf32>
    %get3A_8 = arith.constant 0 : index
    %get3A_9 = arith.constant 0 : index
    %get3A_10 = vector.load %arg1[%get3A_8, %get3A_9] : memref<640x128xf32, #tpu.memory_space<vmem>>, vector<640x128xf32>
    %add3A_11 = arith.addf %add3A, %get3A_10 : vector<640x128xf32>
    %mul3A = arith.mulf %get3A_5, %add3A_11 : vector<640x128xf32>
    %mul3A_12 = arith.mulf %get3A_5, %mul3A : vector<640x128xf32>
    %swap3A = arith.constant 0 : index
    %swap3A_13 = arith.constant 0 : index
    %swap3A_14 = vector.load %arg3[%swap3A, %swap3A_13] : memref<640x128xf32, #tpu.memory_space<vmem>>, vector<640x128xf32>
    tpu.vector_store %arg3[%swap3A, %swap3A_13], %mul3A_12 {strides = array<i32>} : memref<640x128xf32, #tpu.memory_space<vmem>>, vector<640x128xf32>,
    return
  }
}

module attributes {stable_mosaic.version = 14 : i64} {
  func.func @_final_body(%arg0: memref<640x128xf32, #tpu.memory_space<vmem>>, %arg1: memref<640x128xf32, #tpu.memory_space<vmem>>, %arg2: memref<2x640x128xf32, #tpu.memory_space<vmem>>, %arg3: memref<2x640x128xf32, #tpu.memory_space<vmem>>, %arg4: memref<1x128xf32, #tpu.memory_space<vmem>>, %arg5: memref<128x8xf32, #tpu.memory_space<vmem>>, %arg6: memref<1x8xf32, #tpu.memory_space<vmem>>, %arg7: memref<128x128xf32, #tpu.memory_space<vmem>>, %arg8: memref<625x128xf32, #tpu.memory_space<vmem>>) attributes {dimension_semantics = [], scalar_prefetch = 0 : i64, scratch_operands = 0 : i64, tpu.core_type = #tpu.core_type<tc>} {
    %get3A = arith.constant 0 : index
    %get3A_0 = arith.constant 0 : index
    %get3A_1 = vector.load %arg0[%get3A, %get3A_0] : memref<640x128xf32, #tpu.memory_space<vmem>>, vector<640x128xf32>
    %get3A_2 = arith.constant 0 : index
    %get3A_3 = arith.constant 0 : index
    %get3A_4 = arith.constant 0 : index
    %get3A_5 = vector.load %arg2[%get3A_2, %get3A_3, %get3A_4] : memref<2x640x128xf32, #tpu.memory_space<vmem>>, vector<2x640x128xf32>
    %get3A_6 = arith.constant 0 : index
    %get3A_7 = arith.constant 0 : index
    %get3A_8 = arith.constant 0 : index
    %get3A_9 = vector.load %arg3[%get3A_6, %get3A_7, %get3A_8] : memref<2x640x128xf32, #tpu.memory_space<vmem>>, vector<2x640x128xf32>
    %slice3A = vector.extract_strided_slice %get3A_5 {offsets = [0, 0, 0], sizes = [1, 640, 128], strides = [1, 1, 1]} : vector<2x640x128xf32> to vector<1x640x128xf32>
    %squeeze3A = vector.shape_cast %slice3A : vector<1x640x128xf32> to vector<640x128xf32>
    %slice3A_10 = vector.extract_strided_slice %get3A_5 {offsets = [1, 0, 0], sizes = [1, 640, 128], strides = [1, 1, 1]} : vector<2x640x128xf32> to vector<1x640x128xf32>
    %squeeze3A_11 = vector.shape_cast %slice3A_10 : vector<1x640x128xf32> to vector<640x128xf32>
    %add3A = arith.addf %squeeze3A, %squeeze3A_11 : vector<640x128xf32>
    %get3A_12 = arith.constant 0 : index
    %get3A_13 = arith.constant 0 : index
    %get3A_14 = vector.load %arg1[%get3A_12, %get3A_13] : memref<640x128xf32, #tpu.memory_space<vmem>>, vector<640x128xf32>
    %add3A_15 = arith.addf %add3A, %get3A_14 : vector<640x128xf32>
    %mul3A = arith.mulf %get3A_1, %add3A_15 : vector<640x128xf32>
    %mul3A_16 = arith.mulf %get3A_1, %mul3A : vector<640x128xf32>
    %slice3A_17 = vector.extract_strided_slice %get3A_9 {offsets = [0, 0, 0], sizes = [1, 640, 128], strides = [1, 1, 1]} : vector<2x640x128xf32> to vector<1x640x128xf32>
    %squeeze3A_18 = vector.shape_cast %slice3A_17 : vector<1x640x128xf32> to vector<640x128xf32>
    %slice3A_19 = vector.extract_strided_slice %get3A_9 {offsets = [1, 0, 0], sizes = [1, 640, 128], strides = [1, 1, 1]} : vector<2x640x128xf32> to vector<1x640x128xf32>
    %squeeze3A_20 = vector.shape_cast %slice3A_19 : vector<1x640x128xf32> to vector<640x128xf32>
    %add3A_21 = arith.addf %squeeze3A_18, %squeeze3A_20 : vector<640x128xf32>
    %add3A_22 = arith.addf %add3A_21, %mul3A_16 : vector<640x128xf32>
    %mul3A_23 = arith.mulf %get3A_1, %add3A_22 : vector<640x128xf32>
    %get3A_24 = arith.constant 0 : index
    %get3A_25 = arith.constant 0 : index
    %get3A_26 = vector.load %arg4[%get3A_24, %get3A_25] : memref<1x128xf32, #tpu.memory_space<vmem>>, vector<1x128xf32>
    %get3A_27 = arith.constant 0 : index
    %get3A_28 = arith.constant 0 : index
    %get3A_29 = vector.load %arg5[%get3A_27, %get3A_28] : memref<128x8xf32, #tpu.memory_space<vmem>>, vector<128x8xf32>
    %dot_general3A = arith.constant dense<0.000000e+00> : vector<1x8xf32>
    %dot_general3A_30 = tpu.matmul %get3A_26, %get3A_29, %dot_general3A {dimension_numbers = #tpu.dot_dimension_numbers<[1], [0], [0], [1], [0, 0, 1, 1], [], []>, precision = #tpu.contract_precision<fp32>, transpose_lhs_hint = false} : vector<1x128xf32>, vector<128x8xf32>, vector<1x8xf32> -> vector<1x8xf32>
    %concatenate3A = tpu.concatenate %dot_general3A_30, %dot_general3A_30, %dot_general3A_30, %dot_general3A_30, %dot_general3A_30, %dot_general3A_30, %dot_general3A_30, %dot_general3A_30, %dot_general3A_30, %dot_general3A_30, %dot_general3A_30, %dot_general3A_30, %dot_general3A_30, %dot_general3A_30, %dot_general3A_30, %dot_general3A_30 in 1 : vector<1x8xf32>, vector<1x8xf32>, vector<1x8xf32>, vector<1x8xf32>, vector<1x8xf32>, vector<1x8xf32>, vector<1x8xf32>, vector<1x8xf32>, vector<1x8xf32>, vector<1x8xf32>, vector<1x8xf32>, vector<1x8xf32>, vector<1x8xf32>, vector<1x8xf32>, vector<1x8xf32>, vector<1x8xf32> -> vector<1x128xf32>
    %get3A_31 = arith.constant 0 : index
    %get3A_32 = arith.constant 0 : index
    %get3A_33 = vector.load %arg6[%get3A_31, %get3A_32] : memref<1x8xf32, #tpu.memory_space<vmem>>, vector<1x8xf32>
    %concatenate3A_34 = tpu.concatenate %get3A_33, %get3A_33, %get3A_33, %get3A_33, %get3A_33, %get3A_33, %get3A_33, %get3A_33, %get3A_33, %get3A_33, %get3A_33, %get3A_33, %get3A_33, %get3A_33, %get3A_33, %get3A_33 in 1 : vector<1x8xf32>, vector<1x8xf32>, vector<1x8xf32>, vector<1x8xf32>, vector<1x8xf32>, vector<1x8xf32>, vector<1x8xf32>, vector<1x8xf32>, vector<1x8xf32>, vector<1x8xf32>, vector<1x8xf32>, vector<1x8xf32>, vector<1x8xf32>, vector<1x8xf32>, vector<1x8xf32>, vector<1x8xf32> -> vector<1x128xf32>
    %slice3A_35 = vector.extract_strided_slice %mul3A {offsets = [0, 0], sizes = [625, 128], strides = [1, 1]} : vector<640x128xf32> to vector<625x128xf32>
    %get3A_36 = arith.constant 0 : index
    %get3A_37 = arith.constant 0 : index
    %get3A_38 = vector.load %arg7[%get3A_36, %get3A_37] : memref<128x128xf32, #tpu.memory_space<vmem>>, vector<128x128xf32>
    %mul3A_39 = vector.broadcast %concatenate3A : vector<1x128xf32> to vector<128x128xf32>
    %mul3A_40 = arith.mulf %get3A_38, %mul3A_39 : vector<128x128xf32>
    %dot_general3A_41 = arith.constant dense<0.000000e+00> : vector<625x128xf32>
    %dot_general3A_42 = tpu.matmul %slice3A_35, %mul3A_40, %dot_general3A_41 {dimension_numbers = #tpu.dot_dimension_numbers<[1], [0], [0], [1], [0, 0, 1, 1], [], []>, precision = #tpu.contract_precision<fp32>, transpose_lhs_hint = false} : vector<625x128xf32>, vector<128x128xf32>, vector<625x128xf32> -> vector<625x128xf32>
    %slice3A_43 = vector.extract_strided_slice %mul3A_23 {offsets = [0, 0], sizes = [625, 128], strides = [1, 1]} : vector<640x128xf32> to vector<625x128xf32>
    %add3A_44 = arith.addf %slice3A_43, %dot_general3A_42 : vector<625x128xf32>
    %add3A_45 = vector.broadcast %concatenate3A_34 : vector<1x128xf32> to vector<625x128xf32>
    %add3A_46 = arith.addf %add3A_44, %add3A_45 : vector<625x128xf32>
    %swap3A = arith.constant 0 : index
    %swap3A_47 = arith.constant 0 : index
    %swap3A_48 = vector.load %arg8[%swap3A, %swap3A_47] : memref<625x128xf32, #tpu.memory_space<vmem>>, vector<625x128xf32>
    tpu.vector_store %arg8[%swap3A, %swap3A_47], %add3A_46 {strides = array<i32>} : memref<625x128xf32, #tpu.memory_space<vmem>>, vector<625x128xf32>,
    return
  }
}

</mosaic_0001>

<sc_bundles>
// kernel: kernel.12.cloned.1.call-start
scs
__scs_entry_jumppad:
0x0: {  	(pc) =	sbr.rel $0x88, $3  }
0x1: {  	(tag) =	ssettag $0x0;
	lr =	simm.s32 $0x1  }
0x2: {  	[smem:$0x3F9B] =	sst lr;
	_ =	strace $0xD0000000  }
0x3: {  	_ = 	snop  }
0x4: {  	_ = 	snop  }
0x5: {  	_ = 	snop  }
0x6: {  	_ = 	snop  }
0x7: {  	_ = 	snop  }
__scs_overlays_trampoline_lowered:
0x8: {  	[smem:$0x3FAA] =	sst s0  }
0x9: {  	[smem:$0x3FAB] =	sst s1  }
0xa: {  	[smem:$0x3FAC] =	sst s2  }
0xb: {  	[smem:$0x3FAD] =	sst s3  }
0xc: {  	[smem:$0x3FAE] =	sst s4  }
0xd: {  	[smem:$0x3FAF] =	sst s5  }
0xe: {  	[smem:$0x3FB0] =	sst s6  }
0xf: {  	[smem:$0x3FB1] =	sst s7  }
0x10: {  	[smem:$0x3FB2] =	sst s8  }
0x11: {  	[smem:$0x3FB3] =	sst s9;
	s0 =	simm.s32 @!p0 $0x0  }
0x12: {  	s1 =	sld [smem:$0x3F99];
	s0 =	simm.s32 @p0 $0x1  }
0x13: {  	[smem:$0x3FB4] =	sst s0;
	s0 =	simm.s32 @!p1 $0x0  }
0x14: {  	s2 =	sld [smem:$0x3F98];
	s0 =	simm.s32 @p1 $0x1  }
0x15: {  	[smem:$0x3FB5] =	sst s0;
	s0 =	simm.s32 @!p2 $0x0  }
0x16: {  	s3 =	sld [smem:$0x3FDB];
	s0 =	simm.s32 @p2 $0x1  }
0x17: {  	s4 =	simm.s32 $0x1BF5;
	[smem:$0x3FB7] =	sst s0  }
0x18: {  	s0 =	sld [smem:$0x3F9A];
	_ =	swait.ge [sflag:s4], $0x0  }
0x19: {  	s7 =	sld [smem:$0x3F9B]  }
0x1a: {  	s8 =	sadd.s32 $0xFFFFE003, lr  }
0x1b: {  	s9 =	sadd.s32 $0xFFFFFEF7, lr;
	s5 =	simm.s32 $0xFFFFFFFF;
	p2 =	slt.u32 s8, $0xFFFFF086  }
0x1c: {  	p1 =	slt.u32 s9, $0xF7A;
	s5 =	simm.s32 @!p2 $0x0  }
0x1d: {  	s5 =	simm.s32 @p1 $0x1;
	p0 =	seq.s32 s7, s2  }
0x1e: {  	s7 =	smul.u32 @!p0 $0xF7A, s2;
	p2 =	seq.s32 @!p0 s5, $0x0  }
0x1f: {  	s9 =	smul.u32 $0xF7A, s1;
	s8 =	simm.s32 @!p0 $0x1BF5;
	p2 =	por !p2, p0  }
0x20: {  	[sflag:s8] =	ssyncset.s32 @!p0 $0xFFFFF086;
	s6 =	sadd.s32 @!p0 s3, s7;
	s7 =	simm.s32 @!p0 $0x108  }
0x21: {  	s3 =	sadd.s32 s3, s9;
	s6 =	sadd.s32 @!p0 $0x88, s6;
	s7 =	simm.s32 @p2 $0x1082  }
0x22: {  	[simem:s7], [sflag:s8] =	dma.local @!p0 [hbm:s6], $0xF7A  }
0x23: {  	s9 =	sor.u32 $0xD0000000, s2;
	s6 =	simm.s32 $0x108;
	_ =	swait.ge @!p0 [sflag:s8], $0x0  }
0x24: {  	s3 =	sadd.s32 $0x88, s3;
	s6 =	simm.s32 @!p1 $0x1082;
	[sflag:s4] =	ssyncset.s32 $0xFFFFF086  }
0x25: {  	[simem:s6], [sflag:s4] =	dma.local [hbm:s3], $0xF7A  }
0x26: {  	[smem:$0x3F9B] =	sst s1;
	(tag) =	ssettag s2;
	_ =	strace s9  }
0x27: {  	s1 =	sld [smem:$0x3FAB]  }
0x28: {  	s2 =	sld [smem:$0x3FAC]  }
0x29: {  	s4 =	sld [smem:$0x3FAE]  }
0x2a: {  	p0 =	seq.s32 s5, $0x0;
	s5 =	sld [smem:$0x3FAF]  }
0x2b: {  	s6 =	sld [smem:$0x3FB0]  }
0x2c: {  	s7 =	sld [smem:$0x3FB1]  }
0x2d: {  	s3 =	simm.s32 $0x108;
	s8 =	sld [smem:$0x3FB2]  }
0x2e: {  	s3 =	simm.s32 @!p0 $0x1082;
	s9 =	sld [smem:$0x3FB3]  }
0x2f: {  	lr =	sadd.s32 s0, s3;
	s0 =	sld [smem:$0x3FAA]  }
0x30: {  	s3 =	sld [smem:$0x3FAD]  }
0x31: {  	[smem:$0x3FB6] =	sst s10  }
0x32: {  	s10 =	sld [smem:$0x3FB4];
	_ =	sdelay $0x3  }
0x33: {  	p0 =	seq.s32 s10, $0x1;
	s10 =	sld [smem:$0x3FB6];
	_ =	sdelay $0x3  }
0x34: {  	[smem:$0x3FB6] =	sst s10  }
0x35: {  	s10 =	sld [smem:$0x3FB5];
	_ =	sdelay $0x3  }
0x36: {  	p1 =	seq.s32 s10, $0x1;
	s10 =	sld [smem:$0x3FB6];
	_ =	sdelay $0x3  }
0x37: {  	[smem:$0x3FB6] =	sst s10  }
0x38: {  	s10 =	sld [smem:$0x3FB7]  }
0x39: {  	_ = 	snop;
	(pc) =	sbr.ind lr, $3  }
0x3a: {  	_ = 	snop  }
0x3b: {  	_ = 	snop  }
0x3c: {  	p2 =	seq.s32 s10, $0x1;
	s10 =	sld [smem:$0x3FB6]  }
0x3d: {  	_ =	shalt  }
0x3e: {  	_ =	shalt  }
0x3f: {  	_ =	shalt  }
0x40: {  	_ =	shalt  }
0x41: {  	_ =	shalt  }
0x42: {  	_ =	shalt  }
0x43: {  	_ =	shalt  }
0x44: {  	_ =	shalt  }
0x45: {  	_ =	shalt  }
0x46: {  	_ =	shalt  }
0x47: {  	_ =	shalt  }
0x48: {  	_ =	shalt  }
0x49: {  	_ =	shalt  }
0x4a: {  	_ =	shalt  }
0x4b: {  	_ =	shalt  }
0x4c: {  	_ =	shalt  }
0x4d: {  	_ =	shalt  }
0x4e: {  	_ =	shalt  }
0x4f: {  	_ =	shalt  }
0x50: {  	_ =	shalt  }
0x51: {  	_ =	shalt  }
0x52: {  	_ =	shalt  }
0x53: {  	_ =	shalt  }
0x54: {  	_ =	shalt  }
0x55: {  	_ =	shalt  }
0x56: {  	_ =	shalt  }
0x57: {  	_ =	shalt  }
0x58: {  	_ =	shalt  }
0x59: {  	_ =	shalt  }
0x5a: {  	_ =	shalt  }
0x5b: {  	_ =	shalt  }
0x5c: {  	_ =	shalt  }
0x5d: {  	_ =	shalt  }
0x5e: {  	_ =	shalt  }
0x5f: {  	_ =	shalt  }
0x60: {  	_ =	shalt  }
0x61: {  	_ =	shalt  }
0x62: {  	_ =	shalt  }
0x63: {  	_ =	shalt  }
0x64: {  	_ =	shalt  }
0x65: {  	_ =	shalt  }
0x66: {  	_ =	shalt  }
0x67: {  	_ =	shalt  }
0x68: {  	_ =	shalt  }
0x69: {  	_ =	shalt  }
0x6a: {  	_ =	shalt  }
0x6b: {  	_ =	shalt  }
0x6c: {  	_ =	shalt  }
0x6d: {  	_ =	shalt  }
0x6e: {  	_ =	shalt  }
0x6f: {  	_ =	shalt  }
0x70: {  	_ =	shalt  }
0x71: {  	_ =	shalt  }
0x72: {  	_ =	shalt  }
0x73: {  	_ =	shalt  }
0x74: {  	_ =	shalt  }
0x75: {  	_ =	shalt  }
0x76: {  	_ =	shalt  }
0x77: {  	_ =	shalt  }
0x78: {  	_ =	shalt  }
0x79: {  	_ =	shalt  }
0x7a: {  	_ =	shalt  }
0x7b: {  	_ =	shalt  }
0x7c: {  	_ =	shalt  }
0x7d: {  	_ =	shalt  }
0x7e: {  	_ =	shalt  }
0x7f: {  	_ =	shalt  }
0x80: {  	_ =	shalt  }
0x81: {  	_ =	shalt  }
0x82: {  	_ =	shalt  }
0x83: {  	_ =	shalt  }
0x84: {  	_ =	shalt  }
0x85: {  	_ =	shalt  }
0x86: {  	_ =	shalt  }
0x87: {  	_ =	shalt  }
.Lfunc_end0:
.L_simem_size_0:
called_computation.1_lowered:
.L_overlay_start_0:
0x88: {  	s2 =	sld [smem:$0x3FD9]  }
0x89: {  	s3 =	sld [smem:$0x3FFE];
	_ =	sdelay $0x1  }
0x8a: {  	s1 =	srdreg.scid  }
0x8b: {  	s0 =	sand.u32 $0x1, s1  }
0x8c: {  	s17 =	sshll.u32 s0, $0xA;
	s2 =	sadd.s32 s3, s2  }
0x8d: {  	s2 =	sadd.s32 s2, s17  }
0x8e: {  	[smem:$0x3FC2] =	sst s2  }
0x8f: {  	_ = 	snop  }
0x90: {  	s2 =	sld [smem:$0x3FD0];
	(tm) =	ssettm $0x1  }
0x91: {  	s18 =	sld [smem:$0x3FFB];
	_ =	sdelay $0x3  }
0x92: {  	_ =	strace s18  }
0x93: {  	s3 =	sld [smem:$0x3FFC];
	_ =	sdelay $0x3  }
0x94: {  	_ =	strace s3  }
0x95: {  	s3 =	sld [smem:$0x3FFD];
	_ =	sdelay $0x3  }
0x96: {  	_ =	strace s3  }
0x97: {  	_ =	strace $0x8FFFFFFF  }
0x98: {  	s19 =	sld [smem:$0x3FDB];
	_ =	sdelay $0x1  }
0x99: {  	s4 =	simm.s32 $_scs_section_size  }
0x9a: {  	s5 =	simm.s32 $_size__tile_overlayer_lowered;
	s6 =	simm.s32 $_tile_overlayer_lowered  }
0x9b: {  	s22 =	simm.s32 $0x1BFF;
	s21 =	sshll.u32 s6, $0x1;
	s3 =	sadd.s32 s4, s19  }
0x9c: {  	s7 =	simm.s32 $0x0;
	s20 =	sshll.u32 s5, $0x1;
	s5 =	sadd.s32 s21, s3  }
0x9d: {  	[timem:s7], [sflag:s22] =	dma.local [hbm:s5], s20  }
0x9e: {  	_ =	swait.ge [sflag:s22], s20  }
0x9f: {  	s4 =	ssub.s32 $0x0, s20;
	[sflag:s22] =	ssyncset.done $0x0  }
0xa0: {  	[sflag:s22] =	ssyncadd.s32 s4;
	_ =	sdelay $0x1  }
0xa1: {  	s23 =	simm.s32 $0x1B8B  }
0xa2: {  	_ =	swait.ge [sflag:s23], $0x1  }
0xa3: {  	[sflag:s23] =	ssyncset.done $0x0  }
0xa4: {  	s25 =	simm.s32 $0x1B8E;
	s24 =	sld [smem:$0x3FFE];
	[sflag:s23] =	ssyncadd.s32 $0xFFFFFFFF  }
0xa5: {  	s26 =	simm.s32 $execute0_lowered;
	[smem:$0x3FD2] =	sst s25  }
0xa6: {  	s5 =	sshll.u32 s26, $0x1;
	_ =	strace $0x80000049;
	[dreg:$0x1] =	wrdreg $0xFFFFFFFF  }
0xa7: {  	s28 =	simm.s32 $_size_execute0_lowered;
	s3 =	sadd.s32 s3, s5;
	[dreg:$0x0] =	wrdreg $0x0  }
0xa8: {  	s5 =	sshll.u32 s28, $0x1;
	[dreg:$0x2] =	wrdreg s3  }
0xa9: {  	[dreg:$0x3] =	wrdreg s5  }
0xaa: {  	[dreg:$0x4] =	wrdreg $0xC0  }
0xab: {  	_ =	task [dreg:s7], $0x5FFFF  }
0xac: {  	[dreg:$0x1] =	wrdreg $0xFFFFFFFF  }
0xad: {  	[dreg:$0x0] =	wrdreg $0x60  }
0xae: {  	[dreg:$0x2] =	wrdreg s24  }
0xaf: {  	[dreg:$0x3] =	wrdreg s2  }
0xb0: {  	[dreg:$0x4] =	wrdreg $0x41000  }
0xb1: {  	[dreg:$0x5] =	wrdreg $0x55000  }
0xb2: {  	[dreg:$0x6] =	wrdreg $0x9  }
0xb3: {  	_ =	task.clear_ibuf [dreg:s7], $0x7FFFF;
	_ =	strace $0x90000049  }
0xb4: {  	s29 =	simm.s32 $0x9;
	_ =	strace $0x8000004B  }
0xb5: {  	_ =	swait.ge [sflag:s29], $0x1  }
0xb6: {  	[sflag:s29] =	ssyncadd.s32 $0xFFFFFFFF  }
0xb7: {  	_ =	strace $0x9000004B  }
0xb8: {  	_ =	sfence  }
0xb9: {  	s30 =	sld [smem:$0x0];
	_ =	sdelay $0x2  }
0xba: {  	s31 =	sshll.u32 s1, $0xD;
	s1 =	sshrl.u32 s1, $0x2  }
0xbb: {  	s3 =	sand.u32 $0x4000, s31;
	s1 =	sadd.s32 s1, s30  }
0xbc: {  	s0 =	sor.u32 s3, s0;
	s1 =	sshll.u32 s1, $0x11  }
0xbd: {  	s0 =	sor.u32 s1, s0  }
0xbe: {  	s0 =	sadd.s32 $0x8F2B, s0  }
0xbf: {  	[sflag:s0] =	ssyncadd.remote.s32 $0x1  }
0xc0: {  	_ =	sfence.sel $0xFFFF  }
0xc1: {  	[dreg:$0x0] =	wrdreg $0xFFFFFFFF;
	(pc) =	sbr.abs _section_cstart, $3  }
0xc2: {  	[dreg:$0x1] =	wrdreg $0xFFFFFFFF  }
0xc3: {  	_ =	task.clear_ibuf [dreg:s7], $0x2FFFF;
	_ =	strace $0x9FFFFFFF  }
0xc4: {  	(tm) =	ssettm $0x7FFFFFFF  }
0xc5: {  	_ =	shalt  }
tec
execute0_lowered:
.L_overlay_start_1:
0x0: {  	(tag) =	ssettag $0x1  }
0x1: {  	s0 =	rddreg [dreg:$0x0]  }
0x2: {  	s3 =	rddreg [dreg:$0x2];
	s14 =	stileid.u32  }
0x3: {  	s1 =	srdreg.scid;
	s4 =	rddreg [dreg:$0x3]  }
0x4: {  	s5 =	simm.s32 $0x0;
	s24 =	simm.s32 $0x100;
	s25 =	simm.s32 $0x180  }
0x5: {  	s26 =	simm.s32 $0x200;
	s16 =	simm.s32 $0x400;
	s17 =	simm.s32 $0x480  }
0x6: {  	s18 =	simm.s32 $0x500;
	s28 =	simm.s32 $0x3500;
	s29 =	simm.s32 $0x3900  }
0x7: {  	s30 =	simm.s32 $0x3D00;
	s31 =	simm.s32 $0x1;
	s2 =	smul.u32 $0x1400, s14  }
0x8: {  	s1 =	sand.u32 $0x1, s1;
	[smem:$0x7FF] =	sst s5;
	s8 =	sadd.s32 $0x1E00, s0  }
0x9: {  	s10 =	sadd.s32 $0xBC00, s0;
	_ =	strace $0x8000004A;
	[dreg:$0x7] =	wrdreg s24  }
0xa: {  	s12 =	smul.u32 $0x4E0, s14;
	s21 =	sshll.u32 s14, $0x6;
	[dreg:$0x8] =	wrdreg s25  }
0xb: {  	s23 =	sshll.u32 s14, $0x4;
	s6 =	smul.u32 $0x14000, s1;
	[dreg:$0x9] =	wrdreg s26  }
0xc: {  	s9 =	ssub.s32 $0x2, s1;
	s20 =	sshll.u32 s1, $0x4;
	[dreg:$0xd] =	wrdreg s16  }
0xd: {  	s1 =	smul.u32 $0x4E00, s1;
	s15 =	sor.u32 $0x1C03, s21;
	[dreg:$0xe] =	wrdreg s17  }
0xe: {  	[dreg:$0xf] =	wrdreg s18;
	s16 =	simm.s32 $0x80;
	s17 =	simm.s32 $0xD00  }
0xf: {  	s21 =	simm.s32 $0x700;
	s18 =	simm.s32 $0x1100;
	s24 =	simm.s32 $0x880  }
0x10: {  	s25 =	simm.s32 $0x900;
	s26 =	simm.s32 $0x980;
	[dreg:$0x12] =	wrdreg s21  }
0x11: {  	s7 =	sshrl.u32 s2, $0x3;
	s19 =	sshrl.u32 s9, $0x1;
	[dreg:$0x15] =	wrdreg s24  }
0x12: {  	s11 =	sadd.s32 s2, s3;
	s21 =	simm.s32 $0x1D00;
	[dreg:$0x16] =	wrdreg s25  }
0x13: {  	[dreg:$0x17] =	wrdreg s26;
	s24 =	simm.s32 $0x2900;
	s25 =	simm.s32 $0x2D00  }
0x14: {  	s26 =	simm.s32 $0x3100;
	s7 =	sadd.s32 s7, s0;
	s6 =	sadd.s32 s2, s6  }
0x15: {  	s9 =	ssub.s32 s9, s19;
	s13 =	sadd.s32 s1, s10;
	s1 =	sadd.s32 s1, s8  }
0x16: {  	s2 =	sadd.s32 s2, s4;
	s19 =	simm.s32 $0x580;
	s6 =	sshrl.u32 s6, $0x3  }
0x17: {  	s7 =	sadd.s32 $0x15A00, s7;
	s22 =	sadd.s32 s12, s13;
	[dreg:$0x10] =	wrdreg s19  }
0x18: {  	s1 =	sadd.s32 s12, s1;
	s12 =	smax.u32 s9, $0x1;
	[dreg:$0x18] =	wrdreg s7  }
0x19: {  	s13 =	simm.s32 $0x380;
	s19 =	simm.s32 $0x1500;
	[dreg:$0x5] =	wrdreg s22  }
0x1a: {  	s9 =	simm.s32 $0xC80;
	s6 =	sadd.s32 s6, s0;
	[dreg:$0x6] =	wrdreg s1  }
0x1b: {  	s0 =	sor.u32 s14, s20;
	s7 =	sor.u32 $0x9C00, s23;
	[dreg:$0x1d] =	wrdreg s12  }
0x1c: {  	s14 =	sshrl.u32 s11, $0x3;
	s11 =	smov.u32 s15;
	[dreg:$0xc] =	wrdreg s13  }
0x1d: {  	s13 =	simm.s32 $0x3;
	s20 =	simm.s32 $0x600;
	[dreg:$0x1e] =	wrdreg s14  }
0x1e: {  	s15 =	simm.s32 $0x680;
	s22 =	simm.s32 $0x780;
	[dreg:$0x11] =	wrdreg s20  }
0x1f: {  	s23 =	simm.s32 $0x800;
	s1 =	simm.s32 $0xB00;
	[dreg:$0x13] =	wrdreg s22  }
0x20: {  	s12 =	simm.s32 $0x0;
	s8 =	sadd.s32 s8, s7;
	[dreg:$0x14] =	wrdreg s23  }
0x21: {  	s7 =	sadd.s32 s10, s7;
	s6 =	sadd.s32 $0x18200, s6;
	[dreg:$0x19] =	wrdreg s11  }
0x22: {  	s10 =	simm.s32 $0x300;
	s14 =	sshrl.u32 s2, $0x3;
	[dreg:$0x1a] =	wrdreg s8  }
0x23: {  	s20 =	simm.s32 $0x1900;
	s22 =	simm.s32 $0x2100;
	[dreg:$0x1b] =	wrdreg s7  }
0x24: {  	s23 =	simm.s32 $0x2500;
	p0 =	sgt.u32 s0, $0x3;
	[dreg:$0x1c] =	wrdreg s6  }
0x25: {  	s2 =	simm.s32 $0xA00;
	s0 =	simm.s32 $0xA80;
	[dreg:$0xb] =	wrdreg s10  }
0x26: {  	s8 =	simm.s32 $0x280;
	s6 =	simm.s32 $0xB80;
	[dreg:$0x1f] =	wrdreg s14  }
0x27: {  	s10 =	simm.s32 $0x2;
	[dreg:$0xa] =	wrdreg s8;
	s8 =	simm.s32 $0xC00  }
.LBB2_1:
0x28: {  	[smem:$0x7FD] =	sst s12  }
0x29: {  	s7 =	rddreg [dreg:$0x18]  }
0x2a: {  	s12 =	rddreg [dreg:$0x1e]  }
0x2b: {  	[spmem:s12], [sflag:s11] =	dma.local [hbm:s7], $0x280  }
0x2c: {  	_ =	swait.ge [sflag:s13], $0x280  }
0x2d: {  	[sflag:s13] =	ssyncset.done $0x0  }
0x2e: {  	[sflag:s13] =	ssyncadd.s32 $0xFFFFFD80  }
0x2f: {  	s12 =	rddreg [dreg:$0x1]  }
0x30: {  	[spmem:s14], [sflag:s11] =	dma.local [hbm:s12], $0x280  }
0x31: {  	_ =	swait.ge [sflag:s13], $0x280  }
0x32: {  	[sflag:s13] =	ssyncset.done $0x0  }
0x33: {  	[sflag:s13] =	ssyncadd.s32 $0xFFFFFD80  }
0x34: {  	[bflag:$0x0] =	sbarrier.arrive $0xFFFF  }
0x35: {  	s11 =	rddreg [dreg:$0x6]  }
0x36: {  	s7 =	sadd.s32 $0x0, s11  }
0x37: {  	[tilespmem:s5], [sflag:$0x3] =	stream.linear.gather [hbm4b:s7+s5], $0x680, $0x38;
	[tilespmem:$0x6900] =	vst v63  }
0x38: {  	_ =	swait.ge [sflag:s13], $0x680  }
0x39: {  	s12 =	rddreg [dreg:$0x5];
	[sflag:s13] =	ssyncset.done $0x0  }
0x3a: {  	[sflag:s13] =	ssyncadd.s32 $0xFFFFF980;
	s7 =	sadd.s32 $0x0, s12  }
0x3b: {  	[tilespmem:s15], [sflag:$0x3] =	stream.linear.gather [hbm4b:s7+s5], $0x680, $0x38;
	[tilespmem:$0x6900] =	vst v63  }
0x3c: {  	_ =	swait.ge [sflag:s13], $0x680  }
0x3d: {  	[sflag:s13] =	ssyncset.done $0x0  }
0x3e: {  	[sflag:s13] =	ssyncadd.s32 $0xFFFFF980  }
0x3f: {  	[tilespmem:s17], [sflag:$0x1] =	stream.indirect.gather [spmem:s3], $0x8, s5, s16, $0xb8;
	[tilespmem:$0x6900] =	vst v63  }
0x40: {  	_ = 	snop  }
0x41: {  	[tilespmem:s18], [sflag:$0x1] =	stream.indirect.gather [spmem:s3], $0x8, s16, s16, $0xb8;
	[tilespmem:$0x6900] =	vst v63  }
0x42: {  	s14 =	rddreg [dreg:$0x7]  }
0x43: {  	[tilespmem:s19], [sflag:$0x1] =	stream.indirect.gather [spmem:s3], $0x8, s14, s16, $0xb8;
	[tilespmem:$0x6900] =	vst v63  }
0x44: {  	s11 =	rddreg [dreg:$0x8]  }
0x45: {  	[tilespmem:s20], [sflag:$0x1] =	stream.indirect.gather [spmem:s3], $0x8, s11, s16, $0xb8;
	[tilespmem:$0x6900] =	vst v63  }
0x46: {  	s14 =	rddreg [dreg:$0x9]  }
0x47: {  	[tilespmem:s21], [sflag:$0x1] =	stream.indirect.gather [spmem:s3], $0x8, s14, s16, $0xb8;
	[tilespmem:$0x6900] =	vst v63  }
0x48: {  	s11 =	rddreg [dreg:$0xa]  }
0x49: {  	[tilespmem:s22], [sflag:$0x1] =	stream.indirect.gather [spmem:s3], $0x8, s11, s16, $0xb8;
	[tilespmem:$0x6900] =	vst v63  }
0x4a: {  	s14 =	rddreg [dreg:$0xb]  }
0x4b: {  	[tilespmem:s23], [sflag:$0x1] =	stream.indirect.gather [spmem:s3], $0x8, s14, s16, $0xb8;
	[tilespmem:$0x6900] =	vst v63  }
0x4c: {  	s11 =	rddreg [dreg:$0xc]  }
0x4d: {  	[tilespmem:s24], [sflag:$0x1] =	stream.indirect.gather [spmem:s3], $0x8, s11, s16, $0xb8;
	[tilespmem:$0x6900] =	vst v63  }
0x4e: {  	s14 =	rddreg [dreg:$0xd]  }
0x4f: {  	[tilespmem:s25], [sflag:$0x1] =	stream.indirect.gather [spmem:s3], $0x8, s14, s16, $0xb8;
	[tilespmem:$0x6900] =	vst v63  }
0x50: {  	s11 =	rddreg [dreg:$0xe]  }
0x51: {  	[tilespmem:s26], [sflag:$0x1] =	stream.indirect.gather [spmem:s3], $0x8, s11, s16, $0xb8;
	[tilespmem:$0x6900] =	vst v63  }
0x52: {  	s14 =	rddreg [dreg:$0xf]  }
0x53: {  	[tilespmem:s28], [sflag:$0x1] =	stream.indirect.gather [spmem:s3], $0x8, s14, s16, $0xb8;
	[tilespmem:$0x6900] =	vst v63  }
0x54: {  	s11 =	rddreg [dreg:$0x10]  }
0x55: {  	[tilespmem:s29], [sflag:$0x1] =	stream.indirect.gather [spmem:s3], $0x8, s11, s16, $0xb8;
	[tilespmem:$0x6900] =	vst v63  }
0x56: {  	s14 =	rddreg [dreg:$0x11]  }
0x57: {  	[tilespmem:s30], [sflag:$0x1] =	stream.indirect.gather [spmem:s3], $0x8, s14, s16, $0xb8;
	[tilespmem:$0x6900] =	vst v63  }
0x58: {  	_ =	swait.ge [sflag:s31], $0x400  }
0x59: {  	[sflag:s31] =	ssyncset.done $0x0  }
0x5a: {  	[sflag:s31] =	ssyncadd.s32 $0xFFFFFC00  }
0x5b: {  	[spmem:s4] =	stream.indirect.scatter.add.f32 [tilespmem:s17], [sflag:$0x2], $0x8, s15, s16, $0xb8;
	[tilespmem:$0x6900] =	vst v63  }
0x5c: {  	_ =	swait.ge [sflag:s31], $0x400  }
0x5d: {  	[sflag:s31] =	ssyncset.done $0x0  }
0x5e: {  	s11 =	rddreg [dreg:$0x12];
	[sflag:s31] =	ssyncadd.s32 $0xFFFFFC00  }
0x5f: {  	[spmem:s4] =	stream.indirect.scatter.add.f32 [tilespmem:s18], [sflag:$0x2], $0x8, s11, s16, $0xb8;
	[tilespmem:$0x6900] =	vst v63  }
0x60: {  	_ =	swait.ge [sflag:s31], $0x400  }
0x61: {  	[sflag:s31] =	ssyncset.done $0x0  }
0x62: {  	s12 =	rddreg [dreg:$0x13];
	[sflag:s31] =	ssyncadd.s32 $0xFFFFFC00  }
0x63: {  	[spmem:s4] =	stream.indirect.scatter.add.f32 [tilespmem:s19], [sflag:$0x2], $0x8, s12, s16, $0xb8;
	[tilespmem:$0x6900] =	vst v63  }
0x64: {  	_ =	swait.ge [sflag:s31], $0x400  }
0x65: {  	[sflag:s31] =	ssyncset.done $0x0  }
0x66: {  	s14 =	rddreg [dreg:$0x14];
	[sflag:s31] =	ssyncadd.s32 $0xFFFFFC00  }
0x67: {  	[spmem:s4] =	stream.indirect.scatter.add.f32 [tilespmem:s20], [sflag:$0x2], $0x8, s14, s16, $0xb8;
	[tilespmem:$0x6900] =	vst v63  }
0x68: {  	_ =	swait.ge [sflag:s31], $0x400  }
0x69: {  	[sflag:s31] =	ssyncset.done $0x0  }
0x6a: {  	s11 =	rddreg [dreg:$0x15];
	[sflag:s31] =	ssyncadd.s32 $0xFFFFFC00  }
0x6b: {  	[spmem:s4] =	stream.indirect.scatter.add.f32 [tilespmem:s21], [sflag:$0x2], $0x8, s11, s16, $0xb8;
	[tilespmem:$0x6900] =	vst v63  }
0x6c: {  	_ =	swait.ge [sflag:s31], $0x400  }
0x6d: {  	[sflag:s31] =	ssyncset.done $0x0  }
0x6e: {  	s12 =	rddreg [dreg:$0x16];
	[sflag:s31] =	ssyncadd.s32 $0xFFFFFC00  }
0x6f: {  	[spmem:s4] =	stream.indirect.scatter.add.f32 [tilespmem:s22], [sflag:$0x2], $0x8, s12, s16, $0xb8;
	[tilespmem:$0x6900] =	vst v63  }
0x70: {  	_ =	swait.ge [sflag:s31], $0x400  }
0x71: {  	[sflag:s31] =	ssyncset.done $0x0  }
0x72: {  	s14 =	rddreg [dreg:$0x17];
	[sflag:s31] =	ssyncadd.s32 $0xFFFFFC00  }
0x73: {  	[spmem:s4] =	stream.indirect.scatter.add.f32 [tilespmem:s23], [sflag:$0x2], $0x8, s14, s16, $0xb8;
	[tilespmem:$0x6900] =	vst v63  }
0x74: {  	_ =	swait.ge [sflag:s31], $0x400  }
0x75: {  	[sflag:s31] =	ssyncset.done $0x0  }
0x76: {  	[sflag:s31] =	ssyncadd.s32 $0xFFFFFC00  }
0x77: {  	[spmem:s4] =	stream.indirect.scatter.add.f32 [tilespmem:s24], [sflag:$0x2], $0x8, s2, s16, $0xb8;
	[tilespmem:$0x6900] =	vst v63  }
0x78: {  	_ =	swait.ge [sflag:s31], $0x400  }
0x79: {  	[sflag:s31] =	ssyncset.done $0x0  }
0x7a: {  	[sflag:s31] =	ssyncadd.s32 $0xFFFFFC00  }
0x7b: {  	[spmem:s4] =	stream.indirect.scatter.add.f32 [tilespmem:s25], [sflag:$0x2], $0x8, s0, s16, $0xb8;
	[tilespmem:$0x6900] =	vst v63  }
0x7c: {  	_ =	swait.ge [sflag:s31], $0x400  }
0x7d: {  	[sflag:s31] =	ssyncset.done $0x0  }
0x7e: {  	[sflag:s31] =	ssyncadd.s32 $0xFFFFFC00  }
0x7f: {  	[spmem:s4] =	stream.indirect.scatter.add.f32 [tilespmem:s26], [sflag:$0x2], $0x8, s1, s16, $0xb8;
	[tilespmem:$0x6900] =	vst v63  }
0x80: {  	_ =	swait.ge [sflag:s31], $0x400  }
0x81: {  	[sflag:s31] =	ssyncset.done $0x0  }
0x82: {  	[sflag:s31] =	ssyncadd.s32 $0xFFFFFC00  }
0x83: {  	[spmem:s4] =	stream.indirect.scatter.add.f32 [tilespmem:s28], [sflag:$0x2], $0x8, s6, s16, $0xb8;
	[tilespmem:$0x6900] =	vst v63  }
0x84: {  	_ =	swait.ge [sflag:s31], $0x400  }
0x85: {  	[sflag:s31] =	ssyncset.done $0x0  }
0x86: {  	[sflag:s31] =	ssyncadd.s32 $0xFFFFFC00  }
0x87: {  	[spmem:s4] =	stream.indirect.scatter.add.f32 [tilespmem:s29], [sflag:$0x2], $0x8, s8, s16, $0xb8;
	[tilespmem:$0x6900] =	vst v63  }
0x88: {  	_ =	swait.ge [sflag:s31], $0x400  }
0x89: {  	[sflag:s31] =	ssyncset.done $0x0  }
0x8a: {  	[sflag:s31] =	ssyncadd.s32 $0xFFFFFC00  }
0x8b: {  	[spmem:s4] =	stream.indirect.scatter.add.f32 [tilespmem:s30], [sflag:$0x2], $0x8, s9, s16, $0xb8;
	[tilespmem:$0x6900] =	vst v63  }
0x8c: {  	_ =	swait.ge [sflag:s10], $0x400  }
0x8d: {  	[sflag:s10] =	ssyncset.done $0x0  }
0x8e: {  	[sflag:s10] =	ssyncadd.s32 $0xFFFFFC00  }
0x8f: {  	_ =	swait.ge [sflag:s10], $0x400  }
0x90: {  	[sflag:s10] =	ssyncset.done $0x0  }
0x91: {  	[sflag:s10] =	ssyncadd.s32 $0xFFFFFC00  }
0x92: {  	_ =	swait.ge [sflag:s10], $0x400  }
0x93: {  	[sflag:s10] =	ssyncset.done $0x0  }
0x94: {  	[sflag:s10] =	ssyncadd.s32 $0xFFFFFC00  }
0x95: {  	_ =	swait.ge [sflag:s10], $0x400  }
0x96: {  	[sflag:s10] =	ssyncset.done $0x0  }
0x97: {  	[sflag:s10] =	ssyncadd.s32 $0xFFFFFC00  }
0x98: {  	_ =	swait.ge [sflag:s10], $0x400  }
0x99: {  	[sflag:s10] =	ssyncset.done $0x0  }
0x9a: {  	[sflag:s10] =	ssyncadd.s32 $0xFFFFFC00  }
0x9b: {  	_ =	swait.ge [sflag:s10], $0x400  }
0x9c: {  	[sflag:s10] =	ssyncset.done $0x0  }
0x9d: {  	[sflag:s10] =	ssyncadd.s32 $0xFFFFFC00  }
0x9e: {  	_ =	swait.ge [sflag:s10], $0x400  }
0x9f: {  	[sflag:s10] =	ssyncset.done $0x0  }
0xa0: {  	[sflag:s10] =	ssyncadd.s32 $0xFFFFFC00  }
0xa1: {  	_ =	swait.ge [sflag:s10], $0x400  }
0xa2: {  	[sflag:s10] =	ssyncset.done $0x0  }
0xa3: {  	[sflag:s10] =	ssyncadd.s32 $0xFFFFFC00  }
0xa4: {  	_ =	swait.ge [sflag:s10], $0x400  }
0xa5: {  	[sflag:s10] =	ssyncset.done $0x0  }
0xa6: {  	[sflag:s10] =	ssyncadd.s32 $0xFFFFFC00  }
0xa7: {  	_ =	swait.ge [sflag:s10], $0x400  }
0xa8: {  	[sflag:s10] =	ssyncset.done $0x0  }
0xa9: {  	[sflag:s10] =	ssyncadd.s32 $0xFFFFFC00  }
0xaa: {  	_ =	swait.ge [sflag:s10], $0x400  }
0xab: {  	[sflag:s10] =	ssyncset.done $0x0  }
0xac: {  	[sflag:s10] =	ssyncadd.s32 $0xFFFFFC00  }
0xad: {  	_ =	swait.ge [sflag:s10], $0x400  }
0xae: {  	[sflag:s10] =	ssyncset.done $0x0  }
0xaf: {  	[sflag:s10] =	ssyncadd.s32 $0xFFFFFC00  }
0xb0: {  	s12 =	simm.s32 $0xD0;
	_ =	swait.ge [sflag:s10], $0x400  }
0xb1: {  	s14 =	simm.s32 $0x1A0;
	s7 =	rddreg [dreg:$0x6];
	[sflag:s10] =	ssyncset.done $0x0  }
.LBB2_2:
0xb2: {  	[sflag:s10] =	ssyncadd.s32 $0xFFFFFC00;
	s7 =	sadd.s32 s12, s7  }
0xb3: {  	[tilespmem:s5], [sflag:$0x3] =	stream.linear.gather [hbm4b:s7+s5], $0x680, $0x38;
	[tilespmem:$0x6900] =	vst v63  }
0xb4: {  	_ =	swait.ge [sflag:s13], $0x680  }
0xb5: {  	s7 =	rddreg [dreg:$0x5];
	[sflag:s13] =	ssyncset.done $0x0  }
0xb6: {  	[sflag:s13] =	ssyncadd.s32 $0xFFFFF980;
	s7 =	sadd.s32 s12, s7  }
0xb7: {  	[tilespmem:s15], [sflag:$0x3] =	stream.linear.gather [hbm4b:s7+s5], $0x680, $0x38;
	[tilespmem:$0x6900] =	vst v63  }
0xb8: {  	_ =	swait.ge [sflag:s13], $0x680  }
0xb9: {  	[sflag:s13] =	ssyncset.done $0x0  }
0xba: {  	[sflag:s13] =	ssyncadd.s32 $0xFFFFF980  }
0xbb: {  	[tilespmem:s17], [sflag:$0x1] =	stream.indirect.gather [spmem:s3], $0x8, s5, s16, $0xb8;
	[tilespmem:$0x6900] =	vst v63  }
0xbc: {  	_ = 	snop  }
0xbd: {  	[tilespmem:s18], [sflag:$0x1] =	stream.indirect.gather [spmem:s3], $0x8, s16, s16, $0xb8;
	[tilespmem:$0x6900] =	vst v63  }
0xbe: {  	s11 =	smov.u32 s14;
	s7 =	rddreg [dreg:$0x7]  }
0xbf: {  	[tilespmem:s19], [sflag:$0x1] =	stream.indirect.gather [spmem:s3], $0x8, s7, s16, $0xb8;
	[tilespmem:$0x6900] =	vst v63  }
0xc0: {  	s12 =	smov.u32 s11;
	s11 =	rddreg [dreg:$0x8]  }
0xc1: {  	[tilespmem:s20], [sflag:$0x1] =	stream.indirect.gather [spmem:s3], $0x8, s11, s16, $0xb8;
	[tilespmem:$0x6900] =	vst v63  }
0xc2: {  	s7 =	rddreg [dreg:$0x9]  }
0xc3: {  	[tilespmem:s21], [sflag:$0x1] =	stream.indirect.gather [spmem:s3], $0x8, s7, s16, $0xb8;
	[tilespmem:$0x6900] =	vst v63  }
0xc4: {  	s11 =	rddreg [dreg:$0xa]  }
0xc5: {  	[tilespmem:s22], [sflag:$0x1] =	stream.indirect.gather [spmem:s3], $0x8, s11, s16, $0xb8;
	[tilespmem:$0x6900] =	vst v63  }
0xc6: {  	s7 =	rddreg [dreg:$0xb]  }
0xc7: {  	[tilespmem:s23], [sflag:$0x1] =	stream.indirect.gather [spmem:s3], $0x8, s7, s16, $0xb8;
	[tilespmem:$0x6900] =	vst v63  }
0xc8: {  	s11 =	rddreg [dreg:$0xc]  }
0xc9: {  	[tilespmem:s24], [sflag:$0x1] =	stream.indirect.gather [spmem:s3], $0x8, s11, s16, $0xb8;
	[tilespmem:$0x6900] =	vst v63  }
0xca: {  	s7 =	rddreg [dreg:$0xd]  }
0xcb: {  	[tilespmem:s25], [sflag:$0x1] =	stream.indirect.gather [spmem:s3], $0x8, s7, s16, $0xb8;
	[tilespmem:$0x6900] =	vst v63  }
0xcc: {  	s11 =	rddreg [dreg:$0xe]  }
0xcd: {  	[tilespmem:s26], [sflag:$0x1] =	stream.indirect.gather [spmem:s3], $0x8, s11, s16, $0xb8;
	[tilespmem:$0x6900] =	vst v63  }
0xce: {  	s7 =	rddreg [dreg:$0xf]  }
0xcf: {  	[tilespmem:s28], [sflag:$0x1] =	stream.indirect.gather [spmem:s3], $0x8, s7, s16, $0xb8;
	[tilespmem:$0x6900] =	vst v63  }
0xd0: {  	s11 =	rddreg [dreg:$0x10]  }
0xd1: {  	[tilespmem:s29], [sflag:$0x1] =	stream.indirect.gather [spmem:s3], $0x8, s11, s16, $0xb8;
	[tilespmem:$0x6900] =	vst v63  }
0xd2: {  	s7 =	rddreg [dreg:$0x11]  }
0xd3: {  	[tilespmem:s30], [sflag:$0x1] =	stream.indirect.gather [spmem:s3], $0x8, s7, s16, $0xb8;
	[tilespmem:$0x6900] =	vst v63  }
0xd4: {  	_ =	swait.ge [sflag:s31], $0x400  }
0xd5: {  	[sflag:s31] =	ssyncset.done $0x0  }
0xd6: {  	[sflag:s31] =	ssyncadd.s32 $0xFFFFFC00  }
0xd7: {  	[spmem:s4] =	stream.indirect.scatter.add.f32 [tilespmem:s17], [sflag:$0x2], $0x8, s15, s16, $0xb8;
	[tilespmem:$0x6900] =	vst v63  }
0xd8: {  	_ =	swait.ge [sflag:s31], $0x400  }
0xd9: {  	[sflag:s31] =	ssyncset.done $0x0  }
0xda: {  	s11 =	rddreg [dreg:$0x12];
	[sflag:s31] =	ssyncadd.s32 $0xFFFFFC00  }
0xdb: {  	[spmem:s4] =	stream.indirect.scatter.add.f32 [tilespmem:s18], [sflag:$0x2], $0x8, s11, s16, $0xb8;
	[tilespmem:$0x6900] =	vst v63  }
0xdc: {  	_ =	swait.ge [sflag:s31], $0x400  }
0xdd: {  	[sflag:s31] =	ssyncset.done $0x0  }
0xde: {  	s11 =	rddreg [dreg:$0x13];
	[sflag:s31] =	ssyncadd.s32 $0xFFFFFC00  }
0xdf: {  	[spmem:s4] =	stream.indirect.scatter.add.f32 [tilespmem:s19], [sflag:$0x2], $0x8, s11, s16, $0xb8;
	[tilespmem:$0x6900] =	vst v63  }
0xe0: {  	_ =	swait.ge [sflag:s31], $0x400  }
0xe1: {  	[sflag:s31] =	ssyncset.done $0x0  }
0xe2: {  	s11 =	rddreg [dreg:$0x14];
	[sflag:s31] =	ssyncadd.s32 $0xFFFFFC00  }
0xe3: {  	[spmem:s4] =	stream.indirect.scatter.add.f32 [tilespmem:s20], [sflag:$0x2], $0x8, s11, s16, $0xb8;
	[tilespmem:$0x6900] =	vst v63  }
0xe4: {  	_ =	swait.ge [sflag:s31], $0x400  }
0xe5: {  	[sflag:s31] =	ssyncset.done $0x0  }
0xe6: {  	s11 =	rddreg [dreg:$0x15];
	[sflag:s31] =	ssyncadd.s32 $0xFFFFFC00  }
0xe7: {  	[spmem:s4] =	stream.indirect.scatter.add.f32 [tilespmem:s21], [sflag:$0x2], $0x8, s11, s16, $0xb8;
	[tilespmem:$0x6900] =	vst v63  }
0xe8: {  	_ =	swait.ge [sflag:s31], $0x400  }
0xe9: {  	[sflag:s31] =	ssyncset.done $0x0  }
0xea: {  	s11 =	rddreg [dreg:$0x16];
	[sflag:s31] =	ssyncadd.s32 $0xFFFFFC00  }
0xeb: {  	[spmem:s4] =	stream.indirect.scatter.add.f32 [tilespmem:s22], [sflag:$0x2], $0x8, s11, s16, $0xb8;
	[tilespmem:$0x6900] =	vst v63  }
0xec: {  	_ =	swait.ge [sflag:s31], $0x400  }
0xed: {  	[sflag:s31] =	ssyncset.done $0x0  }
0xee: {  	s11 =	rddreg [dreg:$0x17];
	[sflag:s31] =	ssyncadd.s32 $0xFFFFFC00  }
0xef: {  	[spmem:s4] =	stream.indirect.scatter.add.f32 [tilespmem:s23], [sflag:$0x2], $0x8, s11, s16, $0xb8;
	[tilespmem:$0x6900] =	vst v63  }
0xf0: {  	_ =	swait.ge [sflag:s31], $0x400  }
0xf1: {  	[sflag:s31] =	ssyncset.done $0x0  }
0xf2: {  	[sflag:s31] =	ssyncadd.s32 $0xFFFFFC00  }
0xf3: {  	[spmem:s4] =	stream.indirect.scatter.add.f32 [tilespmem:s24], [sflag:$0x2], $0x8, s2, s16, $0xb8;
	[tilespmem:$0x6900] =	vst v63  }
0xf4: {  	_ =	swait.ge [sflag:s31], $0x400  }
0xf5: {  	[sflag:s31] =	ssyncset.done $0x0  }
0xf6: {  	[sflag:s31] =	ssyncadd.s32 $0xFFFFFC00  }
0xf7: {  	[spmem:s4] =	stream.indirect.scatter.add.f32 [tilespmem:s25], [sflag:$0x2], $0x8, s0, s16, $0xb8;
	[tilespmem:$0x6900] =	vst v63  }
0xf8: {  	_ =	swait.ge [sflag:s31], $0x400  }
0xf9: {  	[sflag:s31] =	ssyncset.done $0x0  }
0xfa: {  	[sflag:s31] =	ssyncadd.s32 $0xFFFFFC00  }
0xfb: {  	[spmem:s4] =	stream.indirect.scatter.add.f32 [tilespmem:s26], [sflag:$0x2], $0x8, s1, s16, $0xb8;
	[tilespmem:$0x6900] =	vst v63  }
0xfc: {  	_ =	swait.ge [sflag:s31], $0x400  }
0xfd: {  	[sflag:s31] =	ssyncset.done $0x0  }
0xfe: {  	[sflag:s31] =	ssyncadd.s32 $0xFFFFFC00  }
0xff: {  	[spmem:s4] =	stream.indirect.scatter.add.f32 [tilespmem:s28], [sflag:$0x2], $0x8, s6, s16, $0xb8;
	[tilespmem:$0x6900] =	vst v63  }
0x100: {  	_ =	swait.ge [sflag:s31], $0x400  }
0x101: {  	[sflag:s31] =	ssyncset.done $0x0  }
0x102: {  	[sflag:s31] =	ssyncadd.s32 $0xFFFFFC00  }
0x103: {  	[spmem:s4] =	stream.indirect.scatter.add.f32 [tilespmem:s29], [sflag:$0x2], $0x8, s8, s16, $0xb8;
	[tilespmem:$0x6900] =	vst v63  }
0x104: {  	_ =	swait.ge [sflag:s31], $0x400  }
0x105: {  	[sflag:s31] =	ssyncset.done $0x0  }
0x106: {  	[sflag:s31] =	ssyncadd.s32 $0xFFFFFC00  }
0x107: {  	[spmem:s4] =	stream.indirect.scatter.add.f32 [tilespmem:s30], [sflag:$0x2], $0x8, s9, s16, $0xb8;
	[tilespmem:$0x6900] =	vst v63  }
0x108: {  	_ =	swait.ge [sflag:s10], $0x400  }
0x109: {  	[sflag:s10] =	ssyncset.done $0x0  }
0x10a: {  	[sflag:s10] =	ssyncadd.s32 $0xFFFFFC00  }
0x10b: {  	_ =	swait.ge [sflag:s10], $0x400  }
0x10c: {  	[sflag:s10] =	ssyncset.done $0x0  }
0x10d: {  	[sflag:s10] =	ssyncadd.s32 $0xFFFFFC00  }
0x10e: {  	_ =	swait.ge [sflag:s10], $0x400  }
0x10f: {  	[sflag:s10] =	ssyncset.done $0x0  }
0x110: {  	[sflag:s10] =	ssyncadd.s32 $0xFFFFFC00  }
0x111: {  	_ =	swait.ge [sflag:s10], $0x400  }
0x112: {  	[sflag:s10] =	ssyncset.done $0x0  }
0x113: {  	[sflag:s10] =	ssyncadd.s32 $0xFFFFFC00  }
0x114: {  	_ =	swait.ge [sflag:s10], $0x400  }
0x115: {  	[sflag:s10] =	ssyncset.done $0x0  }
0x116: {  	[sflag:s10] =	ssyncadd.s32 $0xFFFFFC00  }
0x117: {  	_ =	swait.ge [sflag:s10], $0x400  }
0x118: {  	[sflag:s10] =	ssyncset.done $0x0  }
0x119: {  	[sflag:s10] =	ssyncadd.s32 $0xFFFFFC00  }
0x11a: {  	_ =	swait.ge [sflag:s10], $0x400  }
0x11b: {  	[sflag:s10] =	ssyncset.done $0x0  }
0x11c: {  	[sflag:s10] =	ssyncadd.s32 $0xFFFFFC00  }
0x11d: {  	_ =	swait.ge [sflag:s10], $0x400  }
0x11e: {  	[sflag:s10] =	ssyncset.done $0x0  }
0x11f: {  	[sflag:s10] =	ssyncadd.s32 $0xFFFFFC00  }
0x120: {  	_ =	swait.ge [sflag:s10], $0x400  }
0x121: {  	[sflag:s10] =	ssyncset.done $0x0  }
0x122: {  	[sflag:s10] =	ssyncadd.s32 $0xFFFFFC00  }
0x123: {  	_ =	swait.ge [sflag:s10], $0x400  }
0x124: {  	[sflag:s10] =	ssyncset.done $0x0  }
0x125: {  	[sflag:s10] =	ssyncadd.s32 $0xFFFFFC00  }
0x126: {  	_ =	swait.ge [sflag:s10], $0x400  }
0x127: {  	[sflag:s10] =	ssyncset.done $0x0  }
0x128: {  	p1 =	sne.s32 s14, $0x410;
	[sflag:s10] =	ssyncadd.s32 $0xFFFFFC00  }
.Ltmp0:
0x129: {  	_ =	swait.ge [sflag:s10], $0x400;
	(pc) =	sbr.rel @p1 .LBB2_2-.Ltmp0, $4  }
0x12a: {  	[sflag:s10] =	ssyncset.done $0x0  }
0x12b: {  	[sflag:s10] =	ssyncadd.s32 $0xFFFFFC00  }
0x12c: {  	_ =	swait.ge [sflag:s10], $0x400  }
0x12d: {  	s14 =	sadd.s32 $0xD0, s14;
	s7 =	rddreg [dreg:$0x6];
	[sflag:s10] =	ssyncset.done $0x0  }
0x12e: {  	[sflag:s10] =	ssyncadd.s32 $0xFFFFFC00;
	s7 =	sadd.s32 s12, s7  }
0x12f: {  	[tilespmem:s5], [sflag:$0x3] =	stream.linear.gather [hbm4b:s7+s5], $0x680, $0x38;
	[tilespmem:$0x6900] =	vst v63  }
0x130: {  	_ =	swait.ge [sflag:s13], $0x680  }
0x131: {  	s11 =	rddreg [dreg:$0x5];
	[sflag:s13] =	ssyncset.done $0x0  }
0x132: {  	[sflag:s13] =	ssyncadd.s32 $0xFFFFF980;
	s7 =	sadd.s32 s12, s11  }
0x133: {  	[tilespmem:s15], [sflag:$0x3] =	stream.linear.gather [hbm4b:s7+s5], $0x680, $0x38;
	[tilespmem:$0x6900] =	vst v63  }
0x134: {  	_ =	swait.ge [sflag:s13], $0x680  }
0x135: {  	[sflag:s13] =	ssyncset.done $0x0  }
0x136: {  	[sflag:s13] =	ssyncadd.s32 $0xFFFFF980  }
0x137: {  	[tilespmem:s17], [sflag:$0x1] =	stream.indirect.gather [spmem:s3], $0x8, s5, s16, $0xb8;
	[tilespmem:$0x6900] =	vst v63  }
0x138: {  	_ = 	snop  }
0x139: {  	[tilespmem:s18], [sflag:$0x1] =	stream.indirect.gather [spmem:s3], $0x8, s16, s16, $0xb8;
	[tilespmem:$0x6900] =	vst v63  }
0x13a: {  	s12 =	rddreg [dreg:$0x7]  }
0x13b: {  	[tilespmem:s19], [sflag:$0x1] =	stream.indirect.gather [spmem:s3], $0x8, s12, s16, $0xb8;
	[tilespmem:$0x6900] =	vst v63  }
0x13c: {  	s11 =	rddreg [dreg:$0x8]  }
0x13d: {  	[tilespmem:s20], [sflag:$0x1] =	stream.indirect.gather [spmem:s3], $0x8, s11, s16, $0xb8;
	[tilespmem:$0x6900] =	vst v63  }
0x13e: {  	s14 =	rddreg [dreg:$0x9]  }
0x13f: {  	[tilespmem:s21], [sflag:$0x1] =	stream.indirect.gather [spmem:s3], $0x8, s14, s16, $0xb8;
	[tilespmem:$0x6900] =	vst v63  }
0x140: {  	s12 =	rddreg [dreg:$0xa]  }
0x141: {  	[tilespmem:s22], [sflag:$0x1] =	stream.indirect.gather [spmem:s3], $0x8, s12, s16, $0xb8;
	[tilespmem:$0x6900] =	vst v63  }
0x142: {  	s14 =	rddreg [dreg:$0xb]  }
0x143: {  	[tilespmem:s23], [sflag:$0x1] =	stream.indirect.gather [spmem:s3], $0x8, s14, s16, $0xb8;
	[tilespmem:$0x6900] =	vst v63  }
0x144: {  	s12 =	rddreg [dreg:$0xc]  }
0x145: {  	[tilespmem:s24], [sflag:$0x1] =	stream.indirect.gather [spmem:s3], $0x8, s12, s16, $0xb8;
	[tilespmem:$0x6900] =	vst v63  }
0x146: {  	s14 =	rddreg [dreg:$0xd]  }
0x147: {  	[tilespmem:s25], [sflag:$0x1] =	stream.indirect.gather [spmem:s3], $0x8, s14, s16, $0xb8;
	[tilespmem:$0x6900] =	vst v63  }
0x148: {  	s12 =	rddreg [dreg:$0xe]  }
0x149: {  	[tilespmem:s26], [sflag:$0x1] =	stream.indirect.gather [spmem:s3], $0x8, s12, s16, $0xb8;
	[tilespmem:$0x6900] =	vst v63  }
0x14a: {  	s14 =	rddreg [dreg:$0xf]  }
0x14b: {  	[tilespmem:s28], [sflag:$0x1] =	stream.indirect.gather [spmem:s3], $0x8, s14, s16, $0xb8;
	[tilespmem:$0x6900] =	vst v63  }
0x14c: {  	s12 =	rddreg [dreg:$0x10]  }
0x14d: {  	[tilespmem:s29], [sflag:$0x1] =	stream.indirect.gather [spmem:s3], $0x8, s12, s16, $0xb8;
	[tilespmem:$0x6900] =	vst v63  }
0x14e: {  	s14 =	rddreg [dreg:$0x11]  }
0x14f: {  	[tilespmem:s30], [sflag:$0x1] =	stream.indirect.gather [spmem:s3], $0x8, s14, s16, $0xb8;
	[tilespmem:$0x6900] =	vst v63  }
0x150: {  	_ =	swait.ge [sflag:s31], $0x400  }
0x151: {  	[sflag:s31] =	ssyncset.done $0x0  }
0x152: {  	[sflag:s31] =	ssyncadd.s32 $0xFFFFFC00  }
0x153: {  	[spmem:s4] =	stream.indirect.scatter.add.f32 [tilespmem:s17], [sflag:$0x2], $0x8, s15, s16, $0xb8;
	[tilespmem:$0x6900] =	vst v63  }
0x154: {  	_ =	swait.ge [sflag:s31], $0x400  }
0x155: {  	[sflag:s31] =	ssyncset.done $0x0  }
0x156: {  	s12 =	rddreg [dreg:$0x12];
	[sflag:s31] =	ssyncadd.s32 $0xFFFFFC00  }
0x157: {  	[spmem:s4] =	stream.indirect.scatter.add.f32 [tilespmem:s18], [sflag:$0x2], $0x8, s12, s16, $0xb8;
	[tilespmem:$0x6900] =	vst v63  }
0x158: {  	_ =	swait.ge [sflag:s31], $0x400  }
0x159: {  	[sflag:s31] =	ssyncset.done $0x0  }
0x15a: {  	s14 =	rddreg [dreg:$0x13];
	[sflag:s31] =	ssyncadd.s32 $0xFFFFFC00  }
0x15b: {  	[spmem:s4] =	stream.indirect.scatter.add.f32 [tilespmem:s19], [sflag:$0x2], $0x8, s14, s16, $0xb8;
	[tilespmem:$0x6900] =	vst v63  }
0x15c: {  	_ =	swait.ge [sflag:s31], $0x400  }
0x15d: {  	[sflag:s31] =	ssyncset.done $0x0  }
0x15e: {  	s11 =	rddreg [dreg:$0x14];
	[sflag:s31] =	ssyncadd.s32 $0xFFFFFC00  }
0x15f: {  	[spmem:s4] =	stream.indirect.scatter.add.f32 [tilespmem:s20], [sflag:$0x2], $0x8, s11, s16, $0xb8;
	[tilespmem:$0x6900] =	vst v63  }
0x160: {  	_ =	swait.ge [sflag:s31], $0x400  }
0x161: {  	[sflag:s31] =	ssyncset.done $0x0  }
0x162: {  	s12 =	rddreg [dreg:$0x15];
	[sflag:s31] =	ssyncadd.s32 $0xFFFFFC00  }
0x163: {  	[spmem:s4] =	stream.indirect.scatter.add.f32 [tilespmem:s21], [sflag:$0x2], $0x8, s12, s16, $0xb8;
	[tilespmem:$0x6900] =	vst v63  }
0x164: {  	_ =	swait.ge [sflag:s31], $0x400  }
0x165: {  	[sflag:s31] =	ssyncset.done $0x0  }
0x166: {  	s14 =	rddreg [dreg:$0x16];
	[sflag:s31] =	ssyncadd.s32 $0xFFFFFC00  }
0x167: {  	[spmem:s4] =	stream.indirect.scatter.add.f32 [tilespmem:s22], [sflag:$0x2], $0x8, s14, s16, $0xb8;
	[tilespmem:$0x6900] =	vst v63  }
0x168: {  	_ =	swait.ge [sflag:s31], $0x400  }
0x169: {  	[sflag:s31] =	ssyncset.done $0x0  }
0x16a: {  	s11 =	rddreg [dreg:$0x17];
	[sflag:s31] =	ssyncadd.s32 $0xFFFFFC00  }
0x16b: {  	[spmem:s4] =	stream.indirect.scatter.add.f32 [tilespmem:s23], [sflag:$0x2], $0x8, s11, s16, $0xb8;
	[tilespmem:$0x6900] =	vst v63  }
0x16c: {  	_ =	swait.ge [sflag:s31], $0x400  }
0x16d: {  	[sflag:s31] =	ssyncset.done $0x0  }
0x16e: {  	[sflag:s31] =	ssyncadd.s32 $0xFFFFFC00  }
0x16f: {  	[spmem:s4] =	stream.indirect.scatter.add.f32 [tilespmem:s24], [sflag:$0x2], $0x8, s2, s16, $0xb8;
	[tilespmem:$0x6900] =	vst v63  }
0x170: {  	_ =	swait.ge [sflag:s31], $0x400  }
0x171: {  	[sflag:s31] =	ssyncset.done $0x0  }
0x172: {  	[sflag:s31] =	ssyncadd.s32 $0xFFFFFC00  }
0x173: {  	[spmem:s4] =	stream.indirect.scatter.add.f32 [tilespmem:s25], [sflag:$0x2], $0x8, s0, s16, $0xb8;
	[tilespmem:$0x6900] =	vst v63  }
0x174: {  	_ =	swait.ge [sflag:s31], $0x400  }
0x175: {  	[sflag:s31] =	ssyncset.done $0x0  }
0x176: {  	[sflag:s31] =	ssyncadd.s32 $0xFFFFFC00  }
0x177: {  	[spmem:s4] =	stream.indirect.scatter.add.f32 [tilespmem:s26], [sflag:$0x2], $0x8, s1, s16, $0xb8;
	[tilespmem:$0x6900] =	vst v63  }
0x178: {  	_ =	swait.ge [sflag:s31], $0x400  }
0x179: {  	[sflag:s31] =	ssyncset.done $0x0  }
0x17a: {  	[sflag:s31] =	ssyncadd.s32 $0xFFFFFC00  }
0x17b: {  	[spmem:s4] =	stream.indirect.scatter.add.f32 [tilespmem:s28], [sflag:$0x2], $0x8, s6, s16, $0xb8;
	[tilespmem:$0x6900] =	vst v63  }
0x17c: {  	_ =	swait.ge [sflag:s31], $0x400  }
0x17d: {  	[sflag:s31] =	ssyncset.done $0x0  }
0x17e: {  	[sflag:s31] =	ssyncadd.s32 $0xFFFFFC00  }
0x17f: {  	[spmem:s4] =	stream.indirect.scatter.add.f32 [tilespmem:s29], [sflag:$0x2], $0x8, s8, s16, $0xb8;
	[tilespmem:$0x6900] =	vst v63  }
0x180: {  	_ =	swait.ge [sflag:s31], $0x400  }
0x181: {  	[sflag:s31] =	ssyncset.done $0x0  }
0x182: {  	[sflag:s31] =	ssyncadd.s32 $0xFFFFFC00  }
0x183: {  	[spmem:s4] =	stream.indirect.scatter.add.f32 [tilespmem:s30], [sflag:$0x2], $0x8, s9, s16, $0xb8;
	[tilespmem:$0x6900] =	vst v63  }
0x184: {  	_ =	swait.ge [sflag:s10], $0x400  }
0x185: {  	[sflag:s10] =	ssyncset.done $0x0  }
0x186: {  	[sflag:s10] =	ssyncadd.s32 $0xFFFFFC00  }
0x187: {  	_ =	swait.ge [sflag:s10], $0x400  }
0x188: {  	[sflag:s10] =	ssyncset.done $0x0  }
0x189: {  	[sflag:s10] =	ssyncadd.s32 $0xFFFFFC00  }
0x18a: {  	_ =	swait.ge [sflag:s10], $0x400  }
0x18b: {  	[sflag:s10] =	ssyncset.done $0x0  }
0x18c: {  	[sflag:s10] =	ssyncadd.s32 $0xFFFFFC00  }
0x18d: {  	_ =	swait.ge [sflag:s10], $0x400  }
0x18e: {  	[sflag:s10] =	ssyncset.done $0x0  }
0x18f: {  	[sflag:s10] =	ssyncadd.s32 $0xFFFFFC00  }
0x190: {  	_ =	swait.ge [sflag:s10], $0x400  }
0x191: {  	[sflag:s10] =	ssyncset.done $0x0  }
0x192: {  	[sflag:s10] =	ssyncadd.s32 $0xFFFFFC00  }
0x193: {  	_ =	swait.ge [sflag:s10], $0x400  }
0x194: {  	[sflag:s10] =	ssyncset.done $0x0  }
0x195: {  	[sflag:s10] =	ssyncadd.s32 $0xFFFFFC00  }
0x196: {  	_ =	swait.ge [sflag:s10], $0x400  }
0x197: {  	[sflag:s10] =	ssyncset.done $0x0  }
0x198: {  	[sflag:s10] =	ssyncadd.s32 $0xFFFFFC00  }
0x199: {  	_ =	swait.ge [sflag:s10], $0x400  }
0x19a: {  	[sflag:s10] =	ssyncset.done $0x0  }
0x19b: {  	[sflag:s10] =	ssyncadd.s32 $0xFFFFFC00  }
0x19c: {  	_ =	swait.ge [sflag:s10], $0x400  }
0x19d: {  	[sflag:s10] =	ssyncset.done $0x0  }
0x19e: {  	[sflag:s10] =	ssyncadd.s32 $0xFFFFFC00  }
0x19f: {  	_ =	swait.ge [sflag:s10], $0x400  }
0x1a0: {  	[sflag:s10] =	ssyncset.done $0x0  }
0x1a1: {  	[sflag:s10] =	ssyncadd.s32 $0xFFFFFC00  }
0x1a2: {  	_ =	swait.ge [sflag:s10], $0x400  }
0x1a3: {  	[sflag:s10] =	ssyncset.done $0x0  }
0x1a4: {  	[sflag:s10] =	ssyncadd.s32 $0xFFFFFC00  }
0x1a5: {  	_ =	swait.ge [sflag:s10], $0x400  }
0x1a6: {  	[sflag:s10] =	ssyncset.done $0x0  }
0x1a7: {  	[sflag:s10] =	ssyncadd.s32 $0xFFFFFC00  }
0x1a8: {  	_ =	swait.ge [sflag:s10], $0x400  }
0x1a9: {  	[sflag:s10] =	ssyncset.done $0x0  }
0x1aa: {  	s7 =	simm.s32 @!p0 $0x0;
	s11 =	rddreg [dreg:$0x1a];
	[sflag:s10] =	ssyncadd.s32 $0xFFFFFC00  }
0x1ab: {  	[tilespmem:s7], [sflag:$0x3] =	stream.linear.gather @!p0 [hbm4b:s11+s7], $0x80, $0x38;
	[tilespmem:$0x6900] =	vst v63  }
0x1ac: {  	s11 =	simm.s32 @!p0 $0x3  }
0x1ad: {  	_ =	swait.ge @!p0 [sflag:s11], $0x80  }
0x1ae: {  	[sflag:s11] =	ssyncset.done @!p0 $0x0  }
0x1af: {  	s12 =	simm.s32 @!p0 $0x680;
	s14 =	rddreg [dreg:$0x1b];
	[sflag:s11] =	ssyncadd.s32 @!p0 $0xFFFFFF80  }
0x1b0: {  	[tilespmem:s12], [sflag:$0x3] =	stream.linear.gather @!p0 [hbm4b:s14+s7], $0x80, $0x38;
	[tilespmem:$0x6900] =	vst v63  }
0x1b1: {  	_ =	swait.ge @!p0 [sflag:s11], $0x80  }
0x1b2: {  	[sflag:s11] =	ssyncset.done @!p0 $0x0  }
0x1b3: {  	s14 =	simm.s32 @!p0 $0xD00;
	[sflag:s11] =	ssyncadd.s32 @!p0 $0xFFFFFF80;
	s11 =	simm.s32 @!p0 $0x80  }
0x1b4: {  	[tilespmem:s14], [sflag:$0x1] =	stream.indirect.gather @!p0 [spmem:s3], $0x8, s7, s11, $0xb8;
	[tilespmem:$0x6900] =	vst v63  }
0x1b5: {  	s7 =	simm.s32 @!p0 $0x1  }
0x1b6: {  	_ =	swait.ge @!p0 [sflag:s7], $0x400  }
0x1b7: {  	[sflag:s7] =	ssyncset.done @!p0 $0x0  }
0x1b8: {  	[sflag:s7] =	ssyncadd.s32 @!p0 $0xFFFFFC00;
	s7 =	simm.s32 @!p0 $0x2  }
0x1b9: {  	[spmem:s4] =	stream.indirect.scatter.add.f32 @!p0 [tilespmem:s14], [sflag:$0x2], $0x8, s12, s11, $0xb8;
	[tilespmem:$0x6900] =	vst v63  }
0x1ba: {  	_ =	swait.ge @!p0 [sflag:s7], $0x400  }
0x1bb: {  	[sflag:s7] =	ssyncset.done @!p0 $0x0  }
0x1bc: {  	[sflag:s7] =	ssyncadd.s32 @!p0 $0xFFFFFC00  }
0x1bd: {  	[bflag:$0x0] =	sbarrier.arrive $0xFFFF  }
0x1be: {  	s11 =	rddreg [dreg:$0x19]  }
0x1bf: {  	s12 =	rddreg [dreg:$0x1c]  }
0x1c0: {  	s14 =	rddreg [dreg:$0x1f]  }
0x1c1: {  	[hbm:s12], [sflag:s11] =	dma.local [spmem:s14], $0x280  }
0x1c2: {  	_ =	swait.ge [sflag:s13], $0x280  }
0x1c3: {  	s7 =	sld [smem:$0x7FD];
	_ =	sdelay $0x2  }
0x1c4: {  	s12 =	sadd.s32 $0x1, s7;
	s7 =	rddreg [dreg:$0x1d]  }
0x1c5: {  	p1 =	sne.s32 s12, s7  }
.Ltmp1:
0x1c6: {  	_ = 	snop;
	(pc) =	sbr.rel @p1 .LBB2_1-.Ltmp1, $3  }
0x1c7: {  	_ =	sdelay $0x1  }
0x1c8: {  	[sflag:s13] =	ssyncset.done $0x0  }
0x1c9: {  	[sflag:s13] =	ssyncadd.s32 $0xFFFFFD80  }
0x1ca: {  	_ =	sfence.sel $0x180000  }
0x1cb: {  	[bflag:$0x0] =	sbarrier.arrive $0xFFFF  }
0x1cc: {  	_ =	strace $0x9000004A  }
0x1cd: {  	s0 =	stileid.u32;
	[bflag:$0x2] =	sbarrier.arrive $0xFFFF  }
0x1ce: {  	p0 =	sne.s32 s0, $0x0;
	s0 =	rddreg [dreg:$0x4]  }
0x1cf: {  	s0 =	sadd.s32 @!p0 $0x100000, s0  }
0x1d0: {  	[sflag:s0] =	ssyncadd.tile.s32 @!p0 $0x1;
	_ =	shalt  }
.Lfunc_end2:
_tile_overlayer_lowered:
.L_overlay_start_2:
0x1d1: {  	(tag) =	ssettag $0x2  }
0x1d2: {  	s0 =	rddreg [dreg:$0x0];
	s2 =	stileid.u32  }
0x1d3: {  	s1 =	rddreg [dreg:$0x1];
	p0 =	sne.s32 s2, $0x0  }
0x1d4: {  	s3 =	rddreg [dreg:$0x2];
	[bflag:$0x3] =	sbarrier.arrive $0xFFFF;
	s2 =	simm.s32 @!p0 $0x1C03  }
0x1d5: {  	[timem:s3], [sflag:s2] =	dma.local @!p0 [hbm:s0], s1  }
0x1d6: {  	s0 =	simm.s32 @!p0 $0x3  }
0x1d7: {  	_ =	swait.ge @!p0 [sflag:s0], s1  }
0x1d8: {  	s1 =	ssub.s32 @!p0 $0x0, s1;
	[sflag:s0] =	ssyncset.done @!p0 $0x0  }
0x1d9: {  	[sflag:s0] =	ssyncadd.s32 @!p0 s1  }
0x1da: {  	[bflag:$0x3] =	sbarrier.arrive $0xFFFF  }
0x1db: {  	_ =	shalt  }

// kernel: kernel.15.cloned.1.call-start
scs
__scs_entry_jumppad:
0x0: {  	(pc) =	sbr.rel $0x88, $3  }
0x1: {  	(tag) =	ssettag $0x0;
	lr =	simm.s32 $0x1  }
0x2: {  	[smem:$0x3F9B] =	sst lr;
	_ =	strace $0xD0000000  }
0x3: {  	_ = 	snop  }
0x4: {  	_ = 	snop  }
0x5: {  	_ = 	snop  }
0x6: {  	_ = 	snop  }
0x7: {  	_ = 	snop  }
__scs_overlays_trampoline_lowered:
0x8: {  	[smem:$0x3FAA] =	sst s0  }
0x9: {  	[smem:$0x3FAB] =	sst s1  }
0xa: {  	[smem:$0x3FAC] =	sst s2  }
0xb: {  	[smem:$0x3FAD] =	sst s3  }
0xc: {  	[smem:$0x3FAE] =	sst s4  }
0xd: {  	[smem:$0x3FAF] =	sst s5  }
0xe: {  	[smem:$0x3FB0] =	sst s6  }
0xf: {  	[smem:$0x3FB1] =	sst s7  }
0x10: {  	[smem:$0x3FB2] =	sst s8  }
0x11: {  	[smem:$0x3FB3] =	sst s9;
	s0 =	simm.s32 @!p0 $0x0  }
0x12: {  	s1 =	sld [smem:$0x3F99];
	s0 =	simm.s32 @p0 $0x1  }
0x13: {  	[smem:$0x3FB4] =	sst s0;
	s0 =	simm.s32 @!p1 $0x0  }
0x14: {  	s2 =	sld [smem:$0x3F98];
	s0 =	simm.s32 @p1 $0x1  }
0x15: {  	[smem:$0x3FB5] =	sst s0;
	s0 =	simm.s32 @!p2 $0x0  }
0x16: {  	s3 =	sld [smem:$0x3FDB];
	s0 =	simm.s32 @p2 $0x1  }
0x17: {  	s4 =	simm.s32 $0x1BF5;
	[smem:$0x3FB7] =	sst s0  }
0x18: {  	s0 =	sld [smem:$0x3F9A];
	_ =	swait.ge [sflag:s4], $0x0  }
0x19: {  	s7 =	sld [smem:$0x3F9B]  }
0x1a: {  	s8 =	sadd.s32 $0xFFFFE003, lr  }
0x1b: {  	s9 =	sadd.s32 $0xFFFFFEF7, lr;
	s5 =	simm.s32 $0xFFFFFFFF;
	p2 =	slt.u32 s8, $0xFFFFF086  }
0x1c: {  	p1 =	slt.u32 s9, $0xF7A;
	s5 =	simm.s32 @!p2 $0x0  }
0x1d: {  	s5 =	simm.s32 @p1 $0x1;
	p0 =	seq.s32 s7, s2  }
0x1e: {  	s7 =	smul.u32 @!p0 $0xF7A, s2;
	p2 =	seq.s32 @!p0 s5, $0x0  }
0x1f: {  	s9 =	smul.u32 $0xF7A, s1;
	s8 =	simm.s32 @!p0 $0x1BF5;
	p2 =	por !p2, p0  }
0x20: {  	[sflag:s8] =	ssyncset.s32 @!p0 $0xFFFFF086;
	s6 =	sadd.s32 @!p0 s3, s7;
	s7 =	simm.s32 @!p0 $0x108  }
0x21: {  	s3 =	sadd.s32 s3, s9;
	s6 =	sadd.s32 @!p0 $0x88, s6;
	s7 =	simm.s32 @p2 $0x1082  }
0x22: {  	[simem:s7], [sflag:s8] =	dma.local @!p0 [hbm:s6], $0xF7A  }
0x23: {  	s9 =	sor.u32 $0xD0000000, s2;
	s6 =	simm.s32 $0x108;
	_ =	swait.ge @!p0 [sflag:s8], $0x0  }
0x24: {  	s3 =	sadd.s32 $0x88, s3;
	s6 =	simm.s32 @!p1 $0x1082;
	[sflag:s4] =	ssyncset.s32 $0xFFFFF086  }
0x25: {  	[simem:s6], [sflag:s4] =	dma.local [hbm:s3], $0xF7A  }
0x26: {  	[smem:$0x3F9B] =	sst s1;
	(tag) =	ssettag s2;
	_ =	strace s9  }
0x27: {  	s1 =	sld [smem:$0x3FAB]  }
0x28: {  	s2 =	sld [smem:$0x3FAC]  }
0x29: {  	s4 =	sld [smem:$0x3FAE]  }
0x2a: {  	p0 =	seq.s32 s5, $0x0;
	s5 =	sld [smem:$0x3FAF]  }
0x2b: {  	s6 =	sld [smem:$0x3FB0]  }
0x2c: {  	s7 =	sld [smem:$0x3FB1]  }
0x2d: {  	s3 =	simm.s32 $0x108;
	s8 =	sld [smem:$0x3FB2]  }
0x2e: {  	s3 =	simm.s32 @!p0 $0x1082;
	s9 =	sld [smem:$0x3FB3]  }
0x2f: {  	lr =	sadd.s32 s0, s3;
	s0 =	sld [smem:$0x3FAA]  }
0x30: {  	s3 =	sld [smem:$0x3FAD]  }
0x31: {  	[smem:$0x3FB6] =	sst s10  }
0x32: {  	s10 =	sld [smem:$0x3FB4];
	_ =	sdelay $0x3  }
0x33: {  	p0 =	seq.s32 s10, $0x1;
	s10 =	sld [smem:$0x3FB6];
	_ =	sdelay $0x3  }
0x34: {  	[smem:$0x3FB6] =	sst s10  }
0x35: {  	s10 =	sld [smem:$0x3FB5];
	_ =	sdelay $0x3  }
0x36: {  	p1 =	seq.s32 s10, $0x1;
	s10 =	sld [smem:$0x3FB6];
	_ =	sdelay $0x3  }
0x37: {  	[smem:$0x3FB6] =	sst s10  }
0x38: {  	s10 =	sld [smem:$0x3FB7]  }
0x39: {  	_ = 	snop;
	(pc) =	sbr.ind lr, $3  }
0x3a: {  	_ = 	snop  }
0x3b: {  	_ = 	snop  }
0x3c: {  	p2 =	seq.s32 s10, $0x1;
	s10 =	sld [smem:$0x3FB6]  }
0x3d: {  	_ =	shalt  }
0x3e: {  	_ =	shalt  }
0x3f: {  	_ =	shalt  }
0x40: {  	_ =	shalt  }
0x41: {  	_ =	shalt  }
0x42: {  	_ =	shalt  }
0x43: {  	_ =	shalt  }
0x44: {  	_ =	shalt  }
0x45: {  	_ =	shalt  }
0x46: {  	_ =	shalt  }
0x47: {  	_ =	shalt  }
0x48: {  	_ =	shalt  }
0x49: {  	_ =	shalt  }
0x4a: {  	_ =	shalt  }
0x4b: {  	_ =	shalt  }
0x4c: {  	_ =	shalt  }
0x4d: {  	_ =	shalt  }
0x4e: {  	_ =	shalt  }
0x4f: {  	_ =	shalt  }
0x50: {  	_ =	shalt  }
0x51: {  	_ =	shalt  }
0x52: {  	_ =	shalt  }
0x53: {  	_ =	shalt  }
0x54: {  	_ =	shalt  }
0x55: {  	_ =	shalt  }
0x56: {  	_ =	shalt  }
0x57: {  	_ =	shalt  }
0x58: {  	_ =	shalt  }
0x59: {  	_ =	shalt  }
0x5a: {  	_ =	shalt  }
0x5b: {  	_ =	shalt  }
0x5c: {  	_ =	shalt  }
0x5d: {  	_ =	shalt  }
0x5e: {  	_ =	shalt  }
0x5f: {  	_ =	shalt  }
0x60: {  	_ =	shalt  }
0x61: {  	_ =	shalt  }
0x62: {  	_ =	shalt  }
0x63: {  	_ =	shalt  }
0x64: {  	_ =	shalt  }
0x65: {  	_ =	shalt  }
0x66: {  	_ =	shalt  }
0x67: {  	_ =	shalt  }
0x68: {  	_ =	shalt  }
0x69: {  	_ =	shalt  }
0x6a: {  	_ =	shalt  }
0x6b: {  	_ =	shalt  }
0x6c: {  	_ =	shalt  }
0x6d: {  	_ =	shalt  }
0x6e: {  	_ =	shalt  }
0x6f: {  	_ =	shalt  }
0x70: {  	_ =	shalt  }
0x71: {  	_ =	shalt  }
0x72: {  	_ =	shalt  }
0x73: {  	_ =	shalt  }
0x74: {  	_ =	shalt  }
0x75: {  	_ =	shalt  }
0x76: {  	_ =	shalt  }
0x77: {  	_ =	shalt  }
0x78: {  	_ =	shalt  }
0x79: {  	_ =	shalt  }
0x7a: {  	_ =	shalt  }
0x7b: {  	_ =	shalt  }
0x7c: {  	_ =	shalt  }
0x7d: {  	_ =	shalt  }
0x7e: {  	_ =	shalt  }
0x7f: {  	_ =	shalt  }
0x80: {  	_ =	shalt  }
0x81: {  	_ =	shalt  }
0x82: {  	_ =	shalt  }
0x83: {  	_ =	shalt  }
0x84: {  	_ =	shalt  }
0x85: {  	_ =	shalt  }
0x86: {  	_ =	shalt  }
0x87: {  	_ =	shalt  }
.Lfunc_end0:
.L_simem_size_0:
called_computation.2_lowered:
.L_overlay_start_0:
0x88: {  	s2 =	sld [smem:$0x3FD9]  }
0x89: {  	s3 =	sld [smem:$0x3FFE];
	_ =	sdelay $0x1  }
0x8a: {  	s1 =	srdreg.scid  }
0x8b: {  	s0 =	sand.u32 $0x1, s1  }
0x8c: {  	s17 =	sshll.u32 s0, $0xA;
	s2 =	sadd.s32 s3, s2  }
0x8d: {  	s2 =	sadd.s32 s2, s17  }
0x8e: {  	[smem:$0x3FC2] =	sst s2  }
0x8f: {  	_ = 	snop  }
0x90: {  	s2 =	sld [smem:$0x3FD0];
	(tm) =	ssettm $0x1  }
0x91: {  	s18 =	sld [smem:$0x3FFB];
	_ =	sdelay $0x3  }
0x92: {  	_ =	strace s18  }
0x93: {  	s3 =	sld [smem:$0x3FFC];
	_ =	sdelay $0x3  }
0x94: {  	_ =	strace s3  }
0x95: {  	s3 =	sld [smem:$0x3FFD];
	_ =	sdelay $0x3  }
0x96: {  	_ =	strace s3  }
0x97: {  	_ =	strace $0x8FFFFFFF  }
0x98: {  	s19 =	sld [smem:$0x3FDB];
	_ =	sdelay $0x1  }
0x99: {  	s4 =	simm.s32 $_scs_section_size  }
0x9a: {  	s5 =	simm.s32 $_size__tile_overlayer_lowered;
	s6 =	simm.s32 $_tile_overlayer_lowered  }
0x9b: {  	s22 =	simm.s32 $0x1BFF;
	s21 =	sshll.u32 s6, $0x1;
	s3 =	sadd.s32 s4, s19  }
0x9c: {  	s7 =	simm.s32 $0x0;
	s20 =	sshll.u32 s5, $0x1;
	s5 =	sadd.s32 s21, s3  }
0x9d: {  	[timem:s7], [sflag:s22] =	dma.local [hbm:s5], s20  }
0x9e: {  	_ =	swait.ge [sflag:s22], s20  }
0x9f: {  	s4 =	ssub.s32 $0x0, s20;
	[sflag:s22] =	ssyncset.done $0x0  }
0xa0: {  	[sflag:s22] =	ssyncadd.s32 s4;
	_ =	sdelay $0x1  }
0xa1: {  	s23 =	simm.s32 $0x1B8B  }
0xa2: {  	_ =	swait.ge [sflag:s23], $0x1  }
0xa3: {  	[sflag:s23] =	ssyncset.done $0x0  }
0xa4: {  	s25 =	simm.s32 $0x1B8E;
	s24 =	sld [smem:$0x3FFE];
	[sflag:s23] =	ssyncadd.s32 $0xFFFFFFFF  }
0xa5: {  	s26 =	simm.s32 $execute0_lowered;
	[smem:$0x3FD2] =	sst s25  }
0xa6: {  	s5 =	sshll.u32 s26, $0x1;
	_ =	strace $0x8000004C;
	[dreg:$0x1] =	wrdreg $0xFFFFFFFF  }
0xa7: {  	s28 =	simm.s32 $_size_execute0_lowered;
	s3 =	sadd.s32 s3, s5;
	[dreg:$0x0] =	wrdreg $0x0  }
0xa8: {  	s5 =	sshll.u32 s28, $0x1;
	[dreg:$0x2] =	wrdreg s3  }
0xa9: {  	[dreg:$0x3] =	wrdreg s5  }
0xaa: {  	[dreg:$0x4] =	wrdreg $0xC0  }
0xab: {  	_ =	task [dreg:s7], $0x5FFFF  }
0xac: {  	[dreg:$0x1] =	wrdreg $0xFFFFFFFF  }
0xad: {  	[dreg:$0x0] =	wrdreg $0x60  }
0xae: {  	[dreg:$0x2] =	wrdreg s24  }
0xaf: {  	[dreg:$0x3] =	wrdreg s2  }
0xb0: {  	[dreg:$0x4] =	wrdreg $0x41000  }
0xb1: {  	[dreg:$0x5] =	wrdreg $0x55000  }
0xb2: {  	[dreg:$0x6] =	wrdreg $0x9  }
0xb3: {  	_ =	task.clear_ibuf [dreg:s7], $0x7FFFF;
	_ =	strace $0x9000004C  }
0xb4: {  	s29 =	simm.s32 $0x9;
	_ =	strace $0x8000004E  }
0xb5: {  	_ =	swait.ge [sflag:s29], $0x1  }
0xb6: {  	[sflag:s29] =	ssyncadd.s32 $0xFFFFFFFF  }
0xb7: {  	_ =	strace $0x9000004E  }
0xb8: {  	_ =	sfence  }
0xb9: {  	s30 =	sld [smem:$0x0];
	_ =	sdelay $0x2  }
0xba: {  	s31 =	sshll.u32 s1, $0xD;
	s1 =	sshrl.u32 s1, $0x2  }
0xbb: {  	s3 =	sand.u32 $0x4000, s31;
	s1 =	sadd.s32 s1, s30  }
0xbc: {  	s0 =	sor.u32 s3, s0;
	s1 =	sshll.u32 s1, $0x11  }
0xbd: {  	s0 =	sor.u32 s1, s0  }
0xbe: {  	s0 =	sadd.s32 $0x8F2B, s0  }
0xbf: {  	[sflag:s0] =	ssyncadd.remote.s32 $0x1  }
0xc0: {  	_ =	sfence.sel $0xFFFF  }
0xc1: {  	[dreg:$0x0] =	wrdreg $0xFFFFFFFF;
	(pc) =	sbr.abs _section_cstart, $3  }
0xc2: {  	[dreg:$0x1] =	wrdreg $0xFFFFFFFF  }
0xc3: {  	_ =	task.clear_ibuf [dreg:s7], $0x2FFFF;
	_ =	strace $0x9FFFFFFF  }
0xc4: {  	(tm) =	ssettm $0x7FFFFFFF  }
0xc5: {  	_ =	shalt  }
tec
execute0_lowered:
.L_overlay_start_1:
0x0: {  	(tag) =	ssettag $0x1  }
0x1: {  	s0 =	rddreg [dreg:$0x0]  }
0x2: {  	s3 =	rddreg [dreg:$0x2];
	s14 =	stileid.u32  }
0x3: {  	s1 =	srdreg.scid;
	s4 =	rddreg [dreg:$0x3]  }
0x4: {  	s5 =	simm.s32 $0x0;
	s24 =	simm.s32 $0x100;
	s25 =	simm.s32 $0x180  }
0x5: {  	s26 =	simm.s32 $0x200;
	s16 =	simm.s32 $0x400;
	s17 =	simm.s32 $0x480  }
0x6: {  	s18 =	simm.s32 $0x500;
	s28 =	simm.s32 $0x3500;
	s29 =	simm.s32 $0x3900  }
0x7: {  	s30 =	simm.s32 $0x3D00;
	s31 =	simm.s32 $0x1;
	s2 =	smul.u32 $0x1400, s14  }
0x8: {  	s1 =	sand.u32 $0x1, s1;
	[smem:$0x7FF] =	sst s5;
	s8 =	sadd.s32 $0x1E00, s0  }
0x9: {  	s10 =	sadd.s32 $0xBC00, s0;
	_ =	strace $0x8000004D;
	[dreg:$0x7] =	wrdreg s24  }
0xa: {  	s12 =	smul.u32 $0x4E0, s14;
	s21 =	sshll.u32 s14, $0x6;
	[dreg:$0x8] =	wrdreg s25  }
0xb: {  	s23 =	sshll.u32 s14, $0x4;
	s6 =	smul.u32 $0x14000, s1;
	[dreg:$0x9] =	wrdreg s26  }
0xc: {  	s9 =	ssub.s32 $0x2, s1;
	s20 =	sshll.u32 s1, $0x4;
	[dreg:$0xd] =	wrdreg s16  }
0xd: {  	s1 =	smul.u32 $0x4E00, s1;
	s15 =	sor.u32 $0x1C03, s21;
	[dreg:$0xe] =	wrdreg s17  }
0xe: {  	[dreg:$0xf] =	wrdreg s18;
	s16 =	simm.s32 $0x80;
	s17 =	simm.s32 $0xD00  }
0xf: {  	s21 =	simm.s32 $0x700;
	s18 =	simm.s32 $0x1100;
	s24 =	simm.s32 $0x880  }
0x10: {  	s25 =	simm.s32 $0x900;
	s26 =	simm.s32 $0x980;
	[dreg:$0x12] =	wrdreg s21  }
0x11: {  	s7 =	sshrl.u32 s2, $0x3;
	s19 =	sshrl.u32 s9, $0x1;
	[dreg:$0x15] =	wrdreg s24  }
0x12: {  	s11 =	sadd.s32 s2, s3;
	s21 =	simm.s32 $0x1D00;
	[dreg:$0x16] =	wrdreg s25  }
0x13: {  	[dreg:$0x17] =	wrdreg s26;
	s24 =	simm.s32 $0x2900;
	s25 =	simm.s32 $0x2D00  }
0x14: {  	s26 =	simm.s32 $0x3100;
	s7 =	sadd.s32 s7, s0;
	s6 =	sadd.s32 s2, s6  }
0x15: {  	s9 =	ssub.s32 s9, s19;
	s13 =	sadd.s32 s1, s10;
	s1 =	sadd.s32 s1, s8  }
0x16: {  	s2 =	sadd.s32 s2, s4;
	s19 =	simm.s32 $0x580;
	s6 =	sshrl.u32 s6, $0x3  }
0x17: {  	s7 =	sadd.s32 $0x15A00, s7;
	s22 =	sadd.s32 s12, s13;
	[dreg:$0x10] =	wrdreg s19  }
0x18: {  	s1 =	sadd.s32 s12, s1;
	s12 =	smax.u32 s9, $0x1;
	[dreg:$0x18] =	wrdreg s7  }
0x19: {  	s13 =	simm.s32 $0x380;
	s19 =	simm.s32 $0x1500;
	[dreg:$0x5] =	wrdreg s22  }
0x1a: {  	s9 =	simm.s32 $0xC80;
	s6 =	sadd.s32 s6, s0;
	[dreg:$0x6] =	wrdreg s1  }
0x1b: {  	s0 =	sor.u32 s14, s20;
	s7 =	sor.u32 $0x9C00, s23;
	[dreg:$0x1d] =	wrdreg s12  }
0x1c: {  	s14 =	sshrl.u32 s11, $0x3;
	s11 =	smov.u32 s15;
	[dreg:$0xc] =	wrdreg s13  }
0x1d: {  	s13 =	simm.s32 $0x3;
	s20 =	simm.s32 $0x600;
	[dreg:$0x1e] =	wrdreg s14  }
0x1e: {  	s15 =	simm.s32 $0x680;
	s22 =	simm.s32 $0x780;
	[dreg:$0x11] =	wrdreg s20  }
0x1f: {  	s23 =	simm.s32 $0x800;
	s1 =	simm.s32 $0xB00;
	[dreg:$0x13] =	wrdreg s22  }
0x20: {  	s12 =	simm.s32 $0x0;
	s8 =	sadd.s32 s8, s7;
	[dreg:$0x14] =	wrdreg s23  }
0x21: {  	s7 =	sadd.s32 s10, s7;
	s6 =	sadd.s32 $0x1D200, s6;
	[dreg:$0x19] =	wrdreg s11  }
0x22: {  	s10 =	simm.s32 $0x300;
	s14 =	sshrl.u32 s2, $0x3;
	[dreg:$0x1a] =	wrdreg s8  }
0x23: {  	s20 =	simm.s32 $0x1900;
	s22 =	simm.s32 $0x2100;
	[dreg:$0x1b] =	wrdreg s7  }
0x24: {  	s23 =	simm.s32 $0x2500;
	p0 =	sgt.u32 s0, $0x3;
	[dreg:$0x1c] =	wrdreg s6  }
0x25: {  	s2 =	simm.s32 $0xA00;
	s0 =	simm.s32 $0xA80;
	[dreg:$0xb] =	wrdreg s10  }
0x26: {  	s8 =	simm.s32 $0x280;
	s6 =	simm.s32 $0xB80;
	[dreg:$0x1f] =	wrdreg s14  }
0x27: {  	s10 =	simm.s32 $0x2;
	[dreg:$0xa] =	wrdreg s8;
	s8 =	simm.s32 $0xC00  }
.LBB2_1:
0x28: {  	[smem:$0x7FD] =	sst s12  }
0x29: {  	s7 =	rddreg [dreg:$0x18]  }
0x2a: {  	s12 =	rddreg [dreg:$0x1e]  }
0x2b: {  	[spmem:s12], [sflag:s11] =	dma.local [hbm:s7], $0x280  }
0x2c: {  	_ =	swait.ge [sflag:s13], $0x280  }
0x2d: {  	[sflag:s13] =	ssyncset.done $0x0  }
0x2e: {  	[sflag:s13] =	ssyncadd.s32 $0xFFFFFD80  }
0x2f: {  	s12 =	rddreg [dreg:$0x1]  }
0x30: {  	[spmem:s14], [sflag:s11] =	dma.local [hbm:s12], $0x280  }
0x31: {  	_ =	swait.ge [sflag:s13], $0x280  }
0x32: {  	[sflag:s13] =	ssyncset.done $0x0  }
0x33: {  	[sflag:s13] =	ssyncadd.s32 $0xFFFFFD80  }
0x34: {  	[bflag:$0x0] =	sbarrier.arrive $0xFFFF  }
0x35: {  	s11 =	rddreg [dreg:$0x6]  }
0x36: {  	s7 =	sadd.s32 $0x0, s11  }
0x37: {  	[tilespmem:s5], [sflag:$0x3] =	stream.linear.gather [hbm4b:s7+s5], $0x680, $0x38;
	[tilespmem:$0x6900] =	vst v63  }
0x38: {  	_ =	swait.ge [sflag:s13], $0x680  }
0x39: {  	s12 =	rddreg [dreg:$0x5];
	[sflag:s13] =	ssyncset.done $0x0  }
0x3a: {  	[sflag:s13] =	ssyncadd.s32 $0xFFFFF980;
	s7 =	sadd.s32 $0x0, s12  }
0x3b: {  	[tilespmem:s15], [sflag:$0x3] =	stream.linear.gather [hbm4b:s7+s5], $0x680, $0x38;
	[tilespmem:$0x6900] =	vst v63  }
0x3c: {  	_ =	swait.ge [sflag:s13], $0x680  }
0x3d: {  	[sflag:s13] =	ssyncset.done $0x0  }
0x3e: {  	[sflag:s13] =	ssyncadd.s32 $0xFFFFF980  }
0x3f: {  	[tilespmem:s17], [sflag:$0x1] =	stream.indirect.gather [spmem:s3], $0x8, s5, s16, $0xb8;
	[tilespmem:$0x6900] =	vst v63  }
0x40: {  	_ = 	snop  }
0x41: {  	[tilespmem:s18], [sflag:$0x1] =	stream.indirect.gather [spmem:s3], $0x8, s16, s16, $0xb8;
	[tilespmem:$0x6900] =	vst v63  }
0x42: {  	s14 =	rddreg [dreg:$0x7]  }
0x43: {  	[tilespmem:s19], [sflag:$0x1] =	stream.indirect.gather [spmem:s3], $0x8, s14, s16, $0xb8;
	[tilespmem:$0x6900] =	vst v63  }
0x44: {  	s11 =	rddreg [dreg:$0x8]  }
0x45: {  	[tilespmem:s20], [sflag:$0x1] =	stream.indirect.gather [spmem:s3], $0x8, s11, s16, $0xb8;
	[tilespmem:$0x6900] =	vst v63  }
0x46: {  	s14 =	rddreg [dreg:$0x9]  }
0x47: {  	[tilespmem:s21], [sflag:$0x1] =	stream.indirect.gather [spmem:s3], $0x8, s14, s16, $0xb8;
	[tilespmem:$0x6900] =	vst v63  }
0x48: {  	s11 =	rddreg [dreg:$0xa]  }
0x49: {  	[tilespmem:s22], [sflag:$0x1] =	stream.indirect.gather [spmem:s3], $0x8, s11, s16, $0xb8;
	[tilespmem:$0x6900] =	vst v63  }
0x4a: {  	s14 =	rddreg [dreg:$0xb]  }
0x4b: {  	[tilespmem:s23], [sflag:$0x1] =	stream.indirect.gather [spmem:s3], $0x8, s14, s16, $0xb8;
	[tilespmem:$0x6900] =	vst v63  }
0x4c: {  	s11 =	rddreg [dreg:$0xc]  }
0x4d: {  	[tilespmem:s24], [sflag:$0x1] =	stream.indirect.gather [spmem:s3], $0x8, s11, s16, $0xb8;
	[tilespmem:$0x6900] =	vst v63  }
0x4e: {  	s14 =	rddreg [dreg:$0xd]  }
0x4f: {  	[tilespmem:s25], [sflag:$0x1] =	stream.indirect.gather [spmem:s3], $0x8, s14, s16, $0xb8;
	[tilespmem:$0x6900] =	vst v63  }
0x50: {  	s11 =	rddreg [dreg:$0xe]  }
0x51: {  	[tilespmem:s26], [sflag:$0x1] =	stream.indirect.gather [spmem:s3], $0x8, s11, s16, $0xb8;
	[tilespmem:$0x6900] =	vst v63  }
0x52: {  	s14 =	rddreg [dreg:$0xf]  }
0x53: {  	[tilespmem:s28], [sflag:$0x1] =	stream.indirect.gather [spmem:s3], $0x8, s14, s16, $0xb8;
	[tilespmem:$0x6900] =	vst v63  }
0x54: {  	s11 =	rddreg [dreg:$0x10]  }
0x55: {  	[tilespmem:s29], [sflag:$0x1] =	stream.indirect.gather [spmem:s3], $0x8, s11, s16, $0xb8;
	[tilespmem:$0x6900] =	vst v63  }
0x56: {  	s14 =	rddreg [dreg:$0x11]  }
0x57: {  	[tilespmem:s30], [sflag:$0x1] =	stream.indirect.gather [spmem:s3], $0x8, s14, s16, $0xb8;
	[tilespmem:$0x6900] =	vst v63  }
0x58: {  	_ =	swait.ge [sflag:s31], $0x400  }
0x59: {  	[sflag:s31] =	ssyncset.done $0x0  }
0x5a: {  	[sflag:s31] =	ssyncadd.s32 $0xFFFFFC00  }
0x5b: {  	[spmem:s4] =	stream.indirect.scatter.add.f32 [tilespmem:s17], [sflag:$0x2], $0x8, s15, s16, $0xb8;
	[tilespmem:$0x6900] =	vst v63  }
0x5c: {  	_ =	swait.ge [sflag:s31], $0x400  }
0x5d: {  	[sflag:s31] =	ssyncset.done $0x0  }
0x5e: {  	s11 =	rddreg [dreg:$0x12];
	[sflag:s31] =	ssyncadd.s32 $0xFFFFFC00  }
0x5f: {  	[spmem:s4] =	stream.indirect.scatter.add.f32 [tilespmem:s18], [sflag:$0x2], $0x8, s11, s16, $0xb8;
	[tilespmem:$0x6900] =	vst v63  }
0x60: {  	_ =	swait.ge [sflag:s31], $0x400  }
0x61: {  	[sflag:s31] =	ssyncset.done $0x0  }
0x62: {  	s12 =	rddreg [dreg:$0x13];
	[sflag:s31] =	ssyncadd.s32 $0xFFFFFC00  }
0x63: {  	[spmem:s4] =	stream.indirect.scatter.add.f32 [tilespmem:s19], [sflag:$0x2], $0x8, s12, s16, $0xb8;
	[tilespmem:$0x6900] =	vst v63  }
0x64: {  	_ =	swait.ge [sflag:s31], $0x400  }
0x65: {  	[sflag:s31] =	ssyncset.done $0x0  }
0x66: {  	s14 =	rddreg [dreg:$0x14];
	[sflag:s31] =	ssyncadd.s32 $0xFFFFFC00  }
0x67: {  	[spmem:s4] =	stream.indirect.scatter.add.f32 [tilespmem:s20], [sflag:$0x2], $0x8, s14, s16, $0xb8;
	[tilespmem:$0x6900] =	vst v63  }
0x68: {  	_ =	swait.ge [sflag:s31], $0x400  }
0x69: {  	[sflag:s31] =	ssyncset.done $0x0  }
0x6a: {  	s11 =	rddreg [dreg:$0x15];
	[sflag:s31] =	ssyncadd.s32 $0xFFFFFC00  }
0x6b: {  	[spmem:s4] =	stream.indirect.scatter.add.f32 [tilespmem:s21], [sflag:$0x2], $0x8, s11, s16, $0xb8;
	[tilespmem:$0x6900] =	vst v63  }
0x6c: {  	_ =	swait.ge [sflag:s31], $0x400  }
0x6d: {  	[sflag:s31] =	ssyncset.done $0x0  }
0x6e: {  	s12 =	rddreg [dreg:$0x16];
	[sflag:s31] =	ssyncadd.s32 $0xFFFFFC00  }
0x6f: {  	[spmem:s4] =	stream.indirect.scatter.add.f32 [tilespmem:s22], [sflag:$0x2], $0x8, s12, s16, $0xb8;
	[tilespmem:$0x6900] =	vst v63  }
0x70: {  	_ =	swait.ge [sflag:s31], $0x400  }
0x71: {  	[sflag:s31] =	ssyncset.done $0x0  }
0x72: {  	s14 =	rddreg [dreg:$0x17];
	[sflag:s31] =	ssyncadd.s32 $0xFFFFFC00  }
0x73: {  	[spmem:s4] =	stream.indirect.scatter.add.f32 [tilespmem:s23], [sflag:$0x2], $0x8, s14, s16, $0xb8;
	[tilespmem:$0x6900] =	vst v63  }
0x74: {  	_ =	swait.ge [sflag:s31], $0x400  }
0x75: {  	[sflag:s31] =	ssyncset.done $0x0  }
0x76: {  	[sflag:s31] =	ssyncadd.s32 $0xFFFFFC00  }
0x77: {  	[spmem:s4] =	stream.indirect.scatter.add.f32 [tilespmem:s24], [sflag:$0x2], $0x8, s2, s16, $0xb8;
	[tilespmem:$0x6900] =	vst v63  }
0x78: {  	_ =	swait.ge [sflag:s31], $0x400  }
0x79: {  	[sflag:s31] =	ssyncset.done $0x0  }
0x7a: {  	[sflag:s31] =	ssyncadd.s32 $0xFFFFFC00  }
0x7b: {  	[spmem:s4] =	stream.indirect.scatter.add.f32 [tilespmem:s25], [sflag:$0x2], $0x8, s0, s16, $0xb8;
	[tilespmem:$0x6900] =	vst v63  }
0x7c: {  	_ =	swait.ge [sflag:s31], $0x400  }
0x7d: {  	[sflag:s31] =	ssyncset.done $0x0  }
0x7e: {  	[sflag:s31] =	ssyncadd.s32 $0xFFFFFC00  }
0x7f: {  	[spmem:s4] =	stream.indirect.scatter.add.f32 [tilespmem:s26], [sflag:$0x2], $0x8, s1, s16, $0xb8;
	[tilespmem:$0x6900] =	vst v63  }
0x80: {  	_ =	swait.ge [sflag:s31], $0x400  }
0x81: {  	[sflag:s31] =	ssyncset.done $0x0  }
0x82: {  	[sflag:s31] =	ssyncadd.s32 $0xFFFFFC00  }
0x83: {  	[spmem:s4] =	stream.indirect.scatter.add.f32 [tilespmem:s28], [sflag:$0x2], $0x8, s6, s16, $0xb8;
	[tilespmem:$0x6900] =	vst v63  }
0x84: {  	_ =	swait.ge [sflag:s31], $0x400  }
0x85: {  	[sflag:s31] =	ssyncset.done $0x0  }
0x86: {  	[sflag:s31] =	ssyncadd.s32 $0xFFFFFC00  }
0x87: {  	[spmem:s4] =	stream.indirect.scatter.add.f32 [tilespmem:s29], [sflag:$0x2], $0x8, s8, s16, $0xb8;
	[tilespmem:$0x6900] =	vst v63  }
0x88: {  	_ =	swait.ge [sflag:s31], $0x400  }
0x89: {  	[sflag:s31] =	ssyncset.done $0x0  }
0x8a: {  	[sflag:s31] =	ssyncadd.s32 $0xFFFFFC00  }
0x8b: {  	[spmem:s4] =	stream.indirect.scatter.add.f32 [tilespmem:s30], [sflag:$0x2], $0x8, s9, s16, $0xb8;
	[tilespmem:$0x6900] =	vst v63  }
0x8c: {  	_ =	swait.ge [sflag:s10], $0x400  }
0x8d: {  	[sflag:s10] =	ssyncset.done $0x0  }
0x8e: {  	[sflag:s10] =	ssyncadd.s32 $0xFFFFFC00  }
0x8f: {  	_ =	swait.ge [sflag:s10], $0x400  }
0x90: {  	[sflag:s10] =	ssyncset.done $0x0  }
0x91: {  	[sflag:s10] =	ssyncadd.s32 $0xFFFFFC00  }
0x92: {  	_ =	swait.ge [sflag:s10], $0x400  }
0x93: {  	[sflag:s10] =	ssyncset.done $0x0  }
0x94: {  	[sflag:s10] =	ssyncadd.s32 $0xFFFFFC00  }
0x95: {  	_ =	swait.ge [sflag:s10], $0x400  }
0x96: {  	[sflag:s10] =	ssyncset.done $0x0  }
0x97: {  	[sflag:s10] =	ssyncadd.s32 $0xFFFFFC00  }
0x98: {  	_ =	swait.ge [sflag:s10], $0x400  }
0x99: {  	[sflag:s10] =	ssyncset.done $0x0  }
0x9a: {  	[sflag:s10] =	ssyncadd.s32 $0xFFFFFC00  }
0x9b: {  	_ =	swait.ge [sflag:s10], $0x400  }
0x9c: {  	[sflag:s10] =	ssyncset.done $0x0  }
0x9d: {  	[sflag:s10] =	ssyncadd.s32 $0xFFFFFC00  }
0x9e: {  	_ =	swait.ge [sflag:s10], $0x400  }
0x9f: {  	[sflag:s10] =	ssyncset.done $0x0  }
0xa0: {  	[sflag:s10] =	ssyncadd.s32 $0xFFFFFC00  }
0xa1: {  	_ =	swait.ge [sflag:s10], $0x400  }
0xa2: {  	[sflag:s10] =	ssyncset.done $0x0  }
0xa3: {  	[sflag:s10] =	ssyncadd.s32 $0xFFFFFC00  }
0xa4: {  	_ =	swait.ge [sflag:s10], $0x400  }
0xa5: {  	[sflag:s10] =	ssyncset.done $0x0  }
0xa6: {  	[sflag:s10] =	ssyncadd.s32 $0xFFFFFC00  }
0xa7: {  	_ =	swait.ge [sflag:s10], $0x400  }
0xa8: {  	[sflag:s10] =	ssyncset.done $0x0  }
0xa9: {  	[sflag:s10] =	ssyncadd.s32 $0xFFFFFC00  }
0xaa: {  	_ =	swait.ge [sflag:s10], $0x400  }
0xab: {  	[sflag:s10] =	ssyncset.done $0x0  }
0xac: {  	[sflag:s10] =	ssyncadd.s32 $0xFFFFFC00  }
0xad: {  	_ =	swait.ge [sflag:s10], $0x400  }
0xae: {  	[sflag:s10] =	ssyncset.done $0x0  }
0xaf: {  	[sflag:s10] =	ssyncadd.s32 $0xFFFFFC00  }
0xb0: {  	s12 =	simm.s32 $0xD0;
	_ =	swait.ge [sflag:s10], $0x400  }
0xb1: {  	s14 =	simm.s32 $0x1A0;
	s7 =	rddreg [dreg:$0x6];
	[sflag:s10] =	ssyncset.done $0x0  }
.LBB2_2:
0xb2: {  	[sflag:s10] =	ssyncadd.s32 $0xFFFFFC00;
	s7 =	sadd.s32 s12, s7  }
0xb3: {  	[tilespmem:s5], [sflag:$0x3] =	stream.linear.gather [hbm4b:s7+s5], $0x680, $0x38;
	[tilespmem:$0x6900] =	vst v63  }
0xb4: {  	_ =	swait.ge [sflag:s13], $0x680  }
0xb5: {  	s7 =	rddreg [dreg:$0x5];
	[sflag:s13] =	ssyncset.done $0x0  }
0xb6: {  	[sflag:s13] =	ssyncadd.s32 $0xFFFFF980;
	s7 =	sadd.s32 s12, s7  }
0xb7: {  	[tilespmem:s15], [sflag:$0x3] =	stream.linear.gather [hbm4b:s7+s5], $0x680, $0x38;
	[tilespmem:$0x6900] =	vst v63  }
0xb8: {  	_ =	swait.ge [sflag:s13], $0x680  }
0xb9: {  	[sflag:s13] =	ssyncset.done $0x0  }
0xba: {  	[sflag:s13] =	ssyncadd.s32 $0xFFFFF980  }
0xbb: {  	[tilespmem:s17], [sflag:$0x1] =	stream.indirect.gather [spmem:s3], $0x8, s5, s16, $0xb8;
	[tilespmem:$0x6900] =	vst v63  }
0xbc: {  	_ = 	snop  }
0xbd: {  	[tilespmem:s18], [sflag:$0x1] =	stream.indirect.gather [spmem:s3], $0x8, s16, s16, $0xb8;
	[tilespmem:$0x6900] =	vst v63  }
0xbe: {  	s11 =	smov.u32 s14;
	s7 =	rddreg [dreg:$0x7]  }
0xbf: {  	[tilespmem:s19], [sflag:$0x1] =	stream.indirect.gather [spmem:s3], $0x8, s7, s16, $0xb8;
	[tilespmem:$0x6900] =	vst v63  }
0xc0: {  	s12 =	smov.u32 s11;
	s11 =	rddreg [dreg:$0x8]  }
0xc1: {  	[tilespmem:s20], [sflag:$0x1] =	stream.indirect.gather [spmem:s3], $0x8, s11, s16, $0xb8;
	[tilespmem:$0x6900] =	vst v63  }
0xc2: {  	s7 =	rddreg [dreg:$0x9]  }
0xc3: {  	[tilespmem:s21], [sflag:$0x1] =	stream.indirect.gather [spmem:s3], $0x8, s7, s16, $0xb8;
	[tilespmem:$0x6900] =	vst v63  }
0xc4: {  	s11 =	rddreg [dreg:$0xa]  }
0xc5: {  	[tilespmem:s22], [sflag:$0x1] =	stream.indirect.gather [spmem:s3], $0x8, s11, s16, $0xb8;
	[tilespmem:$0x6900] =	vst v63  }
0xc6: {  	s7 =	rddreg [dreg:$0xb]  }
0xc7: {  	[tilespmem:s23], [sflag:$0x1] =	stream.indirect.gather [spmem:s3], $0x8, s7, s16, $0xb8;
	[tilespmem:$0x6900] =	vst v63  }
0xc8: {  	s11 =	rddreg [dreg:$0xc]  }
0xc9: {  	[tilespmem:s24], [sflag:$0x1] =	stream.indirect.gather [spmem:s3], $0x8, s11, s16, $0xb8;
	[tilespmem:$0x6900] =	vst v63  }
0xca: {  	s7 =	rddreg [dreg:$0xd]  }
0xcb: {  	[tilespmem:s25], [sflag:$0x1] =	stream.indirect.gather [spmem:s3], $0x8, s7, s16, $0xb8;
	[tilespmem:$0x6900] =	vst v63  }
0xcc: {  	s11 =	rddreg [dreg:$0xe]  }
0xcd: {  	[tilespmem:s26], [sflag:$0x1] =	stream.indirect.gather [spmem:s3], $0x8, s11, s16, $0xb8;
	[tilespmem:$0x6900] =	vst v63  }
0xce: {  	s7 =	rddreg [dreg:$0xf]  }
0xcf: {  	[tilespmem:s28], [sflag:$0x1] =	stream.indirect.gather [spmem:s3], $0x8, s7, s16, $0xb8;
	[tilespmem:$0x6900] =	vst v63  }
0xd0: {  	s11 =	rddreg [dreg:$0x10]  }
0xd1: {  	[tilespmem:s29], [sflag:$0x1] =	stream.indirect.gather [spmem:s3], $0x8, s11, s16, $0xb8;
	[tilespmem:$0x6900] =	vst v63  }
0xd2: {  	s7 =	rddreg [dreg:$0x11]  }
0xd3: {  	[tilespmem:s30], [sflag:$0x1] =	stream.indirect.gather [spmem:s3], $0x8, s7, s16, $0xb8;
	[tilespmem:$0x6900] =	vst v63  }
0xd4: {  	_ =	swait.ge [sflag:s31], $0x400  }
0xd5: {  	[sflag:s31] =	ssyncset.done $0x0  }
0xd6: {  	[sflag:s31] =	ssyncadd.s32 $0xFFFFFC00  }
0xd7: {  	[spmem:s4] =	stream.indirect.scatter.add.f32 [tilespmem:s17], [sflag:$0x2], $0x8, s15, s16, $0xb8;
	[tilespmem:$0x6900] =	vst v63  }
0xd8: {  	_ =	swait.ge [sflag:s31], $0x400  }
0xd9: {  	[sflag:s31] =	ssyncset.done $0x0  }
0xda: {  	s11 =	rddreg [dreg:$0x12];
	[sflag:s31] =	ssyncadd.s32 $0xFFFFFC00  }
0xdb: {  	[spmem:s4] =	stream.indirect.scatter.add.f32 [tilespmem:s18], [sflag:$0x2], $0x8, s11, s16, $0xb8;
	[tilespmem:$0x6900] =	vst v63  }
0xdc: {  	_ =	swait.ge [sflag:s31], $0x400  }
0xdd: {  	[sflag:s31] =	ssyncset.done $0x0  }
0xde: {  	s11 =	rddreg [dreg:$0x13];
	[sflag:s31] =	ssyncadd.s32 $0xFFFFFC00  }
0xdf: {  	[spmem:s4] =	stream.indirect.scatter.add.f32 [tilespmem:s19], [sflag:$0x2], $0x8, s11, s16, $0xb8;
	[tilespmem:$0x6900] =	vst v63  }
0xe0: {  	_ =	swait.ge [sflag:s31], $0x400  }
0xe1: {  	[sflag:s31] =	ssyncset.done $0x0  }
0xe2: {  	s11 =	rddreg [dreg:$0x14];
	[sflag:s31] =	ssyncadd.s32 $0xFFFFFC00  }
0xe3: {  	[spmem:s4] =	stream.indirect.scatter.add.f32 [tilespmem:s20], [sflag:$0x2], $0x8, s11, s16, $0xb8;
	[tilespmem:$0x6900] =	vst v63  }
0xe4: {  	_ =	swait.ge [sflag:s31], $0x400  }
0xe5: {  	[sflag:s31] =	ssyncset.done $0x0  }
0xe6: {  	s11 =	rddreg [dreg:$0x15];
	[sflag:s31] =	ssyncadd.s32 $0xFFFFFC00  }
0xe7: {  	[spmem:s4] =	stream.indirect.scatter.add.f32 [tilespmem:s21], [sflag:$0x2], $0x8, s11, s16, $0xb8;
	[tilespmem:$0x6900] =	vst v63  }
0xe8: {  	_ =	swait.ge [sflag:s31], $0x400  }
0xe9: {  	[sflag:s31] =	ssyncset.done $0x0  }
0xea: {  	s11 =	rddreg [dreg:$0x16];
	[sflag:s31] =	ssyncadd.s32 $0xFFFFFC00  }
0xeb: {  	[spmem:s4] =	stream.indirect.scatter.add.f32 [tilespmem:s22], [sflag:$0x2], $0x8, s11, s16, $0xb8;
	[tilespmem:$0x6900] =	vst v63  }
0xec: {  	_ =	swait.ge [sflag:s31], $0x400  }
0xed: {  	[sflag:s31] =	ssyncset.done $0x0  }
0xee: {  	s11 =	rddreg [dreg:$0x17];
	[sflag:s31] =	ssyncadd.s32 $0xFFFFFC00  }
0xef: {  	[spmem:s4] =	stream.indirect.scatter.add.f32 [tilespmem:s23], [sflag:$0x2], $0x8, s11, s16, $0xb8;
	[tilespmem:$0x6900] =	vst v63  }
0xf0: {  	_ =	swait.ge [sflag:s31], $0x400  }
0xf1: {  	[sflag:s31] =	ssyncset.done $0x0  }
0xf2: {  	[sflag:s31] =	ssyncadd.s32 $0xFFFFFC00  }
0xf3: {  	[spmem:s4] =	stream.indirect.scatter.add.f32 [tilespmem:s24], [sflag:$0x2], $0x8, s2, s16, $0xb8;
	[tilespmem:$0x6900] =	vst v63  }
0xf4: {  	_ =	swait.ge [sflag:s31], $0x400  }
0xf5: {  	[sflag:s31] =	ssyncset.done $0x0  }
0xf6: {  	[sflag:s31] =	ssyncadd.s32 $0xFFFFFC00  }
0xf7: {  	[spmem:s4] =	stream.indirect.scatter.add.f32 [tilespmem:s25], [sflag:$0x2], $0x8, s0, s16, $0xb8;
	[tilespmem:$0x6900] =	vst v63  }
0xf8: {  	_ =	swait.ge [sflag:s31], $0x400  }
0xf9: {  	[sflag:s31] =	ssyncset.done $0x0  }
0xfa: {  	[sflag:s31] =	ssyncadd.s32 $0xFFFFFC00  }
0xfb: {  	[spmem:s4] =	stream.indirect.scatter.add.f32 [tilespmem:s26], [sflag:$0x2], $0x8, s1, s16, $0xb8;
	[tilespmem:$0x6900] =	vst v63  }
0xfc: {  	_ =	swait.ge [sflag:s31], $0x400  }
0xfd: {  	[sflag:s31] =	ssyncset.done $0x0  }
0xfe: {  	[sflag:s31] =	ssyncadd.s32 $0xFFFFFC00  }
0xff: {  	[spmem:s4] =	stream.indirect.scatter.add.f32 [tilespmem:s28], [sflag:$0x2], $0x8, s6, s16, $0xb8;
	[tilespmem:$0x6900] =	vst v63  }
0x100: {  	_ =	swait.ge [sflag:s31], $0x400  }
0x101: {  	[sflag:s31] =	ssyncset.done $0x0  }
0x102: {  	[sflag:s31] =	ssyncadd.s32 $0xFFFFFC00  }
0x103: {  	[spmem:s4] =	stream.indirect.scatter.add.f32 [tilespmem:s29], [sflag:$0x2], $0x8, s8, s16, $0xb8;
	[tilespmem:$0x6900] =	vst v63  }
0x104: {  	_ =	swait.ge [sflag:s31], $0x400  }
0x105: {  	[sflag:s31] =	ssyncset.done $0x0  }
0x106: {  	[sflag:s31] =	ssyncadd.s32 $0xFFFFFC00  }
0x107: {  	[spmem:s4] =	stream.indirect.scatter.add.f32 [tilespmem:s30], [sflag:$0x2], $0x8, s9, s16, $0xb8;
	[tilespmem:$0x6900] =	vst v63  }
0x108: {  	_ =	swait.ge [sflag:s10], $0x400  }
0x109: {  	[sflag:s10] =	ssyncset.done $0x0  }
0x10a: {  	[sflag:s10] =	ssyncadd.s32 $0xFFFFFC00  }
0x10b: {  	_ =	swait.ge [sflag:s10], $0x400  }
0x10c: {  	[sflag:s10] =	ssyncset.done $0x0  }
0x10d: {  	[sflag:s10] =	ssyncadd.s32 $0xFFFFFC00  }
0x10e: {  	_ =	swait.ge [sflag:s10], $0x400  }
0x10f: {  	[sflag:s10] =	ssyncset.done $0x0  }
0x110: {  	[sflag:s10] =	ssyncadd.s32 $0xFFFFFC00  }
0x111: {  	_ =	swait.ge [sflag:s10], $0x400  }
0x112: {  	[sflag:s10] =	ssyncset.done $0x0  }
0x113: {  	[sflag:s10] =	ssyncadd.s32 $0xFFFFFC00  }
0x114: {  	_ =	swait.ge [sflag:s10], $0x400  }
0x115: {  	[sflag:s10] =	ssyncset.done $0x0  }
0x116: {  	[sflag:s10] =	ssyncadd.s32 $0xFFFFFC00  }
0x117: {  	_ =	swait.ge [sflag:s10], $0x400  }
0x118: {  	[sflag:s10] =	ssyncset.done $0x0  }
0x119: {  	[sflag:s10] =	ssyncadd.s32 $0xFFFFFC00  }
0x11a: {  	_ =	swait.ge [sflag:s10], $0x400  }
0x11b: {  	[sflag:s10] =	ssyncset.done $0x0  }
0x11c: {  	[sflag:s10] =	ssyncadd.s32 $0xFFFFFC00  }
0x11d: {  	_ =	swait.ge [sflag:s10], $0x400  }
0x11e: {  	[sflag:s10] =	ssyncset.done $0x0  }
0x11f: {  	[sflag:s10] =	ssyncadd.s32 $0xFFFFFC00  }
0x120: {  	_ =	swait.ge [sflag:s10], $0x400  }
0x121: {  	[sflag:s10] =	ssyncset.done $0x0  }
0x122: {  	[sflag:s10] =	ssyncadd.s32 $0xFFFFFC00  }
0x123: {  	_ =	swait.ge [sflag:s10], $0x400  }
0x124: {  	[sflag:s10] =	ssyncset.done $0x0  }
0x125: {  	[sflag:s10] =	ssyncadd.s32 $0xFFFFFC00  }
0x126: {  	_ =	swait.ge [sflag:s10], $0x400  }
0x127: {  	[sflag:s10] =	ssyncset.done $0x0  }
0x128: {  	p1 =	sne.s32 s14, $0x410;
	[sflag:s10] =	ssyncadd.s32 $0xFFFFFC00  }
.Ltmp0:
0x129: {  	_ =	swait.ge [sflag:s10], $0x400;
	(pc) =	sbr.rel @p1 .LBB2_2-.Ltmp0, $4  }
0x12a: {  	[sflag:s10] =	ssyncset.done $0x0  }
0x12b: {  	[sflag:s10] =	ssyncadd.s32 $0xFFFFFC00  }
0x12c: {  	_ =	swait.ge [sflag:s10], $0x400  }
0x12d: {  	s14 =	sadd.s32 $0xD0, s14;
	s7 =	rddreg [dreg:$0x6];
	[sflag:s10] =	ssyncset.done $0x0  }
0x12e: {  	[sflag:s10] =	ssyncadd.s32 $0xFFFFFC00;
	s7 =	sadd.s32 s12, s7  }
0x12f: {  	[tilespmem:s5], [sflag:$0x3] =	stream.linear.gather [hbm4b:s7+s5], $0x680, $0x38;
	[tilespmem:$0x6900] =	vst v63  }
0x130: {  	_ =	swait.ge [sflag:s13], $0x680  }
0x131: {  	s11 =	rddreg [dreg:$0x5];
	[sflag:s13] =	ssyncset.done $0x0  }
0x132: {  	[sflag:s13] =	ssyncadd.s32 $0xFFFFF980;
	s7 =	sadd.s32 s12, s11  }
0x133: {  	[tilespmem:s15], [sflag:$0x3] =	stream.linear.gather [hbm4b:s7+s5], $0x680, $0x38;
	[tilespmem:$0x6900] =	vst v63  }
0x134: {  	_ =	swait.ge [sflag:s13], $0x680  }
0x135: {  	[sflag:s13] =	ssyncset.done $0x0  }
0x136: {  	[sflag:s13] =	ssyncadd.s32 $0xFFFFF980  }
0x137: {  	[tilespmem:s17], [sflag:$0x1] =	stream.indirect.gather [spmem:s3], $0x8, s5, s16, $0xb8;
	[tilespmem:$0x6900] =	vst v63  }
0x138: {  	_ = 	snop  }
0x139: {  	[tilespmem:s18], [sflag:$0x1] =	stream.indirect.gather [spmem:s3], $0x8, s16, s16, $0xb8;
	[tilespmem:$0x6900] =	vst v63  }
0x13a: {  	s12 =	rddreg [dreg:$0x7]  }
0x13b: {  	[tilespmem:s19], [sflag:$0x1] =	stream.indirect.gather [spmem:s3], $0x8, s12, s16, $0xb8;
	[tilespmem:$0x6900] =	vst v63  }
0x13c: {  	s11 =	rddreg [dreg:$0x8]  }
0x13d: {  	[tilespmem:s20], [sflag:$0x1] =	stream.indirect.gather [spmem:s3], $0x8, s11, s16, $0xb8;
	[tilespmem:$0x6900] =	vst v63  }
0x13e: {  	s14 =	rddreg [dreg:$0x9]  }
0x13f: {  	[tilespmem:s21], [sflag:$0x1] =	stream.indirect.gather [spmem:s3], $0x8, s14, s16, $0xb8;
	[tilespmem:$0x6900] =	vst v63  }
0x140: {  	s12 =	rddreg [dreg:$0xa]  }
0x141: {  	[tilespmem:s22], [sflag:$0x1] =	stream.indirect.gather [spmem:s3], $0x8, s12, s16, $0xb8;
	[tilespmem:$0x6900] =	vst v63  }
0x142: {  	s14 =	rddreg [dreg:$0xb]  }
0x143: {  	[tilespmem:s23], [sflag:$0x1] =	stream.indirect.gather [spmem:s3], $0x8, s14, s16, $0xb8;
	[tilespmem:$0x6900] =	vst v63  }
0x144: {  	s12 =	rddreg [dreg:$0xc]  }
0x145: {  	[tilespmem:s24], [sflag:$0x1] =	stream.indirect.gather [spmem:s3], $0x8, s12, s16, $0xb8;
	[tilespmem:$0x6900] =	vst v63  }
0x146: {  	s14 =	rddreg [dreg:$0xd]  }
0x147: {  	[tilespmem:s25], [sflag:$0x1] =	stream.indirect.gather [spmem:s3], $0x8, s14, s16, $0xb8;
	[tilespmem:$0x6900] =	vst v63  }
0x148: {  	s12 =	rddreg [dreg:$0xe]  }
0x149: {  	[tilespmem:s26], [sflag:$0x1] =	stream.indirect.gather [spmem:s3], $0x8, s12, s16, $0xb8;
	[tilespmem:$0x6900] =	vst v63  }
0x14a: {  	s14 =	rddreg [dreg:$0xf]  }
0x14b: {  	[tilespmem:s28], [sflag:$0x1] =	stream.indirect.gather [spmem:s3], $0x8, s14, s16, $0xb8;
	[tilespmem:$0x6900] =	vst v63  }
0x14c: {  	s12 =	rddreg [dreg:$0x10]  }
0x14d: {  	[tilespmem:s29], [sflag:$0x1] =	stream.indirect.gather [spmem:s3], $0x8, s12, s16, $0xb8;
	[tilespmem:$0x6900] =	vst v63  }
0x14e: {  	s14 =	rddreg [dreg:$0x11]  }
0x14f: {  	[tilespmem:s30], [sflag:$0x1] =	stream.indirect.gather [spmem:s3], $0x8, s14, s16, $0xb8;
	[tilespmem:$0x6900] =	vst v63  }
0x150: {  	_ =	swait.ge [sflag:s31], $0x400  }
0x151: {  	[sflag:s31] =	ssyncset.done $0x0  }
0x152: {  	[sflag:s31] =	ssyncadd.s32 $0xFFFFFC00  }
0x153: {  	[spmem:s4] =	stream.indirect.scatter.add.f32 [tilespmem:s17], [sflag:$0x2], $0x8, s15, s16, $0xb8;
	[tilespmem:$0x6900] =	vst v63  }
0x154: {  	_ =	swait.ge [sflag:s31], $0x400  }
0x155: {  	[sflag:s31] =	ssyncset.done $0x0  }
0x156: {  	s12 =	rddreg [dreg:$0x12];
	[sflag:s31] =	ssyncadd.s32 $0xFFFFFC00  }
0x157: {  	[spmem:s4] =	stream.indirect.scatter.add.f32 [tilespmem:s18], [sflag:$0x2], $0x8, s12, s16, $0xb8;
	[tilespmem:$0x6900] =	vst v63  }
0x158: {  	_ =	swait.ge [sflag:s31], $0x400  }
0x159: {  	[sflag:s31] =	ssyncset.done $0x0  }
0x15a: {  	s14 =	rddreg [dreg:$0x13];
	[sflag:s31] =	ssyncadd.s32 $0xFFFFFC00  }
0x15b: {  	[spmem:s4] =	stream.indirect.scatter.add.f32 [tilespmem:s19], [sflag:$0x2], $0x8, s14, s16, $0xb8;
	[tilespmem:$0x6900] =	vst v63  }
0x15c: {  	_ =	swait.ge [sflag:s31], $0x400  }
0x15d: {  	[sflag:s31] =	ssyncset.done $0x0  }
0x15e: {  	s11 =	rddreg [dreg:$0x14];
	[sflag:s31] =	ssyncadd.s32 $0xFFFFFC00  }
0x15f: {  	[spmem:s4] =	stream.indirect.scatter.add.f32 [tilespmem:s20], [sflag:$0x2], $0x8, s11, s16, $0xb8;
	[tilespmem:$0x6900] =	vst v63  }
0x160: {  	_ =	swait.ge [sflag:s31], $0x400  }
0x161: {  	[sflag:s31] =	ssyncset.done $0x0  }
0x162: {  	s12 =	rddreg [dreg:$0x15];
	[sflag:s31] =	ssyncadd.s32 $0xFFFFFC00  }
0x163: {  	[spmem:s4] =	stream.indirect.scatter.add.f32 [tilespmem:s21], [sflag:$0x2], $0x8, s12, s16, $0xb8;
	[tilespmem:$0x6900] =	vst v63  }
0x164: {  	_ =	swait.ge [sflag:s31], $0x400  }
0x165: {  	[sflag:s31] =	ssyncset.done $0x0  }
0x166: {  	s14 =	rddreg [dreg:$0x16];
	[sflag:s31] =	ssyncadd.s32 $0xFFFFFC00  }
0x167: {  	[spmem:s4] =	stream.indirect.scatter.add.f32 [tilespmem:s22], [sflag:$0x2], $0x8, s14, s16, $0xb8;
	[tilespmem:$0x6900] =	vst v63  }
0x168: {  	_ =	swait.ge [sflag:s31], $0x400  }
0x169: {  	[sflag:s31] =	ssyncset.done $0x0  }
0x16a: {  	s11 =	rddreg [dreg:$0x17];
	[sflag:s31] =	ssyncadd.s32 $0xFFFFFC00  }
0x16b: {  	[spmem:s4] =	stream.indirect.scatter.add.f32 [tilespmem:s23], [sflag:$0x2], $0x8, s11, s16, $0xb8;
	[tilespmem:$0x6900] =	vst v63  }
0x16c: {  	_ =	swait.ge [sflag:s31], $0x400  }
0x16d: {  	[sflag:s31] =	ssyncset.done $0x0  }
0x16e: {  	[sflag:s31] =	ssyncadd.s32 $0xFFFFFC00  }
0x16f: {  	[spmem:s4] =	stream.indirect.scatter.add.f32 [tilespmem:s24], [sflag:$0x2], $0x8, s2, s16, $0xb8;
	[tilespmem:$0x6900] =	vst v63  }
0x170: {  	_ =	swait.ge [sflag:s31], $0x400  }
0x171: {  	[sflag:s31] =	ssyncset.done $0x0  }
0x172: {  	[sflag:s31] =	ssyncadd.s32 $0xFFFFFC00  }
0x173: {  	[spmem:s4] =	stream.indirect.scatter.add.f32 [tilespmem:s25], [sflag:$0x2], $0x8, s0, s16, $0xb8;
	[tilespmem:$0x6900] =	vst v63  }
0x174: {  	_ =	swait.ge [sflag:s31], $0x400  }
0x175: {  	[sflag:s31] =	ssyncset.done $0x0  }
0x176: {  	[sflag:s31] =	ssyncadd.s32 $0xFFFFFC00  }
0x177: {  	[spmem:s4] =	stream.indirect.scatter.add.f32 [tilespmem:s26], [sflag:$0x2], $0x8, s1, s16, $0xb8;
	[tilespmem:$0x6900] =	vst v63  }
0x178: {  	_ =	swait.ge [sflag:s31], $0x400  }
0x179: {  	[sflag:s31] =	ssyncset.done $0x0  }
0x17a: {  	[sflag:s31] =	ssyncadd.s32 $0xFFFFFC00  }
0x17b: {  	[spmem:s4] =	stream.indirect.scatter.add.f32 [tilespmem:s28], [sflag:$0x2], $0x8, s6, s16, $0xb8;
	[tilespmem:$0x6900] =	vst v63  }
0x17c: {  	_ =	swait.ge [sflag:s31], $0x400  }
0x17d: {  	[sflag:s31] =	ssyncset.done $0x0  }
0x17e: {  	[sflag:s31] =	ssyncadd.s32 $0xFFFFFC00  }
0x17f: {  	[spmem:s4] =	stream.indirect.scatter.add.f32 [tilespmem:s29], [sflag:$0x2], $0x8, s8, s16, $0xb8;
	[tilespmem:$0x6900] =	vst v63  }
0x180: {  	_ =	swait.ge [sflag:s31], $0x400  }
0x181: {  	[sflag:s31] =	ssyncset.done $0x0  }
0x182: {  	[sflag:s31] =	ssyncadd.s32 $0xFFFFFC00  }
0x183: {  	[spmem:s4] =	stream.indirect.scatter.add.f32 [tilespmem:s30], [sflag:$0x2], $0x8, s9, s16, $0xb8;
	[tilespmem:$0x6900] =	vst v63  }
0x184: {  	_ =	swait.ge [sflag:s10], $0x400  }
0x185: {  	[sflag:s10] =	ssyncset.done $0x0  }
0x186: {  	[sflag:s10] =	ssyncadd.s32 $0xFFFFFC00  }
0x187: {  	_ =	swait.ge [sflag:s10], $0x400  }
0x188: {  	[sflag:s10] =	ssyncset.done $0x0  }
0x189: {  	[sflag:s10] =	ssyncadd.s32 $0xFFFFFC00  }
0x18a: {  	_ =	swait.ge [sflag:s10], $0x400  }
0x18b: {  	[sflag:s10] =	ssyncset.done $0x0  }
0x18c: {  	[sflag:s10] =	ssyncadd.s32 $0xFFFFFC00  }
0x18d: {  	_ =	swait.ge [sflag:s10], $0x400  }
0x18e: {  	[sflag:s10] =	ssyncset.done $0x0  }
0x18f: {  	[sflag:s10] =	ssyncadd.s32 $0xFFFFFC00  }
0x190: {  	_ =	swait.ge [sflag:s10], $0x400  }
0x191: {  	[sflag:s10] =	ssyncset.done $0x0  }
0x192: {  	[sflag:s10] =	ssyncadd.s32 $0xFFFFFC00  }
0x193: {  	_ =	swait.ge [sflag:s10], $0x400  }
0x194: {  	[sflag:s10] =	ssyncset.done $0x0  }
0x195: {  	[sflag:s10] =	ssyncadd.s32 $0xFFFFFC00  }
0x196: {  	_ =	swait.ge [sflag:s10], $0x400  }
0x197: {  	[sflag:s10] =	ssyncset.done $0x0  }
0x198: {  	[sflag:s10] =	ssyncadd.s32 $0xFFFFFC00  }
0x199: {  	_ =	swait.ge [sflag:s10], $0x400  }
0x19a: {  	[sflag:s10] =	ssyncset.done $0x0  }
0x19b: {  	[sflag:s10] =	ssyncadd.s32 $0xFFFFFC00  }
0x19c: {  	_ =	swait.ge [sflag:s10], $0x400  }
0x19d: {  	[sflag:s10] =	ssyncset.done $0x0  }
0x19e: {  	[sflag:s10] =	ssyncadd.s32 $0xFFFFFC00  }
0x19f: {  	_ =	swait.ge [sflag:s10], $0x400  }
0x1a0: {  	[sflag:s10] =	ssyncset.done $0x0  }
0x1a1: {  	[sflag:s10] =	ssyncadd.s32 $0xFFFFFC00  }
0x1a2: {  	_ =	swait.ge [sflag:s10], $0x400  }
0x1a3: {  	[sflag:s10] =	ssyncset.done $0x0  }
0x1a4: {  	[sflag:s10] =	ssyncadd.s32 $0xFFFFFC00  }
0x1a5: {  	_ =	swait.ge [sflag:s10], $0x400  }
0x1a6: {  	[sflag:s10] =	ssyncset.done $0x0  }
0x1a7: {  	[sflag:s10] =	ssyncadd.s32 $0xFFFFFC00  }
0x1a8: {  	_ =	swait.ge [sflag:s10], $0x400  }
0x1a9: {  	[sflag:s10] =	ssyncset.done $0x0  }
0x1aa: {  	s7 =	simm.s32 @!p0 $0x0;
	s11 =	rddreg [dreg:$0x1a];
	[sflag:s10] =	ssyncadd.s32 $0xFFFFFC00  }
0x1ab: {  	[tilespmem:s7], [sflag:$0x3] =	stream.linear.gather @!p0 [hbm4b:s11+s7], $0x80, $0x38;
	[tilespmem:$0x6900] =	vst v63  }
0x1ac: {  	s11 =	simm.s32 @!p0 $0x3  }
0x1ad: {  	_ =	swait.ge @!p0 [sflag:s11], $0x80  }
0x1ae: {  	[sflag:s11] =	ssyncset.done @!p0 $0x0  }
0x1af: {  	s12 =	simm.s32 @!p0 $0x680;
	s14 =	rddreg [dreg:$0x1b];
	[sflag:s11] =	ssyncadd.s32 @!p0 $0xFFFFFF80  }
0x1b0: {  	[tilespmem:s12], [sflag:$0x3] =	stream.linear.gather @!p0 [hbm4b:s14+s7], $0x80, $0x38;
	[tilespmem:$0x6900] =	vst v63  }
0x1b1: {  	_ =	swait.ge @!p0 [sflag:s11], $0x80  }
0x1b2: {  	[sflag:s11] =	ssyncset.done @!p0 $0x0  }
0x1b3: {  	s14 =	simm.s32 @!p0 $0xD00;
	[sflag:s11] =	ssyncadd.s32 @!p0 $0xFFFFFF80;
	s11 =	simm.s32 @!p0 $0x80  }
0x1b4: {  	[tilespmem:s14], [sflag:$0x1] =	stream.indirect.gather @!p0 [spmem:s3], $0x8, s7, s11, $0xb8;
	[tilespmem:$0x6900] =	vst v63  }
0x1b5: {  	s7 =	simm.s32 @!p0 $0x1  }
0x1b6: {  	_ =	swait.ge @!p0 [sflag:s7], $0x400  }
0x1b7: {  	[sflag:s7] =	ssyncset.done @!p0 $0x0  }
0x1b8: {  	[sflag:s7] =	ssyncadd.s32 @!p0 $0xFFFFFC00;
	s7 =	simm.s32 @!p0 $0x2  }
0x1b9: {  	[spmem:s4] =	stream.indirect.scatter.add.f32 @!p0 [tilespmem:s14], [sflag:$0x2], $0x8, s12, s11, $0xb8;
	[tilespmem:$0x6900] =	vst v63  }
0x1ba: {  	_ =	swait.ge @!p0 [sflag:s7], $0x400  }
0x1bb: {  	[sflag:s7] =	ssyncset.done @!p0 $0x0  }
0x1bc: {  	[sflag:s7] =	ssyncadd.s32 @!p0 $0xFFFFFC00  }
0x1bd: {  	[bflag:$0x0] =	sbarrier.arrive $0xFFFF  }
0x1be: {  	s11 =	rddreg [dreg:$0x19]  }
0x1bf: {  	s12 =	rddreg [dreg:$0x1c]  }
0x1c0: {  	s14 =	rddreg [dreg:$0x1f]  }
0x1c1: {  	[hbm:s12], [sflag:s11] =	dma.local [spmem:s14], $0x280  }
0x1c2: {  	_ =	swait.ge [sflag:s13], $0x280  }
0x1c3: {  	s7 =	sld [smem:$0x7FD];
	_ =	sdelay $0x2  }
0x1c4: {  	s12 =	sadd.s32 $0x1, s7;
	s7 =	rddreg [dreg:$0x1d]  }
0x1c5: {  	p1 =	sne.s32 s12, s7  }
.Ltmp1:
0x1c6: {  	_ = 	snop;
	(pc) =	sbr.rel @p1 .LBB2_1-.Ltmp1, $3  }
0x1c7: {  	_ =	sdelay $0x1  }
0x1c8: {  	[sflag:s13] =	ssyncset.done $0x0  }
0x1c9: {  	[sflag:s13] =	ssyncadd.s32 $0xFFFFFD80  }
0x1ca: {  	_ =	sfence.sel $0x180000  }
0x1cb: {  	[bflag:$0x0] =	sbarrier.arrive $0xFFFF  }
0x1cc: {  	_ =	strace $0x9000004D  }
0x1cd: {  	s0 =	stileid.u32;
	[bflag:$0x2] =	sbarrier.arrive $0xFFFF  }
0x1ce: {  	p0 =	sne.s32 s0, $0x0;
	s0 =	rddreg [dreg:$0x4]  }
0x1cf: {  	s0 =	sadd.s32 @!p0 $0x100000, s0  }
0x1d0: {  	[sflag:s0] =	ssyncadd.tile.s32 @!p0 $0x1;
	_ =	shalt  }
.Lfunc_end2:
_tile_overlayer_lowered:
.L_overlay_start_2:
0x1d1: {  	(tag) =	ssettag $0x2  }
0x1d2: {  	s0 =	rddreg [dreg:$0x0];
	s2 =	stileid.u32  }
0x1d3: {  	s1 =	rddreg [dreg:$0x1];
	p0 =	sne.s32 s2, $0x0  }
0x1d4: {  	s3 =	rddreg [dreg:$0x2];
	[bflag:$0x3] =	sbarrier.arrive $0xFFFF;
	s2 =	simm.s32 @!p0 $0x1C03  }
0x1d5: {  	[timem:s3], [sflag:s2] =	dma.local @!p0 [hbm:s0], s1  }
0x1d6: {  	s0 =	simm.s32 @!p0 $0x3  }
0x1d7: {  	_ =	swait.ge @!p0 [sflag:s0], s1  }
0x1d8: {  	s1 =	ssub.s32 @!p0 $0x0, s1;
	[sflag:s0] =	ssyncset.done @!p0 $0x0  }
0x1d9: {  	[sflag:s0] =	ssyncadd.s32 @!p0 s1  }
0x1da: {  	[bflag:$0x3] =	sbarrier.arrive $0xFFFF  }
0x1db: {  	_ =	shalt  }

// kernel: kernel.9.cloned.1.call-start
scs
__scs_entry_jumppad:
0x0: {  	(pc) =	sbr.rel $0x88, $3  }
0x1: {  	(tag) =	ssettag $0x0;
	lr =	simm.s32 $0x1  }
0x2: {  	[smem:$0x3F9B] =	sst lr;
	_ =	strace $0xD0000000  }
0x3: {  	_ = 	snop  }
0x4: {  	_ = 	snop  }
0x5: {  	_ = 	snop  }
0x6: {  	_ = 	snop  }
0x7: {  	_ = 	snop  }
__scs_overlays_trampoline_lowered:
0x8: {  	[smem:$0x3FAA] =	sst s0  }
0x9: {  	[smem:$0x3FAB] =	sst s1  }
0xa: {  	[smem:$0x3FAC] =	sst s2  }
0xb: {  	[smem:$0x3FAD] =	sst s3  }
0xc: {  	[smem:$0x3FAE] =	sst s4  }
0xd: {  	[smem:$0x3FAF] =	sst s5  }
0xe: {  	[smem:$0x3FB0] =	sst s6  }
0xf: {  	[smem:$0x3FB1] =	sst s7  }
0x10: {  	[smem:$0x3FB2] =	sst s8  }
0x11: {  	[smem:$0x3FB3] =	sst s9;
	s0 =	simm.s32 @!p0 $0x0  }
0x12: {  	s1 =	sld [smem:$0x3F99];
	s0 =	simm.s32 @p0 $0x1  }
0x13: {  	[smem:$0x3FB4] =	sst s0;
	s0 =	simm.s32 @!p1 $0x0  }
0x14: {  	s2 =	sld [smem:$0x3F98];
	s0 =	simm.s32 @p1 $0x1  }
0x15: {  	[smem:$0x3FB5] =	sst s0;
	s0 =	simm.s32 @!p2 $0x0  }
0x16: {  	s3 =	sld [smem:$0x3FDB];
	s0 =	simm.s32 @p2 $0x1  }
0x17: {  	s4 =	simm.s32 $0x1BF5;
	[smem:$0x3FB7] =	sst s0  }
0x18: {  	s0 =	sld [smem:$0x3F9A];
	_ =	swait.ge [sflag:s4], $0x0  }
0x19: {  	s7 =	sld [smem:$0x3F9B]  }
0x1a: {  	s8 =	sadd.s32 $0xFFFFE003, lr  }
0x1b: {  	s9 =	sadd.s32 $0xFFFFFEF7, lr;
	s5 =	simm.s32 $0xFFFFFFFF;
	p2 =	slt.u32 s8, $0xFFFFF086  }
0x1c: {  	p1 =	slt.u32 s9, $0xF7A;
	s5 =	simm.s32 @!p2 $0x0  }
0x1d: {  	s5 =	simm.s32 @p1 $0x1;
	p0 =	seq.s32 s7, s2  }
0x1e: {  	s7 =	smul.u32 @!p0 $0xF7A, s2;
	p2 =	seq.s32 @!p0 s5, $0x0  }
0x1f: {  	s9 =	smul.u32 $0xF7A, s1;
	s8 =	simm.s32 @!p0 $0x1BF5;
	p2 =	por !p2, p0  }
0x20: {  	[sflag:s8] =	ssyncset.s32 @!p0 $0xFFFFF086;
	s6 =	sadd.s32 @!p0 s3, s7;
	s7 =	simm.s32 @!p0 $0x108  }
0x21: {  	s3 =	sadd.s32 s3, s9;
	s6 =	sadd.s32 @!p0 $0x88, s6;
	s7 =	simm.s32 @p2 $0x1082  }
0x22: {  	[simem:s7], [sflag:s8] =	dma.local @!p0 [hbm:s6], $0xF7A  }
0x23: {  	s9 =	sor.u32 $0xD0000000, s2;
	s6 =	simm.s32 $0x108;
	_ =	swait.ge @!p0 [sflag:s8], $0x0  }
0x24: {  	s3 =	sadd.s32 $0x88, s3;
	s6 =	simm.s32 @!p1 $0x1082;
	[sflag:s4] =	ssyncset.s32 $0xFFFFF086  }
0x25: {  	[simem:s6], [sflag:s4] =	dma.local [hbm:s3], $0xF7A  }
0x26: {  	[smem:$0x3F9B] =	sst s1;
	(tag) =	ssettag s2;
	_ =	strace s9  }
0x27: {  	s1 =	sld [smem:$0x3FAB]  }
0x28: {  	s2 =	sld [smem:$0x3FAC]  }
0x29: {  	s4 =	sld [smem:$0x3FAE]  }
0x2a: {  	p0 =	seq.s32 s5, $0x0;
	s5 =	sld [smem:$0x3FAF]  }
0x2b: {  	s6 =	sld [smem:$0x3FB0]  }
0x2c: {  	s7 =	sld [smem:$0x3FB1]  }
0x2d: {  	s3 =	simm.s32 $0x108;
	s8 =	sld [smem:$0x3FB2]  }
0x2e: {  	s3 =	simm.s32 @!p0 $0x1082;
	s9 =	sld [smem:$0x3FB3]  }
0x2f: {  	lr =	sadd.s32 s0, s3;
	s0 =	sld [smem:$0x3FAA]  }
0x30: {  	s3 =	sld [smem:$0x3FAD]  }
0x31: {  	[smem:$0x3FB6] =	sst s10  }
0x32: {  	s10 =	sld [smem:$0x3FB4];
	_ =	sdelay $0x3  }
0x33: {  	p0 =	seq.s32 s10, $0x1;
	s10 =	sld [smem:$0x3FB6];
	_ =	sdelay $0x3  }
0x34: {  	[smem:$0x3FB6] =	sst s10  }
0x35: {  	s10 =	sld [smem:$0x3FB5];
	_ =	sdelay $0x3  }
0x36: {  	p1 =	seq.s32 s10, $0x1;
	s10 =	sld [smem:$0x3FB6];
	_ =	sdelay $0x3  }
0x37: {  	[smem:$0x3FB6] =	sst s10  }
0x38: {  	s10 =	sld [smem:$0x3FB7]  }
0x39: {  	_ = 	snop;
	(pc) =	sbr.ind lr, $3  }
0x3a: {  	_ = 	snop  }
0x3b: {  	_ = 	snop  }
0x3c: {  	p2 =	seq.s32 s10, $0x1;
	s10 =	sld [smem:$0x3FB6]  }
0x3d: {  	_ =	shalt  }
0x3e: {  	_ =	shalt  }
0x3f: {  	_ =	shalt  }
0x40: {  	_ =	shalt  }
0x41: {  	_ =	shalt  }
0x42: {  	_ =	shalt  }
0x43: {  	_ =	shalt  }
0x44: {  	_ =	shalt  }
0x45: {  	_ =	shalt  }
0x46: {  	_ =	shalt  }
0x47: {  	_ =	shalt  }
0x48: {  	_ =	shalt  }
0x49: {  	_ =	shalt  }
0x4a: {  	_ =	shalt  }
0x4b: {  	_ =	shalt  }
0x4c: {  	_ =	shalt  }
0x4d: {  	_ =	shalt  }
0x4e: {  	_ =	shalt  }
0x4f: {  	_ =	shalt  }
0x50: {  	_ =	shalt  }
0x51: {  	_ =	shalt  }
0x52: {  	_ =	shalt  }
0x53: {  	_ =	shalt  }
0x54: {  	_ =	shalt  }
0x55: {  	_ =	shalt  }
0x56: {  	_ =	shalt  }
0x57: {  	_ =	shalt  }
0x58: {  	_ =	shalt  }
0x59: {  	_ =	shalt  }
0x5a: {  	_ =	shalt  }
0x5b: {  	_ =	shalt  }
0x5c: {  	_ =	shalt  }
0x5d: {  	_ =	shalt  }
0x5e: {  	_ =	shalt  }
0x5f: {  	_ =	shalt  }
0x60: {  	_ =	shalt  }
0x61: {  	_ =	shalt  }
0x62: {  	_ =	shalt  }
0x63: {  	_ =	shalt  }
0x64: {  	_ =	shalt  }
0x65: {  	_ =	shalt  }
0x66: {  	_ =	shalt  }
0x67: {  	_ =	shalt  }
0x68: {  	_ =	shalt  }
0x69: {  	_ =	shalt  }
0x6a: {  	_ =	shalt  }
0x6b: {  	_ =	shalt  }
0x6c: {  	_ =	shalt  }
0x6d: {  	_ =	shalt  }
0x6e: {  	_ =	shalt  }
0x6f: {  	_ =	shalt  }
0x70: {  	_ =	shalt  }
0x71: {  	_ =	shalt  }
0x72: {  	_ =	shalt  }
0x73: {  	_ =	shalt  }
0x74: {  	_ =	shalt  }
0x75: {  	_ =	shalt  }
0x76: {  	_ =	shalt  }
0x77: {  	_ =	shalt  }
0x78: {  	_ =	shalt  }
0x79: {  	_ =	shalt  }
0x7a: {  	_ =	shalt  }
0x7b: {  	_ =	shalt  }
0x7c: {  	_ =	shalt  }
0x7d: {  	_ =	shalt  }
0x7e: {  	_ =	shalt  }
0x7f: {  	_ =	shalt  }
0x80: {  	_ =	shalt  }
0x81: {  	_ =	shalt  }
0x82: {  	_ =	shalt  }
0x83: {  	_ =	shalt  }
0x84: {  	_ =	shalt  }
0x85: {  	_ =	shalt  }
0x86: {  	_ =	shalt  }
0x87: {  	_ =	shalt  }
.Lfunc_end0:
.L_simem_size_0:
called_computation_lowered:
.L_overlay_start_0:
0x88: {  	s2 =	sld [smem:$0x3FD9]  }
0x89: {  	s3 =	sld [smem:$0x3FFE];
	_ =	sdelay $0x1  }
0x8a: {  	s1 =	srdreg.scid  }
0x8b: {  	s0 =	sand.u32 $0x1, s1  }
0x8c: {  	s17 =	sshll.u32 s0, $0xA;
	s2 =	sadd.s32 s3, s2  }
0x8d: {  	s2 =	sadd.s32 s2, s17  }
0x8e: {  	[smem:$0x3FC2] =	sst s2  }
0x8f: {  	_ = 	snop  }
0x90: {  	s2 =	sld [smem:$0x3FD0];
	(tm) =	ssettm $0x1  }
0x91: {  	s18 =	sld [smem:$0x3FFB];
	_ =	sdelay $0x3  }
0x92: {  	_ =	strace s18  }
0x93: {  	s3 =	sld [smem:$0x3FFC];
	_ =	sdelay $0x3  }
0x94: {  	_ =	strace s3  }
0x95: {  	s3 =	sld [smem:$0x3FFD];
	_ =	sdelay $0x3  }
0x96: {  	_ =	strace s3  }
0x97: {  	_ =	strace $0x8FFFFFFF  }
0x98: {  	s19 =	sld [smem:$0x3FDB];
	_ =	sdelay $0x1  }
0x99: {  	s4 =	simm.s32 $_scs_section_size  }
0x9a: {  	s5 =	simm.s32 $_size__tile_overlayer_lowered;
	s6 =	simm.s32 $_tile_overlayer_lowered  }
0x9b: {  	s22 =	simm.s32 $0x1BFF;
	s21 =	sshll.u32 s6, $0x1;
	s3 =	sadd.s32 s4, s19  }
0x9c: {  	s7 =	simm.s32 $0x0;
	s20 =	sshll.u32 s5, $0x1;
	s5 =	sadd.s32 s21, s3  }
0x9d: {  	[timem:s7], [sflag:s22] =	dma.local [hbm:s5], s20  }
0x9e: {  	_ =	swait.ge [sflag:s22], s20  }
0x9f: {  	s4 =	ssub.s32 $0x0, s20;
	[sflag:s22] =	ssyncset.done $0x0  }
0xa0: {  	[sflag:s22] =	ssyncadd.s32 s4;
	_ =	sdelay $0x1  }
0xa1: {  	s23 =	simm.s32 $0x1B8B  }
0xa2: {  	_ =	swait.ge [sflag:s23], $0x1  }
0xa3: {  	[sflag:s23] =	ssyncset.done $0x0  }
0xa4: {  	s25 =	simm.s32 $0x1B8E;
	s24 =	sld [smem:$0x3FFE];
	[sflag:s23] =	ssyncadd.s32 $0xFFFFFFFF  }
0xa5: {  	s26 =	simm.s32 $execute0_lowered;
	[smem:$0x3FD2] =	sst s25  }
0xa6: {  	s5 =	sshll.u32 s26, $0x1;
	_ =	strace $0x80000046;
	[dreg:$0x1] =	wrdreg $0xFFFFFFFF  }
0xa7: {  	s28 =	simm.s32 $_size_execute0_lowered;
	s3 =	sadd.s32 s3, s5;
	[dreg:$0x0] =	wrdreg $0x0  }
0xa8: {  	s5 =	sshll.u32 s28, $0x1;
	[dreg:$0x2] =	wrdreg s3  }
0xa9: {  	[dreg:$0x3] =	wrdreg s5  }
0xaa: {  	[dreg:$0x4] =	wrdreg $0xC0  }
0xab: {  	_ =	task [dreg:s7], $0x5FFFF  }
0xac: {  	[dreg:$0x1] =	wrdreg $0xFFFFFFFF  }
0xad: {  	[dreg:$0x0] =	wrdreg $0x60  }
0xae: {  	[dreg:$0x2] =	wrdreg s24  }
0xaf: {  	[dreg:$0x3] =	wrdreg s2  }
0xb0: {  	[dreg:$0x4] =	wrdreg $0x11000  }
0xb1: {  	[dreg:$0x5] =	wrdreg $0x9  }
0xb2: {  	_ =	task.clear_ibuf [dreg:s7], $0x6FFFF;
	_ =	strace $0x90000046  }
0xb3: {  	s29 =	simm.s32 $0x9;
	_ =	strace $0x80000048  }
0xb4: {  	_ =	swait.ge [sflag:s29], $0x1  }
0xb5: {  	[sflag:s29] =	ssyncadd.s32 $0xFFFFFFFF  }
0xb6: {  	_ =	strace $0x90000048  }
0xb7: {  	_ =	sfence  }
0xb8: {  	s30 =	sld [smem:$0x0];
	_ =	sdelay $0x2  }
0xb9: {  	s31 =	sshll.u32 s1, $0xD;
	s1 =	sshrl.u32 s1, $0x2  }
0xba: {  	s3 =	sand.u32 $0x4000, s31;
	s1 =	sadd.s32 s1, s30  }
0xbb: {  	s0 =	sor.u32 s3, s0;
	s1 =	sshll.u32 s1, $0x11  }
0xbc: {  	s0 =	sor.u32 s1, s0  }
0xbd: {  	s0 =	sadd.s32 $0x8F2B, s0  }
0xbe: {  	[sflag:s0] =	ssyncadd.remote.s32 $0x1  }
0xbf: {  	_ =	sfence.sel $0xFFFF  }
0xc0: {  	[dreg:$0x0] =	wrdreg $0xFFFFFFFF;
	(pc) =	sbr.abs _section_cstart, $3  }
0xc1: {  	[dreg:$0x1] =	wrdreg $0xFFFFFFFF  }
0xc2: {  	_ =	task.clear_ibuf [dreg:s7], $0x2FFFF;
	_ =	strace $0x9FFFFFFF  }
0xc3: {  	(tm) =	ssettm $0x7FFFFFFF  }
tec
execute0_lowered:
.L_overlay_start_1:
0x0: {  	(tag) =	ssettag $0x1  }
0x1: {  	s0 =	rddreg [dreg:$0x0];
	s1 =	srdreg.scid  }
0x2: {  	s10 =	stileid.u32;
	s3 =	rddreg [dreg:$0x2]  }
0x3: {  	s4 =	simm.s32 $0x0;
	s25 =	simm.s32 $0x100;
	s26 =	simm.s32 $0x180  }
0x4: {  	s13 =	simm.s32 $0x80;
	s14 =	simm.s32 $0x200;
	s15 =	simm.s32 $0x280  }
0x5: {  	s16 =	simm.s32 $0x300;
	s17 =	simm.s32 $0x380;
	s28 =	simm.s32 $0x880  }
0x6: {  	s29 =	simm.s32 $0x900;
	s30 =	simm.s32 $0x980;
	s31 =	simm.s32 $0xA00  }
0x7: {  	s1 =	sand.u32 $0x1, s1;
	s2 =	smul.u32 $0x1400, s10;
	[smem:$0x7FF] =	sst s4  }
0x8: {  	s7 =	sadd.s32 $0xBC00, s0;
	s9 =	sadd.s32 $0x15A00, s0;
	s21 =	smul.u32 $0x4E0, s10  }
0x9: {  	s20 =	sshll.u32 s10, $0x4;
	s24 =	sshll.u32 s10, $0x6;
	s5 =	smul.u32 $0x14000, s1  }
0xa: {  	_ =	strace $0x80000047;
	s6 =	ssub.s32 $0x2, s1;
	[dreg:$0x7] =	wrdreg s9  }
0xb: {  	s19 =	sshll.u32 s1, $0x4;
	s1 =	smul.u32 $0x4E00, s1;
	[dreg:$0x5] =	wrdreg s25  }
0xc: {  	s9 =	simm.s32 $0xD00;
	s11 =	sor.u32 $0x1C02, s24;
	[dreg:$0x6] =	wrdreg s26  }
0xd: {  	s24 =	simm.s32 $0x700;
	s25 =	simm.s32 $0x780;
	s26 =	simm.s32 $0x800  }
0xe: {  	s8 =	sshrl.u32 s6, $0x1;
	[dreg:$0xb] =	wrdreg s11;
	s5 =	sadd.s32 s2, s5  }
0xf: {  	s18 =	ssub.s32 s6, s8;
	s6 =	sor.u32 s10, s19;
	s8 =	sadd.s32 s20, s7  }
0x10: {  	s2 =	sadd.s32 s2, s3;
	s1 =	sadd.s32 s1, s7;
	s10 =	simm.s32 $0x2  }
0x11: {  	s19 =	simm.s32 $0x480;
	s20 =	simm.s32 $0x500;
	s7 =	simm.s32 $0x1  }
0x12: {  	s5 =	sshrl.u32 s5, $0x3;
	s8 =	sadd.s32 $0x9C00, s8;
	s22 =	smax.u32 s18, $0x1  }
0x13: {  	s23 =	sadd.s32 s21, s1;
	s12 =	sshrl.u32 s2, $0x3;
	s18 =	simm.s32 $0x400  }
0x14: {  	s21 =	simm.s32 $0x580;
	p0 =	sgt.u32 s6, $0x3;
	[dreg:$0x8] =	wrdreg s8  }
0x15: {  	s1 =	simm.s32 $0xA80;
	s2 =	simm.s32 $0xB80;
	[dreg:$0xa] =	wrdreg s22  }
0x16: {  	s6 =	simm.s32 $0xC80;
	s0 =	sadd.s32 s5, s0;
	[dreg:$0x4] =	wrdreg s23  }
0x17: {  	s22 =	simm.s32 $0x600;
	s8 =	simm.s32 $0x0;
	[dreg:$0xc] =	wrdreg s12  }
0x18: {  	s23 =	simm.s32 $0x680;
	s0 =	sadd.s32 $0x15C00, s0;
	[dreg:$0xd] =	wrdreg s8  }
0x19: {  	s5 =	simm.s32 $0xC00;
	[dreg:$0x9] =	wrdreg s0;
	s0 =	simm.s32 $0xB00  }
.LBB2_1:
0x1a: {  	s8 =	rddreg [dreg:$0x7]  }
0x1b: {  	[tilespmem:s9], [sflag:$0x2] =	stream.linear.gather [hbm4b:s8+s4], $0x400, $0x38;
	[tilespmem:$0x2500] =	vst v63  }
0x1c: {  	_ =	swait.ge [sflag:s10], $0x400  }
0x1d: {  	[sflag:s10] =	ssyncset.done $0x0  }
0x1e: {  	[sflag:s10] =	ssyncadd.s32 $0xFFFFFC00  }
0x1f: {  	s8 =	rddreg [dreg:$0x1]  }
0x20: {  	[spmem:s12], [sflag:s11] =	dma.local [hbm:s8], $0x280  }
0x21: {  	_ =	swait.ge [sflag:s10], $0x280  }
0x22: {  	[sflag:s10] =	ssyncset.done $0x0  }
0x23: {  	[sflag:s10] =	ssyncadd.s32 $0xFFFFFD80  }
0x24: {  	[bflag:$0x0] =	sbarrier.arrive $0xFFFF  }
0x25: {  	s8 =	rddreg [dreg:$0x4]  }
0x26: {  	s11 =	sadd.s32 $0x0, s8  }
0x27: {  	[tilespmem:s4], [sflag:$0x2] =	stream.linear.gather [hbm4b:s11+s4], $0xD00, $0x38;
	[tilespmem:$0x2500] =	vst v63  }
0x28: {  	_ =	swait.ge [sflag:s10], $0xD00  }
0x29: {  	[sflag:s10] =	ssyncset.done $0x0  }
0x2a: {  	[sflag:s10] =	ssyncadd.s32 $0xFFFFF300  }
0x2b: {  	[spmem:s3] =	stream.indirect.scatter.add.f32 [tilespmem:s9], [sflag:$0x1], $0x8, s4, s13, $0xb8;
	[tilespmem:$0x2500] =	vst v63  }
0x2c: {  	_ = 	snop  }
0x2d: {  	[spmem:s3] =	stream.indirect.scatter.add.f32 [tilespmem:s9], [sflag:$0x1], $0x8, s13, s13, $0xb8;
	[tilespmem:$0x2500] =	vst v63  }
0x2e: {  	s12 =	rddreg [dreg:$0x5]  }
0x2f: {  	[spmem:s3] =	stream.indirect.scatter.add.f32 [tilespmem:s9], [sflag:$0x1], $0x8, s12, s13, $0xb8;
	[tilespmem:$0x2500] =	vst v63  }
0x30: {  	s8 =	rddreg [dreg:$0x6]  }
0x31: {  	[spmem:s3] =	stream.indirect.scatter.add.f32 [tilespmem:s9], [sflag:$0x1], $0x8, s8, s13, $0xb8;
	[tilespmem:$0x2500] =	vst v63  }
0x32: {  	_ = 	snop  }
0x33: {  	[spmem:s3] =	stream.indirect.scatter.add.f32 [tilespmem:s9], [sflag:$0x1], $0x8, s14, s13, $0xb8;
	[tilespmem:$0x2500] =	vst v63  }
0x34: {  	_ = 	snop  }
0x35: {  	[spmem:s3] =	stream.indirect.scatter.add.f32 [tilespmem:s9], [sflag:$0x1], $0x8, s15, s13, $0xb8;
	[tilespmem:$0x2500] =	vst v63  }
0x36: {  	_ = 	snop  }
0x37: {  	[spmem:s3] =	stream.indirect.scatter.add.f32 [tilespmem:s9], [sflag:$0x1], $0x8, s16, s13, $0xb8;
	[tilespmem:$0x2500] =	vst v63  }
0x38: {  	_ = 	snop  }
0x39: {  	[spmem:s3] =	stream.indirect.scatter.add.f32 [tilespmem:s9], [sflag:$0x1], $0x8, s17, s13, $0xb8;
	[tilespmem:$0x2500] =	vst v63  }
0x3a: {  	_ = 	snop  }
0x3b: {  	[spmem:s3] =	stream.indirect.scatter.add.f32 [tilespmem:s9], [sflag:$0x1], $0x8, s18, s13, $0xb8;
	[tilespmem:$0x2500] =	vst v63  }
0x3c: {  	_ = 	snop  }
0x3d: {  	[spmem:s3] =	stream.indirect.scatter.add.f32 [tilespmem:s9], [sflag:$0x1], $0x8, s19, s13, $0xb8;
	[tilespmem:$0x2500] =	vst v63  }
0x3e: {  	_ = 	snop  }
0x3f: {  	[spmem:s3] =	stream.indirect.scatter.add.f32 [tilespmem:s9], [sflag:$0x1], $0x8, s20, s13, $0xb8;
	[tilespmem:$0x2500] =	vst v63  }
0x40: {  	_ = 	snop  }
0x41: {  	[spmem:s3] =	stream.indirect.scatter.add.f32 [tilespmem:s9], [sflag:$0x1], $0x8, s21, s13, $0xb8;
	[tilespmem:$0x2500] =	vst v63  }
0x42: {  	_ = 	snop  }
0x43: {  	[spmem:s3] =	stream.indirect.scatter.add.f32 [tilespmem:s9], [sflag:$0x1], $0x8, s22, s13, $0xb8;
	[tilespmem:$0x2500] =	vst v63  }
0x44: {  	_ = 	snop  }
0x45: {  	[spmem:s3] =	stream.indirect.scatter.add.f32 [tilespmem:s9], [sflag:$0x1], $0x8, s23, s13, $0xb8;
	[tilespmem:$0x2500] =	vst v63  }
0x46: {  	_ = 	snop  }
0x47: {  	[spmem:s3] =	stream.indirect.scatter.add.f32 [tilespmem:s9], [sflag:$0x1], $0x8, s24, s13, $0xb8;
	[tilespmem:$0x2500] =	vst v63  }
0x48: {  	_ = 	snop  }
0x49: {  	[spmem:s3] =	stream.indirect.scatter.add.f32 [tilespmem:s9], [sflag:$0x1], $0x8, s25, s13, $0xb8;
	[tilespmem:$0x2500] =	vst v63  }
0x4a: {  	_ = 	snop  }
0x4b: {  	[spmem:s3] =	stream.indirect.scatter.add.f32 [tilespmem:s9], [sflag:$0x1], $0x8, s26, s13, $0xb8;
	[tilespmem:$0x2500] =	vst v63  }
0x4c: {  	_ = 	snop  }
0x4d: {  	[spmem:s3] =	stream.indirect.scatter.add.f32 [tilespmem:s9], [sflag:$0x1], $0x8, s28, s13, $0xb8;
	[tilespmem:$0x2500] =	vst v63  }
0x4e: {  	_ = 	snop  }
0x4f: {  	[spmem:s3] =	stream.indirect.scatter.add.f32 [tilespmem:s9], [sflag:$0x1], $0x8, s29, s13, $0xb8;
	[tilespmem:$0x2500] =	vst v63  }
0x50: {  	_ = 	snop  }
0x51: {  	[spmem:s3] =	stream.indirect.scatter.add.f32 [tilespmem:s9], [sflag:$0x1], $0x8, s30, s13, $0xb8;
	[tilespmem:$0x2500] =	vst v63  }
0x52: {  	_ = 	snop  }
0x53: {  	[spmem:s3] =	stream.indirect.scatter.add.f32 [tilespmem:s9], [sflag:$0x1], $0x8, s31, s13, $0xb8;
	[tilespmem:$0x2500] =	vst v63  }
0x54: {  	_ = 	snop  }
0x55: {  	[spmem:s3] =	stream.indirect.scatter.add.f32 [tilespmem:s9], [sflag:$0x1], $0x8, s1, s13, $0xb8;
	[tilespmem:$0x2500] =	vst v63  }
0x56: {  	_ = 	snop  }
0x57: {  	[spmem:s3] =	stream.indirect.scatter.add.f32 [tilespmem:s9], [sflag:$0x1], $0x8, s0, s13, $0xb8;
	[tilespmem:$0x2500] =	vst v63  }
0x58: {  	_ = 	snop  }
0x59: {  	[spmem:s3] =	stream.indirect.scatter.add.f32 [tilespmem:s9], [sflag:$0x1], $0x8, s2, s13, $0xb8;
	[tilespmem:$0x2500] =	vst v63  }
0x5a: {  	_ = 	snop  }
0x5b: {  	[spmem:s3] =	stream.indirect.scatter.add.f32 [tilespmem:s9], [sflag:$0x1], $0x8, s5, s13, $0xb8;
	[tilespmem:$0x2500] =	vst v63  }
0x5c: {  	_ = 	snop  }
0x5d: {  	[spmem:s3] =	stream.indirect.scatter.add.f32 [tilespmem:s9], [sflag:$0x1], $0x8, s6, s13, $0xb8;
	[tilespmem:$0x2500] =	vst v63  }
0x5e: {  	_ =	swait.ge [sflag:s7], $0x400  }
0x5f: {  	[sflag:s7] =	ssyncset.done $0x0  }
0x60: {  	[sflag:s7] =	ssyncadd.s32 $0xFFFFFC00  }
0x61: {  	_ =	swait.ge [sflag:s7], $0x400  }
0x62: {  	[sflag:s7] =	ssyncset.done $0x0  }
0x63: {  	[sflag:s7] =	ssyncadd.s32 $0xFFFFFC00  }
0x64: {  	_ =	swait.ge [sflag:s7], $0x400  }
0x65: {  	[sflag:s7] =	ssyncset.done $0x0  }
0x66: {  	[sflag:s7] =	ssyncadd.s32 $0xFFFFFC00  }
0x67: {  	_ =	swait.ge [sflag:s7], $0x400  }
0x68: {  	[sflag:s7] =	ssyncset.done $0x0  }
0x69: {  	[sflag:s7] =	ssyncadd.s32 $0xFFFFFC00  }
0x6a: {  	_ =	swait.ge [sflag:s7], $0x400  }
0x6b: {  	[sflag:s7] =	ssyncset.done $0x0  }
0x6c: {  	[sflag:s7] =	ssyncadd.s32 $0xFFFFFC00  }
0x6d: {  	_ =	swait.ge [sflag:s7], $0x400  }
0x6e: {  	[sflag:s7] =	ssyncset.done $0x0  }
0x6f: {  	[sflag:s7] =	ssyncadd.s32 $0xFFFFFC00  }
0x70: {  	_ =	swait.ge [sflag:s7], $0x400  }
0x71: {  	[sflag:s7] =	ssyncset.done $0x0  }
0x72: {  	[sflag:s7] =	ssyncadd.s32 $0xFFFFFC00  }
0x73: {  	_ =	swait.ge [sflag:s7], $0x400  }
0x74: {  	[sflag:s7] =	ssyncset.done $0x0  }
0x75: {  	[sflag:s7] =	ssyncadd.s32 $0xFFFFFC00  }
0x76: {  	_ =	swait.ge [sflag:s7], $0x400  }
0x77: {  	[sflag:s7] =	ssyncset.done $0x0  }
0x78: {  	[sflag:s7] =	ssyncadd.s32 $0xFFFFFC00  }
0x79: {  	_ =	swait.ge [sflag:s7], $0x400  }
0x7a: {  	[sflag:s7] =	ssyncset.done $0x0  }
0x7b: {  	[sflag:s7] =	ssyncadd.s32 $0xFFFFFC00  }
0x7c: {  	_ =	swait.ge [sflag:s7], $0x400  }
0x7d: {  	[sflag:s7] =	ssyncset.done $0x0  }
0x7e: {  	[sflag:s7] =	ssyncadd.s32 $0xFFFFFC00  }
0x7f: {  	_ =	swait.ge [sflag:s7], $0x400  }
0x80: {  	[sflag:s7] =	ssyncset.done $0x0  }
0x81: {  	[sflag:s7] =	ssyncadd.s32 $0xFFFFFC00  }
0x82: {  	_ =	swait.ge [sflag:s7], $0x400  }
0x83: {  	[sflag:s7] =	ssyncset.done $0x0  }
0x84: {  	[sflag:s7] =	ssyncadd.s32 $0xFFFFFC00  }
0x85: {  	_ =	swait.ge [sflag:s7], $0x400  }
0x86: {  	[sflag:s7] =	ssyncset.done $0x0  }
0x87: {  	[sflag:s7] =	ssyncadd.s32 $0xFFFFFC00  }
0x88: {  	_ =	swait.ge [sflag:s7], $0x400  }
0x89: {  	[sflag:s7] =	ssyncset.done $0x0  }
0x8a: {  	[sflag:s7] =	ssyncadd.s32 $0xFFFFFC00  }
0x8b: {  	_ =	swait.ge [sflag:s7], $0x400  }
0x8c: {  	[sflag:s7] =	ssyncset.done $0x0  }
0x8d: {  	[sflag:s7] =	ssyncadd.s32 $0xFFFFFC00  }
0x8e: {  	_ =	swait.ge [sflag:s7], $0x400  }
0x8f: {  	[sflag:s7] =	ssyncset.done $0x0  }
0x90: {  	[sflag:s7] =	ssyncadd.s32 $0xFFFFFC00  }
0x91: {  	_ =	swait.ge [sflag:s7], $0x400  }
0x92: {  	[sflag:s7] =	ssyncset.done $0x0  }
0x93: {  	[sflag:s7] =	ssyncadd.s32 $0xFFFFFC00  }
0x94: {  	_ =	swait.ge [sflag:s7], $0x400  }
0x95: {  	[sflag:s7] =	ssyncset.done $0x0  }
0x96: {  	[sflag:s7] =	ssyncadd.s32 $0xFFFFFC00  }
0x97: {  	_ =	swait.ge [sflag:s7], $0x400  }
0x98: {  	[sflag:s7] =	ssyncset.done $0x0  }
0x99: {  	[sflag:s7] =	ssyncadd.s32 $0xFFFFFC00  }
0x9a: {  	_ =	swait.ge [sflag:s7], $0x400  }
0x9b: {  	[sflag:s7] =	ssyncset.done $0x0  }
0x9c: {  	[sflag:s7] =	ssyncadd.s32 $0xFFFFFC00  }
0x9d: {  	_ =	swait.ge [sflag:s7], $0x400  }
0x9e: {  	[sflag:s7] =	ssyncset.done $0x0  }
0x9f: {  	[sflag:s7] =	ssyncadd.s32 $0xFFFFFC00  }
0xa0: {  	_ =	swait.ge [sflag:s7], $0x400  }
0xa1: {  	[sflag:s7] =	ssyncset.done $0x0  }
0xa2: {  	[sflag:s7] =	ssyncadd.s32 $0xFFFFFC00  }
0xa3: {  	_ =	swait.ge [sflag:s7], $0x400  }
0xa4: {  	[sflag:s7] =	ssyncset.done $0x0  }
0xa5: {  	[sflag:s7] =	ssyncadd.s32 $0xFFFFFC00  }
0xa6: {  	_ =	swait.ge [sflag:s7], $0x400  }
0xa7: {  	[sflag:s7] =	ssyncset.done $0x0  }
0xa8: {  	[sflag:s7] =	ssyncadd.s32 $0xFFFFFC00  }
0xa9: {  	_ =	swait.ge [sflag:s7], $0x400  }
0xaa: {  	s11 =	simm.s32 $0x1A0;
	[sflag:s7] =	ssyncset.done $0x0  }
.LBB2_2:
0xab: {  	s12 =	smov.u32 s11;
	s8 =	rddreg [dreg:$0x4]  }
0xac: {  	[sflag:s7] =	ssyncadd.s32 $0xFFFFFC00;
	s8 =	sadd.s32 s12, s8  }
0xad: {  	[tilespmem:s4], [sflag:$0x2] =	stream.linear.gather [hbm4b:s8+s4], $0xD00, $0x38;
	[tilespmem:$0x2500] =	vst v63  }
0xae: {  	_ =	swait.ge [sflag:s10], $0xD00  }
0xaf: {  	[sflag:s10] =	ssyncset.done $0x0  }
0xb0: {  	[sflag:s10] =	ssyncadd.s32 $0xFFFFF300  }
0xb1: {  	[spmem:s3] =	stream.indirect.scatter.add.f32 [tilespmem:s9], [sflag:$0x1], $0x8, s4, s13, $0xb8;
	[tilespmem:$0x2500] =	vst v63  }
0xb2: {  	_ = 	snop  }
0xb3: {  	[spmem:s3] =	stream.indirect.scatter.add.f32 [tilespmem:s9], [sflag:$0x1], $0x8, s13, s13, $0xb8;
	[tilespmem:$0x2500] =	vst v63  }
0xb4: {  	s8 =	rddreg [dreg:$0x5]  }
0xb5: {  	[spmem:s3] =	stream.indirect.scatter.add.f32 [tilespmem:s9], [sflag:$0x1], $0x8, s8, s13, $0xb8;
	[tilespmem:$0x2500] =	vst v63  }
0xb6: {  	s12 =	rddreg [dreg:$0x6]  }
0xb7: {  	[spmem:s3] =	stream.indirect.scatter.add.f32 [tilespmem:s9], [sflag:$0x1], $0x8, s12, s13, $0xb8;
	[tilespmem:$0x2500] =	vst v63  }
0xb8: {  	_ = 	snop  }
0xb9: {  	[spmem:s3] =	stream.indirect.scatter.add.f32 [tilespmem:s9], [sflag:$0x1], $0x8, s14, s13, $0xb8;
	[tilespmem:$0x2500] =	vst v63  }
0xba: {  	_ = 	snop  }
0xbb: {  	[spmem:s3] =	stream.indirect.scatter.add.f32 [tilespmem:s9], [sflag:$0x1], $0x8, s15, s13, $0xb8;
	[tilespmem:$0x2500] =	vst v63  }
0xbc: {  	_ = 	snop  }
0xbd: {  	[spmem:s3] =	stream.indirect.scatter.add.f32 [tilespmem:s9], [sflag:$0x1], $0x8, s16, s13, $0xb8;
	[tilespmem:$0x2500] =	vst v63  }
0xbe: {  	_ = 	snop  }
0xbf: {  	[spmem:s3] =	stream.indirect.scatter.add.f32 [tilespmem:s9], [sflag:$0x1], $0x8, s17, s13, $0xb8;
	[tilespmem:$0x2500] =	vst v63  }
0xc0: {  	_ = 	snop  }
0xc1: {  	[spmem:s3] =	stream.indirect.scatter.add.f32 [tilespmem:s9], [sflag:$0x1], $0x8, s18, s13, $0xb8;
	[tilespmem:$0x2500] =	vst v63  }
0xc2: {  	_ = 	snop  }
0xc3: {  	[spmem:s3] =	stream.indirect.scatter.add.f32 [tilespmem:s9], [sflag:$0x1], $0x8, s19, s13, $0xb8;
	[tilespmem:$0x2500] =	vst v63  }
0xc4: {  	_ = 	snop  }
0xc5: {  	[spmem:s3] =	stream.indirect.scatter.add.f32 [tilespmem:s9], [sflag:$0x1], $0x8, s20, s13, $0xb8;
	[tilespmem:$0x2500] =	vst v63  }
0xc6: {  	_ = 	snop  }
0xc7: {  	[spmem:s3] =	stream.indirect.scatter.add.f32 [tilespmem:s9], [sflag:$0x1], $0x8, s21, s13, $0xb8;
	[tilespmem:$0x2500] =	vst v63  }
0xc8: {  	_ = 	snop  }
0xc9: {  	[spmem:s3] =	stream.indirect.scatter.add.f32 [tilespmem:s9], [sflag:$0x1], $0x8, s22, s13, $0xb8;
	[tilespmem:$0x2500] =	vst v63  }
0xca: {  	_ = 	snop  }
0xcb: {  	[spmem:s3] =	stream.indirect.scatter.add.f32 [tilespmem:s9], [sflag:$0x1], $0x8, s23, s13, $0xb8;
	[tilespmem:$0x2500] =	vst v63  }
0xcc: {  	_ = 	snop  }
0xcd: {  	[spmem:s3] =	stream.indirect.scatter.add.f32 [tilespmem:s9], [sflag:$0x1], $0x8, s24, s13, $0xb8;
	[tilespmem:$0x2500] =	vst v63  }
0xce: {  	_ = 	snop  }
0xcf: {  	[spmem:s3] =	stream.indirect.scatter.add.f32 [tilespmem:s9], [sflag:$0x1], $0x8, s25, s13, $0xb8;
	[tilespmem:$0x2500] =	vst v63  }
0xd0: {  	_ = 	snop  }
0xd1: {  	[spmem:s3] =	stream.indirect.scatter.add.f32 [tilespmem:s9], [sflag:$0x1], $0x8, s26, s13, $0xb8;
	[tilespmem:$0x2500] =	vst v63  }
0xd2: {  	_ = 	snop  }
0xd3: {  	[spmem:s3] =	stream.indirect.scatter.add.f32 [tilespmem:s9], [sflag:$0x1], $0x8, s28, s13, $0xb8;
	[tilespmem:$0x2500] =	vst v63  }
0xd4: {  	_ = 	snop  }
0xd5: {  	[spmem:s3] =	stream.indirect.scatter.add.f32 [tilespmem:s9], [sflag:$0x1], $0x8, s29, s13, $0xb8;
	[tilespmem:$0x2500] =	vst v63  }
0xd6: {  	_ = 	snop  }
0xd7: {  	[spmem:s3] =	stream.indirect.scatter.add.f32 [tilespmem:s9], [sflag:$0x1], $0x8, s30, s13, $0xb8;
	[tilespmem:$0x2500] =	vst v63  }
0xd8: {  	_ = 	snop  }
0xd9: {  	[spmem:s3] =	stream.indirect.scatter.add.f32 [tilespmem:s9], [sflag:$0x1], $0x8, s31, s13, $0xb8;
	[tilespmem:$0x2500] =	vst v63  }
0xda: {  	_ = 	snop  }
0xdb: {  	[spmem:s3] =	stream.indirect.scatter.add.f32 [tilespmem:s9], [sflag:$0x1], $0x8, s1, s13, $0xb8;
	[tilespmem:$0x2500] =	vst v63  }
0xdc: {  	_ = 	snop  }
0xdd: {  	[spmem:s3] =	stream.indirect.scatter.add.f32 [tilespmem:s9], [sflag:$0x1], $0x8, s0, s13, $0xb8;
	[tilespmem:$0x2500] =	vst v63  }
0xde: {  	_ = 	snop  }
0xdf: {  	[spmem:s3] =	stream.indirect.scatter.add.f32 [tilespmem:s9], [sflag:$0x1], $0x8, s2, s13, $0xb8;
	[tilespmem:$0x2500] =	vst v63  }
0xe0: {  	_ = 	snop  }
0xe1: {  	[spmem:s3] =	stream.indirect.scatter.add.f32 [tilespmem:s9], [sflag:$0x1], $0x8, s5, s13, $0xb8;
	[tilespmem:$0x2500] =	vst v63  }
0xe2: {  	_ = 	snop  }
0xe3: {  	[spmem:s3] =	stream.indirect.scatter.add.f32 [tilespmem:s9], [sflag:$0x1], $0x8, s6, s13, $0xb8;
	[tilespmem:$0x2500] =	vst v63  }
0xe4: {  	_ =	swait.ge [sflag:s7], $0x400  }
0xe5: {  	[sflag:s7] =	ssyncset.done $0x0  }
0xe6: {  	[sflag:s7] =	ssyncadd.s32 $0xFFFFFC00  }
0xe7: {  	_ =	swait.ge [sflag:s7], $0x400  }
0xe8: {  	[sflag:s7] =	ssyncset.done $0x0  }
0xe9: {  	[sflag:s7] =	ssyncadd.s32 $0xFFFFFC00  }
0xea: {  	_ =	swait.ge [sflag:s7], $0x400  }
0xeb: {  	[sflag:s7] =	ssyncset.done $0x0  }
0xec: {  	[sflag:s7] =	ssyncadd.s32 $0xFFFFFC00  }
0xed: {  	_ =	swait.ge [sflag:s7], $0x400  }
0xee: {  	[sflag:s7] =	ssyncset.done $0x0  }
0xef: {  	[sflag:s7] =	ssyncadd.s32 $0xFFFFFC00  }
0xf0: {  	_ =	swait.ge [sflag:s7], $0x400  }
0xf1: {  	[sflag:s7] =	ssyncset.done $0x0  }
0xf2: {  	[sflag:s7] =	ssyncadd.s32 $0xFFFFFC00  }
0xf3: {  	_ =	swait.ge [sflag:s7], $0x400  }
0xf4: {  	[sflag:s7] =	ssyncset.done $0x0  }
0xf5: {  	[sflag:s7] =	ssyncadd.s32 $0xFFFFFC00  }
0xf6: {  	_ =	swait.ge [sflag:s7], $0x400  }
0xf7: {  	[sflag:s7] =	ssyncset.done $0x0  }
0xf8: {  	[sflag:s7] =	ssyncadd.s32 $0xFFFFFC00  }
0xf9: {  	_ =	swait.ge [sflag:s7], $0x400  }
0xfa: {  	[sflag:s7] =	ssyncset.done $0x0  }
0xfb: {  	[sflag:s7] =	ssyncadd.s32 $0xFFFFFC00  }
0xfc: {  	_ =	swait.ge [sflag:s7], $0x400  }
0xfd: {  	[sflag:s7] =	ssyncset.done $0x0  }
0xfe: {  	[sflag:s7] =	ssyncadd.s32 $0xFFFFFC00  }
0xff: {  	_ =	swait.ge [sflag:s7], $0x400  }
0x100: {  	[sflag:s7] =	ssyncset.done $0x0  }
0x101: {  	[sflag:s7] =	ssyncadd.s32 $0xFFFFFC00  }
0x102: {  	_ =	swait.ge [sflag:s7], $0x400  }
0x103: {  	[sflag:s7] =	ssyncset.done $0x0  }
0x104: {  	[sflag:s7] =	ssyncadd.s32 $0xFFFFFC00  }
0x105: {  	_ =	swait.ge [sflag:s7], $0x400  }
0x106: {  	[sflag:s7] =	ssyncset.done $0x0  }
0x107: {  	[sflag:s7] =	ssyncadd.s32 $0xFFFFFC00  }
0x108: {  	_ =	swait.ge [sflag:s7], $0x400  }
0x109: {  	[sflag:s7] =	ssyncset.done $0x0  }
0x10a: {  	[sflag:s7] =	ssyncadd.s32 $0xFFFFFC00  }
0x10b: {  	_ =	swait.ge [sflag:s7], $0x400  }
0x10c: {  	[sflag:s7] =	ssyncset.done $0x0  }
0x10d: {  	[sflag:s7] =	ssyncadd.s32 $0xFFFFFC00  }
0x10e: {  	_ =	swait.ge [sflag:s7], $0x400  }
0x10f: {  	[sflag:s7] =	ssyncset.done $0x0  }
0x110: {  	[sflag:s7] =	ssyncadd.s32 $0xFFFFFC00  }
0x111: {  	_ =	swait.ge [sflag:s7], $0x400  }
0x112: {  	[sflag:s7] =	ssyncset.done $0x0  }
0x113: {  	[sflag:s7] =	ssyncadd.s32 $0xFFFFFC00  }
0x114: {  	_ =	swait.ge [sflag:s7], $0x400  }
0x115: {  	[sflag:s7] =	ssyncset.done $0x0  }
0x116: {  	[sflag:s7] =	ssyncadd.s32 $0xFFFFFC00  }
0x117: {  	_ =	swait.ge [sflag:s7], $0x400  }
0x118: {  	[sflag:s7] =	ssyncset.done $0x0  }
0x119: {  	[sflag:s7] =	ssyncadd.s32 $0xFFFFFC00  }
0x11a: {  	_ =	swait.ge [sflag:s7], $0x400  }
0x11b: {  	[sflag:s7] =	ssyncset.done $0x0  }
0x11c: {  	[sflag:s7] =	ssyncadd.s32 $0xFFFFFC00  }
0x11d: {  	_ =	swait.ge [sflag:s7], $0x400  }
0x11e: {  	[sflag:s7] =	ssyncset.done $0x0  }
0x11f: {  	[sflag:s7] =	ssyncadd.s32 $0xFFFFFC00  }
0x120: {  	_ =	swait.ge [sflag:s7], $0x400  }
0x121: {  	[sflag:s7] =	ssyncset.done $0x0  }
0x122: {  	[sflag:s7] =	ssyncadd.s32 $0xFFFFFC00  }
0x123: {  	_ =	swait.ge [sflag:s7], $0x400  }
0x124: {  	[sflag:s7] =	ssyncset.done $0x0  }
0x125: {  	[sflag:s7] =	ssyncadd.s32 $0xFFFFFC00  }
0x126: {  	_ =	swait.ge [sflag:s7], $0x400  }
0x127: {  	[sflag:s7] =	ssyncset.done $0x0  }
0x128: {  	[sflag:s7] =	ssyncadd.s32 $0xFFFFFC00  }
0x129: {  	_ =	swait.ge [sflag:s7], $0x400  }
0x12a: {  	[sflag:s7] =	ssyncset.done $0x0  }
0x12b: {  	p1 =	sne.s32 s11, $0x340;
	[sflag:s7] =	ssyncadd.s32 $0xFFFFFC00  }
.Ltmp0:
0x12c: {  	_ =	swait.ge [sflag:s7], $0x400;
	(pc) =	sbr.rel @p1 .LBB2_2-.Ltmp0, $4  }
0x12d: {  	[sflag:s7] =	ssyncset.done $0x0  }
0x12e: {  	[sflag:s7] =	ssyncadd.s32 $0xFFFFFC00  }
0x12f: {  	_ =	swait.ge [sflag:s7], $0x400  }
0x130: {  	s11 =	sadd.s32 $0x1A0, s11;
	[sflag:s7] =	ssyncset.done $0x0  }
0x131: {  	[sflag:s7] =	ssyncadd.s32 $0xFFFFFC00;
	s8 =	simm.s32 @!p0 $0x0;
	s11 =	rddreg [dreg:$0x8]  }
0x132: {  	[tilespmem:s8], [sflag:$0x2] =	stream.linear.gather @!p0 [hbm4b:s11+s8], $0x80, $0x38;
	[tilespmem:$0x2500] =	vst v63  }
0x133: {  	s11 =	simm.s32 @!p0 $0x2  }
0x134: {  	_ =	swait.ge @!p0 [sflag:s11], $0x80  }
0x135: {  	[sflag:s11] =	ssyncset.done @!p0 $0x0  }
0x136: {  	s12 =	simm.s32 @!p0 $0xD00;
	[sflag:s11] =	ssyncadd.s32 @!p0 $0xFFFFFF80;
	s11 =	simm.s32 @!p0 $0x80  }
0x137: {  	[spmem:s3] =	stream.indirect.scatter.add.f32 @!p0 [tilespmem:s12], [sflag:$0x1], $0x8, s8, s11, $0xb8;
	[tilespmem:$0x2500] =	vst v63  }
0x138: {  	s8 =	simm.s32 @!p0 $0x1  }
0x139: {  	_ =	swait.ge @!p0 [sflag:s8], $0x400  }
0x13a: {  	[sflag:s8] =	ssyncset.done @!p0 $0x0  }
0x13b: {  	[sflag:s8] =	ssyncadd.s32 @!p0 $0xFFFFFC00  }
0x13c: {  	[bflag:$0x0] =	sbarrier.arrive $0xFFFF  }
0x13d: {  	s8 =	rddreg [dreg:$0x9]  }
0x13e: {  	s11 =	rddreg [dreg:$0xb]  }
0x13f: {  	s12 =	rddreg [dreg:$0xc]  }
0x140: {  	[hbm:s8], [sflag:s11] =	dma.local [spmem:s12], $0x280  }
0x141: {  	_ =	swait.ge [sflag:s10], $0x280  }
0x142: {  	s8 =	rddreg [dreg:$0xd]  }
0x143: {  	s11 =	sadd.s32 $0x1, s8;
	s8 =	rddreg [dreg:$0xa]  }
0x144: {  	p1 =	sne.s32 s11, s8  }
.Ltmp1:
0x145: {  	_ = 	snop;
	(pc) =	sbr.rel @p1 .LBB2_1-.Ltmp1, $3  }
0x146: {  	_ =	sdelay $0x1  }
0x147: {  	[sflag:s10] =	ssyncset.done $0x0;
	[dreg:$0xd] =	wrdreg s11  }
0x148: {  	[sflag:s10] =	ssyncadd.s32 $0xFFFFFD80;
	s11 =	rddreg [dreg:$0xb]  }
0x149: {  	_ =	sfence.sel $0x180000  }
0x14a: {  	[bflag:$0x0] =	sbarrier.arrive $0xFFFF  }
0x14b: {  	_ =	strace $0x90000047  }
0x14c: {  	s0 =	stileid.u32;
	[bflag:$0x2] =	sbarrier.arrive $0xFFFF  }
0x14d: {  	p0 =	sne.s32 s0, $0x0;
	s0 =	rddreg [dreg:$0x3]  }
0x14e: {  	s0 =	sadd.s32 @!p0 $0x100000, s0  }
0x14f: {  	[sflag:s0] =	ssyncadd.tile.s32 @!p0 $0x1;
	_ =	shalt  }
.Lfunc_end2:
_tile_overlayer_lowered:
.L_overlay_start_2:
0x150: {  	(tag) =	ssettag $0x2  }
0x151: {  	s0 =	rddreg [dreg:$0x0];
	s2 =	stileid.u32  }
0x152: {  	s1 =	rddreg [dreg:$0x1];
	p0 =	sne.s32 s2, $0x0  }
0x153: {  	s3 =	rddreg [dreg:$0x2];
	[bflag:$0x3] =	sbarrier.arrive $0xFFFF;
	s2 =	simm.s32 @!p0 $0x1C02  }
0x154: {  	[timem:s3], [sflag:s2] =	dma.local @!p0 [hbm:s0], s1  }
0x155: {  	s0 =	simm.s32 @!p0 $0x2  }
0x156: {  	_ =	swait.ge @!p0 [sflag:s0], s1  }
0x157: {  	s1 =	ssub.s32 @!p0 $0x0, s1;
	[sflag:s0] =	ssyncset.done @!p0 $0x0  }
0x158: {  	[sflag:s0] =	ssyncadd.s32 @!p0 s1  }
0x159: {  	[bflag:$0x3] =	sbarrier.arrive $0xFFFF  }
0x15a: {  	_ =	shalt  }

</sc_bundles>
